<compile_context>
chip_gen: v7x
topology: tpu7x:2x2x1
jax: 0.10.2.dev20260603
libtpu: 0.0.44.dev20260713+nightly
codegen_flags: <defaults>
</compile_context>

<pallas_src>
import functools

import jax
import jax.numpy as jnp
from jax import lax
from jax.experimental import pallas as pl
from jax.experimental.pallas import tpu as pltpu
from jax.experimental.pallas import tpu_sc as plsc

L = 16
TILE_R = 8
TILE_C = 128


def _detile_kernel(D, N, NSTEP):
    A = D // TILE_R
    TB = -(-N // TILE_C)
    K = -(-TB // NSTEP)
    out_rows = A * NSTEP * K * TILE_R

    def body(ut_ref, it_ref, uo_ref, io_ref):
        for t_ref, o_ref in ((ut_ref, uo_ref), (it_ref, io_ref)):
            x = t_ref[...].reshape(TILE_R, K, TILE_C)
            o_ref[...] = jnp.swapaxes(x, 0, 1).reshape(K * TILE_R, TILE_C)

    in_spec = pl.BlockSpec((TILE_R, TILE_C * K), lambda a, k: (a, k))
    out_spec = pl.BlockSpec(
        (TILE_R * K, TILE_C), lambda a, k: (a * NSTEP + k, 0))
    return pl.pallas_call(
        body,
        grid=(A, NSTEP),
        in_specs=[in_spec, in_spec],
        out_specs=[out_spec, out_spec],
        out_shape=[
            jax.ShapeDtypeStruct((out_rows, TILE_C), jnp.float32),
            jax.ShapeDtypeStruct((out_rows, TILE_C), jnp.float32),
        ],
    )


def _mf_kernel(B, D, seg, num_cores, num_subcores):
    NW = num_cores * num_subcores
    bpw = B // NW
    mesh = plsc.VectorSubcoreMesh(
        core_axis_name="c", subcore_axis_name="s",
        num_cores=num_cores, num_subcores=num_subcores)

    @functools.partial(
        pl.kernel,
        out_type=jax.ShapeDtypeStruct((B,), jnp.float32),
        mesh=mesh,
        scratch_types=[
            pltpu.VMEM((bpw,), jnp.int32),
            pltpu.VMEM((bpw,), jnp.int32),
            pltpu.VMEM((D, bpw), jnp.int32),
            pltpu.VMEM((D, bpw), jnp.int32),
            pltpu.VMEM((D, bpw), jnp.float32),
            pltpu.VMEM((D, bpw), jnp.float32),
            pltpu.VMEM((bpw,), jnp.float32),
            pltpu.VMEM((bpw,), jnp.float32),
            pltpu.SemaphoreType.DMA,
        ],
        compiler_params=pltpu.CompilerParams(
            needs_layout_passes=False, use_tc_tiling_on_sc=False),
    )
    def mf(uid_hbm, iid_hbm, uflat_hbm, iflat_hbm, bias_hbm, out_hbm,
           uidx_v, iidx_v, uw_v, iw_v, uf_v, if_v, bias_v, out_v, sem):
        wid = lax.axis_index("s") * num_cores + lax.axis_index("c")
        base = wid * bpw

        pltpu.sync_copy(uid_hbm.at[pl.ds(base, bpw)], uidx_v)
        pltpu.sync_copy(iid_hbm.at[pl.ds(base, bpw)], iidx_v)
        cb = pltpu.async_copy(bias_hbm.at[iidx_v], bias_v, sem)

        def addr(k, carry):
            sl = pl.ds(k * L, L)
            for ids_ref, w_ref in ((uidx_v, uw_v), (iidx_v, iw_v)):
                ids = ids_ref[sl]
                b = ((ids >> 7) << 10) + (ids & (TILE_C - 1))
                for j in range(D):
                    cj = (j // TILE_R) * seg + (j % TILE_R) * TILE_C
                    w_ref[j, sl] = b + cj
            return carry

        lax.fori_loop(0, bpw // L, addr, 0)

        copies = [cb]
        for j in range(D):
            copies.append(pltpu.async_copy(
                uflat_hbm.at[uw_v.at[j]], uf_v.at[j], sem))
            copies.append(pltpu.async_copy(
                iflat_hbm.at[iw_v.at[j]], if_v.at[j], sem))
        for c in copies:
            c.wait()

        def group(g, carry):
            sl = pl.ds(g * L, L)
            accs = [jnp.zeros((L,), jnp.float32) for _ in range(4)]
            for j in range(D):
                accs[j % 4] = accs[j % 4] + uf_v[j, sl] * if_v[j, sl]
            out_v[sl] = (accs[0] + accs[1]) + (accs[2] + accs[3]) + bias_v[sl]
            return carry

        lax.fori_loop(0, bpw // L, group, 0)

        pltpu.sync_copy(out_v, out_hbm.at[pl.ds(base, bpw)])

    return mf


def kernel(user_ids, item_ids, user_table, item_table, item_bias_table):
    B = user_ids.shape[0]
    N, D = user_table.shape
    bias_flat = item_bias_table.reshape((item_bias_table.shape[0],))

    uimg, iimg = _detile_kernel(D, N, 8)(user_table.T, item_table.T)
    uflat = uimg.reshape((uimg.shape[0] * uimg.shape[1],))
    iflat = iimg.reshape((iimg.shape[0] * iimg.shape[1],))
    seg = (uimg.shape[0] // (D // TILE_R)) * TILE_C

    mf = _mf_kernel(B, D, seg, 2, 16)
    return mf(user_ids.astype(jnp.int32), item_ids.astype(jnp.int32),
              uflat, iflat, bias_flat)

# --- scband reference (transcript-rebuilt; emitter-appended) ---
"""Pipeline reference for scband-mf-16879221473505 (READ-ONLY COPY).

The authoritative reference and input builder live on the scoring server;
editing this copy changes nothing except your own understanding.
"""

import jax, jax.numpy as jnp
import numpy as np

NUM_USERS = 1000000
NUM_ITEMS = 1000000
EMBED_DIM = 32
BATCH = 16384


def setup_inputs(seed: int = 0) -> dict:
    key = jax.random.key(seed)
    k1, k2, k3, k4 = jax.random.split(key, 4)
    user_ids = jax.random.randint(k1, (BATCH,), 0, NUM_USERS, dtype=jnp.int64 if jax.config.jax_enable_x64 else jnp.int32)
    item_ids = jax.random.randint(k2, (BATCH,), 0, NUM_ITEMS, dtype=jnp.int64 if jax.config.jax_enable_x64 else jnp.int32)
    # uniform init like nn.init uniform for embeddings, zeros for biases
    user_table = jax.random.uniform(k3, (NUM_USERS, EMBED_DIM), dtype=jnp.float32)
    item_table = jax.random.uniform(k4, (NUM_ITEMS, EMBED_DIM), dtype=jnp.float32)
    item_bias_table = jnp.zeros((NUM_ITEMS, 1), dtype=jnp.float32)
    return {
        "user_ids": user_ids,
        "item_ids": item_ids,
        "user_table": user_table,
        "item_table": item_table,
        "item_bias_table": item_bias_table,
    }


def reference(user_ids, item_ids, user_table, item_table, item_bias_table):
    user_embs = jnp.take(user_table, user_ids, axis=0)          # [B, D]
    item_embs = jnp.take(item_table, item_ids, axis=0)          # [B, D]
    item_bias = jnp.take(item_bias_table, item_ids, axis=0)     # [B, 1]
    ratings = jnp.sum(user_embs * item_embs, axis=-1) + jnp.squeeze(item_bias)
    return ratings

if __name__ == "__main__":
    import jax
    _d = setup_inputs()
    print(jax.jit(kernel)(*tuple(_d.values())))

</pallas_src>

<mosaic_0001>
#map = affine_map<(d0, d1) -> (0)>
module attributes {stable_mosaic.version = 14 : i64} {
  func.func @mf(%arg0: i32, %arg1: i32, %arg2: memref<16384xi32, #tpu.memory_space<hbm>>, %arg3: memref<16384xi32, #tpu.memory_space<hbm>>, %arg4: memref<32014336xf32, #tpu.memory_space<hbm>>, %arg5: memref<32014336xf32, #tpu.memory_space<hbm>>, %arg6: memref<1000000xf32, #tpu.memory_space<hbm>>, %arg7: memref<16384xf32, #tpu.memory_space<hbm>>, %arg8: memref<512xi32, #tpu.memory_space<vmem>>, %arg9: memref<512xi32, #tpu.memory_space<vmem>>, %arg10: memref<32x512xi32, #tpu.memory_space<vmem>>, %arg11: memref<32x512xi32, #tpu.memory_space<vmem>>, %arg12: memref<32x512xf32, #tpu.memory_space<vmem>>, %arg13: memref<32x512xf32, #tpu.memory_space<vmem>>, %arg14: memref<512xf32, #tpu.memory_space<vmem>>, %arg15: memref<512xf32, #tpu.memory_space<vmem>>, %arg16: memref<!tpu.dma_semaphore, #tpu.memory_space<semaphore_mem>>) attributes {dimension_semantics = [#tpu.dimension_semantics<core_parallel>, #tpu.dimension_semantics<subcore_parallel>], iteration_bounds = array<i64: 2, 16>, scalar_prefetch = 0 : i64, scratch_operands = 9 : i64, tpu.core_type = #tpu.core_type<sc_vector_subcore>, window_params = [{transform_indices = #map}, {transform_indices = #map}, {transform_indices = #map}, {transform_indices = #map}, {transform_indices = #map}, {transform_indices = #map}]} {
    %mul3A = arith.constant 2 : i32
    %mul3A_0 = arith.muli %arg1, %mul3A : i32
    %add3A = arith.addi %mul3A_0, %arg0 : i32
    %mul3A_1 = arith.constant 512 : i32
    %mul3A_2 = arith.muli %add3A, %mul3A_1 : i32
    "tpu.region"() ({
      %run_scoped3A = tpu.sem_alloc : memref<!tpu.dma_semaphore, #tpu.memory_space<semaphore_mem>>
      %dma_start3A_1296 = tpu.memref_slice %arg2[%mul3A_2] : memref<16384xi32, #tpu.memory_space<hbm>> -> memref<512xi32, #tpu.memory_space<hbm>>
      %dma_start3A_1297 = tpu.memref_slice %arg2[%mul3A_2] : memref<16384xi32, #tpu.memory_space<hbm>> -> memref<512xi32, #tpu.memory_space<hbm>>
      tpu.enqueue_dma source(%dma_start3A_1297 : memref<512xi32, #tpu.memory_space<hbm>>) target(%arg8 : memref<512xi32, #tpu.memory_space<vmem>>) target_semaphore(%run_scoped3A : memref<!tpu.dma_semaphore, #tpu.memory_space<semaphore_mem>>)
      %dma_wait3A_1298 = tpu.memref_slice %arg2[%mul3A_2] : memref<16384xi32, #tpu.memory_space<hbm>> -> memref<512xi32, #tpu.memory_space<hbm>>
      %dma_wait3A_1299 = tpu.memref_slice %arg2[%mul3A_2] : memref<16384xi32, #tpu.memory_space<hbm>> -> memref<512xi32, #tpu.memory_space<hbm>>
      tpu.wait_dma2 semaphore(%run_scoped3A : memref<!tpu.dma_semaphore, #tpu.memory_space<semaphore_mem>>) src(%dma_wait3A_1299 : memref<512xi32, #tpu.memory_space<hbm>>) dst(%arg8 : memref<512xi32, #tpu.memory_space<vmem>>)
      tpu.yield
    }) : () -> ()
    "tpu.region"() ({
      %run_scoped3A = tpu.sem_alloc : memref<!tpu.dma_semaphore, #tpu.memory_space<semaphore_mem>>
      %dma_start3A_1296 = tpu.memref_slice %arg3[%mul3A_2] : memref<16384xi32, #tpu.memory_space<hbm>> -> memref<512xi32, #tpu.memory_space<hbm>>
      %dma_start3A_1297 = tpu.memref_slice %arg3[%mul3A_2] : memref<16384xi32, #tpu.memory_space<hbm>> -> memref<512xi32, #tpu.memory_space<hbm>>
      tpu.enqueue_dma source(%dma_start3A_1297 : memref<512xi32, #tpu.memory_space<hbm>>) target(%arg9 : memref<512xi32, #tpu.memory_space<vmem>>) target_semaphore(%run_scoped3A : memref<!tpu.dma_semaphore, #tpu.memory_space<semaphore_mem>>)
      %dma_wait3A_1298 = tpu.memref_slice %arg3[%mul3A_2] : memref<16384xi32, #tpu.memory_space<hbm>> -> memref<512xi32, #tpu.memory_space<hbm>>
      %dma_wait3A_1299 = tpu.memref_slice %arg3[%mul3A_2] : memref<16384xi32, #tpu.memory_space<hbm>> -> memref<512xi32, #tpu.memory_space<hbm>>
      tpu.wait_dma2 semaphore(%run_scoped3A : memref<!tpu.dma_semaphore, #tpu.memory_space<semaphore_mem>>) src(%dma_wait3A_1299 : memref<512xi32, #tpu.memory_space<hbm>>) dst(%arg9 : memref<512xi32, #tpu.memory_space<vmem>>)
      tpu.yield
    }) : () -> ()
    %dma_start3A = arith.constant 0 : i32
    %dma_start3A_3 = tpu.memref_slice %arg6[%dma_start3A] : memref<1000000xf32, #tpu.memory_space<hbm>> -> memref<1000000xf32, #tpu.memory_space<hbm>>
    tpu.enqueue_indirect_dma source(%dma_start3A_3 : memref<1000000xf32, #tpu.memory_space<hbm>>) target(%arg14 : memref<512xf32, #tpu.memory_space<vmem>>) offsets(%arg9 : memref<512xi32, #tpu.memory_space<vmem>>) semaphore(%arg16 : memref<!tpu.dma_semaphore, #tpu.memory_space<semaphore_mem>>)
    %scan3A = arith.constant 0 : i32
    %scan3A_4 = arith.constant 0 : i32
    %scan3A_5 = arith.constant 32 : i32
    %scan3A_6 = arith.addi %scan3A_4, %scan3A_5 : i32
    %scan3A_7 = arith.constant 1 : i32
    scf.for %scan3A_1296 = %scan3A_4 to %scan3A_6 step %scan3A_7  : i32 {
      %mul3A_1297 = arith.constant 16 : i32
      %mul3A_1298 = arith.muli %scan3A_1296, %mul3A_1297 : i32
      %get3A = arith.index_cast %mul3A_1298 : i32 to index
      %get3A_1299 = tpu.vector_load %arg8[%get3A] {strides = array<i32>} : memref<512xi32, #tpu.memory_space<vmem>>, vector<16xi32>,
      %shift_right_arithmetic3A = arith.constant 7 : i32
      %shift_right_arithmetic3A_1300 = vector.broadcast %shift_right_arithmetic3A : i32 to vector<16xi32>
      %shift_right_arithmetic3A_1301 = arith.shrsi %get3A_1299, %shift_right_arithmetic3A_1300 : vector<16xi32>
      %shift_left3A = arith.constant 10 : i32
      %shift_left3A_1302 = vector.broadcast %shift_left3A : i32 to vector<16xi32>
      %shift_left3A_1303 = arith.shli %shift_right_arithmetic3A_1301, %shift_left3A_1302 : vector<16xi32>
      %and3A = arith.constant 127 : i32
      %and3A_1304 = vector.broadcast %and3A : i32 to vector<16xi32>
      %and3A_1305 = arith.andi %get3A_1299, %and3A_1304 : vector<16xi32>
      %add3A_1306 = arith.addi %shift_left3A_1303, %and3A_1305 : vector<16xi32>
      %add3A_1307 = arith.constant 0 : i32
      %add3A_1308 = vector.broadcast %add3A_1307 : i32 to vector<16xi32>
      %add3A_1309 = arith.addi %add3A_1306, %add3A_1308 : vector<16xi32>
      %swap3A = arith.constant 0 : i32
      %swap3A_1310 = arith.index_cast %swap3A : i32 to index
      %swap3A_1311 = arith.index_cast %mul3A_1298 : i32 to index
      %swap3A_1312 = tpu.vector_load %arg10[%swap3A_1310, %swap3A_1311] {strides = array<i32>} : memref<32x512xi32, #tpu.memory_space<vmem>>, vector<16xi32>,
      tpu.vector_store %arg10[%swap3A_1310, %swap3A_1311], %add3A_1309 {strides = array<i32>} : memref<32x512xi32, #tpu.memory_space<vmem>>, vector<16xi32>,
      %add3A_1313 = arith.constant 128 : i32
      %add3A_1314 = vector.broadcast %add3A_1313 : i32 to vector<16xi32>
      %add3A_1315 = arith.addi %add3A_1306, %add3A_1314 : vector<16xi32>
      %swap3A_1316 = arith.constant 1 : i32
      %swap3A_1317 = arith.index_cast %swap3A_1316 : i32 to index
      %swap3A_1318 = arith.index_cast %mul3A_1298 : i32 to index
      %swap3A_1319 = tpu.vector_load %arg10[%swap3A_1317, %swap3A_1318] {strides = array<i32>} : memref<32x512xi32, #tpu.memory_space<vmem>>, vector<16xi32>,
      tpu.vector_store %arg10[%swap3A_1317, %swap3A_1318], %add3A_1315 {strides = array<i32>} : memref<32x512xi32, #tpu.memory_space<vmem>>, vector<16xi32>,
      %add3A_1320 = arith.constant 256 : i32
      %add3A_1321 = vector.broadcast %add3A_1320 : i32 to vector<16xi32>
      %add3A_1322 = arith.addi %add3A_1306, %add3A_1321 : vector<16xi32>
      %swap3A_1323 = arith.constant 2 : i32
      %swap3A_1324 = arith.index_cast %swap3A_1323 : i32 to index
      %swap3A_1325 = arith.index_cast %mul3A_1298 : i32 to index
      %swap3A_1326 = tpu.vector_load %arg10[%swap3A_1324, %swap3A_1325] {strides = array<i32>} : memref<32x512xi32, #tpu.memory_space<vmem>>, vector<16xi32>,
      tpu.vector_store %arg10[%swap3A_1324, %swap3A_1325], %add3A_1322 {strides = array<i32>} : memref<32x512xi32, #tpu.memory_space<vmem>>, vector<16xi32>,
      %add3A_1327 = arith.constant 384 : i32
      %add3A_1328 = vector.broadcast %add3A_1327 : i32 to vector<16xi32>
      %add3A_1329 = arith.addi %add3A_1306, %add3A_1328 : vector<16xi32>
      %swap3A_1330 = arith.constant 3 : i32
      %swap3A_1331 = arith.index_cast %swap3A_1330 : i32 to index
      %swap3A_1332 = arith.index_cast %mul3A_1298 : i32 to index
      %swap3A_1333 = tpu.vector_load %arg10[%swap3A_1331, %swap3A_1332] {strides = array<i32>} : memref<32x512xi32, #tpu.memory_space<vmem>>, vector<16xi32>,
      tpu.vector_store %arg10[%swap3A_1331, %swap3A_1332], %add3A_1329 {strides = array<i32>} : memref<32x512xi32, #tpu.memory_space<vmem>>, vector<16xi32>,
      %add3A_1334 = arith.constant 512 : i32
      %add3A_1335 = vector.broadcast %add3A_1334 : i32 to vector<16xi32>
      %add3A_1336 = arith.addi %add3A_1306, %add3A_1335 : vector<16xi32>
      %swap3A_1337 = arith.constant 4 : i32
      %swap3A_1338 = arith.index_cast %swap3A_1337 : i32 to index
      %swap3A_1339 = arith.index_cast %mul3A_1298 : i32 to index
      %swap3A_1340 = tpu.vector_load %arg10[%swap3A_1338, %swap3A_1339] {strides = array<i32>} : memref<32x512xi32, #tpu.memory_space<vmem>>, vector<16xi32>,
      tpu.vector_store %arg10[%swap3A_1338, %swap3A_1339], %add3A_1336 {strides = array<i32>} : memref<32x512xi32, #tpu.memory_space<vmem>>, vector<16xi32>,
      %add3A_1341 = arith.constant 640 : i32
      %add3A_1342 = vector.broadcast %add3A_1341 : i32 to vector<16xi32>
      %add3A_1343 = arith.addi %add3A_1306, %add3A_1342 : vector<16xi32>
      %swap3A_1344 = arith.constant 5 : i32
      %swap3A_1345 = arith.index_cast %swap3A_1344 : i32 to index
      %swap3A_1346 = arith.index_cast %mul3A_1298 : i32 to index
      %swap3A_1347 = tpu.vector_load %arg10[%swap3A_1345, %swap3A_1346] {strides = array<i32>} : memref<32x512xi32, #tpu.memory_space<vmem>>, vector<16xi32>,
      tpu.vector_store %arg10[%swap3A_1345, %swap3A_1346], %add3A_1343 {strides = array<i32>} : memref<32x512xi32, #tpu.memory_space<vmem>>, vector<16xi32>,
      %add3A_1348 = arith.constant 768 : i32
      %add3A_1349 = vector.broadcast %add3A_1348 : i32 to vector<16xi32>
      %add3A_1350 = arith.addi %add3A_1306, %add3A_1349 : vector<16xi32>
      %swap3A_1351 = arith.constant 6 : i32
      %swap3A_1352 = arith.index_cast %swap3A_1351 : i32 to index
      %swap3A_1353 = arith.index_cast %mul3A_1298 : i32 to index
      %swap3A_1354 = tpu.vector_load %arg10[%swap3A_1352, %swap3A_1353] {strides = array<i32>} : memref<32x512xi32, #tpu.memory_space<vmem>>, vector<16xi32>,
      tpu.vector_store %arg10[%swap3A_1352, %swap3A_1353], %add3A_1350 {strides = array<i32>} : memref<32x512xi32, #tpu.memory_space<vmem>>, vector<16xi32>,
      %add3A_1355 = arith.constant 896 : i32
      %add3A_1356 = vector.broadcast %add3A_1355 : i32 to vector<16xi32>
      %add3A_1357 = arith.addi %add3A_1306, %add3A_1356 : vector<16xi32>
      %swap3A_1358 = arith.constant 7 : i32
      %swap3A_1359 = arith.index_cast %swap3A_1358 : i32 to index
      %swap3A_1360 = arith.index_cast %mul3A_1298 : i32 to index
      %swap3A_1361 = tpu.vector_load %arg10[%swap3A_1359, %swap3A_1360] {strides = array<i32>} : memref<32x512xi32, #tpu.memory_space<vmem>>, vector<16xi32>,
      tpu.vector_store %arg10[%swap3A_1359, %swap3A_1360], %add3A_1357 {strides = array<i32>} : memref<32x512xi32, #tpu.memory_space<vmem>>, vector<16xi32>,
      %add3A_1362 = arith.constant 8003584 : i32
      %add3A_1363 = vector.broadcast %add3A_1362 : i32 to vector<16xi32>
      %add3A_1364 = arith.addi %add3A_1306, %add3A_1363 : vector<16xi32>
      %swap3A_1365 = arith.constant 8 : i32
      %swap3A_1366 = arith.index_cast %swap3A_1365 : i32 to index
      %swap3A_1367 = arith.index_cast %mul3A_1298 : i32 to index
      %swap3A_1368 = tpu.vector_load %arg10[%swap3A_1366, %swap3A_1367] {strides = array<i32>} : memref<32x512xi32, #tpu.memory_space<vmem>>, vector<16xi32>,
      tpu.vector_store %arg10[%swap3A_1366, %swap3A_1367], %add3A_1364 {strides = array<i32>} : memref<32x512xi32, #tpu.memory_space<vmem>>, vector<16xi32>,
      %add3A_1369 = arith.constant 8003712 : i32
      %add3A_1370 = vector.broadcast %add3A_1369 : i32 to vector<16xi32>
      %add3A_1371 = arith.addi %add3A_1306, %add3A_1370 : vector<16xi32>
      %swap3A_1372 = arith.constant 9 : i32
      %swap3A_1373 = arith.index_cast %swap3A_1372 : i32 to index
      %swap3A_1374 = arith.index_cast %mul3A_1298 : i32 to index
      %swap3A_1375 = tpu.vector_load %arg10[%swap3A_1373, %swap3A_1374] {strides = array<i32>} : memref<32x512xi32, #tpu.memory_space<vmem>>, vector<16xi32>,
      tpu.vector_store %arg10[%swap3A_1373, %swap3A_1374], %add3A_1371 {strides = array<i32>} : memref<32x512xi32, #tpu.memory_space<vmem>>, vector<16xi32>,
      %add3A_1376 = arith.constant 8003840 : i32
      %add3A_1377 = vector.broadcast %add3A_1376 : i32 to vector<16xi32>
      %add3A_1378 = arith.addi %add3A_1306, %add3A_1377 : vector<16xi32>
      %swap3A_1379 = arith.constant 10 : i32
      %swap3A_1380 = arith.index_cast %swap3A_1379 : i32 to index
      %swap3A_1381 = arith.index_cast %mul3A_1298 : i32 to index
      %swap3A_1382 = tpu.vector_load %arg10[%swap3A_1380, %swap3A_1381] {strides = array<i32>} : memref<32x512xi32, #tpu.memory_space<vmem>>, vector<16xi32>,
      tpu.vector_store %arg10[%swap3A_1380, %swap3A_1381], %add3A_1378 {strides = array<i32>} : memref<32x512xi32, #tpu.memory_space<vmem>>, vector<16xi32>,
      %add3A_1383 = arith.constant 8003968 : i32
      %add3A_1384 = vector.broadcast %add3A_1383 : i32 to vector<16xi32>
      %add3A_1385 = arith.addi %add3A_1306, %add3A_1384 : vector<16xi32>
      %swap3A_1386 = arith.constant 11 : i32
      %swap3A_1387 = arith.index_cast %swap3A_1386 : i32 to index
      %swap3A_1388 = arith.index_cast %mul3A_1298 : i32 to index
      %swap3A_1389 = tpu.vector_load %arg10[%swap3A_1387, %swap3A_1388] {strides = array<i32>} : memref<32x512xi32, #tpu.memory_space<vmem>>, vector<16xi32>,
      tpu.vector_store %arg10[%swap3A_1387, %swap3A_1388], %add3A_1385 {strides = array<i32>} : memref<32x512xi32, #tpu.memory_space<vmem>>, vector<16xi32>,
      %add3A_1390 = arith.constant 8004096 : i32
      %add3A_1391 = vector.broadcast %add3A_1390 : i32 to vector<16xi32>
      %add3A_1392 = arith.addi %add3A_1306, %add3A_1391 : vector<16xi32>
      %swap3A_1393 = arith.constant 12 : i32
      %swap3A_1394 = arith.index_cast %swap3A_1393 : i32 to index
      %swap3A_1395 = arith.index_cast %mul3A_1298 : i32 to index
      %swap3A_1396 = tpu.vector_load %arg10[%swap3A_1394, %swap3A_1395] {strides = array<i32>} : memref<32x512xi32, #tpu.memory_space<vmem>>, vector<16xi32>,
      tpu.vector_store %arg10[%swap3A_1394, %swap3A_1395], %add3A_1392 {strides = array<i32>} : memref<32x512xi32, #tpu.memory_space<vmem>>, vector<16xi32>,
      %add3A_1397 = arith.constant 8004224 : i32
      %add3A_1398 = vector.broadcast %add3A_1397 : i32 to vector<16xi32>
      %add3A_1399 = arith.addi %add3A_1306, %add3A_1398 : vector<16xi32>
      %swap3A_1400 = arith.constant 13 : i32
      %swap3A_1401 = arith.index_cast %swap3A_1400 : i32 to index
      %swap3A_1402 = arith.index_cast %mul3A_1298 : i32 to index
      %swap3A_1403 = tpu.vector_load %arg10[%swap3A_1401, %swap3A_1402] {strides = array<i32>} : memref<32x512xi32, #tpu.memory_space<vmem>>, vector<16xi32>,
      tpu.vector_store %arg10[%swap3A_1401, %swap3A_1402], %add3A_1399 {strides = array<i32>} : memref<32x512xi32, #tpu.memory_space<vmem>>, vector<16xi32>,
      %add3A_1404 = arith.constant 8004352 : i32
      %add3A_1405 = vector.broadcast %add3A_1404 : i32 to vector<16xi32>
      %add3A_1406 = arith.addi %add3A_1306, %add3A_1405 : vector<16xi32>
      %swap3A_1407 = arith.constant 14 : i32
      %swap3A_1408 = arith.index_cast %swap3A_1407 : i32 to index
      %swap3A_1409 = arith.index_cast %mul3A_1298 : i32 to index
      %swap3A_1410 = tpu.vector_load %arg10[%swap3A_1408, %swap3A_1409] {strides = array<i32>} : memref<32x512xi32, #tpu.memory_space<vmem>>, vector<16xi32>,
      tpu.vector_store %arg10[%swap3A_1408, %swap3A_1409], %add3A_1406 {strides = array<i32>} : memref<32x512xi32, #tpu.memory_space<vmem>>, vector<16xi32>,
      %add3A_1411 = arith.constant 8004480 : i32
      %add3A_1412 = vector.broadcast %add3A_1411 : i32 to vector<16xi32>
      %add3A_1413 = arith.addi %add3A_1306, %add3A_1412 : vector<16xi32>
      %swap3A_1414 = arith.constant 15 : i32
      %swap3A_1415 = arith.index_cast %swap3A_1414 : i32 to index
      %swap3A_1416 = arith.index_cast %mul3A_1298 : i32 to index
      %swap3A_1417 = tpu.vector_load %arg10[%swap3A_1415, %swap3A_1416] {strides = array<i32>} : memref<32x512xi32, #tpu.memory_space<vmem>>, vector<16xi32>,
      tpu.vector_store %arg10[%swap3A_1415, %swap3A_1416], %add3A_1413 {strides = array<i32>} : memref<32x512xi32, #tpu.memory_space<vmem>>, vector<16xi32>,
      %add3A_1418 = arith.constant 16007168 : i32
      %add3A_1419 = vector.broadcast %add3A_1418 : i32 to vector<16xi32>
      %add3A_1420 = arith.addi %add3A_1306, %add3A_1419 : vector<16xi32>
      %swap3A_1421 = arith.constant 16 : i32
      %swap3A_1422 = arith.index_cast %swap3A_1421 : i32 to index
      %swap3A_1423 = arith.index_cast %mul3A_1298 : i32 to index
      %swap3A_1424 = tpu.vector_load %arg10[%swap3A_1422, %swap3A_1423] {strides = array<i32>} : memref<32x512xi32, #tpu.memory_space<vmem>>, vector<16xi32>,
      tpu.vector_store %arg10[%swap3A_1422, %swap3A_1423], %add3A_1420 {strides = array<i32>} : memref<32x512xi32, #tpu.memory_space<vmem>>, vector<16xi32>,
      %add3A_1425 = arith.constant 16007296 : i32
      %add3A_1426 = vector.broadcast %add3A_1425 : i32 to vector<16xi32>
      %add3A_1427 = arith.addi %add3A_1306, %add3A_1426 : vector<16xi32>
      %swap3A_1428 = arith.constant 17 : i32
      %swap3A_1429 = arith.index_cast %swap3A_1428 : i32 to index
      %swap3A_1430 = arith.index_cast %mul3A_1298 : i32 to index
      %swap3A_1431 = tpu.vector_load %arg10[%swap3A_1429, %swap3A_1430] {strides = array<i32>} : memref<32x512xi32, #tpu.memory_space<vmem>>, vector<16xi32>,
      tpu.vector_store %arg10[%swap3A_1429, %swap3A_1430], %add3A_1427 {strides = array<i32>} : memref<32x512xi32, #tpu.memory_space<vmem>>, vector<16xi32>,
      %add3A_1432 = arith.constant 16007424 : i32
      %add3A_1433 = vector.broadcast %add3A_1432 : i32 to vector<16xi32>
      %add3A_1434 = arith.addi %add3A_1306, %add3A_1433 : vector<16xi32>
      %swap3A_1435 = arith.constant 18 : i32
      %swap3A_1436 = arith.index_cast %swap3A_1435 : i32 to index
      %swap3A_1437 = arith.index_cast %mul3A_1298 : i32 to index
      %swap3A_1438 = tpu.vector_load %arg10[%swap3A_1436, %swap3A_1437] {strides = array<i32>} : memref<32x512xi32, #tpu.memory_space<vmem>>, vector<16xi32>,
      tpu.vector_store %arg10[%swap3A_1436, %swap3A_1437], %add3A_1434 {strides = array<i32>} : memref<32x512xi32, #tpu.memory_space<vmem>>, vector<16xi32>,
      %add3A_1439 = arith.constant 16007552 : i32
      %add3A_1440 = vector.broadcast %add3A_1439 : i32 to vector<16xi32>
      %add3A_1441 = arith.addi %add3A_1306, %add3A_1440 : vector<16xi32>
      %swap3A_1442 = arith.constant 19 : i32
      %swap3A_1443 = arith.index_cast %swap3A_1442 : i32 to index
      %swap3A_1444 = arith.index_cast %mul3A_1298 : i32 to index
      %swap3A_1445 = tpu.vector_load %arg10[%swap3A_1443, %swap3A_1444] {strides = array<i32>} : memref<32x512xi32, #tpu.memory_space<vmem>>, vector<16xi32>,
      tpu.vector_store %arg10[%swap3A_1443, %swap3A_1444], %add3A_1441 {strides = array<i32>} : memref<32x512xi32, #tpu.memory_space<vmem>>, vector<16xi32>,
      %add3A_1446 = arith.constant 16007680 : i32
      %add3A_1447 = vector.broadcast %add3A_1446 : i32 to vector<16xi32>
      %add3A_1448 = arith.addi %add3A_1306, %add3A_1447 : vector<16xi32>
      %swap3A_1449 = arith.constant 20 : i32
      %swap3A_1450 = arith.index_cast %swap3A_1449 : i32 to index
      %swap3A_1451 = arith.index_cast %mul3A_1298 : i32 to index
      %swap3A_1452 = tpu.vector_load %arg10[%swap3A_1450, %swap3A_1451] {strides = array<i32>} : memref<32x512xi32, #tpu.memory_space<vmem>>, vector<16xi32>,
      tpu.vector_store %arg10[%swap3A_1450, %swap3A_1451], %add3A_1448 {strides = array<i32>} : memref<32x512xi32, #tpu.memory_space<vmem>>, vector<16xi32>,
      %add3A_1453 = arith.constant 16007808 : i32
      %add3A_1454 = vector.broadcast %add3A_1453 : i32 to vector<16xi32>
      %add3A_1455 = arith.addi %add3A_1306, %add3A_1454 : vector<16xi32>
      %swap3A_1456 = arith.constant 21 : i32
      %swap3A_1457 = arith.index_cast %swap3A_1456 : i32 to index
      %swap3A_1458 = arith.index_cast %mul3A_1298 : i32 to index
      %swap3A_1459 = tpu.vector_load %arg10[%swap3A_1457, %swap3A_1458] {strides = array<i32>} : memref<32x512xi32, #tpu.memory_space<vmem>>, vector<16xi32>,
      tpu.vector_store %arg10[%swap3A_1457, %swap3A_1458], %add3A_1455 {strides = array<i32>} : memref<32x512xi32, #tpu.memory_space<vmem>>, vector<16xi32>,
      %add3A_1460 = arith.constant 16007936 : i32
      %add3A_1461 = vector.broadcast %add3A_1460 : i32 to vector<16xi32>
      %add3A_1462 = arith.addi %add3A_1306, %add3A_1461 : vector<16xi32>
      %swap3A_1463 = arith.constant 22 : i32
      %swap3A_1464 = arith.index_cast %swap3A_1463 : i32 to index
      %swap3A_1465 = arith.index_cast %mul3A_1298 : i32 to index
      %swap3A_1466 = tpu.vector_load %arg10[%swap3A_1464, %swap3A_1465] {strides = array<i32>} : memref<32x512xi32, #tpu.memory_space<vmem>>, vector<16xi32>,
      tpu.vector_store %arg10[%swap3A_1464, %swap3A_1465], %add3A_1462 {strides = array<i32>} : memref<32x512xi32, #tpu.memory_space<vmem>>, vector<16xi32>,
      %add3A_1467 = arith.constant 16008064 : i32
      %add3A_1468 = vector.broadcast %add3A_1467 : i32 to vector<16xi32>
      %add3A_1469 = arith.addi %add3A_1306, %add3A_1468 : vector<16xi32>
      %swap3A_1470 = arith.constant 23 : i32
      %swap3A_1471 = arith.index_cast %swap3A_1470 : i32 to index
      %swap3A_1472 = arith.index_cast %mul3A_1298 : i32 to index
      %swap3A_1473 = tpu.vector_load %arg10[%swap3A_1471, %swap3A_1472] {strides = array<i32>} : memref<32x512xi32, #tpu.memory_space<vmem>>, vector<16xi32>,
      tpu.vector_store %arg10[%swap3A_1471, %swap3A_1472], %add3A_1469 {strides = array<i32>} : memref<32x512xi32, #tpu.memory_space<vmem>>, vector<16xi32>,
      %add3A_1474 = arith.constant 24010752 : i32
      %add3A_1475 = vector.broadcast %add3A_1474 : i32 to vector<16xi32>
      %add3A_1476 = arith.addi %add3A_1306, %add3A_1475 : vector<16xi32>
      %swap3A_1477 = arith.constant 24 : i32
      %swap3A_1478 = arith.index_cast %swap3A_1477 : i32 to index
      %swap3A_1479 = arith.index_cast %mul3A_1298 : i32 to index
      %swap3A_1480 = tpu.vector_load %arg10[%swap3A_1478, %swap3A_1479] {strides = array<i32>} : memref<32x512xi32, #tpu.memory_space<vmem>>, vector<16xi32>,
      tpu.vector_store %arg10[%swap3A_1478, %swap3A_1479], %add3A_1476 {strides = array<i32>} : memref<32x512xi32, #tpu.memory_space<vmem>>, vector<16xi32>,
      %add3A_1481 = arith.constant 24010880 : i32
      %add3A_1482 = vector.broadcast %add3A_1481 : i32 to vector<16xi32>
      %add3A_1483 = arith.addi %add3A_1306, %add3A_1482 : vector<16xi32>
      %swap3A_1484 = arith.constant 25 : i32
      %swap3A_1485 = arith.index_cast %swap3A_1484 : i32 to index
      %swap3A_1486 = arith.index_cast %mul3A_1298 : i32 to index
      %swap3A_1487 = tpu.vector_load %arg10[%swap3A_1485, %swap3A_1486] {strides = array<i32>} : memref<32x512xi32, #tpu.memory_space<vmem>>, vector<16xi32>,
      tpu.vector_store %arg10[%swap3A_1485, %swap3A_1486], %add3A_1483 {strides = array<i32>} : memref<32x512xi32, #tpu.memory_space<vmem>>, vector<16xi32>,
      %add3A_1488 = arith.constant 24011008 : i32
      %add3A_1489 = vector.broadcast %add3A_1488 : i32 to vector<16xi32>
      %add3A_1490 = arith.addi %add3A_1306, %add3A_1489 : vector<16xi32>
      %swap3A_1491 = arith.constant 26 : i32
      %swap3A_1492 = arith.index_cast %swap3A_1491 : i32 to index
      %swap3A_1493 = arith.index_cast %mul3A_1298 : i32 to index
      %swap3A_1494 = tpu.vector_load %arg10[%swap3A_1492, %swap3A_1493] {strides = array<i32>} : memref<32x512xi32, #tpu.memory_space<vmem>>, vector<16xi32>,
      tpu.vector_store %arg10[%swap3A_1492, %swap3A_1493], %add3A_1490 {strides = array<i32>} : memref<32x512xi32, #tpu.memory_space<vmem>>, vector<16xi32>,
      %add3A_1495 = arith.constant 24011136 : i32
      %add3A_1496 = vector.broadcast %add3A_1495 : i32 to vector<16xi32>
      %add3A_1497 = arith.addi %add3A_1306, %add3A_1496 : vector<16xi32>
      %swap3A_1498 = arith.constant 27 : i32
      %swap3A_1499 = arith.index_cast %swap3A_1498 : i32 to index
      %swap3A_1500 = arith.index_cast %mul3A_1298 : i32 to index
      %swap3A_1501 = tpu.vector_load %arg10[%swap3A_1499, %swap3A_1500] {strides = array<i32>} : memref<32x512xi32, #tpu.memory_space<vmem>>, vector<16xi32>,
      tpu.vector_store %arg10[%swap3A_1499, %swap3A_1500], %add3A_1497 {strides = array<i32>} : memref<32x512xi32, #tpu.memory_space<vmem>>, vector<16xi32>,
      %add3A_1502 = arith.constant 24011264 : i32
      %add3A_1503 = vector.broadcast %add3A_1502 : i32 to vector<16xi32>
      %add3A_1504 = arith.addi %add3A_1306, %add3A_1503 : vector<16xi32>
      %swap3A_1505 = arith.constant 28 : i32
      %swap3A_1506 = arith.index_cast %swap3A_1505 : i32 to index
      %swap3A_1507 = arith.index_cast %mul3A_1298 : i32 to index
      %swap3A_1508 = tpu.vector_load %arg10[%swap3A_1506, %swap3A_1507] {strides = array<i32>} : memref<32x512xi32, #tpu.memory_space<vmem>>, vector<16xi32>,
      tpu.vector_store %arg10[%swap3A_1506, %swap3A_1507], %add3A_1504 {strides = array<i32>} : memref<32x512xi32, #tpu.memory_space<vmem>>, vector<16xi32>,
      %add3A_1509 = arith.constant 24011392 : i32
      %add3A_1510 = vector.broadcast %add3A_1509 : i32 to vector<16xi32>
      %add3A_1511 = arith.addi %add3A_1306, %add3A_1510 : vector<16xi32>
      %swap3A_1512 = arith.constant 29 : i32
      %swap3A_1513 = arith.index_cast %swap3A_1512 : i32 to index
      %swap3A_1514 = arith.index_cast %mul3A_1298 : i32 to index
      %swap3A_1515 = tpu.vector_load %arg10[%swap3A_1513, %swap3A_1514] {strides = array<i32>} : memref<32x512xi32, #tpu.memory_space<vmem>>, vector<16xi32>,
      tpu.vector_store %arg10[%swap3A_1513, %swap3A_1514], %add3A_1511 {strides = array<i32>} : memref<32x512xi32, #tpu.memory_space<vmem>>, vector<16xi32>,
      %add3A_1516 = arith.constant 24011520 : i32
      %add3A_1517 = vector.broadcast %add3A_1516 : i32 to vector<16xi32>
      %add3A_1518 = arith.addi %add3A_1306, %add3A_1517 : vector<16xi32>
      %swap3A_1519 = arith.constant 30 : i32
      %swap3A_1520 = arith.index_cast %swap3A_1519 : i32 to index
      %swap3A_1521 = arith.index_cast %mul3A_1298 : i32 to index
      %swap3A_1522 = tpu.vector_load %arg10[%swap3A_1520, %swap3A_1521] {strides = array<i32>} : memref<32x512xi32, #tpu.memory_space<vmem>>, vector<16xi32>,
      tpu.vector_store %arg10[%swap3A_1520, %swap3A_1521], %add3A_1518 {strides = array<i32>} : memref<32x512xi32, #tpu.memory_space<vmem>>, vector<16xi32>,
      %add3A_1523 = arith.constant 24011648 : i32
      %add3A_1524 = vector.broadcast %add3A_1523 : i32 to vector<16xi32>
      %add3A_1525 = arith.addi %add3A_1306, %add3A_1524 : vector<16xi32>
      %swap3A_1526 = arith.constant 31 : i32
      %swap3A_1527 = arith.index_cast %swap3A_1526 : i32 to index
      %swap3A_1528 = arith.index_cast %mul3A_1298 : i32 to index
      %swap3A_1529 = tpu.vector_load %arg10[%swap3A_1527, %swap3A_1528] {strides = array<i32>} : memref<32x512xi32, #tpu.memory_space<vmem>>, vector<16xi32>,
      tpu.vector_store %arg10[%swap3A_1527, %swap3A_1528], %add3A_1525 {strides = array<i32>} : memref<32x512xi32, #tpu.memory_space<vmem>>, vector<16xi32>,
      %get3A_1530 = arith.index_cast %mul3A_1298 : i32 to index
      %get3A_1531 = tpu.vector_load %arg9[%get3A_1530] {strides = array<i32>} : memref<512xi32, #tpu.memory_space<vmem>>, vector<16xi32>,
      %shift_right_arithmetic3A_1532 = arith.constant 7 : i32
      %shift_right_arithmetic3A_1533 = vector.broadcast %shift_right_arithmetic3A_1532 : i32 to vector<16xi32>
      %shift_right_arithmetic3A_1534 = arith.shrsi %get3A_1531, %shift_right_arithmetic3A_1533 : vector<16xi32>
      %shift_left3A_1535 = arith.constant 10 : i32
      %shift_left3A_1536 = vector.broadcast %shift_left3A_1535 : i32 to vector<16xi32>
      %shift_left3A_1537 = arith.shli %shift_right_arithmetic3A_1534, %shift_left3A_1536 : vector<16xi32>
      %and3A_1538 = arith.constant 127 : i32
      %and3A_1539 = vector.broadcast %and3A_1538 : i32 to vector<16xi32>
      %and3A_1540 = arith.andi %get3A_1531, %and3A_1539 : vector<16xi32>
      %add3A_1541 = arith.addi %shift_left3A_1537, %and3A_1540 : vector<16xi32>
      %add3A_1542 = arith.constant 0 : i32
      %add3A_1543 = vector.broadcast %add3A_1542 : i32 to vector<16xi32>
      %add3A_1544 = arith.addi %add3A_1541, %add3A_1543 : vector<16xi32>
      %swap3A_1545 = arith.constant 0 : i32
      %swap3A_1546 = arith.index_cast %swap3A_1545 : i32 to index
      %swap3A_1547 = arith.index_cast %mul3A_1298 : i32 to index
      %swap3A_1548 = tpu.vector_load %arg11[%swap3A_1546, %swap3A_1547] {strides = array<i32>} : memref<32x512xi32, #tpu.memory_space<vmem>>, vector<16xi32>,
      tpu.vector_store %arg11[%swap3A_1546, %swap3A_1547], %add3A_1544 {strides = array<i32>} : memref<32x512xi32, #tpu.memory_space<vmem>>, vector<16xi32>,
      %add3A_1549 = arith.constant 128 : i32
      %add3A_1550 = vector.broadcast %add3A_1549 : i32 to vector<16xi32>
      %add3A_1551 = arith.addi %add3A_1541, %add3A_1550 : vector<16xi32>
      %swap3A_1552 = arith.constant 1 : i32
      %swap3A_1553 = arith.index_cast %swap3A_1552 : i32 to index
      %swap3A_1554 = arith.index_cast %mul3A_1298 : i32 to index
      %swap3A_1555 = tpu.vector_load %arg11[%swap3A_1553, %swap3A_1554] {strides = array<i32>} : memref<32x512xi32, #tpu.memory_space<vmem>>, vector<16xi32>,
      tpu.vector_store %arg11[%swap3A_1553, %swap3A_1554], %add3A_1551 {strides = array<i32>} : memref<32x512xi32, #tpu.memory_space<vmem>>, vector<16xi32>,
      %add3A_1556 = arith.constant 256 : i32
      %add3A_1557 = vector.broadcast %add3A_1556 : i32 to vector<16xi32>
      %add3A_1558 = arith.addi %add3A_1541, %add3A_1557 : vector<16xi32>
      %swap3A_1559 = arith.constant 2 : i32
      %swap3A_1560 = arith.index_cast %swap3A_1559 : i32 to index
      %swap3A_1561 = arith.index_cast %mul3A_1298 : i32 to index
      %swap3A_1562 = tpu.vector_load %arg11[%swap3A_1560, %swap3A_1561] {strides = array<i32>} : memref<32x512xi32, #tpu.memory_space<vmem>>, vector<16xi32>,
      tpu.vector_store %arg11[%swap3A_1560, %swap3A_1561], %add3A_1558 {strides = array<i32>} : memref<32x512xi32, #tpu.memory_space<vmem>>, vector<16xi32>,
      %add3A_1563 = arith.constant 384 : i32
      %add3A_1564 = vector.broadcast %add3A_1563 : i32 to vector<16xi32>
      %add3A_1565 = arith.addi %add3A_1541, %add3A_1564 : vector<16xi32>
      %swap3A_1566 = arith.constant 3 : i32
      %swap3A_1567 = arith.index_cast %swap3A_1566 : i32 to index
      %swap3A_1568 = arith.index_cast %mul3A_1298 : i32 to index
      %swap3A_1569 = tpu.vector_load %arg11[%swap3A_1567, %swap3A_1568] {strides = array<i32>} : memref<32x512xi32, #tpu.memory_space<vmem>>, vector<16xi32>,
      tpu.vector_store %arg11[%swap3A_1567, %swap3A_1568], %add3A_1565 {strides = array<i32>} : memref<32x512xi32, #tpu.memory_space<vmem>>, vector<16xi32>,
      %add3A_1570 = arith.constant 512 : i32
      %add3A_1571 = vector.broadcast %add3A_1570 : i32 to vector<16xi32>
      %add3A_1572 = arith.addi %add3A_1541, %add3A_1571 : vector<16xi32>
      %swap3A_1573 = arith.constant 4 : i32
      %swap3A_1574 = arith.index_cast %swap3A_1573 : i32 to index
      %swap3A_1575 = arith.index_cast %mul3A_1298 : i32 to index
      %swap3A_1576 = tpu.vector_load %arg11[%swap3A_1574, %swap3A_1575] {strides = array<i32>} : memref<32x512xi32, #tpu.memory_space<vmem>>, vector<16xi32>,
      tpu.vector_store %arg11[%swap3A_1574, %swap3A_1575], %add3A_1572 {strides = array<i32>} : memref<32x512xi32, #tpu.memory_space<vmem>>, vector<16xi32>,
      %add3A_1577 = arith.constant 640 : i32
      %add3A_1578 = vector.broadcast %add3A_1577 : i32 to vector<16xi32>
      %add3A_1579 = arith.addi %add3A_1541, %add3A_1578 : vector<16xi32>
      %swap3A_1580 = arith.constant 5 : i32
      %swap3A_1581 = arith.index_cast %swap3A_1580 : i32 to index
      %swap3A_1582 = arith.index_cast %mul3A_1298 : i32 to index
      %swap3A_1583 = tpu.vector_load %arg11[%swap3A_1581, %swap3A_1582] {strides = array<i32>} : memref<32x512xi32, #tpu.memory_space<vmem>>, vector<16xi32>,
      tpu.vector_store %arg11[%swap3A_1581, %swap3A_1582], %add3A_1579 {strides = array<i32>} : memref<32x512xi32, #tpu.memory_space<vmem>>, vector<16xi32>,
      %add3A_1584 = arith.constant 768 : i32
      %add3A_1585 = vector.broadcast %add3A_1584 : i32 to vector<16xi32>
      %add3A_1586 = arith.addi %add3A_1541, %add3A_1585 : vector<16xi32>
      %swap3A_1587 = arith.constant 6 : i32
      %swap3A_1588 = arith.index_cast %swap3A_1587 : i32 to index
      %swap3A_1589 = arith.index_cast %mul3A_1298 : i32 to index
      %swap3A_1590 = tpu.vector_load %arg11[%swap3A_1588, %swap3A_1589] {strides = array<i32>} : memref<32x512xi32, #tpu.memory_space<vmem>>, vector<16xi32>,
      tpu.vector_store %arg11[%swap3A_1588, %swap3A_1589], %add3A_1586 {strides = array<i32>} : memref<32x512xi32, #tpu.memory_space<vmem>>, vector<16xi32>,
      %add3A_1591 = arith.constant 896 : i32
      %add3A_1592 = vector.broadcast %add3A_1591 : i32 to vector<16xi32>
      %add3A_1593 = arith.addi %add3A_1541, %add3A_1592 : vector<16xi32>
      %swap3A_1594 = arith.constant 7 : i32
      %swap3A_1595 = arith.index_cast %swap3A_1594 : i32 to index
      %swap3A_1596 = arith.index_cast %mul3A_1298 : i32 to index
      %swap3A_1597 = tpu.vector_load %arg11[%swap3A_1595, %swap3A_1596] {strides = array<i32>} : memref<32x512xi32, #tpu.memory_space<vmem>>, vector<16xi32>,
      tpu.vector_store %arg11[%swap3A_1595, %swap3A_1596], %add3A_1593 {strides = array<i32>} : memref<32x512xi32, #tpu.memory_space<vmem>>, vector<16xi32>,
      %add3A_1598 = arith.constant 8003584 : i32
      %add3A_1599 = vector.broadcast %add3A_1598 : i32 to vector<16xi32>
      %add3A_1600 = arith.addi %add3A_1541, %add3A_1599 : vector<16xi32>
      %swap3A_1601 = arith.constant 8 : i32
      %swap3A_1602 = arith.index_cast %swap3A_1601 : i32 to index
      %swap3A_1603 = arith.index_cast %mul3A_1298 : i32 to index
      %swap3A_1604 = tpu.vector_load %arg11[%swap3A_1602, %swap3A_1603] {strides = array<i32>} : memref<32x512xi32, #tpu.memory_space<vmem>>, vector<16xi32>,
      tpu.vector_store %arg11[%swap3A_1602, %swap3A_1603], %add3A_1600 {strides = array<i32>} : memref<32x512xi32, #tpu.memory_space<vmem>>, vector<16xi32>,
      %add3A_1605 = arith.constant 8003712 : i32
      %add3A_1606 = vector.broadcast %add3A_1605 : i32 to vector<16xi32>
      %add3A_1607 = arith.addi %add3A_1541, %add3A_1606 : vector<16xi32>
      %swap3A_1608 = arith.constant 9 : i32
      %swap3A_1609 = arith.index_cast %swap3A_1608 : i32 to index
      %swap3A_1610 = arith.index_cast %mul3A_1298 : i32 to index
      %swap3A_1611 = tpu.vector_load %arg11[%swap3A_1609, %swap3A_1610] {strides = array<i32>} : memref<32x512xi32, #tpu.memory_space<vmem>>, vector<16xi32>,
      tpu.vector_store %arg11[%swap3A_1609, %swap3A_1610], %add3A_1607 {strides = array<i32>} : memref<32x512xi32, #tpu.memory_space<vmem>>, vector<16xi32>,
      %add3A_1612 = arith.constant 8003840 : i32
      %add3A_1613 = vector.broadcast %add3A_1612 : i32 to vector<16xi32>
      %add3A_1614 = arith.addi %add3A_1541, %add3A_1613 : vector<16xi32>
      %swap3A_1615 = arith.constant 10 : i32
      %swap3A_1616 = arith.index_cast %swap3A_1615 : i32 to index
      %swap3A_1617 = arith.index_cast %mul3A_1298 : i32 to index
      %swap3A_1618 = tpu.vector_load %arg11[%swap3A_1616, %swap3A_1617] {strides = array<i32>} : memref<32x512xi32, #tpu.memory_space<vmem>>, vector<16xi32>,
      tpu.vector_store %arg11[%swap3A_1616, %swap3A_1617], %add3A_1614 {strides = array<i32>} : memref<32x512xi32, #tpu.memory_space<vmem>>, vector<16xi32>,
      %add3A_1619 = arith.constant 8003968 : i32
      %add3A_1620 = vector.broadcast %add3A_1619 : i32 to vector<16xi32>
      %add3A_1621 = arith.addi %add3A_1541, %add3A_1620 : vector<16xi32>
      %swap3A_1622 = arith.constant 11 : i32
      %swap3A_1623 = arith.index_cast %swap3A_1622 : i32 to index
      %swap3A_1624 = arith.index_cast %mul3A_1298 : i32 to index
      %swap3A_1625 = tpu.vector_load %arg11[%swap3A_1623, %swap3A_1624] {strides = array<i32>} : memref<32x512xi32, #tpu.memory_space<vmem>>, vector<16xi32>,
      tpu.vector_store %arg11[%swap3A_1623, %swap3A_1624], %add3A_1621 {strides = array<i32>} : memref<32x512xi32, #tpu.memory_space<vmem>>, vector<16xi32>,
      %add3A_1626 = arith.constant 8004096 : i32
      %add3A_1627 = vector.broadcast %add3A_1626 : i32 to vector<16xi32>
      %add3A_1628 = arith.addi %add3A_1541, %add3A_1627 : vector<16xi32>
      %swap3A_1629 = arith.constant 12 : i32
      %swap3A_1630 = arith.index_cast %swap3A_1629 : i32 to index
      %swap3A_1631 = arith.index_cast %mul3A_1298 : i32 to index
      %swap3A_1632 = tpu.vector_load %arg11[%swap3A_1630, %swap3A_1631] {strides = array<i32>} : memref<32x512xi32, #tpu.memory_space<vmem>>, vector<16xi32>,
      tpu.vector_store %arg11[%swap3A_1630, %swap3A_1631], %add3A_1628 {strides = array<i32>} : memref<32x512xi32, #tpu.memory_space<vmem>>, vector<16xi32>,
      %add3A_1633 = arith.constant 8004224 : i32
      %add3A_1634 = vector.broadcast %add3A_1633 : i32 to vector<16xi32>
      %add3A_1635 = arith.addi %add3A_1541, %add3A_1634 : vector<16xi32>
      %swap3A_1636 = arith.constant 13 : i32
      %swap3A_1637 = arith.index_cast %swap3A_1636 : i32 to index
      %swap3A_1638 = arith.index_cast %mul3A_1298 : i32 to index
      %swap3A_1639 = tpu.vector_load %arg11[%swap3A_1637, %swap3A_1638] {strides = array<i32>} : memref<32x512xi32, #tpu.memory_space<vmem>>, vector<16xi32>,
      tpu.vector_store %arg11[%swap3A_1637, %swap3A_1638], %add3A_1635 {strides = array<i32>} : memref<32x512xi32, #tpu.memory_space<vmem>>, vector<16xi32>,
      %add3A_1640 = arith.constant 8004352 : i32
      %add3A_1641 = vector.broadcast %add3A_1640 : i32 to vector<16xi32>
      %add3A_1642 = arith.addi %add3A_1541, %add3A_1641 : vector<16xi32>
      %swap3A_1643 = arith.constant 14 : i32
      %swap3A_1644 = arith.index_cast %swap3A_1643 : i32 to index
      %swap3A_1645 = arith.index_cast %mul3A_1298 : i32 to index
      %swap3A_1646 = tpu.vector_load %arg11[%swap3A_1644, %swap3A_1645] {strides = array<i32>} : memref<32x512xi32, #tpu.memory_space<vmem>>, vector<16xi32>,
      tpu.vector_store %arg11[%swap3A_1644, %swap3A_1645], %add3A_1642 {strides = array<i32>} : memref<32x512xi32, #tpu.memory_space<vmem>>, vector<16xi32>,
      %add3A_1647 = arith.constant 8004480 : i32
      %add3A_1648 = vector.broadcast %add3A_1647 : i32 to vector<16xi32>
      %add3A_1649 = arith.addi %add3A_1541, %add3A_1648 : vector<16xi32>
      %swap3A_1650 = arith.constant 15 : i32
      %swap3A_1651 = arith.index_cast %swap3A_1650 : i32 to index
      %swap3A_1652 = arith.index_cast %mul3A_1298 : i32 to index
      %swap3A_1653 = tpu.vector_load %arg11[%swap3A_1651, %swap3A_1652] {strides = array<i32>} : memref<32x512xi32, #tpu.memory_space<vmem>>, vector<16xi32>,
      tpu.vector_store %arg11[%swap3A_1651, %swap3A_1652], %add3A_1649 {strides = array<i32>} : memref<32x512xi32, #tpu.memory_space<vmem>>, vector<16xi32>,
      %add3A_1654 = arith.constant 16007168 : i32
      %add3A_1655 = vector.broadcast %add3A_1654 : i32 to vector<16xi32>
      %add3A_1656 = arith.addi %add3A_1541, %add3A_1655 : vector<16xi32>
      %swap3A_1657 = arith.constant 16 : i32
      %swap3A_1658 = arith.index_cast %swap3A_1657 : i32 to index
      %swap3A_1659 = arith.index_cast %mul3A_1298 : i32 to index
      %swap3A_1660 = tpu.vector_load %arg11[%swap3A_1658, %swap3A_1659] {strides = array<i32>} : memref<32x512xi32, #tpu.memory_space<vmem>>, vector<16xi32>,
      tpu.vector_store %arg11[%swap3A_1658, %swap3A_1659], %add3A_1656 {strides = array<i32>} : memref<32x512xi32, #tpu.memory_space<vmem>>, vector<16xi32>,
      %add3A_1661 = arith.constant 16007296 : i32
      %add3A_1662 = vector.broadcast %add3A_1661 : i32 to vector<16xi32>
      %add3A_1663 = arith.addi %add3A_1541, %add3A_1662 : vector<16xi32>
      %swap3A_1664 = arith.constant 17 : i32
      %swap3A_1665 = arith.index_cast %swap3A_1664 : i32 to index
      %swap3A_1666 = arith.index_cast %mul3A_1298 : i32 to index
      %swap3A_1667 = tpu.vector_load %arg11[%swap3A_1665, %swap3A_1666] {strides = array<i32>} : memref<32x512xi32, #tpu.memory_space<vmem>>, vector<16xi32>,
      tpu.vector_store %arg11[%swap3A_1665, %swap3A_1666], %add3A_1663 {strides = array<i32>} : memref<32x512xi32, #tpu.memory_space<vmem>>, vector<16xi32>,
      %add3A_1668 = arith.constant 16007424 : i32
      %add3A_1669 = vector.broadcast %add3A_1668 : i32 to vector<16xi32>
      %add3A_1670 = arith.addi %add3A_1541, %add3A_1669 : vector<16xi32>
      %swap3A_1671 = arith.constant 18 : i32
      %swap3A_1672 = arith.index_cast %swap3A_1671 : i32 to index
      %swap3A_1673 = arith.index_cast %mul3A_1298 : i32 to index
      %swap3A_1674 = tpu.vector_load %arg11[%swap3A_1672, %swap3A_1673] {strides = array<i32>} : memref<32x512xi32, #tpu.memory_space<vmem>>, vector<16xi32>,
      tpu.vector_store %arg11[%swap3A_1672, %swap3A_1673], %add3A_1670 {strides = array<i32>} : memref<32x512xi32, #tpu.memory_space<vmem>>, vector<16xi32>,
      %add3A_1675 = arith.constant 16007552 : i32
      %add3A_1676 = vector.broadcast %add3A_1675 : i32 to vector<16xi32>
      %add3A_1677 = arith.addi %add3A_1541, %add3A_1676 : vector<16xi32>
      %swap3A_1678 = arith.constant 19 : i32
      %swap3A_1679 = arith.index_cast %swap3A_1678 : i32 to index
      %swap3A_1680 = arith.index_cast %mul3A_1298 : i32 to index
      %swap3A_1681 = tpu.vector_load %arg11[%swap3A_1679, %swap3A_1680] {strides = array<i32>} : memref<32x512xi32, #tpu.memory_space<vmem>>, vector<16xi32>,
      tpu.vector_store %arg11[%swap3A_1679, %swap3A_1680], %add3A_1677 {strides = array<i32>} : memref<32x512xi32, #tpu.memory_space<vmem>>, vector<16xi32>,
      %add3A_1682 = arith.constant 16007680 : i32
      %add3A_1683 = vector.broadcast %add3A_1682 : i32 to vector<16xi32>
      %add3A_1684 = arith.addi %add3A_1541, %add3A_1683 : vector<16xi32>
      %swap3A_1685 = arith.constant 20 : i32
      %swap3A_1686 = arith.index_cast %swap3A_1685 : i32 to index
      %swap3A_1687 = arith.index_cast %mul3A_1298 : i32 to index
      %swap3A_1688 = tpu.vector_load %arg11[%swap3A_1686, %swap3A_1687] {strides = array<i32>} : memref<32x512xi32, #tpu.memory_space<vmem>>, vector<16xi32>,
      tpu.vector_store %arg11[%swap3A_1686, %swap3A_1687], %add3A_1684 {strides = array<i32>} : memref<32x512xi32, #tpu.memory_space<vmem>>, vector<16xi32>,
      %add3A_1689 = arith.constant 16007808 : i32
      %add3A_1690 = vector.broadcast %add3A_1689 : i32 to vector<16xi32>
      %add3A_1691 = arith.addi %add3A_1541, %add3A_1690 : vector<16xi32>
      %swap3A_1692 = arith.constant 21 : i32
      %swap3A_1693 = arith.index_cast %swap3A_1692 : i32 to index
      %swap3A_1694 = arith.index_cast %mul3A_1298 : i32 to index
      %swap3A_1695 = tpu.vector_load %arg11[%swap3A_1693, %swap3A_1694] {strides = array<i32>} : memref<32x512xi32, #tpu.memory_space<vmem>>, vector<16xi32>,
      tpu.vector_store %arg11[%swap3A_1693, %swap3A_1694], %add3A_1691 {strides = array<i32>} : memref<32x512xi32, #tpu.memory_space<vmem>>, vector<16xi32>,
      %add3A_1696 = arith.constant 16007936 : i32
      %add3A_1697 = vector.broadcast %add3A_1696 : i32 to vector<16xi32>
      %add3A_1698 = arith.addi %add3A_1541, %add3A_1697 : vector<16xi32>
      %swap3A_1699 = arith.constant 22 : i32
      %swap3A_1700 = arith.index_cast %swap3A_1699 : i32 to index
      %swap3A_1701 = arith.index_cast %mul3A_1298 : i32 to index
      %swap3A_1702 = tpu.vector_load %arg11[%swap3A_1700, %swap3A_1701] {strides = array<i32>} : memref<32x512xi32, #tpu.memory_space<vmem>>, vector<16xi32>,
      tpu.vector_store %arg11[%swap3A_1700, %swap3A_1701], %add3A_1698 {strides = array<i32>} : memref<32x512xi32, #tpu.memory_space<vmem>>, vector<16xi32>,
      %add3A_1703 = arith.constant 16008064 : i32
      %add3A_1704 = vector.broadcast %add3A_1703 : i32 to vector<16xi32>
      %add3A_1705 = arith.addi %add3A_1541, %add3A_1704 : vector<16xi32>
      %swap3A_1706 = arith.constant 23 : i32
      %swap3A_1707 = arith.index_cast %swap3A_1706 : i32 to index
      %swap3A_1708 = arith.index_cast %mul3A_1298 : i32 to index
      %swap3A_1709 = tpu.vector_load %arg11[%swap3A_1707, %swap3A_1708] {strides = array<i32>} : memref<32x512xi32, #tpu.memory_space<vmem>>, vector<16xi32>,
      tpu.vector_store %arg11[%swap3A_1707, %swap3A_1708], %add3A_1705 {strides = array<i32>} : memref<32x512xi32, #tpu.memory_space<vmem>>, vector<16xi32>,
      %add3A_1710 = arith.constant 24010752 : i32
      %add3A_1711 = vector.broadcast %add3A_1710 : i32 to vector<16xi32>
      %add3A_1712 = arith.addi %add3A_1541, %add3A_1711 : vector<16xi32>
      %swap3A_1713 = arith.constant 24 : i32
      %swap3A_1714 = arith.index_cast %swap3A_1713 : i32 to index
      %swap3A_1715 = arith.index_cast %mul3A_1298 : i32 to index
      %swap3A_1716 = tpu.vector_load %arg11[%swap3A_1714, %swap3A_1715] {strides = array<i32>} : memref<32x512xi32, #tpu.memory_space<vmem>>, vector<16xi32>,
      tpu.vector_store %arg11[%swap3A_1714, %swap3A_1715], %add3A_1712 {strides = array<i32>} : memref<32x512xi32, #tpu.memory_space<vmem>>, vector<16xi32>,
      %add3A_1717 = arith.constant 24010880 : i32
      %add3A_1718 = vector.broadcast %add3A_1717 : i32 to vector<16xi32>
      %add3A_1719 = arith.addi %add3A_1541, %add3A_1718 : vector<16xi32>
      %swap3A_1720 = arith.constant 25 : i32
      %swap3A_1721 = arith.index_cast %swap3A_1720 : i32 to index
      %swap3A_1722 = arith.index_cast %mul3A_1298 : i32 to index
      %swap3A_1723 = tpu.vector_load %arg11[%swap3A_1721, %swap3A_1722] {strides = array<i32>} : memref<32x512xi32, #tpu.memory_space<vmem>>, vector<16xi32>,
      tpu.vector_store %arg11[%swap3A_1721, %swap3A_1722], %add3A_1719 {strides = array<i32>} : memref<32x512xi32, #tpu.memory_space<vmem>>, vector<16xi32>,
      %add3A_1724 = arith.constant 24011008 : i32
      %add3A_1725 = vector.broadcast %add3A_1724 : i32 to vector<16xi32>
      %add3A_1726 = arith.addi %add3A_1541, %add3A_1725 : vector<16xi32>
      %swap3A_1727 = arith.constant 26 : i32
      %swap3A_1728 = arith.index_cast %swap3A_1727 : i32 to index
      %swap3A_1729 = arith.index_cast %mul3A_1298 : i32 to index
      %swap3A_1730 = tpu.vector_load %arg11[%swap3A_1728, %swap3A_1729] {strides = array<i32>} : memref<32x512xi32, #tpu.memory_space<vmem>>, vector<16xi32>,
      tpu.vector_store %arg11[%swap3A_1728, %swap3A_1729], %add3A_1726 {strides = array<i32>} : memref<32x512xi32, #tpu.memory_space<vmem>>, vector<16xi32>,
      %add3A_1731 = arith.constant 24011136 : i32
      %add3A_1732 = vector.broadcast %add3A_1731 : i32 to vector<16xi32>
      %add3A_1733 = arith.addi %add3A_1541, %add3A_1732 : vector<16xi32>
      %swap3A_1734 = arith.constant 27 : i32
      %swap3A_1735 = arith.index_cast %swap3A_1734 : i32 to index
      %swap3A_1736 = arith.index_cast %mul3A_1298 : i32 to index
      %swap3A_1737 = tpu.vector_load %arg11[%swap3A_1735, %swap3A_1736] {strides = array<i32>} : memref<32x512xi32, #tpu.memory_space<vmem>>, vector<16xi32>,
      tpu.vector_store %arg11[%swap3A_1735, %swap3A_1736], %add3A_1733 {strides = array<i32>} : memref<32x512xi32, #tpu.memory_space<vmem>>, vector<16xi32>,
      %add3A_1738 = arith.constant 24011264 : i32
      %add3A_1739 = vector.broadcast %add3A_1738 : i32 to vector<16xi32>
      %add3A_1740 = arith.addi %add3A_1541, %add3A_1739 : vector<16xi32>
      %swap3A_1741 = arith.constant 28 : i32
      %swap3A_1742 = arith.index_cast %swap3A_1741 : i32 to index
      %swap3A_1743 = arith.index_cast %mul3A_1298 : i32 to index
      %swap3A_1744 = tpu.vector_load %arg11[%swap3A_1742, %swap3A_1743] {strides = array<i32>} : memref<32x512xi32, #tpu.memory_space<vmem>>, vector<16xi32>,
      tpu.vector_store %arg11[%swap3A_1742, %swap3A_1743], %add3A_1740 {strides = array<i32>} : memref<32x512xi32, #tpu.memory_space<vmem>>, vector<16xi32>,
      %add3A_1745 = arith.constant 24011392 : i32
      %add3A_1746 = vector.broadcast %add3A_1745 : i32 to vector<16xi32>
      %add3A_1747 = arith.addi %add3A_1541, %add3A_1746 : vector<16xi32>
      %swap3A_1748 = arith.constant 29 : i32
      %swap3A_1749 = arith.index_cast %swap3A_1748 : i32 to index
      %swap3A_1750 = arith.index_cast %mul3A_1298 : i32 to index
      %swap3A_1751 = tpu.vector_load %arg11[%swap3A_1749, %swap3A_1750] {strides = array<i32>} : memref<32x512xi32, #tpu.memory_space<vmem>>, vector<16xi32>,
      tpu.vector_store %arg11[%swap3A_1749, %swap3A_1750], %add3A_1747 {strides = array<i32>} : memref<32x512xi32, #tpu.memory_space<vmem>>, vector<16xi32>,
      %add3A_1752 = arith.constant 24011520 : i32
      %add3A_1753 = vector.broadcast %add3A_1752 : i32 to vector<16xi32>
      %add3A_1754 = arith.addi %add3A_1541, %add3A_1753 : vector<16xi32>
      %swap3A_1755 = arith.constant 30 : i32
      %swap3A_1756 = arith.index_cast %swap3A_1755 : i32 to index
      %swap3A_1757 = arith.index_cast %mul3A_1298 : i32 to index
      %swap3A_1758 = tpu.vector_load %arg11[%swap3A_1756, %swap3A_1757] {strides = array<i32>} : memref<32x512xi32, #tpu.memory_space<vmem>>, vector<16xi32>,
      tpu.vector_store %arg11[%swap3A_1756, %swap3A_1757], %add3A_1754 {strides = array<i32>} : memref<32x512xi32, #tpu.memory_space<vmem>>, vector<16xi32>,
      %add3A_1759 = arith.constant 24011648 : i32
      %add3A_1760 = vector.broadcast %add3A_1759 : i32 to vector<16xi32>
      %add3A_1761 = arith.addi %add3A_1541, %add3A_1760 : vector<16xi32>
      %swap3A_1762 = arith.constant 31 : i32
      %swap3A_1763 = arith.index_cast %swap3A_1762 : i32 to index
      %swap3A_1764 = arith.index_cast %mul3A_1298 : i32 to index
      %swap3A_1765 = tpu.vector_load %arg11[%swap3A_1763, %swap3A_1764] {strides = array<i32>} : memref<32x512xi32, #tpu.memory_space<vmem>>, vector<16xi32>,
      tpu.vector_store %arg11[%swap3A_1763, %swap3A_1764], %add3A_1761 {strides = array<i32>} : memref<32x512xi32, #tpu.memory_space<vmem>>, vector<16xi32>,
    }
    %scan3A_8 = arith.constant 32 : i32
    %dma_start3A_9 = arith.constant 0 : i32
    %dma_start3A_10 = arith.constant 0 : i32
    %dma_start3A_11 = arith.constant 0 : i32
    %dma_start3A_12 = tpu.memref_slice %arg12[%dma_start3A_10, %dma_start3A_11] : memref<32x512xf32, #tpu.memory_space<vmem>> -> memref<1x512xf32, #tpu.memory_space<vmem>>
    %dma_start3A_13 = tpu.memref_squeeze %dma_start3A_12 : memref<1x512xf32, #tpu.memory_space<vmem>> -> memref<512xf32, #tpu.memory_space<vmem>>
    %dma_start3A_14 = arith.constant 0 : i32
    %dma_start3A_15 = tpu.memref_slice %arg10[%dma_start3A_9, %dma_start3A_14] : memref<32x512xi32, #tpu.memory_space<vmem>> -> memref<1x512xi32, #tpu.memory_space<vmem>>
    %dma_start3A_16 = tpu.memref_squeeze %dma_start3A_15 : memref<1x512xi32, #tpu.memory_space<vmem>> -> memref<512xi32, #tpu.memory_space<vmem>>
    %dma_start3A_17 = arith.constant 0 : i32
    %dma_start3A_18 = tpu.memref_slice %arg4[%dma_start3A_17] : memref<32014336xf32, #tpu.memory_space<hbm>> -> memref<32014336xf32, #tpu.memory_space<hbm>>
    tpu.enqueue_indirect_dma source(%dma_start3A_18 : memref<32014336xf32, #tpu.memory_space<hbm>>) target(%dma_start3A_13 : memref<512xf32, #tpu.memory_space<vmem>>) offsets(%dma_start3A_16 : memref<512xi32, #tpu.memory_space<vmem>>) semaphore(%arg16 : memref<!tpu.dma_semaphore, #tpu.memory_space<semaphore_mem>>)
    %dma_start3A_19 = arith.constant 0 : i32
    %dma_start3A_20 = arith.constant 0 : i32
    %dma_start3A_21 = arith.constant 0 : i32
    %dma_start3A_22 = tpu.memref_slice %arg13[%dma_start3A_20, %dma_start3A_21] : memref<32x512xf32, #tpu.memory_space<vmem>> -> memref<1x512xf32, #tpu.memory_space<vmem>>
    %dma_start3A_23 = tpu.memref_squeeze %dma_start3A_22 : memref<1x512xf32, #tpu.memory_space<vmem>> -> memref<512xf32, #tpu.memory_space<vmem>>
    %dma_start3A_24 = arith.constant 0 : i32
    %dma_start3A_25 = tpu.memref_slice %arg11[%dma_start3A_19, %dma_start3A_24] : memref<32x512xi32, #tpu.memory_space<vmem>> -> memref<1x512xi32, #tpu.memory_space<vmem>>
    %dma_start3A_26 = tpu.memref_squeeze %dma_start3A_25 : memref<1x512xi32, #tpu.memory_space<vmem>> -> memref<512xi32, #tpu.memory_space<vmem>>
    %dma_start3A_27 = arith.constant 0 : i32
    %dma_start3A_28 = tpu.memref_slice %arg5[%dma_start3A_27] : memref<32014336xf32, #tpu.memory_space<hbm>> -> memref<32014336xf32, #tpu.memory_space<hbm>>
    tpu.enqueue_indirect_dma source(%dma_start3A_28 : memref<32014336xf32, #tpu.memory_space<hbm>>) target(%dma_start3A_23 : memref<512xf32, #tpu.memory_space<vmem>>) offsets(%dma_start3A_26 : memref<512xi32, #tpu.memory_space<vmem>>) semaphore(%arg16 : memref<!tpu.dma_semaphore, #tpu.memory_space<semaphore_mem>>)
    %dma_start3A_29 = arith.constant 1 : i32
    %dma_start3A_30 = arith.constant 1 : i32
    %dma_start3A_31 = arith.constant 0 : i32
    %dma_start3A_32 = tpu.memref_slice %arg12[%dma_start3A_30, %dma_start3A_31] : memref<32x512xf32, #tpu.memory_space<vmem>> -> memref<1x512xf32, #tpu.memory_space<vmem>>
    %dma_start3A_33 = tpu.memref_squeeze %dma_start3A_32 : memref<1x512xf32, #tpu.memory_space<vmem>> -> memref<512xf32, #tpu.memory_space<vmem>>
    %dma_start3A_34 = arith.constant 0 : i32
    %dma_start3A_35 = tpu.memref_slice %arg10[%dma_start3A_29, %dma_start3A_34] : memref<32x512xi32, #tpu.memory_space<vmem>> -> memref<1x512xi32, #tpu.memory_space<vmem>>
    %dma_start3A_36 = tpu.memref_squeeze %dma_start3A_35 : memref<1x512xi32, #tpu.memory_space<vmem>> -> memref<512xi32, #tpu.memory_space<vmem>>
    %dma_start3A_37 = arith.constant 0 : i32
    %dma_start3A_38 = tpu.memref_slice %arg4[%dma_start3A_37] : memref<32014336xf32, #tpu.memory_space<hbm>> -> memref<32014336xf32, #tpu.memory_space<hbm>>
    tpu.enqueue_indirect_dma source(%dma_start3A_38 : memref<32014336xf32, #tpu.memory_space<hbm>>) target(%dma_start3A_33 : memref<512xf32, #tpu.memory_space<vmem>>) offsets(%dma_start3A_36 : memref<512xi32, #tpu.memory_space<vmem>>) semaphore(%arg16 : memref<!tpu.dma_semaphore, #tpu.memory_space<semaphore_mem>>)
    %dma_start3A_39 = arith.constant 1 : i32
    %dma_start3A_40 = arith.constant 1 : i32
    %dma_start3A_41 = arith.constant 0 : i32
    %dma_start3A_42 = tpu.memref_slice %arg13[%dma_start3A_40, %dma_start3A_41] : memref<32x512xf32, #tpu.memory_space<vmem>> -> memref<1x512xf32, #tpu.memory_space<vmem>>
    %dma_start3A_43 = tpu.memref_squeeze %dma_start3A_42 : memref<1x512xf32, #tpu.memory_space<vmem>> -> memref<512xf32, #tpu.memory_space<vmem>>
    %dma_start3A_44 = arith.constant 0 : i32
    %dma_start3A_45 = tpu.memref_slice %arg11[%dma_start3A_39, %dma_start3A_44] : memref<32x512xi32, #tpu.memory_space<vmem>> -> memref<1x512xi32, #tpu.memory_space<vmem>>
    %dma_start3A_46 = tpu.memref_squeeze %dma_start3A_45 : memref<1x512xi32, #tpu.memory_space<vmem>> -> memref<512xi32, #tpu.memory_space<vmem>>
    %dma_start3A_47 = arith.constant 0 : i32
    %dma_start3A_48 = tpu.memref_slice %arg5[%dma_start3A_47] : memref<32014336xf32, #tpu.memory_space<hbm>> -> memref<32014336xf32, #tpu.memory_space<hbm>>
    tpu.enqueue_indirect_dma source(%dma_start3A_48 : memref<32014336xf32, #tpu.memory_space<hbm>>) target(%dma_start3A_43 : memref<512xf32, #tpu.memory_space<vmem>>) offsets(%dma_start3A_46 : memref<512xi32, #tpu.memory_space<vmem>>) semaphore(%arg16 : memref<!tpu.dma_semaphore, #tpu.memory_space<semaphore_mem>>)
    %dma_start3A_49 = arith.constant 2 : i32
    %dma_start3A_50 = arith.constant 2 : i32
    %dma_start3A_51 = arith.constant 0 : i32
    %dma_start3A_52 = tpu.memref_slice %arg12[%dma_start3A_50, %dma_start3A_51] : memref<32x512xf32, #tpu.memory_space<vmem>> -> memref<1x512xf32, #tpu.memory_space<vmem>>
    %dma_start3A_53 = tpu.memref_squeeze %dma_start3A_52 : memref<1x512xf32, #tpu.memory_space<vmem>> -> memref<512xf32, #tpu.memory_space<vmem>>
    %dma_start3A_54 = arith.constant 0 : i32
    %dma_start3A_55 = tpu.memref_slice %arg10[%dma_start3A_49, %dma_start3A_54] : memref<32x512xi32, #tpu.memory_space<vmem>> -> memref<1x512xi32, #tpu.memory_space<vmem>>
    %dma_start3A_56 = tpu.memref_squeeze %dma_start3A_55 : memref<1x512xi32, #tpu.memory_space<vmem>> -> memref<512xi32, #tpu.memory_space<vmem>>
    %dma_start3A_57 = arith.constant 0 : i32
    %dma_start3A_58 = tpu.memref_slice %arg4[%dma_start3A_57] : memref<32014336xf32, #tpu.memory_space<hbm>> -> memref<32014336xf32, #tpu.memory_space<hbm>>
    tpu.enqueue_indirect_dma source(%dma_start3A_58 : memref<32014336xf32, #tpu.memory_space<hbm>>) target(%dma_start3A_53 : memref<512xf32, #tpu.memory_space<vmem>>) offsets(%dma_start3A_56 : memref<512xi32, #tpu.memory_space<vmem>>) semaphore(%arg16 : memref<!tpu.dma_semaphore, #tpu.memory_space<semaphore_mem>>)
    %dma_start3A_59 = arith.constant 2 : i32
    %dma_start3A_60 = arith.constant 2 : i32
    %dma_start3A_61 = arith.constant 0 : i32
    %dma_start3A_62 = tpu.memref_slice %arg13[%dma_start3A_60, %dma_start3A_61] : memref<32x512xf32, #tpu.memory_space<vmem>> -> memref<1x512xf32, #tpu.memory_space<vmem>>
    %dma_start3A_63 = tpu.memref_squeeze %dma_start3A_62 : memref<1x512xf32, #tpu.memory_space<vmem>> -> memref<512xf32, #tpu.memory_space<vmem>>
    %dma_start3A_64 = arith.constant 0 : i32
    %dma_start3A_65 = tpu.memref_slice %arg11[%dma_start3A_59, %dma_start3A_64] : memref<32x512xi32, #tpu.memory_space<vmem>> -> memref<1x512xi32, #tpu.memory_space<vmem>>
    %dma_start3A_66 = tpu.memref_squeeze %dma_start3A_65 : memref<1x512xi32, #tpu.memory_space<vmem>> -> memref<512xi32, #tpu.memory_space<vmem>>
    %dma_start3A_67 = arith.constant 0 : i32
    %dma_start3A_68 = tpu.memref_slice %arg5[%dma_start3A_67] : memref<32014336xf32, #tpu.memory_space<hbm>> -> memref<32014336xf32, #tpu.memory_space<hbm>>
    tpu.enqueue_indirect_dma source(%dma_start3A_68 : memref<32014336xf32, #tpu.memory_space<hbm>>) target(%dma_start3A_63 : memref<512xf32, #tpu.memory_space<vmem>>) offsets(%dma_start3A_66 : memref<512xi32, #tpu.memory_space<vmem>>) semaphore(%arg16 : memref<!tpu.dma_semaphore, #tpu.memory_space<semaphore_mem>>)
    %dma_start3A_69 = arith.constant 3 : i32
    %dma_start3A_70 = arith.constant 3 : i32
    %dma_start3A_71 = arith.constant 0 : i32
    %dma_start3A_72 = tpu.memref_slice %arg12[%dma_start3A_70, %dma_start3A_71] : memref<32x512xf32, #tpu.memory_space<vmem>> -> memref<1x512xf32, #tpu.memory_space<vmem>>
    %dma_start3A_73 = tpu.memref_squeeze %dma_start3A_72 : memref<1x512xf32, #tpu.memory_space<vmem>> -> memref<512xf32, #tpu.memory_space<vmem>>
    %dma_start3A_74 = arith.constant 0 : i32
    %dma_start3A_75 = tpu.memref_slice %arg10[%dma_start3A_69, %dma_start3A_74] : memref<32x512xi32, #tpu.memory_space<vmem>> -> memref<1x512xi32, #tpu.memory_space<vmem>>
    %dma_start3A_76 = tpu.memref_squeeze %dma_start3A_75 : memref<1x512xi32, #tpu.memory_space<vmem>> -> memref<512xi32, #tpu.memory_space<vmem>>
    %dma_start3A_77 = arith.constant 0 : i32
    %dma_start3A_78 = tpu.memref_slice %arg4[%dma_start3A_77] : memref<32014336xf32, #tpu.memory_space<hbm>> -> memref<32014336xf32, #tpu.memory_space<hbm>>
    tpu.enqueue_indirect_dma source(%dma_start3A_78 : memref<32014336xf32, #tpu.memory_space<hbm>>) target(%dma_start3A_73 : memref<512xf32, #tpu.memory_space<vmem>>) offsets(%dma_start3A_76 : memref<512xi32, #tpu.memory_space<vmem>>) semaphore(%arg16 : memref<!tpu.dma_semaphore, #tpu.memory_space<semaphore_mem>>)
    %dma_start3A_79 = arith.constant 3 : i32
    %dma_start3A_80 = arith.constant 3 : i32
    %dma_start3A_81 = arith.constant 0 : i32
    %dma_start3A_82 = tpu.memref_slice %arg13[%dma_start3A_80, %dma_start3A_81] : memref<32x512xf32, #tpu.memory_space<vmem>> -> memref<1x512xf32, #tpu.memory_space<vmem>>
    %dma_start3A_83 = tpu.memref_squeeze %dma_start3A_82 : memref<1x512xf32, #tpu.memory_space<vmem>> -> memref<512xf32, #tpu.memory_space<vmem>>
    %dma_start3A_84 = arith.constant 0 : i32
    %dma_start3A_85 = tpu.memref_slice %arg11[%dma_start3A_79, %dma_start3A_84] : memref<32x512xi32, #tpu.memory_space<vmem>> -> memref<1x512xi32, #tpu.memory_space<vmem>>
    %dma_start3A_86 = tpu.memref_squeeze %dma_start3A_85 : memref<1x512xi32, #tpu.memory_space<vmem>> -> memref<512xi32, #tpu.memory_space<vmem>>
    %dma_start3A_87 = arith.constant 0 : i32
    %dma_start3A_88 = tpu.memref_slice %arg5[%dma_start3A_87] : memref<32014336xf32, #tpu.memory_space<hbm>> -> memref<32014336xf32, #tpu.memory_space<hbm>>
    tpu.enqueue_indirect_dma source(%dma_start3A_88 : memref<32014336xf32, #tpu.memory_space<hbm>>) target(%dma_start3A_83 : memref<512xf32, #tpu.memory_space<vmem>>) offsets(%dma_start3A_86 : memref<512xi32, #tpu.memory_space<vmem>>) semaphore(%arg16 : memref<!tpu.dma_semaphore, #tpu.memory_space<semaphore_mem>>)
    %dma_start3A_89 = arith.constant 4 : i32
    %dma_start3A_90 = arith.constant 4 : i32
    %dma_start3A_91 = arith.constant 0 : i32
    %dma_start3A_92 = tpu.memref_slice %arg12[%dma_start3A_90, %dma_start3A_91] : memref<32x512xf32, #tpu.memory_space<vmem>> -> memref<1x512xf32, #tpu.memory_space<vmem>>
    %dma_start3A_93 = tpu.memref_squeeze %dma_start3A_92 : memref<1x512xf32, #tpu.memory_space<vmem>> -> memref<512xf32, #tpu.memory_space<vmem>>
    %dma_start3A_94 = arith.constant 0 : i32
    %dma_start3A_95 = tpu.memref_slice %arg10[%dma_start3A_89, %dma_start3A_94] : memref<32x512xi32, #tpu.memory_space<vmem>> -> memref<1x512xi32, #tpu.memory_space<vmem>>
    %dma_start3A_96 = tpu.memref_squeeze %dma_start3A_95 : memref<1x512xi32, #tpu.memory_space<vmem>> -> memref<512xi32, #tpu.memory_space<vmem>>
    %dma_start3A_97 = arith.constant 0 : i32
    %dma_start3A_98 = tpu.memref_slice %arg4[%dma_start3A_97] : memref<32014336xf32, #tpu.memory_space<hbm>> -> memref<32014336xf32, #tpu.memory_space<hbm>>
    tpu.enqueue_indirect_dma source(%dma_start3A_98 : memref<32014336xf32, #tpu.memory_space<hbm>>) target(%dma_start3A_93 : memref<512xf32, #tpu.memory_space<vmem>>) offsets(%dma_start3A_96 : memref<512xi32, #tpu.memory_space<vmem>>) semaphore(%arg16 : memref<!tpu.dma_semaphore, #tpu.memory_space<semaphore_mem>>)
    %dma_start3A_99 = arith.constant 4 : i32
    %dma_start3A_100 = arith.constant 4 : i32
    %dma_start3A_101 = arith.constant 0 : i32
    %dma_start3A_102 = tpu.memref_slice %arg13[%dma_start3A_100, %dma_start3A_101] : memref<32x512xf32, #tpu.memory_space<vmem>> -> memref<1x512xf32, #tpu.memory_space<vmem>>
    %dma_start3A_103 = tpu.memref_squeeze %dma_start3A_102 : memref<1x512xf32, #tpu.memory_space<vmem>> -> memref<512xf32, #tpu.memory_space<vmem>>
    %dma_start3A_104 = arith.constant 0 : i32
    %dma_start3A_105 = tpu.memref_slice %arg11[%dma_start3A_99, %dma_start3A_104] : memref<32x512xi32, #tpu.memory_space<vmem>> -> memref<1x512xi32, #tpu.memory_space<vmem>>
    %dma_start3A_106 = tpu.memref_squeeze %dma_start3A_105 : memref<1x512xi32, #tpu.memory_space<vmem>> -> memref<512xi32, #tpu.memory_space<vmem>>
    %dma_start3A_107 = arith.constant 0 : i32
    %dma_start3A_108 = tpu.memref_slice %arg5[%dma_start3A_107] : memref<32014336xf32, #tpu.memory_space<hbm>> -> memref<32014336xf32, #tpu.memory_space<hbm>>
    tpu.enqueue_indirect_dma source(%dma_start3A_108 : memref<32014336xf32, #tpu.memory_space<hbm>>) target(%dma_start3A_103 : memref<512xf32, #tpu.memory_space<vmem>>) offsets(%dma_start3A_106 : memref<512xi32, #tpu.memory_space<vmem>>) semaphore(%arg16 : memref<!tpu.dma_semaphore, #tpu.memory_space<semaphore_mem>>)
    %dma_start3A_109 = arith.constant 5 : i32
    %dma_start3A_110 = arith.constant 5 : i32
    %dma_start3A_111 = arith.constant 0 : i32
    %dma_start3A_112 = tpu.memref_slice %arg12[%dma_start3A_110, %dma_start3A_111] : memref<32x512xf32, #tpu.memory_space<vmem>> -> memref<1x512xf32, #tpu.memory_space<vmem>>
    %dma_start3A_113 = tpu.memref_squeeze %dma_start3A_112 : memref<1x512xf32, #tpu.memory_space<vmem>> -> memref<512xf32, #tpu.memory_space<vmem>>
    %dma_start3A_114 = arith.constant 0 : i32
    %dma_start3A_115 = tpu.memref_slice %arg10[%dma_start3A_109, %dma_start3A_114] : memref<32x512xi32, #tpu.memory_space<vmem>> -> memref<1x512xi32, #tpu.memory_space<vmem>>
    %dma_start3A_116 = tpu.memref_squeeze %dma_start3A_115 : memref<1x512xi32, #tpu.memory_space<vmem>> -> memref<512xi32, #tpu.memory_space<vmem>>
    %dma_start3A_117 = arith.constant 0 : i32
    %dma_start3A_118 = tpu.memref_slice %arg4[%dma_start3A_117] : memref<32014336xf32, #tpu.memory_space<hbm>> -> memref<32014336xf32, #tpu.memory_space<hbm>>
    tpu.enqueue_indirect_dma source(%dma_start3A_118 : memref<32014336xf32, #tpu.memory_space<hbm>>) target(%dma_start3A_113 : memref<512xf32, #tpu.memory_space<vmem>>) offsets(%dma_start3A_116 : memref<512xi32, #tpu.memory_space<vmem>>) semaphore(%arg16 : memref<!tpu.dma_semaphore, #tpu.memory_space<semaphore_mem>>)
    %dma_start3A_119 = arith.constant 5 : i32
    %dma_start3A_120 = arith.constant 5 : i32
    %dma_start3A_121 = arith.constant 0 : i32
    %dma_start3A_122 = tpu.memref_slice %arg13[%dma_start3A_120, %dma_start3A_121] : memref<32x512xf32, #tpu.memory_space<vmem>> -> memref<1x512xf32, #tpu.memory_space<vmem>>
    %dma_start3A_123 = tpu.memref_squeeze %dma_start3A_122 : memref<1x512xf32, #tpu.memory_space<vmem>> -> memref<512xf32, #tpu.memory_space<vmem>>
    %dma_start3A_124 = arith.constant 0 : i32
    %dma_start3A_125 = tpu.memref_slice %arg11[%dma_start3A_119, %dma_start3A_124] : memref<32x512xi32, #tpu.memory_space<vmem>> -> memref<1x512xi32, #tpu.memory_space<vmem>>
    %dma_start3A_126 = tpu.memref_squeeze %dma_start3A_125 : memref<1x512xi32, #tpu.memory_space<vmem>> -> memref<512xi32, #tpu.memory_space<vmem>>
    %dma_start3A_127 = arith.constant 0 : i32
    %dma_start3A_128 = tpu.memref_slice %arg5[%dma_start3A_127] : memref<32014336xf32, #tpu.memory_space<hbm>> -> memref<32014336xf32, #tpu.memory_space<hbm>>
    tpu.enqueue_indirect_dma source(%dma_start3A_128 : memref<32014336xf32, #tpu.memory_space<hbm>>) target(%dma_start3A_123 : memref<512xf32, #tpu.memory_space<vmem>>) offsets(%dma_start3A_126 : memref<512xi32, #tpu.memory_space<vmem>>) semaphore(%arg16 : memref<!tpu.dma_semaphore, #tpu.memory_space<semaphore_mem>>)
    %dma_start3A_129 = arith.constant 6 : i32
    %dma_start3A_130 = arith.constant 6 : i32
    %dma_start3A_131 = arith.constant 0 : i32
    %dma_start3A_132 = tpu.memref_slice %arg12[%dma_start3A_130, %dma_start3A_131] : memref<32x512xf32, #tpu.memory_space<vmem>> -> memref<1x512xf32, #tpu.memory_space<vmem>>
    %dma_start3A_133 = tpu.memref_squeeze %dma_start3A_132 : memref<1x512xf32, #tpu.memory_space<vmem>> -> memref<512xf32, #tpu.memory_space<vmem>>
    %dma_start3A_134 = arith.constant 0 : i32
    %dma_start3A_135 = tpu.memref_slice %arg10[%dma_start3A_129, %dma_start3A_134] : memref<32x512xi32, #tpu.memory_space<vmem>> -> memref<1x512xi32, #tpu.memory_space<vmem>>
    %dma_start3A_136 = tpu.memref_squeeze %dma_start3A_135 : memref<1x512xi32, #tpu.memory_space<vmem>> -> memref<512xi32, #tpu.memory_space<vmem>>
    %dma_start3A_137 = arith.constant 0 : i32
    %dma_start3A_138 = tpu.memref_slice %arg4[%dma_start3A_137] : memref<32014336xf32, #tpu.memory_space<hbm>> -> memref<32014336xf32, #tpu.memory_space<hbm>>
    tpu.enqueue_indirect_dma source(%dma_start3A_138 : memref<32014336xf32, #tpu.memory_space<hbm>>) target(%dma_start3A_133 : memref<512xf32, #tpu.memory_space<vmem>>) offsets(%dma_start3A_136 : memref<512xi32, #tpu.memory_space<vmem>>) semaphore(%arg16 : memref<!tpu.dma_semaphore, #tpu.memory_space<semaphore_mem>>)
    %dma_start3A_139 = arith.constant 6 : i32
    %dma_start3A_140 = arith.constant 6 : i32
    %dma_start3A_141 = arith.constant 0 : i32
    %dma_start3A_142 = tpu.memref_slice %arg13[%dma_start3A_140, %dma_start3A_141] : memref<32x512xf32, #tpu.memory_space<vmem>> -> memref<1x512xf32, #tpu.memory_space<vmem>>
    %dma_start3A_143 = tpu.memref_squeeze %dma_start3A_142 : memref<1x512xf32, #tpu.memory_space<vmem>> -> memref<512xf32, #tpu.memory_space<vmem>>
    %dma_start3A_144 = arith.constant 0 : i32
    %dma_start3A_145 = tpu.memref_slice %arg11[%dma_start3A_139, %dma_start3A_144] : memref<32x512xi32, #tpu.memory_space<vmem>> -> memref<1x512xi32, #tpu.memory_space<vmem>>
    %dma_start3A_146 = tpu.memref_squeeze %dma_start3A_145 : memref<1x512xi32, #tpu.memory_space<vmem>> -> memref<512xi32, #tpu.memory_space<vmem>>
    %dma_start3A_147 = arith.constant 0 : i32
    %dma_start3A_148 = tpu.memref_slice %arg5[%dma_start3A_147] : memref<32014336xf32, #tpu.memory_space<hbm>> -> memref<32014336xf32, #tpu.memory_space<hbm>>
    tpu.enqueue_indirect_dma source(%dma_start3A_148 : memref<32014336xf32, #tpu.memory_space<hbm>>) target(%dma_start3A_143 : memref<512xf32, #tpu.memory_space<vmem>>) offsets(%dma_start3A_146 : memref<512xi32, #tpu.memory_space<vmem>>) semaphore(%arg16 : memref<!tpu.dma_semaphore, #tpu.memory_space<semaphore_mem>>)
    %dma_start3A_149 = arith.constant 7 : i32
    %dma_start3A_150 = arith.constant 7 : i32
    %dma_start3A_151 = arith.constant 0 : i32
    %dma_start3A_152 = tpu.memref_slice %arg12[%dma_start3A_150, %dma_start3A_151] : memref<32x512xf32, #tpu.memory_space<vmem>> -> memref<1x512xf32, #tpu.memory_space<vmem>>
    %dma_start3A_153 = tpu.memref_squeeze %dma_start3A_152 : memref<1x512xf32, #tpu.memory_space<vmem>> -> memref<512xf32, #tpu.memory_space<vmem>>
    %dma_start3A_154 = arith.constant 0 : i32
    %dma_start3A_155 = tpu.memref_slice %arg10[%dma_start3A_149, %dma_start3A_154] : memref<32x512xi32, #tpu.memory_space<vmem>> -> memref<1x512xi32, #tpu.memory_space<vmem>>
    %dma_start3A_156 = tpu.memref_squeeze %dma_start3A_155 : memref<1x512xi32, #tpu.memory_space<vmem>> -> memref<512xi32, #tpu.memory_space<vmem>>
    %dma_start3A_157 = arith.constant 0 : i32
    %dma_start3A_158 = tpu.memref_slice %arg4[%dma_start3A_157] : memref<32014336xf32, #tpu.memory_space<hbm>> -> memref<32014336xf32, #tpu.memory_space<hbm>>
    tpu.enqueue_indirect_dma source(%dma_start3A_158 : memref<32014336xf32, #tpu.memory_space<hbm>>) target(%dma_start3A_153 : memref<512xf32, #tpu.memory_space<vmem>>) offsets(%dma_start3A_156 : memref<512xi32, #tpu.memory_space<vmem>>) semaphore(%arg16 : memref<!tpu.dma_semaphore, #tpu.memory_space<semaphore_mem>>)
    %dma_start3A_159 = arith.constant 7 : i32
    %dma_start3A_160 = arith.constant 7 : i32
    %dma_start3A_161 = arith.constant 0 : i32
    %dma_start3A_162 = tpu.memref_slice %arg13[%dma_start3A_160, %dma_start3A_161] : memref<32x512xf32, #tpu.memory_space<vmem>> -> memref<1x512xf32, #tpu.memory_space<vmem>>
    %dma_start3A_163 = tpu.memref_squeeze %dma_start3A_162 : memref<1x512xf32, #tpu.memory_space<vmem>> -> memref<512xf32, #tpu.memory_space<vmem>>
    %dma_start3A_164 = arith.constant 0 : i32
    %dma_start3A_165 = tpu.memref_slice %arg11[%dma_start3A_159, %dma_start3A_164] : memref<32x512xi32, #tpu.memory_space<vmem>> -> memref<1x512xi32, #tpu.memory_space<vmem>>
    %dma_start3A_166 = tpu.memref_squeeze %dma_start3A_165 : memref<1x512xi32, #tpu.memory_space<vmem>> -> memref<512xi32, #tpu.memory_space<vmem>>
    %dma_start3A_167 = arith.constant 0 : i32
    %dma_start3A_168 = tpu.memref_slice %arg5[%dma_start3A_167] : memref<32014336xf32, #tpu.memory_space<hbm>> -> memref<32014336xf32, #tpu.memory_space<hbm>>
    tpu.enqueue_indirect_dma source(%dma_start3A_168 : memref<32014336xf32, #tpu.memory_space<hbm>>) target(%dma_start3A_163 : memref<512xf32, #tpu.memory_space<vmem>>) offsets(%dma_start3A_166 : memref<512xi32, #tpu.memory_space<vmem>>) semaphore(%arg16 : memref<!tpu.dma_semaphore, #tpu.memory_space<semaphore_mem>>)
    %dma_start3A_169 = arith.constant 8 : i32
    %dma_start3A_170 = arith.constant 8 : i32
    %dma_start3A_171 = arith.constant 0 : i32
    %dma_start3A_172 = tpu.memref_slice %arg12[%dma_start3A_170, %dma_start3A_171] : memref<32x512xf32, #tpu.memory_space<vmem>> -> memref<1x512xf32, #tpu.memory_space<vmem>>
    %dma_start3A_173 = tpu.memref_squeeze %dma_start3A_172 : memref<1x512xf32, #tpu.memory_space<vmem>> -> memref<512xf32, #tpu.memory_space<vmem>>
    %dma_start3A_174 = arith.constant 0 : i32
    %dma_start3A_175 = tpu.memref_slice %arg10[%dma_start3A_169, %dma_start3A_174] : memref<32x512xi32, #tpu.memory_space<vmem>> -> memref<1x512xi32, #tpu.memory_space<vmem>>
    %dma_start3A_176 = tpu.memref_squeeze %dma_start3A_175 : memref<1x512xi32, #tpu.memory_space<vmem>> -> memref<512xi32, #tpu.memory_space<vmem>>
    %dma_start3A_177 = arith.constant 0 : i32
    %dma_start3A_178 = tpu.memref_slice %arg4[%dma_start3A_177] : memref<32014336xf32, #tpu.memory_space<hbm>> -> memref<32014336xf32, #tpu.memory_space<hbm>>
    tpu.enqueue_indirect_dma source(%dma_start3A_178 : memref<32014336xf32, #tpu.memory_space<hbm>>) target(%dma_start3A_173 : memref<512xf32, #tpu.memory_space<vmem>>) offsets(%dma_start3A_176 : memref<512xi32, #tpu.memory_space<vmem>>) semaphore(%arg16 : memref<!tpu.dma_semaphore, #tpu.memory_space<semaphore_mem>>)
    %dma_start3A_179 = arith.constant 8 : i32
    %dma_start3A_180 = arith.constant 8 : i32
    %dma_start3A_181 = arith.constant 0 : i32
    %dma_start3A_182 = tpu.memref_slice %arg13[%dma_start3A_180, %dma_start3A_181] : memref<32x512xf32, #tpu.memory_space<vmem>> -> memref<1x512xf32, #tpu.memory_space<vmem>>
    %dma_start3A_183 = tpu.memref_squeeze %dma_start3A_182 : memref<1x512xf32, #tpu.memory_space<vmem>> -> memref<512xf32, #tpu.memory_space<vmem>>
    %dma_start3A_184 = arith.constant 0 : i32
    %dma_start3A_185 = tpu.memref_slice %arg11[%dma_start3A_179, %dma_start3A_184] : memref<32x512xi32, #tpu.memory_space<vmem>> -> memref<1x512xi32, #tpu.memory_space<vmem>>
    %dma_start3A_186 = tpu.memref_squeeze %dma_start3A_185 : memref<1x512xi32, #tpu.memory_space<vmem>> -> memref<512xi32, #tpu.memory_space<vmem>>
    %dma_start3A_187 = arith.constant 0 : i32
    %dma_start3A_188 = tpu.memref_slice %arg5[%dma_start3A_187] : memref<32014336xf32, #tpu.memory_space<hbm>> -> memref<32014336xf32, #tpu.memory_space<hbm>>
    tpu.enqueue_indirect_dma source(%dma_start3A_188 : memref<32014336xf32, #tpu.memory_space<hbm>>) target(%dma_start3A_183 : memref<512xf32, #tpu.memory_space<vmem>>) offsets(%dma_start3A_186 : memref<512xi32, #tpu.memory_space<vmem>>) semaphore(%arg16 : memref<!tpu.dma_semaphore, #tpu.memory_space<semaphore_mem>>)
    %dma_start3A_189 = arith.constant 9 : i32
    %dma_start3A_190 = arith.constant 9 : i32
    %dma_start3A_191 = arith.constant 0 : i32
    %dma_start3A_192 = tpu.memref_slice %arg12[%dma_start3A_190, %dma_start3A_191] : memref<32x512xf32, #tpu.memory_space<vmem>> -> memref<1x512xf32, #tpu.memory_space<vmem>>
    %dma_start3A_193 = tpu.memref_squeeze %dma_start3A_192 : memref<1x512xf32, #tpu.memory_space<vmem>> -> memref<512xf32, #tpu.memory_space<vmem>>
    %dma_start3A_194 = arith.constant 0 : i32
    %dma_start3A_195 = tpu.memref_slice %arg10[%dma_start3A_189, %dma_start3A_194] : memref<32x512xi32, #tpu.memory_space<vmem>> -> memref<1x512xi32, #tpu.memory_space<vmem>>
    %dma_start3A_196 = tpu.memref_squeeze %dma_start3A_195 : memref<1x512xi32, #tpu.memory_space<vmem>> -> memref<512xi32, #tpu.memory_space<vmem>>
    %dma_start3A_197 = arith.constant 0 : i32
    %dma_start3A_198 = tpu.memref_slice %arg4[%dma_start3A_197] : memref<32014336xf32, #tpu.memory_space<hbm>> -> memref<32014336xf32, #tpu.memory_space<hbm>>
    tpu.enqueue_indirect_dma source(%dma_start3A_198 : memref<32014336xf32, #tpu.memory_space<hbm>>) target(%dma_start3A_193 : memref<512xf32, #tpu.memory_space<vmem>>) offsets(%dma_start3A_196 : memref<512xi32, #tpu.memory_space<vmem>>) semaphore(%arg16 : memref<!tpu.dma_semaphore, #tpu.memory_space<semaphore_mem>>)
    %dma_start3A_199 = arith.constant 9 : i32
    %dma_start3A_200 = arith.constant 9 : i32
    %dma_start3A_201 = arith.constant 0 : i32
    %dma_start3A_202 = tpu.memref_slice %arg13[%dma_start3A_200, %dma_start3A_201] : memref<32x512xf32, #tpu.memory_space<vmem>> -> memref<1x512xf32, #tpu.memory_space<vmem>>
    %dma_start3A_203 = tpu.memref_squeeze %dma_start3A_202 : memref<1x512xf32, #tpu.memory_space<vmem>> -> memref<512xf32, #tpu.memory_space<vmem>>
    %dma_start3A_204 = arith.constant 0 : i32
    %dma_start3A_205 = tpu.memref_slice %arg11[%dma_start3A_199, %dma_start3A_204] : memref<32x512xi32, #tpu.memory_space<vmem>> -> memref<1x512xi32, #tpu.memory_space<vmem>>
    %dma_start3A_206 = tpu.memref_squeeze %dma_start3A_205 : memref<1x512xi32, #tpu.memory_space<vmem>> -> memref<512xi32, #tpu.memory_space<vmem>>
    %dma_start3A_207 = arith.constant 0 : i32
    %dma_start3A_208 = tpu.memref_slice %arg5[%dma_start3A_207] : memref<32014336xf32, #tpu.memory_space<hbm>> -> memref<32014336xf32, #tpu.memory_space<hbm>>
    tpu.enqueue_indirect_dma source(%dma_start3A_208 : memref<32014336xf32, #tpu.memory_space<hbm>>) target(%dma_start3A_203 : memref<512xf32, #tpu.memory_space<vmem>>) offsets(%dma_start3A_206 : memref<512xi32, #tpu.memory_space<vmem>>) semaphore(%arg16 : memref<!tpu.dma_semaphore, #tpu.memory_space<semaphore_mem>>)
    %dma_start3A_209 = arith.constant 10 : i32
    %dma_start3A_210 = arith.constant 10 : i32
    %dma_start3A_211 = arith.constant 0 : i32
    %dma_start3A_212 = tpu.memref_slice %arg12[%dma_start3A_210, %dma_start3A_211] : memref<32x512xf32, #tpu.memory_space<vmem>> -> memref<1x512xf32, #tpu.memory_space<vmem>>
    %dma_start3A_213 = tpu.memref_squeeze %dma_start3A_212 : memref<1x512xf32, #tpu.memory_space<vmem>> -> memref<512xf32, #tpu.memory_space<vmem>>
    %dma_start3A_214 = arith.constant 0 : i32
    %dma_start3A_215 = tpu.memref_slice %arg10[%dma_start3A_209, %dma_start3A_214] : memref<32x512xi32, #tpu.memory_space<vmem>> -> memref<1x512xi32, #tpu.memory_space<vmem>>
    %dma_start3A_216 = tpu.memref_squeeze %dma_start3A_215 : memref<1x512xi32, #tpu.memory_space<vmem>> -> memref<512xi32, #tpu.memory_space<vmem>>
    %dma_start3A_217 = arith.constant 0 : i32
    %dma_start3A_218 = tpu.memref_slice %arg4[%dma_start3A_217] : memref<32014336xf32, #tpu.memory_space<hbm>> -> memref<32014336xf32, #tpu.memory_space<hbm>>
    tpu.enqueue_indirect_dma source(%dma_start3A_218 : memref<32014336xf32, #tpu.memory_space<hbm>>) target(%dma_start3A_213 : memref<512xf32, #tpu.memory_space<vmem>>) offsets(%dma_start3A_216 : memref<512xi32, #tpu.memory_space<vmem>>) semaphore(%arg16 : memref<!tpu.dma_semaphore, #tpu.memory_space<semaphore_mem>>)
    %dma_start3A_219 = arith.constant 10 : i32
    %dma_start3A_220 = arith.constant 10 : i32
    %dma_start3A_221 = arith.constant 0 : i32
    %dma_start3A_222 = tpu.memref_slice %arg13[%dma_start3A_220, %dma_start3A_221] : memref<32x512xf32, #tpu.memory_space<vmem>> -> memref<1x512xf32, #tpu.memory_space<vmem>>
    %dma_start3A_223 = tpu.memref_squeeze %dma_start3A_222 : memref<1x512xf32, #tpu.memory_space<vmem>> -> memref<512xf32, #tpu.memory_space<vmem>>
    %dma_start3A_224 = arith.constant 0 : i32
    %dma_start3A_225 = tpu.memref_slice %arg11[%dma_start3A_219, %dma_start3A_224] : memref<32x512xi32, #tpu.memory_space<vmem>> -> memref<1x512xi32, #tpu.memory_space<vmem>>
    %dma_start3A_226 = tpu.memref_squeeze %dma_start3A_225 : memref<1x512xi32, #tpu.memory_space<vmem>> -> memref<512xi32, #tpu.memory_space<vmem>>
    %dma_start3A_227 = arith.constant 0 : i32
    %dma_start3A_228 = tpu.memref_slice %arg5[%dma_start3A_227] : memref<32014336xf32, #tpu.memory_space<hbm>> -> memref<32014336xf32, #tpu.memory_space<hbm>>
    tpu.enqueue_indirect_dma source(%dma_start3A_228 : memref<32014336xf32, #tpu.memory_space<hbm>>) target(%dma_start3A_223 : memref<512xf32, #tpu.memory_space<vmem>>) offsets(%dma_start3A_226 : memref<512xi32, #tpu.memory_space<vmem>>) semaphore(%arg16 : memref<!tpu.dma_semaphore, #tpu.memory_space<semaphore_mem>>)
    %dma_start3A_229 = arith.constant 11 : i32
    %dma_start3A_230 = arith.constant 11 : i32
    %dma_start3A_231 = arith.constant 0 : i32
    %dma_start3A_232 = tpu.memref_slice %arg12[%dma_start3A_230, %dma_start3A_231] : memref<32x512xf32, #tpu.memory_space<vmem>> -> memref<1x512xf32, #tpu.memory_space<vmem>>
    %dma_start3A_233 = tpu.memref_squeeze %dma_start3A_232 : memref<1x512xf32, #tpu.memory_space<vmem>> -> memref<512xf32, #tpu.memory_space<vmem>>
    %dma_start3A_234 = arith.constant 0 : i32
    %dma_start3A_235 = tpu.memref_slice %arg10[%dma_start3A_229, %dma_start3A_234] : memref<32x512xi32, #tpu.memory_space<vmem>> -> memref<1x512xi32, #tpu.memory_space<vmem>>
    %dma_start3A_236 = tpu.memref_squeeze %dma_start3A_235 : memref<1x512xi32, #tpu.memory_space<vmem>> -> memref<512xi32, #tpu.memory_space<vmem>>
    %dma_start3A_237 = arith.constant 0 : i32
    %dma_start3A_238 = tpu.memref_slice %arg4[%dma_start3A_237] : memref<32014336xf32, #tpu.memory_space<hbm>> -> memref<32014336xf32, #tpu.memory_space<hbm>>
    tpu.enqueue_indirect_dma source(%dma_start3A_238 : memref<32014336xf32, #tpu.memory_space<hbm>>) target(%dma_start3A_233 : memref<512xf32, #tpu.memory_space<vmem>>) offsets(%dma_start3A_236 : memref<512xi32, #tpu.memory_space<vmem>>) semaphore(%arg16 : memref<!tpu.dma_semaphore, #tpu.memory_space<semaphore_mem>>)
    %dma_start3A_239 = arith.constant 11 : i32
    %dma_start3A_240 = arith.constant 11 : i32
    %dma_start3A_241 = arith.constant 0 : i32
    %dma_start3A_242 = tpu.memref_slice %arg13[%dma_start3A_240, %dma_start3A_241] : memref<32x512xf32, #tpu.memory_space<vmem>> -> memref<1x512xf32, #tpu.memory_space<vmem>>
    %dma_start3A_243 = tpu.memref_squeeze %dma_start3A_242 : memref<1x512xf32, #tpu.memory_space<vmem>> -> memref<512xf32, #tpu.memory_space<vmem>>
    %dma_start3A_244 = arith.constant 0 : i32
    %dma_start3A_245 = tpu.memref_slice %arg11[%dma_start3A_239, %dma_start3A_244] : memref<32x512xi32, #tpu.memory_space<vmem>> -> memref<1x512xi32, #tpu.memory_space<vmem>>
    %dma_start3A_246 = tpu.memref_squeeze %dma_start3A_245 : memref<1x512xi32, #tpu.memory_space<vmem>> -> memref<512xi32, #tpu.memory_space<vmem>>
    %dma_start3A_247 = arith.constant 0 : i32
    %dma_start3A_248 = tpu.memref_slice %arg5[%dma_start3A_247] : memref<32014336xf32, #tpu.memory_space<hbm>> -> memref<32014336xf32, #tpu.memory_space<hbm>>
    tpu.enqueue_indirect_dma source(%dma_start3A_248 : memref<32014336xf32, #tpu.memory_space<hbm>>) target(%dma_start3A_243 : memref<512xf32, #tpu.memory_space<vmem>>) offsets(%dma_start3A_246 : memref<512xi32, #tpu.memory_space<vmem>>) semaphore(%arg16 : memref<!tpu.dma_semaphore, #tpu.memory_space<semaphore_mem>>)
    %dma_start3A_249 = arith.constant 12 : i32
    %dma_start3A_250 = arith.constant 12 : i32
    %dma_start3A_251 = arith.constant 0 : i32
    %dma_start3A_252 = tpu.memref_slice %arg12[%dma_start3A_250, %dma_start3A_251] : memref<32x512xf32, #tpu.memory_space<vmem>> -> memref<1x512xf32, #tpu.memory_space<vmem>>
    %dma_start3A_253 = tpu.memref_squeeze %dma_start3A_252 : memref<1x512xf32, #tpu.memory_space<vmem>> -> memref<512xf32, #tpu.memory_space<vmem>>
    %dma_start3A_254 = arith.constant 0 : i32
    %dma_start3A_255 = tpu.memref_slice %arg10[%dma_start3A_249, %dma_start3A_254] : memref<32x512xi32, #tpu.memory_space<vmem>> -> memref<1x512xi32, #tpu.memory_space<vmem>>
    %dma_start3A_256 = tpu.memref_squeeze %dma_start3A_255 : memref<1x512xi32, #tpu.memory_space<vmem>> -> memref<512xi32, #tpu.memory_space<vmem>>
    %dma_start3A_257 = arith.constant 0 : i32
    %dma_start3A_258 = tpu.memref_slice %arg4[%dma_start3A_257] : memref<32014336xf32, #tpu.memory_space<hbm>> -> memref<32014336xf32, #tpu.memory_space<hbm>>
    tpu.enqueue_indirect_dma source(%dma_start3A_258 : memref<32014336xf32, #tpu.memory_space<hbm>>) target(%dma_start3A_253 : memref<512xf32, #tpu.memory_space<vmem>>) offsets(%dma_start3A_256 : memref<512xi32, #tpu.memory_space<vmem>>) semaphore(%arg16 : memref<!tpu.dma_semaphore, #tpu.memory_space<semaphore_mem>>)
    %dma_start3A_259 = arith.constant 12 : i32
    %dma_start3A_260 = arith.constant 12 : i32
    %dma_start3A_261 = arith.constant 0 : i32
    %dma_start3A_262 = tpu.memref_slice %arg13[%dma_start3A_260, %dma_start3A_261] : memref<32x512xf32, #tpu.memory_space<vmem>> -> memref<1x512xf32, #tpu.memory_space<vmem>>
    %dma_start3A_263 = tpu.memref_squeeze %dma_start3A_262 : memref<1x512xf32, #tpu.memory_space<vmem>> -> memref<512xf32, #tpu.memory_space<vmem>>
    %dma_start3A_264 = arith.constant 0 : i32
    %dma_start3A_265 = tpu.memref_slice %arg11[%dma_start3A_259, %dma_start3A_264] : memref<32x512xi32, #tpu.memory_space<vmem>> -> memref<1x512xi32, #tpu.memory_space<vmem>>
    %dma_start3A_266 = tpu.memref_squeeze %dma_start3A_265 : memref<1x512xi32, #tpu.memory_space<vmem>> -> memref<512xi32, #tpu.memory_space<vmem>>
    %dma_start3A_267 = arith.constant 0 : i32
    %dma_start3A_268 = tpu.memref_slice %arg5[%dma_start3A_267] : memref<32014336xf32, #tpu.memory_space<hbm>> -> memref<32014336xf32, #tpu.memory_space<hbm>>
    tpu.enqueue_indirect_dma source(%dma_start3A_268 : memref<32014336xf32, #tpu.memory_space<hbm>>) target(%dma_start3A_263 : memref<512xf32, #tpu.memory_space<vmem>>) offsets(%dma_start3A_266 : memref<512xi32, #tpu.memory_space<vmem>>) semaphore(%arg16 : memref<!tpu.dma_semaphore, #tpu.memory_space<semaphore_mem>>)
    %dma_start3A_269 = arith.constant 13 : i32
    %dma_start3A_270 = arith.constant 13 : i32
    %dma_start3A_271 = arith.constant 0 : i32
    %dma_start3A_272 = tpu.memref_slice %arg12[%dma_start3A_270, %dma_start3A_271] : memref<32x512xf32, #tpu.memory_space<vmem>> -> memref<1x512xf32, #tpu.memory_space<vmem>>
    %dma_start3A_273 = tpu.memref_squeeze %dma_start3A_272 : memref<1x512xf32, #tpu.memory_space<vmem>> -> memref<512xf32, #tpu.memory_space<vmem>>
    %dma_start3A_274 = arith.constant 0 : i32
    %dma_start3A_275 = tpu.memref_slice %arg10[%dma_start3A_269, %dma_start3A_274] : memref<32x512xi32, #tpu.memory_space<vmem>> -> memref<1x512xi32, #tpu.memory_space<vmem>>
    %dma_start3A_276 = tpu.memref_squeeze %dma_start3A_275 : memref<1x512xi32, #tpu.memory_space<vmem>> -> memref<512xi32, #tpu.memory_space<vmem>>
    %dma_start3A_277 = arith.constant 0 : i32
    %dma_start3A_278 = tpu.memref_slice %arg4[%dma_start3A_277] : memref<32014336xf32, #tpu.memory_space<hbm>> -> memref<32014336xf32, #tpu.memory_space<hbm>>
    tpu.enqueue_indirect_dma source(%dma_start3A_278 : memref<32014336xf32, #tpu.memory_space<hbm>>) target(%dma_start3A_273 : memref<512xf32, #tpu.memory_space<vmem>>) offsets(%dma_start3A_276 : memref<512xi32, #tpu.memory_space<vmem>>) semaphore(%arg16 : memref<!tpu.dma_semaphore, #tpu.memory_space<semaphore_mem>>)
    %dma_start3A_279 = arith.constant 13 : i32
    %dma_start3A_280 = arith.constant 13 : i32
    %dma_start3A_281 = arith.constant 0 : i32
    %dma_start3A_282 = tpu.memref_slice %arg13[%dma_start3A_280, %dma_start3A_281] : memref<32x512xf32, #tpu.memory_space<vmem>> -> memref<1x512xf32, #tpu.memory_space<vmem>>
    %dma_start3A_283 = tpu.memref_squeeze %dma_start3A_282 : memref<1x512xf32, #tpu.memory_space<vmem>> -> memref<512xf32, #tpu.memory_space<vmem>>
    %dma_start3A_284 = arith.constant 0 : i32
    %dma_start3A_285 = tpu.memref_slice %arg11[%dma_start3A_279, %dma_start3A_284] : memref<32x512xi32, #tpu.memory_space<vmem>> -> memref<1x512xi32, #tpu.memory_space<vmem>>
    %dma_start3A_286 = tpu.memref_squeeze %dma_start3A_285 : memref<1x512xi32, #tpu.memory_space<vmem>> -> memref<512xi32, #tpu.memory_space<vmem>>
    %dma_start3A_287 = arith.constant 0 : i32
    %dma_start3A_288 = tpu.memref_slice %arg5[%dma_start3A_287] : memref<32014336xf32, #tpu.memory_space<hbm>> -> memref<32014336xf32, #tpu.memory_space<hbm>>
    tpu.enqueue_indirect_dma source(%dma_start3A_288 : memref<32014336xf32, #tpu.memory_space<hbm>>) target(%dma_start3A_283 : memref<512xf32, #tpu.memory_space<vmem>>) offsets(%dma_start3A_286 : memref<512xi32, #tpu.memory_space<vmem>>) semaphore(%arg16 : memref<!tpu.dma_semaphore, #tpu.memory_space<semaphore_mem>>)
    %dma_start3A_289 = arith.constant 14 : i32
    %dma_start3A_290 = arith.constant 14 : i32
    %dma_start3A_291 = arith.constant 0 : i32
    %dma_start3A_292 = tpu.memref_slice %arg12[%dma_start3A_290, %dma_start3A_291] : memref<32x512xf32, #tpu.memory_space<vmem>> -> memref<1x512xf32, #tpu.memory_space<vmem>>
    %dma_start3A_293 = tpu.memref_squeeze %dma_start3A_292 : memref<1x512xf32, #tpu.memory_space<vmem>> -> memref<512xf32, #tpu.memory_space<vmem>>
    %dma_start3A_294 = arith.constant 0 : i32
    %dma_start3A_295 = tpu.memref_slice %arg10[%dma_start3A_289, %dma_start3A_294] : memref<32x512xi32, #tpu.memory_space<vmem>> -> memref<1x512xi32, #tpu.memory_space<vmem>>
    %dma_start3A_296 = tpu.memref_squeeze %dma_start3A_295 : memref<1x512xi32, #tpu.memory_space<vmem>> -> memref<512xi32, #tpu.memory_space<vmem>>
    %dma_start3A_297 = arith.constant 0 : i32
    %dma_start3A_298 = tpu.memref_slice %arg4[%dma_start3A_297] : memref<32014336xf32, #tpu.memory_space<hbm>> -> memref<32014336xf32, #tpu.memory_space<hbm>>
    tpu.enqueue_indirect_dma source(%dma_start3A_298 : memref<32014336xf32, #tpu.memory_space<hbm>>) target(%dma_start3A_293 : memref<512xf32, #tpu.memory_space<vmem>>) offsets(%dma_start3A_296 : memref<512xi32, #tpu.memory_space<vmem>>) semaphore(%arg16 : memref<!tpu.dma_semaphore, #tpu.memory_space<semaphore_mem>>)
    %dma_start3A_299 = arith.constant 14 : i32
    %dma_start3A_300 = arith.constant 14 : i32
    %dma_start3A_301 = arith.constant 0 : i32
    %dma_start3A_302 = tpu.memref_slice %arg13[%dma_start3A_300, %dma_start3A_301] : memref<32x512xf32, #tpu.memory_space<vmem>> -> memref<1x512xf32, #tpu.memory_space<vmem>>
    %dma_start3A_303 = tpu.memref_squeeze %dma_start3A_302 : memref<1x512xf32, #tpu.memory_space<vmem>> -> memref<512xf32, #tpu.memory_space<vmem>>
    %dma_start3A_304 = arith.constant 0 : i32
    %dma_start3A_305 = tpu.memref_slice %arg11[%dma_start3A_299, %dma_start3A_304] : memref<32x512xi32, #tpu.memory_space<vmem>> -> memref<1x512xi32, #tpu.memory_space<vmem>>
    %dma_start3A_306 = tpu.memref_squeeze %dma_start3A_305 : memref<1x512xi32, #tpu.memory_space<vmem>> -> memref<512xi32, #tpu.memory_space<vmem>>
    %dma_start3A_307 = arith.constant 0 : i32
    %dma_start3A_308 = tpu.memref_slice %arg5[%dma_start3A_307] : memref<32014336xf32, #tpu.memory_space<hbm>> -> memref<32014336xf32, #tpu.memory_space<hbm>>
    tpu.enqueue_indirect_dma source(%dma_start3A_308 : memref<32014336xf32, #tpu.memory_space<hbm>>) target(%dma_start3A_303 : memref<512xf32, #tpu.memory_space<vmem>>) offsets(%dma_start3A_306 : memref<512xi32, #tpu.memory_space<vmem>>) semaphore(%arg16 : memref<!tpu.dma_semaphore, #tpu.memory_space<semaphore_mem>>)
    %dma_start3A_309 = arith.constant 15 : i32
    %dma_start3A_310 = arith.constant 15 : i32
    %dma_start3A_311 = arith.constant 0 : i32
    %dma_start3A_312 = tpu.memref_slice %arg12[%dma_start3A_310, %dma_start3A_311] : memref<32x512xf32, #tpu.memory_space<vmem>> -> memref<1x512xf32, #tpu.memory_space<vmem>>
    %dma_start3A_313 = tpu.memref_squeeze %dma_start3A_312 : memref<1x512xf32, #tpu.memory_space<vmem>> -> memref<512xf32, #tpu.memory_space<vmem>>
    %dma_start3A_314 = arith.constant 0 : i32
    %dma_start3A_315 = tpu.memref_slice %arg10[%dma_start3A_309, %dma_start3A_314] : memref<32x512xi32, #tpu.memory_space<vmem>> -> memref<1x512xi32, #tpu.memory_space<vmem>>
    %dma_start3A_316 = tpu.memref_squeeze %dma_start3A_315 : memref<1x512xi32, #tpu.memory_space<vmem>> -> memref<512xi32, #tpu.memory_space<vmem>>
    %dma_start3A_317 = arith.constant 0 : i32
    %dma_start3A_318 = tpu.memref_slice %arg4[%dma_start3A_317] : memref<32014336xf32, #tpu.memory_space<hbm>> -> memref<32014336xf32, #tpu.memory_space<hbm>>
    tpu.enqueue_indirect_dma source(%dma_start3A_318 : memref<32014336xf32, #tpu.memory_space<hbm>>) target(%dma_start3A_313 : memref<512xf32, #tpu.memory_space<vmem>>) offsets(%dma_start3A_316 : memref<512xi32, #tpu.memory_space<vmem>>) semaphore(%arg16 : memref<!tpu.dma_semaphore, #tpu.memory_space<semaphore_mem>>)
    %dma_start3A_319 = arith.constant 15 : i32
    %dma_start3A_320 = arith.constant 15 : i32
    %dma_start3A_321 = arith.constant 0 : i32
    %dma_start3A_322 = tpu.memref_slice %arg13[%dma_start3A_320, %dma_start3A_321] : memref<32x512xf32, #tpu.memory_space<vmem>> -> memref<1x512xf32, #tpu.memory_space<vmem>>
    %dma_start3A_323 = tpu.memref_squeeze %dma_start3A_322 : memref<1x512xf32, #tpu.memory_space<vmem>> -> memref<512xf32, #tpu.memory_space<vmem>>
    %dma_start3A_324 = arith.constant 0 : i32
    %dma_start3A_325 = tpu.memref_slice %arg11[%dma_start3A_319, %dma_start3A_324] : memref<32x512xi32, #tpu.memory_space<vmem>> -> memref<1x512xi32, #tpu.memory_space<vmem>>
    %dma_start3A_326 = tpu.memref_squeeze %dma_start3A_325 : memref<1x512xi32, #tpu.memory_space<vmem>> -> memref<512xi32, #tpu.memory_space<vmem>>
    %dma_start3A_327 = arith.constant 0 : i32
    %dma_start3A_328 = tpu.memref_slice %arg5[%dma_start3A_327] : memref<32014336xf32, #tpu.memory_space<hbm>> -> memref<32014336xf32, #tpu.memory_space<hbm>>
    tpu.enqueue_indirect_dma source(%dma_start3A_328 : memref<32014336xf32, #tpu.memory_space<hbm>>) target(%dma_start3A_323 : memref<512xf32, #tpu.memory_space<vmem>>) offsets(%dma_start3A_326 : memref<512xi32, #tpu.memory_space<vmem>>) semaphore(%arg16 : memref<!tpu.dma_semaphore, #tpu.memory_space<semaphore_mem>>)
    %dma_start3A_329 = arith.constant 16 : i32
    %dma_start3A_330 = arith.constant 16 : i32
    %dma_start3A_331 = arith.constant 0 : i32
    %dma_start3A_332 = tpu.memref_slice %arg12[%dma_start3A_330, %dma_start3A_331] : memref<32x512xf32, #tpu.memory_space<vmem>> -> memref<1x512xf32, #tpu.memory_space<vmem>>
    %dma_start3A_333 = tpu.memref_squeeze %dma_start3A_332 : memref<1x512xf32, #tpu.memory_space<vmem>> -> memref<512xf32, #tpu.memory_space<vmem>>
    %dma_start3A_334 = arith.constant 0 : i32
    %dma_start3A_335 = tpu.memref_slice %arg10[%dma_start3A_329, %dma_start3A_334] : memref<32x512xi32, #tpu.memory_space<vmem>> -> memref<1x512xi32, #tpu.memory_space<vmem>>
    %dma_start3A_336 = tpu.memref_squeeze %dma_start3A_335 : memref<1x512xi32, #tpu.memory_space<vmem>> -> memref<512xi32, #tpu.memory_space<vmem>>
    %dma_start3A_337 = arith.constant 0 : i32
    %dma_start3A_338 = tpu.memref_slice %arg4[%dma_start3A_337] : memref<32014336xf32, #tpu.memory_space<hbm>> -> memref<32014336xf32, #tpu.memory_space<hbm>>
    tpu.enqueue_indirect_dma source(%dma_start3A_338 : memref<32014336xf32, #tpu.memory_space<hbm>>) target(%dma_start3A_333 : memref<512xf32, #tpu.memory_space<vmem>>) offsets(%dma_start3A_336 : memref<512xi32, #tpu.memory_space<vmem>>) semaphore(%arg16 : memref<!tpu.dma_semaphore, #tpu.memory_space<semaphore_mem>>)
    %dma_start3A_339 = arith.constant 16 : i32
    %dma_start3A_340 = arith.constant 16 : i32
    %dma_start3A_341 = arith.constant 0 : i32
    %dma_start3A_342 = tpu.memref_slice %arg13[%dma_start3A_340, %dma_start3A_341] : memref<32x512xf32, #tpu.memory_space<vmem>> -> memref<1x512xf32, #tpu.memory_space<vmem>>
    %dma_start3A_343 = tpu.memref_squeeze %dma_start3A_342 : memref<1x512xf32, #tpu.memory_space<vmem>> -> memref<512xf32, #tpu.memory_space<vmem>>
    %dma_start3A_344 = arith.constant 0 : i32
    %dma_start3A_345 = tpu.memref_slice %arg11[%dma_start3A_339, %dma_start3A_344] : memref<32x512xi32, #tpu.memory_space<vmem>> -> memref<1x512xi32, #tpu.memory_space<vmem>>
    %dma_start3A_346 = tpu.memref_squeeze %dma_start3A_345 : memref<1x512xi32, #tpu.memory_space<vmem>> -> memref<512xi32, #tpu.memory_space<vmem>>
    %dma_start3A_347 = arith.constant 0 : i32
    %dma_start3A_348 = tpu.memref_slice %arg5[%dma_start3A_347] : memref<32014336xf32, #tpu.memory_space<hbm>> -> memref<32014336xf32, #tpu.memory_space<hbm>>
    tpu.enqueue_indirect_dma source(%dma_start3A_348 : memref<32014336xf32, #tpu.memory_space<hbm>>) target(%dma_start3A_343 : memref<512xf32, #tpu.memory_space<vmem>>) offsets(%dma_start3A_346 : memref<512xi32, #tpu.memory_space<vmem>>) semaphore(%arg16 : memref<!tpu.dma_semaphore, #tpu.memory_space<semaphore_mem>>)
    %dma_start3A_349 = arith.constant 17 : i32
    %dma_start3A_350 = arith.constant 17 : i32
    %dma_start3A_351 = arith.constant 0 : i32
    %dma_start3A_352 = tpu.memref_slice %arg12[%dma_start3A_350, %dma_start3A_351] : memref<32x512xf32, #tpu.memory_space<vmem>> -> memref<1x512xf32, #tpu.memory_space<vmem>>
    %dma_start3A_353 = tpu.memref_squeeze %dma_start3A_352 : memref<1x512xf32, #tpu.memory_space<vmem>> -> memref<512xf32, #tpu.memory_space<vmem>>
    %dma_start3A_354 = arith.constant 0 : i32
    %dma_start3A_355 = tpu.memref_slice %arg10[%dma_start3A_349, %dma_start3A_354] : memref<32x512xi32, #tpu.memory_space<vmem>> -> memref<1x512xi32, #tpu.memory_space<vmem>>
    %dma_start3A_356 = tpu.memref_squeeze %dma_start3A_355 : memref<1x512xi32, #tpu.memory_space<vmem>> -> memref<512xi32, #tpu.memory_space<vmem>>
    %dma_start3A_357 = arith.constant 0 : i32
    %dma_start3A_358 = tpu.memref_slice %arg4[%dma_start3A_357] : memref<32014336xf32, #tpu.memory_space<hbm>> -> memref<32014336xf32, #tpu.memory_space<hbm>>
    tpu.enqueue_indirect_dma source(%dma_start3A_358 : memref<32014336xf32, #tpu.memory_space<hbm>>) target(%dma_start3A_353 : memref<512xf32, #tpu.memory_space<vmem>>) offsets(%dma_start3A_356 : memref<512xi32, #tpu.memory_space<vmem>>) semaphore(%arg16 : memref<!tpu.dma_semaphore, #tpu.memory_space<semaphore_mem>>)
    %dma_start3A_359 = arith.constant 17 : i32
    %dma_start3A_360 = arith.constant 17 : i32
    %dma_start3A_361 = arith.constant 0 : i32
    %dma_start3A_362 = tpu.memref_slice %arg13[%dma_start3A_360, %dma_start3A_361] : memref<32x512xf32, #tpu.memory_space<vmem>> -> memref<1x512xf32, #tpu.memory_space<vmem>>
    %dma_start3A_363 = tpu.memref_squeeze %dma_start3A_362 : memref<1x512xf32, #tpu.memory_space<vmem>> -> memref<512xf32, #tpu.memory_space<vmem>>
    %dma_start3A_364 = arith.constant 0 : i32
    %dma_start3A_365 = tpu.memref_slice %arg11[%dma_start3A_359, %dma_start3A_364] : memref<32x512xi32, #tpu.memory_space<vmem>> -> memref<1x512xi32, #tpu.memory_space<vmem>>
    %dma_start3A_366 = tpu.memref_squeeze %dma_start3A_365 : memref<1x512xi32, #tpu.memory_space<vmem>> -> memref<512xi32, #tpu.memory_space<vmem>>
    %dma_start3A_367 = arith.constant 0 : i32
    %dma_start3A_368 = tpu.memref_slice %arg5[%dma_start3A_367] : memref<32014336xf32, #tpu.memory_space<hbm>> -> memref<32014336xf32, #tpu.memory_space<hbm>>
    tpu.enqueue_indirect_dma source(%dma_start3A_368 : memref<32014336xf32, #tpu.memory_space<hbm>>) target(%dma_start3A_363 : memref<512xf32, #tpu.memory_space<vmem>>) offsets(%dma_start3A_366 : memref<512xi32, #tpu.memory_space<vmem>>) semaphore(%arg16 : memref<!tpu.dma_semaphore, #tpu.memory_space<semaphore_mem>>)
    %dma_start3A_369 = arith.constant 18 : i32
    %dma_start3A_370 = arith.constant 18 : i32
    %dma_start3A_371 = arith.constant 0 : i32
    %dma_start3A_372 = tpu.memref_slice %arg12[%dma_start3A_370, %dma_start3A_371] : memref<32x512xf32, #tpu.memory_space<vmem>> -> memref<1x512xf32, #tpu.memory_space<vmem>>
    %dma_start3A_373 = tpu.memref_squeeze %dma_start3A_372 : memref<1x512xf32, #tpu.memory_space<vmem>> -> memref<512xf32, #tpu.memory_space<vmem>>
    %dma_start3A_374 = arith.constant 0 : i32
    %dma_start3A_375 = tpu.memref_slice %arg10[%dma_start3A_369, %dma_start3A_374] : memref<32x512xi32, #tpu.memory_space<vmem>> -> memref<1x512xi32, #tpu.memory_space<vmem>>
    %dma_start3A_376 = tpu.memref_squeeze %dma_start3A_375 : memref<1x512xi32, #tpu.memory_space<vmem>> -> memref<512xi32, #tpu.memory_space<vmem>>
    %dma_start3A_377 = arith.constant 0 : i32
    %dma_start3A_378 = tpu.memref_slice %arg4[%dma_start3A_377] : memref<32014336xf32, #tpu.memory_space<hbm>> -> memref<32014336xf32, #tpu.memory_space<hbm>>
    tpu.enqueue_indirect_dma source(%dma_start3A_378 : memref<32014336xf32, #tpu.memory_space<hbm>>) target(%dma_start3A_373 : memref<512xf32, #tpu.memory_space<vmem>>) offsets(%dma_start3A_376 : memref<512xi32, #tpu.memory_space<vmem>>) semaphore(%arg16 : memref<!tpu.dma_semaphore, #tpu.memory_space<semaphore_mem>>)
    %dma_start3A_379 = arith.constant 18 : i32
    %dma_start3A_380 = arith.constant 18 : i32
    %dma_start3A_381 = arith.constant 0 : i32
    %dma_start3A_382 = tpu.memref_slice %arg13[%dma_start3A_380, %dma_start3A_381] : memref<32x512xf32, #tpu.memory_space<vmem>> -> memref<1x512xf32, #tpu.memory_space<vmem>>
    %dma_start3A_383 = tpu.memref_squeeze %dma_start3A_382 : memref<1x512xf32, #tpu.memory_space<vmem>> -> memref<512xf32, #tpu.memory_space<vmem>>
    %dma_start3A_384 = arith.constant 0 : i32
    %dma_start3A_385 = tpu.memref_slice %arg11[%dma_start3A_379, %dma_start3A_384] : memref<32x512xi32, #tpu.memory_space<vmem>> -> memref<1x512xi32, #tpu.memory_space<vmem>>
    %dma_start3A_386 = tpu.memref_squeeze %dma_start3A_385 : memref<1x512xi32, #tpu.memory_space<vmem>> -> memref<512xi32, #tpu.memory_space<vmem>>
    %dma_start3A_387 = arith.constant 0 : i32
    %dma_start3A_388 = tpu.memref_slice %arg5[%dma_start3A_387] : memref<32014336xf32, #tpu.memory_space<hbm>> -> memref<32014336xf32, #tpu.memory_space<hbm>>
    tpu.enqueue_indirect_dma source(%dma_start3A_388 : memref<32014336xf32, #tpu.memory_space<hbm>>) target(%dma_start3A_383 : memref<512xf32, #tpu.memory_space<vmem>>) offsets(%dma_start3A_386 : memref<512xi32, #tpu.memory_space<vmem>>) semaphore(%arg16 : memref<!tpu.dma_semaphore, #tpu.memory_space<semaphore_mem>>)
    %dma_start3A_389 = arith.constant 19 : i32
    %dma_start3A_390 = arith.constant 19 : i32
    %dma_start3A_391 = arith.constant 0 : i32
    %dma_start3A_392 = tpu.memref_slice %arg12[%dma_start3A_390, %dma_start3A_391] : memref<32x512xf32, #tpu.memory_space<vmem>> -> memref<1x512xf32, #tpu.memory_space<vmem>>
    %dma_start3A_393 = tpu.memref_squeeze %dma_start3A_392 : memref<1x512xf32, #tpu.memory_space<vmem>> -> memref<512xf32, #tpu.memory_space<vmem>>
    %dma_start3A_394 = arith.constant 0 : i32
    %dma_start3A_395 = tpu.memref_slice %arg10[%dma_start3A_389, %dma_start3A_394] : memref<32x512xi32, #tpu.memory_space<vmem>> -> memref<1x512xi32, #tpu.memory_space<vmem>>
    %dma_start3A_396 = tpu.memref_squeeze %dma_start3A_395 : memref<1x512xi32, #tpu.memory_space<vmem>> -> memref<512xi32, #tpu.memory_space<vmem>>
    %dma_start3A_397 = arith.constant 0 : i32
    %dma_start3A_398 = tpu.memref_slice %arg4[%dma_start3A_397] : memref<32014336xf32, #tpu.memory_space<hbm>> -> memref<32014336xf32, #tpu.memory_space<hbm>>
    tpu.enqueue_indirect_dma source(%dma_start3A_398 : memref<32014336xf32, #tpu.memory_space<hbm>>) target(%dma_start3A_393 : memref<512xf32, #tpu.memory_space<vmem>>) offsets(%dma_start3A_396 : memref<512xi32, #tpu.memory_space<vmem>>) semaphore(%arg16 : memref<!tpu.dma_semaphore, #tpu.memory_space<semaphore_mem>>)
    %dma_start3A_399 = arith.constant 19 : i32
    %dma_start3A_400 = arith.constant 19 : i32
    %dma_start3A_401 = arith.constant 0 : i32
    %dma_start3A_402 = tpu.memref_slice %arg13[%dma_start3A_400, %dma_start3A_401] : memref<32x512xf32, #tpu.memory_space<vmem>> -> memref<1x512xf32, #tpu.memory_space<vmem>>
    %dma_start3A_403 = tpu.memref_squeeze %dma_start3A_402 : memref<1x512xf32, #tpu.memory_space<vmem>> -> memref<512xf32, #tpu.memory_space<vmem>>
    %dma_start3A_404 = arith.constant 0 : i32
    %dma_start3A_405 = tpu.memref_slice %arg11[%dma_start3A_399, %dma_start3A_404] : memref<32x512xi32, #tpu.memory_space<vmem>> -> memref<1x512xi32, #tpu.memory_space<vmem>>
    %dma_start3A_406 = tpu.memref_squeeze %dma_start3A_405 : memref<1x512xi32, #tpu.memory_space<vmem>> -> memref<512xi32, #tpu.memory_space<vmem>>
    %dma_start3A_407 = arith.constant 0 : i32
    %dma_start3A_408 = tpu.memref_slice %arg5[%dma_start3A_407] : memref<32014336xf32, #tpu.memory_space<hbm>> -> memref<32014336xf32, #tpu.memory_space<hbm>>
    tpu.enqueue_indirect_dma source(%dma_start3A_408 : memref<32014336xf32, #tpu.memory_space<hbm>>) target(%dma_start3A_403 : memref<512xf32, #tpu.memory_space<vmem>>) offsets(%dma_start3A_406 : memref<512xi32, #tpu.memory_space<vmem>>) semaphore(%arg16 : memref<!tpu.dma_semaphore, #tpu.memory_space<semaphore_mem>>)
    %dma_start3A_409 = arith.constant 20 : i32
    %dma_start3A_410 = arith.constant 20 : i32
    %dma_start3A_411 = arith.constant 0 : i32
    %dma_start3A_412 = tpu.memref_slice %arg12[%dma_start3A_410, %dma_start3A_411] : memref<32x512xf32, #tpu.memory_space<vmem>> -> memref<1x512xf32, #tpu.memory_space<vmem>>
    %dma_start3A_413 = tpu.memref_squeeze %dma_start3A_412 : memref<1x512xf32, #tpu.memory_space<vmem>> -> memref<512xf32, #tpu.memory_space<vmem>>
    %dma_start3A_414 = arith.constant 0 : i32
    %dma_start3A_415 = tpu.memref_slice %arg10[%dma_start3A_409, %dma_start3A_414] : memref<32x512xi32, #tpu.memory_space<vmem>> -> memref<1x512xi32, #tpu.memory_space<vmem>>
    %dma_start3A_416 = tpu.memref_squeeze %dma_start3A_415 : memref<1x512xi32, #tpu.memory_space<vmem>> -> memref<512xi32, #tpu.memory_space<vmem>>
    %dma_start3A_417 = arith.constant 0 : i32
    %dma_start3A_418 = tpu.memref_slice %arg4[%dma_start3A_417] : memref<32014336xf32, #tpu.memory_space<hbm>> -> memref<32014336xf32, #tpu.memory_space<hbm>>
    tpu.enqueue_indirect_dma source(%dma_start3A_418 : memref<32014336xf32, #tpu.memory_space<hbm>>) target(%dma_start3A_413 : memref<512xf32, #tpu.memory_space<vmem>>) offsets(%dma_start3A_416 : memref<512xi32, #tpu.memory_space<vmem>>) semaphore(%arg16 : memref<!tpu.dma_semaphore, #tpu.memory_space<semaphore_mem>>)
    %dma_start3A_419 = arith.constant 20 : i32
    %dma_start3A_420 = arith.constant 20 : i32
    %dma_start3A_421 = arith.constant 0 : i32
    %dma_start3A_422 = tpu.memref_slice %arg13[%dma_start3A_420, %dma_start3A_421] : memref<32x512xf32, #tpu.memory_space<vmem>> -> memref<1x512xf32, #tpu.memory_space<vmem>>
    %dma_start3A_423 = tpu.memref_squeeze %dma_start3A_422 : memref<1x512xf32, #tpu.memory_space<vmem>> -> memref<512xf32, #tpu.memory_space<vmem>>
    %dma_start3A_424 = arith.constant 0 : i32
    %dma_start3A_425 = tpu.memref_slice %arg11[%dma_start3A_419, %dma_start3A_424] : memref<32x512xi32, #tpu.memory_space<vmem>> -> memref<1x512xi32, #tpu.memory_space<vmem>>
    %dma_start3A_426 = tpu.memref_squeeze %dma_start3A_425 : memref<1x512xi32, #tpu.memory_space<vmem>> -> memref<512xi32, #tpu.memory_space<vmem>>
    %dma_start3A_427 = arith.constant 0 : i32
    %dma_start3A_428 = tpu.memref_slice %arg5[%dma_start3A_427] : memref<32014336xf32, #tpu.memory_space<hbm>> -> memref<32014336xf32, #tpu.memory_space<hbm>>
    tpu.enqueue_indirect_dma source(%dma_start3A_428 : memref<32014336xf32, #tpu.memory_space<hbm>>) target(%dma_start3A_423 : memref<512xf32, #tpu.memory_space<vmem>>) offsets(%dma_start3A_426 : memref<512xi32, #tpu.memory_space<vmem>>) semaphore(%arg16 : memref<!tpu.dma_semaphore, #tpu.memory_space<semaphore_mem>>)
    %dma_start3A_429 = arith.constant 21 : i32
    %dma_start3A_430 = arith.constant 21 : i32
    %dma_start3A_431 = arith.constant 0 : i32
    %dma_start3A_432 = tpu.memref_slice %arg12[%dma_start3A_430, %dma_start3A_431] : memref<32x512xf32, #tpu.memory_space<vmem>> -> memref<1x512xf32, #tpu.memory_space<vmem>>
    %dma_start3A_433 = tpu.memref_squeeze %dma_start3A_432 : memref<1x512xf32, #tpu.memory_space<vmem>> -> memref<512xf32, #tpu.memory_space<vmem>>
    %dma_start3A_434 = arith.constant 0 : i32
    %dma_start3A_435 = tpu.memref_slice %arg10[%dma_start3A_429, %dma_start3A_434] : memref<32x512xi32, #tpu.memory_space<vmem>> -> memref<1x512xi32, #tpu.memory_space<vmem>>
    %dma_start3A_436 = tpu.memref_squeeze %dma_start3A_435 : memref<1x512xi32, #tpu.memory_space<vmem>> -> memref<512xi32, #tpu.memory_space<vmem>>
    %dma_start3A_437 = arith.constant 0 : i32
    %dma_start3A_438 = tpu.memref_slice %arg4[%dma_start3A_437] : memref<32014336xf32, #tpu.memory_space<hbm>> -> memref<32014336xf32, #tpu.memory_space<hbm>>
    tpu.enqueue_indirect_dma source(%dma_start3A_438 : memref<32014336xf32, #tpu.memory_space<hbm>>) target(%dma_start3A_433 : memref<512xf32, #tpu.memory_space<vmem>>) offsets(%dma_start3A_436 : memref<512xi32, #tpu.memory_space<vmem>>) semaphore(%arg16 : memref<!tpu.dma_semaphore, #tpu.memory_space<semaphore_mem>>)
    %dma_start3A_439 = arith.constant 21 : i32
    %dma_start3A_440 = arith.constant 21 : i32
    %dma_start3A_441 = arith.constant 0 : i32
    %dma_start3A_442 = tpu.memref_slice %arg13[%dma_start3A_440, %dma_start3A_441] : memref<32x512xf32, #tpu.memory_space<vmem>> -> memref<1x512xf32, #tpu.memory_space<vmem>>
    %dma_start3A_443 = tpu.memref_squeeze %dma_start3A_442 : memref<1x512xf32, #tpu.memory_space<vmem>> -> memref<512xf32, #tpu.memory_space<vmem>>
    %dma_start3A_444 = arith.constant 0 : i32
    %dma_start3A_445 = tpu.memref_slice %arg11[%dma_start3A_439, %dma_start3A_444] : memref<32x512xi32, #tpu.memory_space<vmem>> -> memref<1x512xi32, #tpu.memory_space<vmem>>
    %dma_start3A_446 = tpu.memref_squeeze %dma_start3A_445 : memref<1x512xi32, #tpu.memory_space<vmem>> -> memref<512xi32, #tpu.memory_space<vmem>>
    %dma_start3A_447 = arith.constant 0 : i32
    %dma_start3A_448 = tpu.memref_slice %arg5[%dma_start3A_447] : memref<32014336xf32, #tpu.memory_space<hbm>> -> memref<32014336xf32, #tpu.memory_space<hbm>>
    tpu.enqueue_indirect_dma source(%dma_start3A_448 : memref<32014336xf32, #tpu.memory_space<hbm>>) target(%dma_start3A_443 : memref<512xf32, #tpu.memory_space<vmem>>) offsets(%dma_start3A_446 : memref<512xi32, #tpu.memory_space<vmem>>) semaphore(%arg16 : memref<!tpu.dma_semaphore, #tpu.memory_space<semaphore_mem>>)
    %dma_start3A_449 = arith.constant 22 : i32
    %dma_start3A_450 = arith.constant 22 : i32
    %dma_start3A_451 = arith.constant 0 : i32
    %dma_start3A_452 = tpu.memref_slice %arg12[%dma_start3A_450, %dma_start3A_451] : memref<32x512xf32, #tpu.memory_space<vmem>> -> memref<1x512xf32, #tpu.memory_space<vmem>>
    %dma_start3A_453 = tpu.memref_squeeze %dma_start3A_452 : memref<1x512xf32, #tpu.memory_space<vmem>> -> memref<512xf32, #tpu.memory_space<vmem>>
    %dma_start3A_454 = arith.constant 0 : i32
    %dma_start3A_455 = tpu.memref_slice %arg10[%dma_start3A_449, %dma_start3A_454] : memref<32x512xi32, #tpu.memory_space<vmem>> -> memref<1x512xi32, #tpu.memory_space<vmem>>
    %dma_start3A_456 = tpu.memref_squeeze %dma_start3A_455 : memref<1x512xi32, #tpu.memory_space<vmem>> -> memref<512xi32, #tpu.memory_space<vmem>>
    %dma_start3A_457 = arith.constant 0 : i32
    %dma_start3A_458 = tpu.memref_slice %arg4[%dma_start3A_457] : memref<32014336xf32, #tpu.memory_space<hbm>> -> memref<32014336xf32, #tpu.memory_space<hbm>>
    tpu.enqueue_indirect_dma source(%dma_start3A_458 : memref<32014336xf32, #tpu.memory_space<hbm>>) target(%dma_start3A_453 : memref<512xf32, #tpu.memory_space<vmem>>) offsets(%dma_start3A_456 : memref<512xi32, #tpu.memory_space<vmem>>) semaphore(%arg16 : memref<!tpu.dma_semaphore, #tpu.memory_space<semaphore_mem>>)
    %dma_start3A_459 = arith.constant 22 : i32
    %dma_start3A_460 = arith.constant 22 : i32
    %dma_start3A_461 = arith.constant 0 : i32
    %dma_start3A_462 = tpu.memref_slice %arg13[%dma_start3A_460, %dma_start3A_461] : memref<32x512xf32, #tpu.memory_space<vmem>> -> memref<1x512xf32, #tpu.memory_space<vmem>>
    %dma_start3A_463 = tpu.memref_squeeze %dma_start3A_462 : memref<1x512xf32, #tpu.memory_space<vmem>> -> memref<512xf32, #tpu.memory_space<vmem>>
    %dma_start3A_464 = arith.constant 0 : i32
    %dma_start3A_465 = tpu.memref_slice %arg11[%dma_start3A_459, %dma_start3A_464] : memref<32x512xi32, #tpu.memory_space<vmem>> -> memref<1x512xi32, #tpu.memory_space<vmem>>
    %dma_start3A_466 = tpu.memref_squeeze %dma_start3A_465 : memref<1x512xi32, #tpu.memory_space<vmem>> -> memref<512xi32, #tpu.memory_space<vmem>>
    %dma_start3A_467 = arith.constant 0 : i32
    %dma_start3A_468 = tpu.memref_slice %arg5[%dma_start3A_467] : memref<32014336xf32, #tpu.memory_space<hbm>> -> memref<32014336xf32, #tpu.memory_space<hbm>>
    tpu.enqueue_indirect_dma source(%dma_start3A_468 : memref<32014336xf32, #tpu.memory_space<hbm>>) target(%dma_start3A_463 : memref<512xf32, #tpu.memory_space<vmem>>) offsets(%dma_start3A_466 : memref<512xi32, #tpu.memory_space<vmem>>) semaphore(%arg16 : memref<!tpu.dma_semaphore, #tpu.memory_space<semaphore_mem>>)
    %dma_start3A_469 = arith.constant 23 : i32
    %dma_start3A_470 = arith.constant 23 : i32
    %dma_start3A_471 = arith.constant 0 : i32
    %dma_start3A_472 = tpu.memref_slice %arg12[%dma_start3A_470, %dma_start3A_471] : memref<32x512xf32, #tpu.memory_space<vmem>> -> memref<1x512xf32, #tpu.memory_space<vmem>>
    %dma_start3A_473 = tpu.memref_squeeze %dma_start3A_472 : memref<1x512xf32, #tpu.memory_space<vmem>> -> memref<512xf32, #tpu.memory_space<vmem>>
    %dma_start3A_474 = arith.constant 0 : i32
    %dma_start3A_475 = tpu.memref_slice %arg10[%dma_start3A_469, %dma_start3A_474] : memref<32x512xi32, #tpu.memory_space<vmem>> -> memref<1x512xi32, #tpu.memory_space<vmem>>
    %dma_start3A_476 = tpu.memref_squeeze %dma_start3A_475 : memref<1x512xi32, #tpu.memory_space<vmem>> -> memref<512xi32, #tpu.memory_space<vmem>>
    %dma_start3A_477 = arith.constant 0 : i32
    %dma_start3A_478 = tpu.memref_slice %arg4[%dma_start3A_477] : memref<32014336xf32, #tpu.memory_space<hbm>> -> memref<32014336xf32, #tpu.memory_space<hbm>>
    tpu.enqueue_indirect_dma source(%dma_start3A_478 : memref<32014336xf32, #tpu.memory_space<hbm>>) target(%dma_start3A_473 : memref<512xf32, #tpu.memory_space<vmem>>) offsets(%dma_start3A_476 : memref<512xi32, #tpu.memory_space<vmem>>) semaphore(%arg16 : memref<!tpu.dma_semaphore, #tpu.memory_space<semaphore_mem>>)
    %dma_start3A_479 = arith.constant 23 : i32
    %dma_start3A_480 = arith.constant 23 : i32
    %dma_start3A_481 = arith.constant 0 : i32
    %dma_start3A_482 = tpu.memref_slice %arg13[%dma_start3A_480, %dma_start3A_481] : memref<32x512xf32, #tpu.memory_space<vmem>> -> memref<1x512xf32, #tpu.memory_space<vmem>>
    %dma_start3A_483 = tpu.memref_squeeze %dma_start3A_482 : memref<1x512xf32, #tpu.memory_space<vmem>> -> memref<512xf32, #tpu.memory_space<vmem>>
    %dma_start3A_484 = arith.constant 0 : i32
    %dma_start3A_485 = tpu.memref_slice %arg11[%dma_start3A_479, %dma_start3A_484] : memref<32x512xi32, #tpu.memory_space<vmem>> -> memref<1x512xi32, #tpu.memory_space<vmem>>
    %dma_start3A_486 = tpu.memref_squeeze %dma_start3A_485 : memref<1x512xi32, #tpu.memory_space<vmem>> -> memref<512xi32, #tpu.memory_space<vmem>>
    %dma_start3A_487 = arith.constant 0 : i32
    %dma_start3A_488 = tpu.memref_slice %arg5[%dma_start3A_487] : memref<32014336xf32, #tpu.memory_space<hbm>> -> memref<32014336xf32, #tpu.memory_space<hbm>>
    tpu.enqueue_indirect_dma source(%dma_start3A_488 : memref<32014336xf32, #tpu.memory_space<hbm>>) target(%dma_start3A_483 : memref<512xf32, #tpu.memory_space<vmem>>) offsets(%dma_start3A_486 : memref<512xi32, #tpu.memory_space<vmem>>) semaphore(%arg16 : memref<!tpu.dma_semaphore, #tpu.memory_space<semaphore_mem>>)
    %dma_start3A_489 = arith.constant 24 : i32
    %dma_start3A_490 = arith.constant 24 : i32
    %dma_start3A_491 = arith.constant 0 : i32
    %dma_start3A_492 = tpu.memref_slice %arg12[%dma_start3A_490, %dma_start3A_491] : memref<32x512xf32, #tpu.memory_space<vmem>> -> memref<1x512xf32, #tpu.memory_space<vmem>>
    %dma_start3A_493 = tpu.memref_squeeze %dma_start3A_492 : memref<1x512xf32, #tpu.memory_space<vmem>> -> memref<512xf32, #tpu.memory_space<vmem>>
    %dma_start3A_494 = arith.constant 0 : i32
    %dma_start3A_495 = tpu.memref_slice %arg10[%dma_start3A_489, %dma_start3A_494] : memref<32x512xi32, #tpu.memory_space<vmem>> -> memref<1x512xi32, #tpu.memory_space<vmem>>
    %dma_start3A_496 = tpu.memref_squeeze %dma_start3A_495 : memref<1x512xi32, #tpu.memory_space<vmem>> -> memref<512xi32, #tpu.memory_space<vmem>>
    %dma_start3A_497 = arith.constant 0 : i32
    %dma_start3A_498 = tpu.memref_slice %arg4[%dma_start3A_497] : memref<32014336xf32, #tpu.memory_space<hbm>> -> memref<32014336xf32, #tpu.memory_space<hbm>>
    tpu.enqueue_indirect_dma source(%dma_start3A_498 : memref<32014336xf32, #tpu.memory_space<hbm>>) target(%dma_start3A_493 : memref<512xf32, #tpu.memory_space<vmem>>) offsets(%dma_start3A_496 : memref<512xi32, #tpu.memory_space<vmem>>) semaphore(%arg16 : memref<!tpu.dma_semaphore, #tpu.memory_space<semaphore_mem>>)
    %dma_start3A_499 = arith.constant 24 : i32
    %dma_start3A_500 = arith.constant 24 : i32
    %dma_start3A_501 = arith.constant 0 : i32
    %dma_start3A_502 = tpu.memref_slice %arg13[%dma_start3A_500, %dma_start3A_501] : memref<32x512xf32, #tpu.memory_space<vmem>> -> memref<1x512xf32, #tpu.memory_space<vmem>>
    %dma_start3A_503 = tpu.memref_squeeze %dma_start3A_502 : memref<1x512xf32, #tpu.memory_space<vmem>> -> memref<512xf32, #tpu.memory_space<vmem>>
    %dma_start3A_504 = arith.constant 0 : i32
    %dma_start3A_505 = tpu.memref_slice %arg11[%dma_start3A_499, %dma_start3A_504] : memref<32x512xi32, #tpu.memory_space<vmem>> -> memref<1x512xi32, #tpu.memory_space<vmem>>
    %dma_start3A_506 = tpu.memref_squeeze %dma_start3A_505 : memref<1x512xi32, #tpu.memory_space<vmem>> -> memref<512xi32, #tpu.memory_space<vmem>>
    %dma_start3A_507 = arith.constant 0 : i32
    %dma_start3A_508 = tpu.memref_slice %arg5[%dma_start3A_507] : memref<32014336xf32, #tpu.memory_space<hbm>> -> memref<32014336xf32, #tpu.memory_space<hbm>>
    tpu.enqueue_indirect_dma source(%dma_start3A_508 : memref<32014336xf32, #tpu.memory_space<hbm>>) target(%dma_start3A_503 : memref<512xf32, #tpu.memory_space<vmem>>) offsets(%dma_start3A_506 : memref<512xi32, #tpu.memory_space<vmem>>) semaphore(%arg16 : memref<!tpu.dma_semaphore, #tpu.memory_space<semaphore_mem>>)
    %dma_start3A_509 = arith.constant 25 : i32
    %dma_start3A_510 = arith.constant 25 : i32
    %dma_start3A_511 = arith.constant 0 : i32
    %dma_start3A_512 = tpu.memref_slice %arg12[%dma_start3A_510, %dma_start3A_511] : memref<32x512xf32, #tpu.memory_space<vmem>> -> memref<1x512xf32, #tpu.memory_space<vmem>>
    %dma_start3A_513 = tpu.memref_squeeze %dma_start3A_512 : memref<1x512xf32, #tpu.memory_space<vmem>> -> memref<512xf32, #tpu.memory_space<vmem>>
    %dma_start3A_514 = arith.constant 0 : i32
    %dma_start3A_515 = tpu.memref_slice %arg10[%dma_start3A_509, %dma_start3A_514] : memref<32x512xi32, #tpu.memory_space<vmem>> -> memref<1x512xi32, #tpu.memory_space<vmem>>
    %dma_start3A_516 = tpu.memref_squeeze %dma_start3A_515 : memref<1x512xi32, #tpu.memory_space<vmem>> -> memref<512xi32, #tpu.memory_space<vmem>>
    %dma_start3A_517 = arith.constant 0 : i32
    %dma_start3A_518 = tpu.memref_slice %arg4[%dma_start3A_517] : memref<32014336xf32, #tpu.memory_space<hbm>> -> memref<32014336xf32, #tpu.memory_space<hbm>>
    tpu.enqueue_indirect_dma source(%dma_start3A_518 : memref<32014336xf32, #tpu.memory_space<hbm>>) target(%dma_start3A_513 : memref<512xf32, #tpu.memory_space<vmem>>) offsets(%dma_start3A_516 : memref<512xi32, #tpu.memory_space<vmem>>) semaphore(%arg16 : memref<!tpu.dma_semaphore, #tpu.memory_space<semaphore_mem>>)
    %dma_start3A_519 = arith.constant 25 : i32
    %dma_start3A_520 = arith.constant 25 : i32
    %dma_start3A_521 = arith.constant 0 : i32
    %dma_start3A_522 = tpu.memref_slice %arg13[%dma_start3A_520, %dma_start3A_521] : memref<32x512xf32, #tpu.memory_space<vmem>> -> memref<1x512xf32, #tpu.memory_space<vmem>>
    %dma_start3A_523 = tpu.memref_squeeze %dma_start3A_522 : memref<1x512xf32, #tpu.memory_space<vmem>> -> memref<512xf32, #tpu.memory_space<vmem>>
    %dma_start3A_524 = arith.constant 0 : i32
    %dma_start3A_525 = tpu.memref_slice %arg11[%dma_start3A_519, %dma_start3A_524] : memref<32x512xi32, #tpu.memory_space<vmem>> -> memref<1x512xi32, #tpu.memory_space<vmem>>
    %dma_start3A_526 = tpu.memref_squeeze %dma_start3A_525 : memref<1x512xi32, #tpu.memory_space<vmem>> -> memref<512xi32, #tpu.memory_space<vmem>>
    %dma_start3A_527 = arith.constant 0 : i32
    %dma_start3A_528 = tpu.memref_slice %arg5[%dma_start3A_527] : memref<32014336xf32, #tpu.memory_space<hbm>> -> memref<32014336xf32, #tpu.memory_space<hbm>>
    tpu.enqueue_indirect_dma source(%dma_start3A_528 : memref<32014336xf32, #tpu.memory_space<hbm>>) target(%dma_start3A_523 : memref<512xf32, #tpu.memory_space<vmem>>) offsets(%dma_start3A_526 : memref<512xi32, #tpu.memory_space<vmem>>) semaphore(%arg16 : memref<!tpu.dma_semaphore, #tpu.memory_space<semaphore_mem>>)
    %dma_start3A_529 = arith.constant 26 : i32
    %dma_start3A_530 = arith.constant 26 : i32
    %dma_start3A_531 = arith.constant 0 : i32
    %dma_start3A_532 = tpu.memref_slice %arg12[%dma_start3A_530, %dma_start3A_531] : memref<32x512xf32, #tpu.memory_space<vmem>> -> memref<1x512xf32, #tpu.memory_space<vmem>>
    %dma_start3A_533 = tpu.memref_squeeze %dma_start3A_532 : memref<1x512xf32, #tpu.memory_space<vmem>> -> memref<512xf32, #tpu.memory_space<vmem>>
    %dma_start3A_534 = arith.constant 0 : i32
    %dma_start3A_535 = tpu.memref_slice %arg10[%dma_start3A_529, %dma_start3A_534] : memref<32x512xi32, #tpu.memory_space<vmem>> -> memref<1x512xi32, #tpu.memory_space<vmem>>
    %dma_start3A_536 = tpu.memref_squeeze %dma_start3A_535 : memref<1x512xi32, #tpu.memory_space<vmem>> -> memref<512xi32, #tpu.memory_space<vmem>>
    %dma_start3A_537 = arith.constant 0 : i32
    %dma_start3A_538 = tpu.memref_slice %arg4[%dma_start3A_537] : memref<32014336xf32, #tpu.memory_space<hbm>> -> memref<32014336xf32, #tpu.memory_space<hbm>>
    tpu.enqueue_indirect_dma source(%dma_start3A_538 : memref<32014336xf32, #tpu.memory_space<hbm>>) target(%dma_start3A_533 : memref<512xf32, #tpu.memory_space<vmem>>) offsets(%dma_start3A_536 : memref<512xi32, #tpu.memory_space<vmem>>) semaphore(%arg16 : memref<!tpu.dma_semaphore, #tpu.memory_space<semaphore_mem>>)
    %dma_start3A_539 = arith.constant 26 : i32
    %dma_start3A_540 = arith.constant 26 : i32
    %dma_start3A_541 = arith.constant 0 : i32
    %dma_start3A_542 = tpu.memref_slice %arg13[%dma_start3A_540, %dma_start3A_541] : memref<32x512xf32, #tpu.memory_space<vmem>> -> memref<1x512xf32, #tpu.memory_space<vmem>>
    %dma_start3A_543 = tpu.memref_squeeze %dma_start3A_542 : memref<1x512xf32, #tpu.memory_space<vmem>> -> memref<512xf32, #tpu.memory_space<vmem>>
    %dma_start3A_544 = arith.constant 0 : i32
    %dma_start3A_545 = tpu.memref_slice %arg11[%dma_start3A_539, %dma_start3A_544] : memref<32x512xi32, #tpu.memory_space<vmem>> -> memref<1x512xi32, #tpu.memory_space<vmem>>
    %dma_start3A_546 = tpu.memref_squeeze %dma_start3A_545 : memref<1x512xi32, #tpu.memory_space<vmem>> -> memref<512xi32, #tpu.memory_space<vmem>>
    %dma_start3A_547 = arith.constant 0 : i32
    %dma_start3A_548 = tpu.memref_slice %arg5[%dma_start3A_547] : memref<32014336xf32, #tpu.memory_space<hbm>> -> memref<32014336xf32, #tpu.memory_space<hbm>>
    tpu.enqueue_indirect_dma source(%dma_start3A_548 : memref<32014336xf32, #tpu.memory_space<hbm>>) target(%dma_start3A_543 : memref<512xf32, #tpu.memory_space<vmem>>) offsets(%dma_start3A_546 : memref<512xi32, #tpu.memory_space<vmem>>) semaphore(%arg16 : memref<!tpu.dma_semaphore, #tpu.memory_space<semaphore_mem>>)
    %dma_start3A_549 = arith.constant 27 : i32
    %dma_start3A_550 = arith.constant 27 : i32
    %dma_start3A_551 = arith.constant 0 : i32
    %dma_start3A_552 = tpu.memref_slice %arg12[%dma_start3A_550, %dma_start3A_551] : memref<32x512xf32, #tpu.memory_space<vmem>> -> memref<1x512xf32, #tpu.memory_space<vmem>>
    %dma_start3A_553 = tpu.memref_squeeze %dma_start3A_552 : memref<1x512xf32, #tpu.memory_space<vmem>> -> memref<512xf32, #tpu.memory_space<vmem>>
    %dma_start3A_554 = arith.constant 0 : i32
    %dma_start3A_555 = tpu.memref_slice %arg10[%dma_start3A_549, %dma_start3A_554] : memref<32x512xi32, #tpu.memory_space<vmem>> -> memref<1x512xi32, #tpu.memory_space<vmem>>
    %dma_start3A_556 = tpu.memref_squeeze %dma_start3A_555 : memref<1x512xi32, #tpu.memory_space<vmem>> -> memref<512xi32, #tpu.memory_space<vmem>>
    %dma_start3A_557 = arith.constant 0 : i32
    %dma_start3A_558 = tpu.memref_slice %arg4[%dma_start3A_557] : memref<32014336xf32, #tpu.memory_space<hbm>> -> memref<32014336xf32, #tpu.memory_space<hbm>>
    tpu.enqueue_indirect_dma source(%dma_start3A_558 : memref<32014336xf32, #tpu.memory_space<hbm>>) target(%dma_start3A_553 : memref<512xf32, #tpu.memory_space<vmem>>) offsets(%dma_start3A_556 : memref<512xi32, #tpu.memory_space<vmem>>) semaphore(%arg16 : memref<!tpu.dma_semaphore, #tpu.memory_space<semaphore_mem>>)
    %dma_start3A_559 = arith.constant 27 : i32
    %dma_start3A_560 = arith.constant 27 : i32
    %dma_start3A_561 = arith.constant 0 : i32
    %dma_start3A_562 = tpu.memref_slice %arg13[%dma_start3A_560, %dma_start3A_561] : memref<32x512xf32, #tpu.memory_space<vmem>> -> memref<1x512xf32, #tpu.memory_space<vmem>>
    %dma_start3A_563 = tpu.memref_squeeze %dma_start3A_562 : memref<1x512xf32, #tpu.memory_space<vmem>> -> memref<512xf32, #tpu.memory_space<vmem>>
    %dma_start3A_564 = arith.constant 0 : i32
    %dma_start3A_565 = tpu.memref_slice %arg11[%dma_start3A_559, %dma_start3A_564] : memref<32x512xi32, #tpu.memory_space<vmem>> -> memref<1x512xi32, #tpu.memory_space<vmem>>
    %dma_start3A_566 = tpu.memref_squeeze %dma_start3A_565 : memref<1x512xi32, #tpu.memory_space<vmem>> -> memref<512xi32, #tpu.memory_space<vmem>>
    %dma_start3A_567 = arith.constant 0 : i32
    %dma_start3A_568 = tpu.memref_slice %arg5[%dma_start3A_567] : memref<32014336xf32, #tpu.memory_space<hbm>> -> memref<32014336xf32, #tpu.memory_space<hbm>>
    tpu.enqueue_indirect_dma source(%dma_start3A_568 : memref<32014336xf32, #tpu.memory_space<hbm>>) target(%dma_start3A_563 : memref<512xf32, #tpu.memory_space<vmem>>) offsets(%dma_start3A_566 : memref<512xi32, #tpu.memory_space<vmem>>) semaphore(%arg16 : memref<!tpu.dma_semaphore, #tpu.memory_space<semaphore_mem>>)
    %dma_start3A_569 = arith.constant 28 : i32
    %dma_start3A_570 = arith.constant 28 : i32
    %dma_start3A_571 = arith.constant 0 : i32
    %dma_start3A_572 = tpu.memref_slice %arg12[%dma_start3A_570, %dma_start3A_571] : memref<32x512xf32, #tpu.memory_space<vmem>> -> memref<1x512xf32, #tpu.memory_space<vmem>>
    %dma_start3A_573 = tpu.memref_squeeze %dma_start3A_572 : memref<1x512xf32, #tpu.memory_space<vmem>> -> memref<512xf32, #tpu.memory_space<vmem>>
    %dma_start3A_574 = arith.constant 0 : i32
    %dma_start3A_575 = tpu.memref_slice %arg10[%dma_start3A_569, %dma_start3A_574] : memref<32x512xi32, #tpu.memory_space<vmem>> -> memref<1x512xi32, #tpu.memory_space<vmem>>
    %dma_start3A_576 = tpu.memref_squeeze %dma_start3A_575 : memref<1x512xi32, #tpu.memory_space<vmem>> -> memref<512xi32, #tpu.memory_space<vmem>>
    %dma_start3A_577 = arith.constant 0 : i32
    %dma_start3A_578 = tpu.memref_slice %arg4[%dma_start3A_577] : memref<32014336xf32, #tpu.memory_space<hbm>> -> memref<32014336xf32, #tpu.memory_space<hbm>>
    tpu.enqueue_indirect_dma source(%dma_start3A_578 : memref<32014336xf32, #tpu.memory_space<hbm>>) target(%dma_start3A_573 : memref<512xf32, #tpu.memory_space<vmem>>) offsets(%dma_start3A_576 : memref<512xi32, #tpu.memory_space<vmem>>) semaphore(%arg16 : memref<!tpu.dma_semaphore, #tpu.memory_space<semaphore_mem>>)
    %dma_start3A_579 = arith.constant 28 : i32
    %dma_start3A_580 = arith.constant 28 : i32
    %dma_start3A_581 = arith.constant 0 : i32
    %dma_start3A_582 = tpu.memref_slice %arg13[%dma_start3A_580, %dma_start3A_581] : memref<32x512xf32, #tpu.memory_space<vmem>> -> memref<1x512xf32, #tpu.memory_space<vmem>>
    %dma_start3A_583 = tpu.memref_squeeze %dma_start3A_582 : memref<1x512xf32, #tpu.memory_space<vmem>> -> memref<512xf32, #tpu.memory_space<vmem>>
    %dma_start3A_584 = arith.constant 0 : i32
    %dma_start3A_585 = tpu.memref_slice %arg11[%dma_start3A_579, %dma_start3A_584] : memref<32x512xi32, #tpu.memory_space<vmem>> -> memref<1x512xi32, #tpu.memory_space<vmem>>
    %dma_start3A_586 = tpu.memref_squeeze %dma_start3A_585 : memref<1x512xi32, #tpu.memory_space<vmem>> -> memref<512xi32, #tpu.memory_space<vmem>>
    %dma_start3A_587 = arith.constant 0 : i32
    %dma_start3A_588 = tpu.memref_slice %arg5[%dma_start3A_587] : memref<32014336xf32, #tpu.memory_space<hbm>> -> memref<32014336xf32, #tpu.memory_space<hbm>>
    tpu.enqueue_indirect_dma source(%dma_start3A_588 : memref<32014336xf32, #tpu.memory_space<hbm>>) target(%dma_start3A_583 : memref<512xf32, #tpu.memory_space<vmem>>) offsets(%dma_start3A_586 : memref<512xi32, #tpu.memory_space<vmem>>) semaphore(%arg16 : memref<!tpu.dma_semaphore, #tpu.memory_space<semaphore_mem>>)
    %dma_start3A_589 = arith.constant 29 : i32
    %dma_start3A_590 = arith.constant 29 : i32
    %dma_start3A_591 = arith.constant 0 : i32
    %dma_start3A_592 = tpu.memref_slice %arg12[%dma_start3A_590, %dma_start3A_591] : memref<32x512xf32, #tpu.memory_space<vmem>> -> memref<1x512xf32, #tpu.memory_space<vmem>>
    %dma_start3A_593 = tpu.memref_squeeze %dma_start3A_592 : memref<1x512xf32, #tpu.memory_space<vmem>> -> memref<512xf32, #tpu.memory_space<vmem>>
    %dma_start3A_594 = arith.constant 0 : i32
    %dma_start3A_595 = tpu.memref_slice %arg10[%dma_start3A_589, %dma_start3A_594] : memref<32x512xi32, #tpu.memory_space<vmem>> -> memref<1x512xi32, #tpu.memory_space<vmem>>
    %dma_start3A_596 = tpu.memref_squeeze %dma_start3A_595 : memref<1x512xi32, #tpu.memory_space<vmem>> -> memref<512xi32, #tpu.memory_space<vmem>>
    %dma_start3A_597 = arith.constant 0 : i32
    %dma_start3A_598 = tpu.memref_slice %arg4[%dma_start3A_597] : memref<32014336xf32, #tpu.memory_space<hbm>> -> memref<32014336xf32, #tpu.memory_space<hbm>>
    tpu.enqueue_indirect_dma source(%dma_start3A_598 : memref<32014336xf32, #tpu.memory_space<hbm>>) target(%dma_start3A_593 : memref<512xf32, #tpu.memory_space<vmem>>) offsets(%dma_start3A_596 : memref<512xi32, #tpu.memory_space<vmem>>) semaphore(%arg16 : memref<!tpu.dma_semaphore, #tpu.memory_space<semaphore_mem>>)
    %dma_start3A_599 = arith.constant 29 : i32
    %dma_start3A_600 = arith.constant 29 : i32
    %dma_start3A_601 = arith.constant 0 : i32
    %dma_start3A_602 = tpu.memref_slice %arg13[%dma_start3A_600, %dma_start3A_601] : memref<32x512xf32, #tpu.memory_space<vmem>> -> memref<1x512xf32, #tpu.memory_space<vmem>>
    %dma_start3A_603 = tpu.memref_squeeze %dma_start3A_602 : memref<1x512xf32, #tpu.memory_space<vmem>> -> memref<512xf32, #tpu.memory_space<vmem>>
    %dma_start3A_604 = arith.constant 0 : i32
    %dma_start3A_605 = tpu.memref_slice %arg11[%dma_start3A_599, %dma_start3A_604] : memref<32x512xi32, #tpu.memory_space<vmem>> -> memref<1x512xi32, #tpu.memory_space<vmem>>
    %dma_start3A_606 = tpu.memref_squeeze %dma_start3A_605 : memref<1x512xi32, #tpu.memory_space<vmem>> -> memref<512xi32, #tpu.memory_space<vmem>>
    %dma_start3A_607 = arith.constant 0 : i32
    %dma_start3A_608 = tpu.memref_slice %arg5[%dma_start3A_607] : memref<32014336xf32, #tpu.memory_space<hbm>> -> memref<32014336xf32, #tpu.memory_space<hbm>>
    tpu.enqueue_indirect_dma source(%dma_start3A_608 : memref<32014336xf32, #tpu.memory_space<hbm>>) target(%dma_start3A_603 : memref<512xf32, #tpu.memory_space<vmem>>) offsets(%dma_start3A_606 : memref<512xi32, #tpu.memory_space<vmem>>) semaphore(%arg16 : memref<!tpu.dma_semaphore, #tpu.memory_space<semaphore_mem>>)
    %dma_start3A_609 = arith.constant 30 : i32
    %dma_start3A_610 = arith.constant 30 : i32
    %dma_start3A_611 = arith.constant 0 : i32
    %dma_start3A_612 = tpu.memref_slice %arg12[%dma_start3A_610, %dma_start3A_611] : memref<32x512xf32, #tpu.memory_space<vmem>> -> memref<1x512xf32, #tpu.memory_space<vmem>>
    %dma_start3A_613 = tpu.memref_squeeze %dma_start3A_612 : memref<1x512xf32, #tpu.memory_space<vmem>> -> memref<512xf32, #tpu.memory_space<vmem>>
    %dma_start3A_614 = arith.constant 0 : i32
    %dma_start3A_615 = tpu.memref_slice %arg10[%dma_start3A_609, %dma_start3A_614] : memref<32x512xi32, #tpu.memory_space<vmem>> -> memref<1x512xi32, #tpu.memory_space<vmem>>
    %dma_start3A_616 = tpu.memref_squeeze %dma_start3A_615 : memref<1x512xi32, #tpu.memory_space<vmem>> -> memref<512xi32, #tpu.memory_space<vmem>>
    %dma_start3A_617 = arith.constant 0 : i32
    %dma_start3A_618 = tpu.memref_slice %arg4[%dma_start3A_617] : memref<32014336xf32, #tpu.memory_space<hbm>> -> memref<32014336xf32, #tpu.memory_space<hbm>>
    tpu.enqueue_indirect_dma source(%dma_start3A_618 : memref<32014336xf32, #tpu.memory_space<hbm>>) target(%dma_start3A_613 : memref<512xf32, #tpu.memory_space<vmem>>) offsets(%dma_start3A_616 : memref<512xi32, #tpu.memory_space<vmem>>) semaphore(%arg16 : memref<!tpu.dma_semaphore, #tpu.memory_space<semaphore_mem>>)
    %dma_start3A_619 = arith.constant 30 : i32
    %dma_start3A_620 = arith.constant 30 : i32
    %dma_start3A_621 = arith.constant 0 : i32
    %dma_start3A_622 = tpu.memref_slice %arg13[%dma_start3A_620, %dma_start3A_621] : memref<32x512xf32, #tpu.memory_space<vmem>> -> memref<1x512xf32, #tpu.memory_space<vmem>>
    %dma_start3A_623 = tpu.memref_squeeze %dma_start3A_622 : memref<1x512xf32, #tpu.memory_space<vmem>> -> memref<512xf32, #tpu.memory_space<vmem>>
    %dma_start3A_624 = arith.constant 0 : i32
    %dma_start3A_625 = tpu.memref_slice %arg11[%dma_start3A_619, %dma_start3A_624] : memref<32x512xi32, #tpu.memory_space<vmem>> -> memref<1x512xi32, #tpu.memory_space<vmem>>
    %dma_start3A_626 = tpu.memref_squeeze %dma_start3A_625 : memref<1x512xi32, #tpu.memory_space<vmem>> -> memref<512xi32, #tpu.memory_space<vmem>>
    %dma_start3A_627 = arith.constant 0 : i32
    %dma_start3A_628 = tpu.memref_slice %arg5[%dma_start3A_627] : memref<32014336xf32, #tpu.memory_space<hbm>> -> memref<32014336xf32, #tpu.memory_space<hbm>>
    tpu.enqueue_indirect_dma source(%dma_start3A_628 : memref<32014336xf32, #tpu.memory_space<hbm>>) target(%dma_start3A_623 : memref<512xf32, #tpu.memory_space<vmem>>) offsets(%dma_start3A_626 : memref<512xi32, #tpu.memory_space<vmem>>) semaphore(%arg16 : memref<!tpu.dma_semaphore, #tpu.memory_space<semaphore_mem>>)
    %dma_start3A_629 = arith.constant 31 : i32
    %dma_start3A_630 = arith.constant 31 : i32
    %dma_start3A_631 = arith.constant 0 : i32
    %dma_start3A_632 = tpu.memref_slice %arg12[%dma_start3A_630, %dma_start3A_631] : memref<32x512xf32, #tpu.memory_space<vmem>> -> memref<1x512xf32, #tpu.memory_space<vmem>>
    %dma_start3A_633 = tpu.memref_squeeze %dma_start3A_632 : memref<1x512xf32, #tpu.memory_space<vmem>> -> memref<512xf32, #tpu.memory_space<vmem>>
    %dma_start3A_634 = arith.constant 0 : i32
    %dma_start3A_635 = tpu.memref_slice %arg10[%dma_start3A_629, %dma_start3A_634] : memref<32x512xi32, #tpu.memory_space<vmem>> -> memref<1x512xi32, #tpu.memory_space<vmem>>
    %dma_start3A_636 = tpu.memref_squeeze %dma_start3A_635 : memref<1x512xi32, #tpu.memory_space<vmem>> -> memref<512xi32, #tpu.memory_space<vmem>>
    %dma_start3A_637 = arith.constant 0 : i32
    %dma_start3A_638 = tpu.memref_slice %arg4[%dma_start3A_637] : memref<32014336xf32, #tpu.memory_space<hbm>> -> memref<32014336xf32, #tpu.memory_space<hbm>>
    tpu.enqueue_indirect_dma source(%dma_start3A_638 : memref<32014336xf32, #tpu.memory_space<hbm>>) target(%dma_start3A_633 : memref<512xf32, #tpu.memory_space<vmem>>) offsets(%dma_start3A_636 : memref<512xi32, #tpu.memory_space<vmem>>) semaphore(%arg16 : memref<!tpu.dma_semaphore, #tpu.memory_space<semaphore_mem>>)
    %dma_start3A_639 = arith.constant 31 : i32
    %dma_start3A_640 = arith.constant 31 : i32
    %dma_start3A_641 = arith.constant 0 : i32
    %dma_start3A_642 = tpu.memref_slice %arg13[%dma_start3A_640, %dma_start3A_641] : memref<32x512xf32, #tpu.memory_space<vmem>> -> memref<1x512xf32, #tpu.memory_space<vmem>>
    %dma_start3A_643 = tpu.memref_squeeze %dma_start3A_642 : memref<1x512xf32, #tpu.memory_space<vmem>> -> memref<512xf32, #tpu.memory_space<vmem>>
    %dma_start3A_644 = arith.constant 0 : i32
    %dma_start3A_645 = tpu.memref_slice %arg11[%dma_start3A_639, %dma_start3A_644] : memref<32x512xi32, #tpu.memory_space<vmem>> -> memref<1x512xi32, #tpu.memory_space<vmem>>
    %dma_start3A_646 = tpu.memref_squeeze %dma_start3A_645 : memref<1x512xi32, #tpu.memory_space<vmem>> -> memref<512xi32, #tpu.memory_space<vmem>>
    %dma_start3A_647 = arith.constant 0 : i32
    %dma_start3A_648 = tpu.memref_slice %arg5[%dma_start3A_647] : memref<32014336xf32, #tpu.memory_space<hbm>> -> memref<32014336xf32, #tpu.memory_space<hbm>>
    tpu.enqueue_indirect_dma source(%dma_start3A_648 : memref<32014336xf32, #tpu.memory_space<hbm>>) target(%dma_start3A_643 : memref<512xf32, #tpu.memory_space<vmem>>) offsets(%dma_start3A_646 : memref<512xi32, #tpu.memory_space<vmem>>) semaphore(%arg16 : memref<!tpu.dma_semaphore, #tpu.memory_space<semaphore_mem>>)
    %dma_wait3A = arith.constant 0 : i32
    %dma_wait3A_649 = tpu.memref_slice %arg6[%dma_wait3A] : memref<1000000xf32, #tpu.memory_space<hbm>> -> memref<1000000xf32, #tpu.memory_space<hbm>>
    tpu.wait_indirect_dma semaphore(%arg16 : memref<!tpu.dma_semaphore, #tpu.memory_space<semaphore_mem>>) src(%dma_wait3A_649 : memref<1000000xf32, #tpu.memory_space<hbm>>) dst(%arg14 : memref<512xf32, #tpu.memory_space<vmem>>)
    %dma_wait3A_650 = arith.constant 0 : i32
    %dma_wait3A_651 = arith.constant 0 : i32
    %dma_wait3A_652 = arith.constant 0 : i32
    %dma_wait3A_653 = tpu.memref_slice %arg12[%dma_wait3A_651, %dma_wait3A_652] : memref<32x512xf32, #tpu.memory_space<vmem>> -> memref<1x512xf32, #tpu.memory_space<vmem>>
    %dma_wait3A_654 = tpu.memref_squeeze %dma_wait3A_653 : memref<1x512xf32, #tpu.memory_space<vmem>> -> memref<512xf32, #tpu.memory_space<vmem>>
    %dma_wait3A_655 = arith.constant 0 : i32
    %dma_wait3A_656 = tpu.memref_slice %arg10[%dma_wait3A_650, %dma_wait3A_655] : memref<32x512xi32, #tpu.memory_space<vmem>> -> memref<1x512xi32, #tpu.memory_space<vmem>>
    %dma_wait3A_657 = tpu.memref_squeeze %dma_wait3A_656 : memref<1x512xi32, #tpu.memory_space<vmem>> -> memref<512xi32, #tpu.memory_space<vmem>>
    %dma_wait3A_658 = arith.constant 0 : i32
    %dma_wait3A_659 = tpu.memref_slice %arg4[%dma_wait3A_658] : memref<32014336xf32, #tpu.memory_space<hbm>> -> memref<32014336xf32, #tpu.memory_space<hbm>>
    tpu.wait_indirect_dma semaphore(%arg16 : memref<!tpu.dma_semaphore, #tpu.memory_space<semaphore_mem>>) src(%dma_wait3A_659 : memref<32014336xf32, #tpu.memory_space<hbm>>) dst(%dma_wait3A_654 : memref<512xf32, #tpu.memory_space<vmem>>)
    %dma_wait3A_660 = arith.constant 0 : i32
    %dma_wait3A_661 = arith.constant 0 : i32
    %dma_wait3A_662 = arith.constant 0 : i32
    %dma_wait3A_663 = tpu.memref_slice %arg13[%dma_wait3A_661, %dma_wait3A_662] : memref<32x512xf32, #tpu.memory_space<vmem>> -> memref<1x512xf32, #tpu.memory_space<vmem>>
    %dma_wait3A_664 = tpu.memref_squeeze %dma_wait3A_663 : memref<1x512xf32, #tpu.memory_space<vmem>> -> memref<512xf32, #tpu.memory_space<vmem>>
    %dma_wait3A_665 = arith.constant 0 : i32
    %dma_wait3A_666 = tpu.memref_slice %arg11[%dma_wait3A_660, %dma_wait3A_665] : memref<32x512xi32, #tpu.memory_space<vmem>> -> memref<1x512xi32, #tpu.memory_space<vmem>>
    %dma_wait3A_667 = tpu.memref_squeeze %dma_wait3A_666 : memref<1x512xi32, #tpu.memory_space<vmem>> -> memref<512xi32, #tpu.memory_space<vmem>>
    %dma_wait3A_668 = arith.constant 0 : i32
    %dma_wait3A_669 = tpu.memref_slice %arg5[%dma_wait3A_668] : memref<32014336xf32, #tpu.memory_space<hbm>> -> memref<32014336xf32, #tpu.memory_space<hbm>>
    tpu.wait_indirect_dma semaphore(%arg16 : memref<!tpu.dma_semaphore, #tpu.memory_space<semaphore_mem>>) src(%dma_wait3A_669 : memref<32014336xf32, #tpu.memory_space<hbm>>) dst(%dma_wait3A_664 : memref<512xf32, #tpu.memory_space<vmem>>)
    %dma_wait3A_670 = arith.constant 1 : i32
    %dma_wait3A_671 = arith.constant 1 : i32
    %dma_wait3A_672 = arith.constant 0 : i32
    %dma_wait3A_673 = tpu.memref_slice %arg12[%dma_wait3A_671, %dma_wait3A_672] : memref<32x512xf32, #tpu.memory_space<vmem>> -> memref<1x512xf32, #tpu.memory_space<vmem>>
    %dma_wait3A_674 = tpu.memref_squeeze %dma_wait3A_673 : memref<1x512xf32, #tpu.memory_space<vmem>> -> memref<512xf32, #tpu.memory_space<vmem>>
    %dma_wait3A_675 = arith.constant 0 : i32
    %dma_wait3A_676 = tpu.memref_slice %arg10[%dma_wait3A_670, %dma_wait3A_675] : memref<32x512xi32, #tpu.memory_space<vmem>> -> memref<1x512xi32, #tpu.memory_space<vmem>>
    %dma_wait3A_677 = tpu.memref_squeeze %dma_wait3A_676 : memref<1x512xi32, #tpu.memory_space<vmem>> -> memref<512xi32, #tpu.memory_space<vmem>>
    %dma_wait3A_678 = arith.constant 0 : i32
    %dma_wait3A_679 = tpu.memref_slice %arg4[%dma_wait3A_678] : memref<32014336xf32, #tpu.memory_space<hbm>> -> memref<32014336xf32, #tpu.memory_space<hbm>>
    tpu.wait_indirect_dma semaphore(%arg16 : memref<!tpu.dma_semaphore, #tpu.memory_space<semaphore_mem>>) src(%dma_wait3A_679 : memref<32014336xf32, #tpu.memory_space<hbm>>) dst(%dma_wait3A_674 : memref<512xf32, #tpu.memory_space<vmem>>)
    %dma_wait3A_680 = arith.constant 1 : i32
    %dma_wait3A_681 = arith.constant 1 : i32
    %dma_wait3A_682 = arith.constant 0 : i32
    %dma_wait3A_683 = tpu.memref_slice %arg13[%dma_wait3A_681, %dma_wait3A_682] : memref<32x512xf32, #tpu.memory_space<vmem>> -> memref<1x512xf32, #tpu.memory_space<vmem>>
    %dma_wait3A_684 = tpu.memref_squeeze %dma_wait3A_683 : memref<1x512xf32, #tpu.memory_space<vmem>> -> memref<512xf32, #tpu.memory_space<vmem>>
    %dma_wait3A_685 = arith.constant 0 : i32
    %dma_wait3A_686 = tpu.memref_slice %arg11[%dma_wait3A_680, %dma_wait3A_685] : memref<32x512xi32, #tpu.memory_space<vmem>> -> memref<1x512xi32, #tpu.memory_space<vmem>>
    %dma_wait3A_687 = tpu.memref_squeeze %dma_wait3A_686 : memref<1x512xi32, #tpu.memory_space<vmem>> -> memref<512xi32, #tpu.memory_space<vmem>>
    %dma_wait3A_688 = arith.constant 0 : i32
    %dma_wait3A_689 = tpu.memref_slice %arg5[%dma_wait3A_688] : memref<32014336xf32, #tpu.memory_space<hbm>> -> memref<32014336xf32, #tpu.memory_space<hbm>>
    tpu.wait_indirect_dma semaphore(%arg16 : memref<!tpu.dma_semaphore, #tpu.memory_space<semaphore_mem>>) src(%dma_wait3A_689 : memref<32014336xf32, #tpu.memory_space<hbm>>) dst(%dma_wait3A_684 : memref<512xf32, #tpu.memory_space<vmem>>)
    %dma_wait3A_690 = arith.constant 2 : i32
    %dma_wait3A_691 = arith.constant 2 : i32
    %dma_wait3A_692 = arith.constant 0 : i32
    %dma_wait3A_693 = tpu.memref_slice %arg12[%dma_wait3A_691, %dma_wait3A_692] : memref<32x512xf32, #tpu.memory_space<vmem>> -> memref<1x512xf32, #tpu.memory_space<vmem>>
    %dma_wait3A_694 = tpu.memref_squeeze %dma_wait3A_693 : memref<1x512xf32, #tpu.memory_space<vmem>> -> memref<512xf32, #tpu.memory_space<vmem>>
    %dma_wait3A_695 = arith.constant 0 : i32
    %dma_wait3A_696 = tpu.memref_slice %arg10[%dma_wait3A_690, %dma_wait3A_695] : memref<32x512xi32, #tpu.memory_space<vmem>> -> memref<1x512xi32, #tpu.memory_space<vmem>>
    %dma_wait3A_697 = tpu.memref_squeeze %dma_wait3A_696 : memref<1x512xi32, #tpu.memory_space<vmem>> -> memref<512xi32, #tpu.memory_space<vmem>>
    %dma_wait3A_698 = arith.constant 0 : i32
    %dma_wait3A_699 = tpu.memref_slice %arg4[%dma_wait3A_698] : memref<32014336xf32, #tpu.memory_space<hbm>> -> memref<32014336xf32, #tpu.memory_space<hbm>>
    tpu.wait_indirect_dma semaphore(%arg16 : memref<!tpu.dma_semaphore, #tpu.memory_space<semaphore_mem>>) src(%dma_wait3A_699 : memref<32014336xf32, #tpu.memory_space<hbm>>) dst(%dma_wait3A_694 : memref<512xf32, #tpu.memory_space<vmem>>)
    %dma_wait3A_700 = arith.constant 2 : i32
    %dma_wait3A_701 = arith.constant 2 : i32
    %dma_wait3A_702 = arith.constant 0 : i32
    %dma_wait3A_703 = tpu.memref_slice %arg13[%dma_wait3A_701, %dma_wait3A_702] : memref<32x512xf32, #tpu.memory_space<vmem>> -> memref<1x512xf32, #tpu.memory_space<vmem>>
    %dma_wait3A_704 = tpu.memref_squeeze %dma_wait3A_703 : memref<1x512xf32, #tpu.memory_space<vmem>> -> memref<512xf32, #tpu.memory_space<vmem>>
    %dma_wait3A_705 = arith.constant 0 : i32
    %dma_wait3A_706 = tpu.memref_slice %arg11[%dma_wait3A_700, %dma_wait3A_705] : memref<32x512xi32, #tpu.memory_space<vmem>> -> memref<1x512xi32, #tpu.memory_space<vmem>>
    %dma_wait3A_707 = tpu.memref_squeeze %dma_wait3A_706 : memref<1x512xi32, #tpu.memory_space<vmem>> -> memref<512xi32, #tpu.memory_space<vmem>>
    %dma_wait3A_708 = arith.constant 0 : i32
    %dma_wait3A_709 = tpu.memref_slice %arg5[%dma_wait3A_708] : memref<32014336xf32, #tpu.memory_space<hbm>> -> memref<32014336xf32, #tpu.memory_space<hbm>>
    tpu.wait_indirect_dma semaphore(%arg16 : memref<!tpu.dma_semaphore, #tpu.memory_space<semaphore_mem>>) src(%dma_wait3A_709 : memref<32014336xf32, #tpu.memory_space<hbm>>) dst(%dma_wait3A_704 : memref<512xf32, #tpu.memory_space<vmem>>)
    %dma_wait3A_710 = arith.constant 3 : i32
    %dma_wait3A_711 = arith.constant 3 : i32
    %dma_wait3A_712 = arith.constant 0 : i32
    %dma_wait3A_713 = tpu.memref_slice %arg12[%dma_wait3A_711, %dma_wait3A_712] : memref<32x512xf32, #tpu.memory_space<vmem>> -> memref<1x512xf32, #tpu.memory_space<vmem>>
    %dma_wait3A_714 = tpu.memref_squeeze %dma_wait3A_713 : memref<1x512xf32, #tpu.memory_space<vmem>> -> memref<512xf32, #tpu.memory_space<vmem>>
    %dma_wait3A_715 = arith.constant 0 : i32
    %dma_wait3A_716 = tpu.memref_slice %arg10[%dma_wait3A_710, %dma_wait3A_715] : memref<32x512xi32, #tpu.memory_space<vmem>> -> memref<1x512xi32, #tpu.memory_space<vmem>>
    %dma_wait3A_717 = tpu.memref_squeeze %dma_wait3A_716 : memref<1x512xi32, #tpu.memory_space<vmem>> -> memref<512xi32, #tpu.memory_space<vmem>>
    %dma_wait3A_718 = arith.constant 0 : i32
    %dma_wait3A_719 = tpu.memref_slice %arg4[%dma_wait3A_718] : memref<32014336xf32, #tpu.memory_space<hbm>> -> memref<32014336xf32, #tpu.memory_space<hbm>>
    tpu.wait_indirect_dma semaphore(%arg16 : memref<!tpu.dma_semaphore, #tpu.memory_space<semaphore_mem>>) src(%dma_wait3A_719 : memref<32014336xf32, #tpu.memory_space<hbm>>) dst(%dma_wait3A_714 : memref<512xf32, #tpu.memory_space<vmem>>)
    %dma_wait3A_720 = arith.constant 3 : i32
    %dma_wait3A_721 = arith.constant 3 : i32
    %dma_wait3A_722 = arith.constant 0 : i32
    %dma_wait3A_723 = tpu.memref_slice %arg13[%dma_wait3A_721, %dma_wait3A_722] : memref<32x512xf32, #tpu.memory_space<vmem>> -> memref<1x512xf32, #tpu.memory_space<vmem>>
    %dma_wait3A_724 = tpu.memref_squeeze %dma_wait3A_723 : memref<1x512xf32, #tpu.memory_space<vmem>> -> memref<512xf32, #tpu.memory_space<vmem>>
    %dma_wait3A_725 = arith.constant 0 : i32
    %dma_wait3A_726 = tpu.memref_slice %arg11[%dma_wait3A_720, %dma_wait3A_725] : memref<32x512xi32, #tpu.memory_space<vmem>> -> memref<1x512xi32, #tpu.memory_space<vmem>>
    %dma_wait3A_727 = tpu.memref_squeeze %dma_wait3A_726 : memref<1x512xi32, #tpu.memory_space<vmem>> -> memref<512xi32, #tpu.memory_space<vmem>>
    %dma_wait3A_728 = arith.constant 0 : i32
    %dma_wait3A_729 = tpu.memref_slice %arg5[%dma_wait3A_728] : memref<32014336xf32, #tpu.memory_space<hbm>> -> memref<32014336xf32, #tpu.memory_space<hbm>>
    tpu.wait_indirect_dma semaphore(%arg16 : memref<!tpu.dma_semaphore, #tpu.memory_space<semaphore_mem>>) src(%dma_wait3A_729 : memref<32014336xf32, #tpu.memory_space<hbm>>) dst(%dma_wait3A_724 : memref<512xf32, #tpu.memory_space<vmem>>)
    %dma_wait3A_730 = arith.constant 4 : i32
    %dma_wait3A_731 = arith.constant 4 : i32
    %dma_wait3A_732 = arith.constant 0 : i32
    %dma_wait3A_733 = tpu.memref_slice %arg12[%dma_wait3A_731, %dma_wait3A_732] : memref<32x512xf32, #tpu.memory_space<vmem>> -> memref<1x512xf32, #tpu.memory_space<vmem>>
    %dma_wait3A_734 = tpu.memref_squeeze %dma_wait3A_733 : memref<1x512xf32, #tpu.memory_space<vmem>> -> memref<512xf32, #tpu.memory_space<vmem>>
    %dma_wait3A_735 = arith.constant 0 : i32
    %dma_wait3A_736 = tpu.memref_slice %arg10[%dma_wait3A_730, %dma_wait3A_735] : memref<32x512xi32, #tpu.memory_space<vmem>> -> memref<1x512xi32, #tpu.memory_space<vmem>>
    %dma_wait3A_737 = tpu.memref_squeeze %dma_wait3A_736 : memref<1x512xi32, #tpu.memory_space<vmem>> -> memref<512xi32, #tpu.memory_space<vmem>>
    %dma_wait3A_738 = arith.constant 0 : i32
    %dma_wait3A_739 = tpu.memref_slice %arg4[%dma_wait3A_738] : memref<32014336xf32, #tpu.memory_space<hbm>> -> memref<32014336xf32, #tpu.memory_space<hbm>>
    tpu.wait_indirect_dma semaphore(%arg16 : memref<!tpu.dma_semaphore, #tpu.memory_space<semaphore_mem>>) src(%dma_wait3A_739 : memref<32014336xf32, #tpu.memory_space<hbm>>) dst(%dma_wait3A_734 : memref<512xf32, #tpu.memory_space<vmem>>)
    %dma_wait3A_740 = arith.constant 4 : i32
    %dma_wait3A_741 = arith.constant 4 : i32
    %dma_wait3A_742 = arith.constant 0 : i32
    %dma_wait3A_743 = tpu.memref_slice %arg13[%dma_wait3A_741, %dma_wait3A_742] : memref<32x512xf32, #tpu.memory_space<vmem>> -> memref<1x512xf32, #tpu.memory_space<vmem>>
    %dma_wait3A_744 = tpu.memref_squeeze %dma_wait3A_743 : memref<1x512xf32, #tpu.memory_space<vmem>> -> memref<512xf32, #tpu.memory_space<vmem>>
    %dma_wait3A_745 = arith.constant 0 : i32
    %dma_wait3A_746 = tpu.memref_slice %arg11[%dma_wait3A_740, %dma_wait3A_745] : memref<32x512xi32, #tpu.memory_space<vmem>> -> memref<1x512xi32, #tpu.memory_space<vmem>>
    %dma_wait3A_747 = tpu.memref_squeeze %dma_wait3A_746 : memref<1x512xi32, #tpu.memory_space<vmem>> -> memref<512xi32, #tpu.memory_space<vmem>>
    %dma_wait3A_748 = arith.constant 0 : i32
    %dma_wait3A_749 = tpu.memref_slice %arg5[%dma_wait3A_748] : memref<32014336xf32, #tpu.memory_space<hbm>> -> memref<32014336xf32, #tpu.memory_space<hbm>>
    tpu.wait_indirect_dma semaphore(%arg16 : memref<!tpu.dma_semaphore, #tpu.memory_space<semaphore_mem>>) src(%dma_wait3A_749 : memref<32014336xf32, #tpu.memory_space<hbm>>) dst(%dma_wait3A_744 : memref<512xf32, #tpu.memory_space<vmem>>)
    %dma_wait3A_750 = arith.constant 5 : i32
    %dma_wait3A_751 = arith.constant 5 : i32
    %dma_wait3A_752 = arith.constant 0 : i32
    %dma_wait3A_753 = tpu.memref_slice %arg12[%dma_wait3A_751, %dma_wait3A_752] : memref<32x512xf32, #tpu.memory_space<vmem>> -> memref<1x512xf32, #tpu.memory_space<vmem>>
    %dma_wait3A_754 = tpu.memref_squeeze %dma_wait3A_753 : memref<1x512xf32, #tpu.memory_space<vmem>> -> memref<512xf32, #tpu.memory_space<vmem>>
    %dma_wait3A_755 = arith.constant 0 : i32
    %dma_wait3A_756 = tpu.memref_slice %arg10[%dma_wait3A_750, %dma_wait3A_755] : memref<32x512xi32, #tpu.memory_space<vmem>> -> memref<1x512xi32, #tpu.memory_space<vmem>>
    %dma_wait3A_757 = tpu.memref_squeeze %dma_wait3A_756 : memref<1x512xi32, #tpu.memory_space<vmem>> -> memref<512xi32, #tpu.memory_space<vmem>>
    %dma_wait3A_758 = arith.constant 0 : i32
    %dma_wait3A_759 = tpu.memref_slice %arg4[%dma_wait3A_758] : memref<32014336xf32, #tpu.memory_space<hbm>> -> memref<32014336xf32, #tpu.memory_space<hbm>>
    tpu.wait_indirect_dma semaphore(%arg16 : memref<!tpu.dma_semaphore, #tpu.memory_space<semaphore_mem>>) src(%dma_wait3A_759 : memref<32014336xf32, #tpu.memory_space<hbm>>) dst(%dma_wait3A_754 : memref<512xf32, #tpu.memory_space<vmem>>)
    %dma_wait3A_760 = arith.constant 5 : i32
    %dma_wait3A_761 = arith.constant 5 : i32
    %dma_wait3A_762 = arith.constant 0 : i32
    %dma_wait3A_763 = tpu.memref_slice %arg13[%dma_wait3A_761, %dma_wait3A_762] : memref<32x512xf32, #tpu.memory_space<vmem>> -> memref<1x512xf32, #tpu.memory_space<vmem>>
    %dma_wait3A_764 = tpu.memref_squeeze %dma_wait3A_763 : memref<1x512xf32, #tpu.memory_space<vmem>> -> memref<512xf32, #tpu.memory_space<vmem>>
    %dma_wait3A_765 = arith.constant 0 : i32
    %dma_wait3A_766 = tpu.memref_slice %arg11[%dma_wait3A_760, %dma_wait3A_765] : memref<32x512xi32, #tpu.memory_space<vmem>> -> memref<1x512xi32, #tpu.memory_space<vmem>>
    %dma_wait3A_767 = tpu.memref_squeeze %dma_wait3A_766 : memref<1x512xi32, #tpu.memory_space<vmem>> -> memref<512xi32, #tpu.memory_space<vmem>>
    %dma_wait3A_768 = arith.constant 0 : i32
    %dma_wait3A_769 = tpu.memref_slice %arg5[%dma_wait3A_768] : memref<32014336xf32, #tpu.memory_space<hbm>> -> memref<32014336xf32, #tpu.memory_space<hbm>>
    tpu.wait_indirect_dma semaphore(%arg16 : memref<!tpu.dma_semaphore, #tpu.memory_space<semaphore_mem>>) src(%dma_wait3A_769 : memref<32014336xf32, #tpu.memory_space<hbm>>) dst(%dma_wait3A_764 : memref<512xf32, #tpu.memory_space<vmem>>)
    %dma_wait3A_770 = arith.constant 6 : i32
    %dma_wait3A_771 = arith.constant 6 : i32
    %dma_wait3A_772 = arith.constant 0 : i32
    %dma_wait3A_773 = tpu.memref_slice %arg12[%dma_wait3A_771, %dma_wait3A_772] : memref<32x512xf32, #tpu.memory_space<vmem>> -> memref<1x512xf32, #tpu.memory_space<vmem>>
    %dma_wait3A_774 = tpu.memref_squeeze %dma_wait3A_773 : memref<1x512xf32, #tpu.memory_space<vmem>> -> memref<512xf32, #tpu.memory_space<vmem>>
    %dma_wait3A_775 = arith.constant 0 : i32
    %dma_wait3A_776 = tpu.memref_slice %arg10[%dma_wait3A_770, %dma_wait3A_775] : memref<32x512xi32, #tpu.memory_space<vmem>> -> memref<1x512xi32, #tpu.memory_space<vmem>>
    %dma_wait3A_777 = tpu.memref_squeeze %dma_wait3A_776 : memref<1x512xi32, #tpu.memory_space<vmem>> -> memref<512xi32, #tpu.memory_space<vmem>>
    %dma_wait3A_778 = arith.constant 0 : i32
    %dma_wait3A_779 = tpu.memref_slice %arg4[%dma_wait3A_778] : memref<32014336xf32, #tpu.memory_space<hbm>> -> memref<32014336xf32, #tpu.memory_space<hbm>>
    tpu.wait_indirect_dma semaphore(%arg16 : memref<!tpu.dma_semaphore, #tpu.memory_space<semaphore_mem>>) src(%dma_wait3A_779 : memref<32014336xf32, #tpu.memory_space<hbm>>) dst(%dma_wait3A_774 : memref<512xf32, #tpu.memory_space<vmem>>)
    %dma_wait3A_780 = arith.constant 6 : i32
    %dma_wait3A_781 = arith.constant 6 : i32
    %dma_wait3A_782 = arith.constant 0 : i32
    %dma_wait3A_783 = tpu.memref_slice %arg13[%dma_wait3A_781, %dma_wait3A_782] : memref<32x512xf32, #tpu.memory_space<vmem>> -> memref<1x512xf32, #tpu.memory_space<vmem>>
    %dma_wait3A_784 = tpu.memref_squeeze %dma_wait3A_783 : memref<1x512xf32, #tpu.memory_space<vmem>> -> memref<512xf32, #tpu.memory_space<vmem>>
    %dma_wait3A_785 = arith.constant 0 : i32
    %dma_wait3A_786 = tpu.memref_slice %arg11[%dma_wait3A_780, %dma_wait3A_785] : memref<32x512xi32, #tpu.memory_space<vmem>> -> memref<1x512xi32, #tpu.memory_space<vmem>>
    %dma_wait3A_787 = tpu.memref_squeeze %dma_wait3A_786 : memref<1x512xi32, #tpu.memory_space<vmem>> -> memref<512xi32, #tpu.memory_space<vmem>>
    %dma_wait3A_788 = arith.constant 0 : i32
    %dma_wait3A_789 = tpu.memref_slice %arg5[%dma_wait3A_788] : memref<32014336xf32, #tpu.memory_space<hbm>> -> memref<32014336xf32, #tpu.memory_space<hbm>>
    tpu.wait_indirect_dma semaphore(%arg16 : memref<!tpu.dma_semaphore, #tpu.memory_space<semaphore_mem>>) src(%dma_wait3A_789 : memref<32014336xf32, #tpu.memory_space<hbm>>) dst(%dma_wait3A_784 : memref<512xf32, #tpu.memory_space<vmem>>)
    %dma_wait3A_790 = arith.constant 7 : i32
    %dma_wait3A_791 = arith.constant 7 : i32
    %dma_wait3A_792 = arith.constant 0 : i32
    %dma_wait3A_793 = tpu.memref_slice %arg12[%dma_wait3A_791, %dma_wait3A_792] : memref<32x512xf32, #tpu.memory_space<vmem>> -> memref<1x512xf32, #tpu.memory_space<vmem>>
    %dma_wait3A_794 = tpu.memref_squeeze %dma_wait3A_793 : memref<1x512xf32, #tpu.memory_space<vmem>> -> memref<512xf32, #tpu.memory_space<vmem>>
    %dma_wait3A_795 = arith.constant 0 : i32
    %dma_wait3A_796 = tpu.memref_slice %arg10[%dma_wait3A_790, %dma_wait3A_795] : memref<32x512xi32, #tpu.memory_space<vmem>> -> memref<1x512xi32, #tpu.memory_space<vmem>>
    %dma_wait3A_797 = tpu.memref_squeeze %dma_wait3A_796 : memref<1x512xi32, #tpu.memory_space<vmem>> -> memref<512xi32, #tpu.memory_space<vmem>>
    %dma_wait3A_798 = arith.constant 0 : i32
    %dma_wait3A_799 = tpu.memref_slice %arg4[%dma_wait3A_798] : memref<32014336xf32, #tpu.memory_space<hbm>> -> memref<32014336xf32, #tpu.memory_space<hbm>>
    tpu.wait_indirect_dma semaphore(%arg16 : memref<!tpu.dma_semaphore, #tpu.memory_space<semaphore_mem>>) src(%dma_wait3A_799 : memref<32014336xf32, #tpu.memory_space<hbm>>) dst(%dma_wait3A_794 : memref<512xf32, #tpu.memory_space<vmem>>)
    %dma_wait3A_800 = arith.constant 7 : i32
    %dma_wait3A_801 = arith.constant 7 : i32
    %dma_wait3A_802 = arith.constant 0 : i32
    %dma_wait3A_803 = tpu.memref_slice %arg13[%dma_wait3A_801, %dma_wait3A_802] : memref<32x512xf32, #tpu.memory_space<vmem>> -> memref<1x512xf32, #tpu.memory_space<vmem>>
    %dma_wait3A_804 = tpu.memref_squeeze %dma_wait3A_803 : memref<1x512xf32, #tpu.memory_space<vmem>> -> memref<512xf32, #tpu.memory_space<vmem>>
    %dma_wait3A_805 = arith.constant 0 : i32
    %dma_wait3A_806 = tpu.memref_slice %arg11[%dma_wait3A_800, %dma_wait3A_805] : memref<32x512xi32, #tpu.memory_space<vmem>> -> memref<1x512xi32, #tpu.memory_space<vmem>>
    %dma_wait3A_807 = tpu.memref_squeeze %dma_wait3A_806 : memref<1x512xi32, #tpu.memory_space<vmem>> -> memref<512xi32, #tpu.memory_space<vmem>>
    %dma_wait3A_808 = arith.constant 0 : i32
    %dma_wait3A_809 = tpu.memref_slice %arg5[%dma_wait3A_808] : memref<32014336xf32, #tpu.memory_space<hbm>> -> memref<32014336xf32, #tpu.memory_space<hbm>>
    tpu.wait_indirect_dma semaphore(%arg16 : memref<!tpu.dma_semaphore, #tpu.memory_space<semaphore_mem>>) src(%dma_wait3A_809 : memref<32014336xf32, #tpu.memory_space<hbm>>) dst(%dma_wait3A_804 : memref<512xf32, #tpu.memory_space<vmem>>)
    %dma_wait3A_810 = arith.constant 8 : i32
    %dma_wait3A_811 = arith.constant 8 : i32
    %dma_wait3A_812 = arith.constant 0 : i32
    %dma_wait3A_813 = tpu.memref_slice %arg12[%dma_wait3A_811, %dma_wait3A_812] : memref<32x512xf32, #tpu.memory_space<vmem>> -> memref<1x512xf32, #tpu.memory_space<vmem>>
    %dma_wait3A_814 = tpu.memref_squeeze %dma_wait3A_813 : memref<1x512xf32, #tpu.memory_space<vmem>> -> memref<512xf32, #tpu.memory_space<vmem>>
    %dma_wait3A_815 = arith.constant 0 : i32
    %dma_wait3A_816 = tpu.memref_slice %arg10[%dma_wait3A_810, %dma_wait3A_815] : memref<32x512xi32, #tpu.memory_space<vmem>> -> memref<1x512xi32, #tpu.memory_space<vmem>>
    %dma_wait3A_817 = tpu.memref_squeeze %dma_wait3A_816 : memref<1x512xi32, #tpu.memory_space<vmem>> -> memref<512xi32, #tpu.memory_space<vmem>>
    %dma_wait3A_818 = arith.constant 0 : i32
    %dma_wait3A_819 = tpu.memref_slice %arg4[%dma_wait3A_818] : memref<32014336xf32, #tpu.memory_space<hbm>> -> memref<32014336xf32, #tpu.memory_space<hbm>>
    tpu.wait_indirect_dma semaphore(%arg16 : memref<!tpu.dma_semaphore, #tpu.memory_space<semaphore_mem>>) src(%dma_wait3A_819 : memref<32014336xf32, #tpu.memory_space<hbm>>) dst(%dma_wait3A_814 : memref<512xf32, #tpu.memory_space<vmem>>)
    %dma_wait3A_820 = arith.constant 8 : i32
    %dma_wait3A_821 = arith.constant 8 : i32
    %dma_wait3A_822 = arith.constant 0 : i32
    %dma_wait3A_823 = tpu.memref_slice %arg13[%dma_wait3A_821, %dma_wait3A_822] : memref<32x512xf32, #tpu.memory_space<vmem>> -> memref<1x512xf32, #tpu.memory_space<vmem>>
    %dma_wait3A_824 = tpu.memref_squeeze %dma_wait3A_823 : memref<1x512xf32, #tpu.memory_space<vmem>> -> memref<512xf32, #tpu.memory_space<vmem>>
    %dma_wait3A_825 = arith.constant 0 : i32
    %dma_wait3A_826 = tpu.memref_slice %arg11[%dma_wait3A_820, %dma_wait3A_825] : memref<32x512xi32, #tpu.memory_space<vmem>> -> memref<1x512xi32, #tpu.memory_space<vmem>>
    %dma_wait3A_827 = tpu.memref_squeeze %dma_wait3A_826 : memref<1x512xi32, #tpu.memory_space<vmem>> -> memref<512xi32, #tpu.memory_space<vmem>>
    %dma_wait3A_828 = arith.constant 0 : i32
    %dma_wait3A_829 = tpu.memref_slice %arg5[%dma_wait3A_828] : memref<32014336xf32, #tpu.memory_space<hbm>> -> memref<32014336xf32, #tpu.memory_space<hbm>>
    tpu.wait_indirect_dma semaphore(%arg16 : memref<!tpu.dma_semaphore, #tpu.memory_space<semaphore_mem>>) src(%dma_wait3A_829 : memref<32014336xf32, #tpu.memory_space<hbm>>) dst(%dma_wait3A_824 : memref<512xf32, #tpu.memory_space<vmem>>)
    %dma_wait3A_830 = arith.constant 9 : i32
    %dma_wait3A_831 = arith.constant 9 : i32
    %dma_wait3A_832 = arith.constant 0 : i32
    %dma_wait3A_833 = tpu.memref_slice %arg12[%dma_wait3A_831, %dma_wait3A_832] : memref<32x512xf32, #tpu.memory_space<vmem>> -> memref<1x512xf32, #tpu.memory_space<vmem>>
    %dma_wait3A_834 = tpu.memref_squeeze %dma_wait3A_833 : memref<1x512xf32, #tpu.memory_space<vmem>> -> memref<512xf32, #tpu.memory_space<vmem>>
    %dma_wait3A_835 = arith.constant 0 : i32
    %dma_wait3A_836 = tpu.memref_slice %arg10[%dma_wait3A_830, %dma_wait3A_835] : memref<32x512xi32, #tpu.memory_space<vmem>> -> memref<1x512xi32, #tpu.memory_space<vmem>>
    %dma_wait3A_837 = tpu.memref_squeeze %dma_wait3A_836 : memref<1x512xi32, #tpu.memory_space<vmem>> -> memref<512xi32, #tpu.memory_space<vmem>>
    %dma_wait3A_838 = arith.constant 0 : i32
    %dma_wait3A_839 = tpu.memref_slice %arg4[%dma_wait3A_838] : memref<32014336xf32, #tpu.memory_space<hbm>> -> memref<32014336xf32, #tpu.memory_space<hbm>>
    tpu.wait_indirect_dma semaphore(%arg16 : memref<!tpu.dma_semaphore, #tpu.memory_space<semaphore_mem>>) src(%dma_wait3A_839 : memref<32014336xf32, #tpu.memory_space<hbm>>) dst(%dma_wait3A_834 : memref<512xf32, #tpu.memory_space<vmem>>)
    %dma_wait3A_840 = arith.constant 9 : i32
    %dma_wait3A_841 = arith.constant 9 : i32
    %dma_wait3A_842 = arith.constant 0 : i32
    %dma_wait3A_843 = tpu.memref_slice %arg13[%dma_wait3A_841, %dma_wait3A_842] : memref<32x512xf32, #tpu.memory_space<vmem>> -> memref<1x512xf32, #tpu.memory_space<vmem>>
    %dma_wait3A_844 = tpu.memref_squeeze %dma_wait3A_843 : memref<1x512xf32, #tpu.memory_space<vmem>> -> memref<512xf32, #tpu.memory_space<vmem>>
    %dma_wait3A_845 = arith.constant 0 : i32
    %dma_wait3A_846 = tpu.memref_slice %arg11[%dma_wait3A_840, %dma_wait3A_845] : memref<32x512xi32, #tpu.memory_space<vmem>> -> memref<1x512xi32, #tpu.memory_space<vmem>>
    %dma_wait3A_847 = tpu.memref_squeeze %dma_wait3A_846 : memref<1x512xi32, #tpu.memory_space<vmem>> -> memref<512xi32, #tpu.memory_space<vmem>>
    %dma_wait3A_848 = arith.constant 0 : i32
    %dma_wait3A_849 = tpu.memref_slice %arg5[%dma_wait3A_848] : memref<32014336xf32, #tpu.memory_space<hbm>> -> memref<32014336xf32, #tpu.memory_space<hbm>>
    tpu.wait_indirect_dma semaphore(%arg16 : memref<!tpu.dma_semaphore, #tpu.memory_space<semaphore_mem>>) src(%dma_wait3A_849 : memref<32014336xf32, #tpu.memory_space<hbm>>) dst(%dma_wait3A_844 : memref<512xf32, #tpu.memory_space<vmem>>)
    %dma_wait3A_850 = arith.constant 10 : i32
    %dma_wait3A_851 = arith.constant 10 : i32
    %dma_wait3A_852 = arith.constant 0 : i32
    %dma_wait3A_853 = tpu.memref_slice %arg12[%dma_wait3A_851, %dma_wait3A_852] : memref<32x512xf32, #tpu.memory_space<vmem>> -> memref<1x512xf32, #tpu.memory_space<vmem>>
    %dma_wait3A_854 = tpu.memref_squeeze %dma_wait3A_853 : memref<1x512xf32, #tpu.memory_space<vmem>> -> memref<512xf32, #tpu.memory_space<vmem>>
    %dma_wait3A_855 = arith.constant 0 : i32
    %dma_wait3A_856 = tpu.memref_slice %arg10[%dma_wait3A_850, %dma_wait3A_855] : memref<32x512xi32, #tpu.memory_space<vmem>> -> memref<1x512xi32, #tpu.memory_space<vmem>>
    %dma_wait3A_857 = tpu.memref_squeeze %dma_wait3A_856 : memref<1x512xi32, #tpu.memory_space<vmem>> -> memref<512xi32, #tpu.memory_space<vmem>>
    %dma_wait3A_858 = arith.constant 0 : i32
    %dma_wait3A_859 = tpu.memref_slice %arg4[%dma_wait3A_858] : memref<32014336xf32, #tpu.memory_space<hbm>> -> memref<32014336xf32, #tpu.memory_space<hbm>>
    tpu.wait_indirect_dma semaphore(%arg16 : memref<!tpu.dma_semaphore, #tpu.memory_space<semaphore_mem>>) src(%dma_wait3A_859 : memref<32014336xf32, #tpu.memory_space<hbm>>) dst(%dma_wait3A_854 : memref<512xf32, #tpu.memory_space<vmem>>)
    %dma_wait3A_860 = arith.constant 10 : i32
    %dma_wait3A_861 = arith.constant 10 : i32
    %dma_wait3A_862 = arith.constant 0 : i32
    %dma_wait3A_863 = tpu.memref_slice %arg13[%dma_wait3A_861, %dma_wait3A_862] : memref<32x512xf32, #tpu.memory_space<vmem>> -> memref<1x512xf32, #tpu.memory_space<vmem>>
    %dma_wait3A_864 = tpu.memref_squeeze %dma_wait3A_863 : memref<1x512xf32, #tpu.memory_space<vmem>> -> memref<512xf32, #tpu.memory_space<vmem>>
    %dma_wait3A_865 = arith.constant 0 : i32
    %dma_wait3A_866 = tpu.memref_slice %arg11[%dma_wait3A_860, %dma_wait3A_865] : memref<32x512xi32, #tpu.memory_space<vmem>> -> memref<1x512xi32, #tpu.memory_space<vmem>>
    %dma_wait3A_867 = tpu.memref_squeeze %dma_wait3A_866 : memref<1x512xi32, #tpu.memory_space<vmem>> -> memref<512xi32, #tpu.memory_space<vmem>>
    %dma_wait3A_868 = arith.constant 0 : i32
    %dma_wait3A_869 = tpu.memref_slice %arg5[%dma_wait3A_868] : memref<32014336xf32, #tpu.memory_space<hbm>> -> memref<32014336xf32, #tpu.memory_space<hbm>>
    tpu.wait_indirect_dma semaphore(%arg16 : memref<!tpu.dma_semaphore, #tpu.memory_space<semaphore_mem>>) src(%dma_wait3A_869 : memref<32014336xf32, #tpu.memory_space<hbm>>) dst(%dma_wait3A_864 : memref<512xf32, #tpu.memory_space<vmem>>)
    %dma_wait3A_870 = arith.constant 11 : i32
    %dma_wait3A_871 = arith.constant 11 : i32
    %dma_wait3A_872 = arith.constant 0 : i32
    %dma_wait3A_873 = tpu.memref_slice %arg12[%dma_wait3A_871, %dma_wait3A_872] : memref<32x512xf32, #tpu.memory_space<vmem>> -> memref<1x512xf32, #tpu.memory_space<vmem>>
    %dma_wait3A_874 = tpu.memref_squeeze %dma_wait3A_873 : memref<1x512xf32, #tpu.memory_space<vmem>> -> memref<512xf32, #tpu.memory_space<vmem>>
    %dma_wait3A_875 = arith.constant 0 : i32
    %dma_wait3A_876 = tpu.memref_slice %arg10[%dma_wait3A_870, %dma_wait3A_875] : memref<32x512xi32, #tpu.memory_space<vmem>> -> memref<1x512xi32, #tpu.memory_space<vmem>>
    %dma_wait3A_877 = tpu.memref_squeeze %dma_wait3A_876 : memref<1x512xi32, #tpu.memory_space<vmem>> -> memref<512xi32, #tpu.memory_space<vmem>>
    %dma_wait3A_878 = arith.constant 0 : i32
    %dma_wait3A_879 = tpu.memref_slice %arg4[%dma_wait3A_878] : memref<32014336xf32, #tpu.memory_space<hbm>> -> memref<32014336xf32, #tpu.memory_space<hbm>>
    tpu.wait_indirect_dma semaphore(%arg16 : memref<!tpu.dma_semaphore, #tpu.memory_space<semaphore_mem>>) src(%dma_wait3A_879 : memref<32014336xf32, #tpu.memory_space<hbm>>) dst(%dma_wait3A_874 : memref<512xf32, #tpu.memory_space<vmem>>)
    %dma_wait3A_880 = arith.constant 11 : i32
    %dma_wait3A_881 = arith.constant 11 : i32
    %dma_wait3A_882 = arith.constant 0 : i32
    %dma_wait3A_883 = tpu.memref_slice %arg13[%dma_wait3A_881, %dma_wait3A_882] : memref<32x512xf32, #tpu.memory_space<vmem>> -> memref<1x512xf32, #tpu.memory_space<vmem>>
    %dma_wait3A_884 = tpu.memref_squeeze %dma_wait3A_883 : memref<1x512xf32, #tpu.memory_space<vmem>> -> memref<512xf32, #tpu.memory_space<vmem>>
    %dma_wait3A_885 = arith.constant 0 : i32
    %dma_wait3A_886 = tpu.memref_slice %arg11[%dma_wait3A_880, %dma_wait3A_885] : memref<32x512xi32, #tpu.memory_space<vmem>> -> memref<1x512xi32, #tpu.memory_space<vmem>>
    %dma_wait3A_887 = tpu.memref_squeeze %dma_wait3A_886 : memref<1x512xi32, #tpu.memory_space<vmem>> -> memref<512xi32, #tpu.memory_space<vmem>>
    %dma_wait3A_888 = arith.constant 0 : i32
    %dma_wait3A_889 = tpu.memref_slice %arg5[%dma_wait3A_888] : memref<32014336xf32, #tpu.memory_space<hbm>> -> memref<32014336xf32, #tpu.memory_space<hbm>>
    tpu.wait_indirect_dma semaphore(%arg16 : memref<!tpu.dma_semaphore, #tpu.memory_space<semaphore_mem>>) src(%dma_wait3A_889 : memref<32014336xf32, #tpu.memory_space<hbm>>) dst(%dma_wait3A_884 : memref<512xf32, #tpu.memory_space<vmem>>)
    %dma_wait3A_890 = arith.constant 12 : i32
    %dma_wait3A_891 = arith.constant 12 : i32
    %dma_wait3A_892 = arith.constant 0 : i32
    %dma_wait3A_893 = tpu.memref_slice %arg12[%dma_wait3A_891, %dma_wait3A_892] : memref<32x512xf32, #tpu.memory_space<vmem>> -> memref<1x512xf32, #tpu.memory_space<vmem>>
    %dma_wait3A_894 = tpu.memref_squeeze %dma_wait3A_893 : memref<1x512xf32, #tpu.memory_space<vmem>> -> memref<512xf32, #tpu.memory_space<vmem>>
    %dma_wait3A_895 = arith.constant 0 : i32
    %dma_wait3A_896 = tpu.memref_slice %arg10[%dma_wait3A_890, %dma_wait3A_895] : memref<32x512xi32, #tpu.memory_space<vmem>> -> memref<1x512xi32, #tpu.memory_space<vmem>>
    %dma_wait3A_897 = tpu.memref_squeeze %dma_wait3A_896 : memref<1x512xi32, #tpu.memory_space<vmem>> -> memref<512xi32, #tpu.memory_space<vmem>>
    %dma_wait3A_898 = arith.constant 0 : i32
    %dma_wait3A_899 = tpu.memref_slice %arg4[%dma_wait3A_898] : memref<32014336xf32, #tpu.memory_space<hbm>> -> memref<32014336xf32, #tpu.memory_space<hbm>>
    tpu.wait_indirect_dma semaphore(%arg16 : memref<!tpu.dma_semaphore, #tpu.memory_space<semaphore_mem>>) src(%dma_wait3A_899 : memref<32014336xf32, #tpu.memory_space<hbm>>) dst(%dma_wait3A_894 : memref<512xf32, #tpu.memory_space<vmem>>)
    %dma_wait3A_900 = arith.constant 12 : i32
    %dma_wait3A_901 = arith.constant 12 : i32
    %dma_wait3A_902 = arith.constant 0 : i32
    %dma_wait3A_903 = tpu.memref_slice %arg13[%dma_wait3A_901, %dma_wait3A_902] : memref<32x512xf32, #tpu.memory_space<vmem>> -> memref<1x512xf32, #tpu.memory_space<vmem>>
    %dma_wait3A_904 = tpu.memref_squeeze %dma_wait3A_903 : memref<1x512xf32, #tpu.memory_space<vmem>> -> memref<512xf32, #tpu.memory_space<vmem>>
    %dma_wait3A_905 = arith.constant 0 : i32
    %dma_wait3A_906 = tpu.memref_slice %arg11[%dma_wait3A_900, %dma_wait3A_905] : memref<32x512xi32, #tpu.memory_space<vmem>> -> memref<1x512xi32, #tpu.memory_space<vmem>>
    %dma_wait3A_907 = tpu.memref_squeeze %dma_wait3A_906 : memref<1x512xi32, #tpu.memory_space<vmem>> -> memref<512xi32, #tpu.memory_space<vmem>>
    %dma_wait3A_908 = arith.constant 0 : i32
    %dma_wait3A_909 = tpu.memref_slice %arg5[%dma_wait3A_908] : memref<32014336xf32, #tpu.memory_space<hbm>> -> memref<32014336xf32, #tpu.memory_space<hbm>>
    tpu.wait_indirect_dma semaphore(%arg16 : memref<!tpu.dma_semaphore, #tpu.memory_space<semaphore_mem>>) src(%dma_wait3A_909 : memref<32014336xf32, #tpu.memory_space<hbm>>) dst(%dma_wait3A_904 : memref<512xf32, #tpu.memory_space<vmem>>)
    %dma_wait3A_910 = arith.constant 13 : i32
    %dma_wait3A_911 = arith.constant 13 : i32
    %dma_wait3A_912 = arith.constant 0 : i32
    %dma_wait3A_913 = tpu.memref_slice %arg12[%dma_wait3A_911, %dma_wait3A_912] : memref<32x512xf32, #tpu.memory_space<vmem>> -> memref<1x512xf32, #tpu.memory_space<vmem>>
    %dma_wait3A_914 = tpu.memref_squeeze %dma_wait3A_913 : memref<1x512xf32, #tpu.memory_space<vmem>> -> memref<512xf32, #tpu.memory_space<vmem>>
    %dma_wait3A_915 = arith.constant 0 : i32
    %dma_wait3A_916 = tpu.memref_slice %arg10[%dma_wait3A_910, %dma_wait3A_915] : memref<32x512xi32, #tpu.memory_space<vmem>> -> memref<1x512xi32, #tpu.memory_space<vmem>>
    %dma_wait3A_917 = tpu.memref_squeeze %dma_wait3A_916 : memref<1x512xi32, #tpu.memory_space<vmem>> -> memref<512xi32, #tpu.memory_space<vmem>>
    %dma_wait3A_918 = arith.constant 0 : i32
    %dma_wait3A_919 = tpu.memref_slice %arg4[%dma_wait3A_918] : memref<32014336xf32, #tpu.memory_space<hbm>> -> memref<32014336xf32, #tpu.memory_space<hbm>>
    tpu.wait_indirect_dma semaphore(%arg16 : memref<!tpu.dma_semaphore, #tpu.memory_space<semaphore_mem>>) src(%dma_wait3A_919 : memref<32014336xf32, #tpu.memory_space<hbm>>) dst(%dma_wait3A_914 : memref<512xf32, #tpu.memory_space<vmem>>)
    %dma_wait3A_920 = arith.constant 13 : i32
    %dma_wait3A_921 = arith.constant 13 : i32
    %dma_wait3A_922 = arith.constant 0 : i32
    %dma_wait3A_923 = tpu.memref_slice %arg13[%dma_wait3A_921, %dma_wait3A_922] : memref<32x512xf32, #tpu.memory_space<vmem>> -> memref<1x512xf32, #tpu.memory_space<vmem>>
    %dma_wait3A_924 = tpu.memref_squeeze %dma_wait3A_923 : memref<1x512xf32, #tpu.memory_space<vmem>> -> memref<512xf32, #tpu.memory_space<vmem>>
    %dma_wait3A_925 = arith.constant 0 : i32
    %dma_wait3A_926 = tpu.memref_slice %arg11[%dma_wait3A_920, %dma_wait3A_925] : memref<32x512xi32, #tpu.memory_space<vmem>> -> memref<1x512xi32, #tpu.memory_space<vmem>>
    %dma_wait3A_927 = tpu.memref_squeeze %dma_wait3A_926 : memref<1x512xi32, #tpu.memory_space<vmem>> -> memref<512xi32, #tpu.memory_space<vmem>>
    %dma_wait3A_928 = arith.constant 0 : i32
    %dma_wait3A_929 = tpu.memref_slice %arg5[%dma_wait3A_928] : memref<32014336xf32, #tpu.memory_space<hbm>> -> memref<32014336xf32, #tpu.memory_space<hbm>>
    tpu.wait_indirect_dma semaphore(%arg16 : memref<!tpu.dma_semaphore, #tpu.memory_space<semaphore_mem>>) src(%dma_wait3A_929 : memref<32014336xf32, #tpu.memory_space<hbm>>) dst(%dma_wait3A_924 : memref<512xf32, #tpu.memory_space<vmem>>)
    %dma_wait3A_930 = arith.constant 14 : i32
    %dma_wait3A_931 = arith.constant 14 : i32
    %dma_wait3A_932 = arith.constant 0 : i32
    %dma_wait3A_933 = tpu.memref_slice %arg12[%dma_wait3A_931, %dma_wait3A_932] : memref<32x512xf32, #tpu.memory_space<vmem>> -> memref<1x512xf32, #tpu.memory_space<vmem>>
    %dma_wait3A_934 = tpu.memref_squeeze %dma_wait3A_933 : memref<1x512xf32, #tpu.memory_space<vmem>> -> memref<512xf32, #tpu.memory_space<vmem>>
    %dma_wait3A_935 = arith.constant 0 : i32
    %dma_wait3A_936 = tpu.memref_slice %arg10[%dma_wait3A_930, %dma_wait3A_935] : memref<32x512xi32, #tpu.memory_space<vmem>> -> memref<1x512xi32, #tpu.memory_space<vmem>>
    %dma_wait3A_937 = tpu.memref_squeeze %dma_wait3A_936 : memref<1x512xi32, #tpu.memory_space<vmem>> -> memref<512xi32, #tpu.memory_space<vmem>>
    %dma_wait3A_938 = arith.constant 0 : i32
    %dma_wait3A_939 = tpu.memref_slice %arg4[%dma_wait3A_938] : memref<32014336xf32, #tpu.memory_space<hbm>> -> memref<32014336xf32, #tpu.memory_space<hbm>>
    tpu.wait_indirect_dma semaphore(%arg16 : memref<!tpu.dma_semaphore, #tpu.memory_space<semaphore_mem>>) src(%dma_wait3A_939 : memref<32014336xf32, #tpu.memory_space<hbm>>) dst(%dma_wait3A_934 : memref<512xf32, #tpu.memory_space<vmem>>)
    %dma_wait3A_940 = arith.constant 14 : i32
    %dma_wait3A_941 = arith.constant 14 : i32
    %dma_wait3A_942 = arith.constant 0 : i32
    %dma_wait3A_943 = tpu.memref_slice %arg13[%dma_wait3A_941, %dma_wait3A_942] : memref<32x512xf32, #tpu.memory_space<vmem>> -> memref<1x512xf32, #tpu.memory_space<vmem>>
    %dma_wait3A_944 = tpu.memref_squeeze %dma_wait3A_943 : memref<1x512xf32, #tpu.memory_space<vmem>> -> memref<512xf32, #tpu.memory_space<vmem>>
    %dma_wait3A_945 = arith.constant 0 : i32
    %dma_wait3A_946 = tpu.memref_slice %arg11[%dma_wait3A_940, %dma_wait3A_945] : memref<32x512xi32, #tpu.memory_space<vmem>> -> memref<1x512xi32, #tpu.memory_space<vmem>>
    %dma_wait3A_947 = tpu.memref_squeeze %dma_wait3A_946 : memref<1x512xi32, #tpu.memory_space<vmem>> -> memref<512xi32, #tpu.memory_space<vmem>>
    %dma_wait3A_948 = arith.constant 0 : i32
    %dma_wait3A_949 = tpu.memref_slice %arg5[%dma_wait3A_948] : memref<32014336xf32, #tpu.memory_space<hbm>> -> memref<32014336xf32, #tpu.memory_space<hbm>>
    tpu.wait_indirect_dma semaphore(%arg16 : memref<!tpu.dma_semaphore, #tpu.memory_space<semaphore_mem>>) src(%dma_wait3A_949 : memref<32014336xf32, #tpu.memory_space<hbm>>) dst(%dma_wait3A_944 : memref<512xf32, #tpu.memory_space<vmem>>)
    %dma_wait3A_950 = arith.constant 15 : i32
    %dma_wait3A_951 = arith.constant 15 : i32
    %dma_wait3A_952 = arith.constant 0 : i32
    %dma_wait3A_953 = tpu.memref_slice %arg12[%dma_wait3A_951, %dma_wait3A_952] : memref<32x512xf32, #tpu.memory_space<vmem>> -> memref<1x512xf32, #tpu.memory_space<vmem>>
    %dma_wait3A_954 = tpu.memref_squeeze %dma_wait3A_953 : memref<1x512xf32, #tpu.memory_space<vmem>> -> memref<512xf32, #tpu.memory_space<vmem>>
    %dma_wait3A_955 = arith.constant 0 : i32
    %dma_wait3A_956 = tpu.memref_slice %arg10[%dma_wait3A_950, %dma_wait3A_955] : memref<32x512xi32, #tpu.memory_space<vmem>> -> memref<1x512xi32, #tpu.memory_space<vmem>>
    %dma_wait3A_957 = tpu.memref_squeeze %dma_wait3A_956 : memref<1x512xi32, #tpu.memory_space<vmem>> -> memref<512xi32, #tpu.memory_space<vmem>>
    %dma_wait3A_958 = arith.constant 0 : i32
    %dma_wait3A_959 = tpu.memref_slice %arg4[%dma_wait3A_958] : memref<32014336xf32, #tpu.memory_space<hbm>> -> memref<32014336xf32, #tpu.memory_space<hbm>>
    tpu.wait_indirect_dma semaphore(%arg16 : memref<!tpu.dma_semaphore, #tpu.memory_space<semaphore_mem>>) src(%dma_wait3A_959 : memref<32014336xf32, #tpu.memory_space<hbm>>) dst(%dma_wait3A_954 : memref<512xf32, #tpu.memory_space<vmem>>)
    %dma_wait3A_960 = arith.constant 15 : i32
    %dma_wait3A_961 = arith.constant 15 : i32
    %dma_wait3A_962 = arith.constant 0 : i32
    %dma_wait3A_963 = tpu.memref_slice %arg13[%dma_wait3A_961, %dma_wait3A_962] : memref<32x512xf32, #tpu.memory_space<vmem>> -> memref<1x512xf32, #tpu.memory_space<vmem>>
    %dma_wait3A_964 = tpu.memref_squeeze %dma_wait3A_963 : memref<1x512xf32, #tpu.memory_space<vmem>> -> memref<512xf32, #tpu.memory_space<vmem>>
    %dma_wait3A_965 = arith.constant 0 : i32
    %dma_wait3A_966 = tpu.memref_slice %arg11[%dma_wait3A_960, %dma_wait3A_965] : memref<32x512xi32, #tpu.memory_space<vmem>> -> memref<1x512xi32, #tpu.memory_space<vmem>>
    %dma_wait3A_967 = tpu.memref_squeeze %dma_wait3A_966 : memref<1x512xi32, #tpu.memory_space<vmem>> -> memref<512xi32, #tpu.memory_space<vmem>>
    %dma_wait3A_968 = arith.constant 0 : i32
    %dma_wait3A_969 = tpu.memref_slice %arg5[%dma_wait3A_968] : memref<32014336xf32, #tpu.memory_space<hbm>> -> memref<32014336xf32, #tpu.memory_space<hbm>>
    tpu.wait_indirect_dma semaphore(%arg16 : memref<!tpu.dma_semaphore, #tpu.memory_space<semaphore_mem>>) src(%dma_wait3A_969 : memref<32014336xf32, #tpu.memory_space<hbm>>) dst(%dma_wait3A_964 : memref<512xf32, #tpu.memory_space<vmem>>)
    %dma_wait3A_970 = arith.constant 16 : i32
    %dma_wait3A_971 = arith.constant 16 : i32
    %dma_wait3A_972 = arith.constant 0 : i32
    %dma_wait3A_973 = tpu.memref_slice %arg12[%dma_wait3A_971, %dma_wait3A_972] : memref<32x512xf32, #tpu.memory_space<vmem>> -> memref<1x512xf32, #tpu.memory_space<vmem>>
    %dma_wait3A_974 = tpu.memref_squeeze %dma_wait3A_973 : memref<1x512xf32, #tpu.memory_space<vmem>> -> memref<512xf32, #tpu.memory_space<vmem>>
    %dma_wait3A_975 = arith.constant 0 : i32
    %dma_wait3A_976 = tpu.memref_slice %arg10[%dma_wait3A_970, %dma_wait3A_975] : memref<32x512xi32, #tpu.memory_space<vmem>> -> memref<1x512xi32, #tpu.memory_space<vmem>>
    %dma_wait3A_977 = tpu.memref_squeeze %dma_wait3A_976 : memref<1x512xi32, #tpu.memory_space<vmem>> -> memref<512xi32, #tpu.memory_space<vmem>>
    %dma_wait3A_978 = arith.constant 0 : i32
    %dma_wait3A_979 = tpu.memref_slice %arg4[%dma_wait3A_978] : memref<32014336xf32, #tpu.memory_space<hbm>> -> memref<32014336xf32, #tpu.memory_space<hbm>>
    tpu.wait_indirect_dma semaphore(%arg16 : memref<!tpu.dma_semaphore, #tpu.memory_space<semaphore_mem>>) src(%dma_wait3A_979 : memref<32014336xf32, #tpu.memory_space<hbm>>) dst(%dma_wait3A_974 : memref<512xf32, #tpu.memory_space<vmem>>)
    %dma_wait3A_980 = arith.constant 16 : i32
    %dma_wait3A_981 = arith.constant 16 : i32
    %dma_wait3A_982 = arith.constant 0 : i32
    %dma_wait3A_983 = tpu.memref_slice %arg13[%dma_wait3A_981, %dma_wait3A_982] : memref<32x512xf32, #tpu.memory_space<vmem>> -> memref<1x512xf32, #tpu.memory_space<vmem>>
    %dma_wait3A_984 = tpu.memref_squeeze %dma_wait3A_983 : memref<1x512xf32, #tpu.memory_space<vmem>> -> memref<512xf32, #tpu.memory_space<vmem>>
    %dma_wait3A_985 = arith.constant 0 : i32
    %dma_wait3A_986 = tpu.memref_slice %arg11[%dma_wait3A_980, %dma_wait3A_985] : memref<32x512xi32, #tpu.memory_space<vmem>> -> memref<1x512xi32, #tpu.memory_space<vmem>>
    %dma_wait3A_987 = tpu.memref_squeeze %dma_wait3A_986 : memref<1x512xi32, #tpu.memory_space<vmem>> -> memref<512xi32, #tpu.memory_space<vmem>>
    %dma_wait3A_988 = arith.constant 0 : i32
    %dma_wait3A_989 = tpu.memref_slice %arg5[%dma_wait3A_988] : memref<32014336xf32, #tpu.memory_space<hbm>> -> memref<32014336xf32, #tpu.memory_space<hbm>>
    tpu.wait_indirect_dma semaphore(%arg16 : memref<!tpu.dma_semaphore, #tpu.memory_space<semaphore_mem>>) src(%dma_wait3A_989 : memref<32014336xf32, #tpu.memory_space<hbm>>) dst(%dma_wait3A_984 : memref<512xf32, #tpu.memory_space<vmem>>)
    %dma_wait3A_990 = arith.constant 17 : i32
    %dma_wait3A_991 = arith.constant 17 : i32
    %dma_wait3A_992 = arith.constant 0 : i32
    %dma_wait3A_993 = tpu.memref_slice %arg12[%dma_wait3A_991, %dma_wait3A_992] : memref<32x512xf32, #tpu.memory_space<vmem>> -> memref<1x512xf32, #tpu.memory_space<vmem>>
    %dma_wait3A_994 = tpu.memref_squeeze %dma_wait3A_993 : memref<1x512xf32, #tpu.memory_space<vmem>> -> memref<512xf32, #tpu.memory_space<vmem>>
    %dma_wait3A_995 = arith.constant 0 : i32
    %dma_wait3A_996 = tpu.memref_slice %arg10[%dma_wait3A_990, %dma_wait3A_995] : memref<32x512xi32, #tpu.memory_space<vmem>> -> memref<1x512xi32, #tpu.memory_space<vmem>>
    %dma_wait3A_997 = tpu.memref_squeeze %dma_wait3A_996 : memref<1x512xi32, #tpu.memory_space<vmem>> -> memref<512xi32, #tpu.memory_space<vmem>>
    %dma_wait3A_998 = arith.constant 0 : i32
    %dma_wait3A_999 = tpu.memref_slice %arg4[%dma_wait3A_998] : memref<32014336xf32, #tpu.memory_space<hbm>> -> memref<32014336xf32, #tpu.memory_space<hbm>>
    tpu.wait_indirect_dma semaphore(%arg16 : memref<!tpu.dma_semaphore, #tpu.memory_space<semaphore_mem>>) src(%dma_wait3A_999 : memref<32014336xf32, #tpu.memory_space<hbm>>) dst(%dma_wait3A_994 : memref<512xf32, #tpu.memory_space<vmem>>)
    %dma_wait3A_1000 = arith.constant 17 : i32
    %dma_wait3A_1001 = arith.constant 17 : i32
    %dma_wait3A_1002 = arith.constant 0 : i32
    %dma_wait3A_1003 = tpu.memref_slice %arg13[%dma_wait3A_1001, %dma_wait3A_1002] : memref<32x512xf32, #tpu.memory_space<vmem>> -> memref<1x512xf32, #tpu.memory_space<vmem>>
    %dma_wait3A_1004 = tpu.memref_squeeze %dma_wait3A_1003 : memref<1x512xf32, #tpu.memory_space<vmem>> -> memref<512xf32, #tpu.memory_space<vmem>>
    %dma_wait3A_1005 = arith.constant 0 : i32
    %dma_wait3A_1006 = tpu.memref_slice %arg11[%dma_wait3A_1000, %dma_wait3A_1005] : memref<32x512xi32, #tpu.memory_space<vmem>> -> memref<1x512xi32, #tpu.memory_space<vmem>>
    %dma_wait3A_1007 = tpu.memref_squeeze %dma_wait3A_1006 : memref<1x512xi32, #tpu.memory_space<vmem>> -> memref<512xi32, #tpu.memory_space<vmem>>
    %dma_wait3A_1008 = arith.constant 0 : i32
    %dma_wait3A_1009 = tpu.memref_slice %arg5[%dma_wait3A_1008] : memref<32014336xf32, #tpu.memory_space<hbm>> -> memref<32014336xf32, #tpu.memory_space<hbm>>
    tpu.wait_indirect_dma semaphore(%arg16 : memref<!tpu.dma_semaphore, #tpu.memory_space<semaphore_mem>>) src(%dma_wait3A_1009 : memref<32014336xf32, #tpu.memory_space<hbm>>) dst(%dma_wait3A_1004 : memref<512xf32, #tpu.memory_space<vmem>>)
    %dma_wait3A_1010 = arith.constant 18 : i32
    %dma_wait3A_1011 = arith.constant 18 : i32
    %dma_wait3A_1012 = arith.constant 0 : i32
    %dma_wait3A_1013 = tpu.memref_slice %arg12[%dma_wait3A_1011, %dma_wait3A_1012] : memref<32x512xf32, #tpu.memory_space<vmem>> -> memref<1x512xf32, #tpu.memory_space<vmem>>
    %dma_wait3A_1014 = tpu.memref_squeeze %dma_wait3A_1013 : memref<1x512xf32, #tpu.memory_space<vmem>> -> memref<512xf32, #tpu.memory_space<vmem>>
    %dma_wait3A_1015 = arith.constant 0 : i32
    %dma_wait3A_1016 = tpu.memref_slice %arg10[%dma_wait3A_1010, %dma_wait3A_1015] : memref<32x512xi32, #tpu.memory_space<vmem>> -> memref<1x512xi32, #tpu.memory_space<vmem>>
    %dma_wait3A_1017 = tpu.memref_squeeze %dma_wait3A_1016 : memref<1x512xi32, #tpu.memory_space<vmem>> -> memref<512xi32, #tpu.memory_space<vmem>>
    %dma_wait3A_1018 = arith.constant 0 : i32
    %dma_wait3A_1019 = tpu.memref_slice %arg4[%dma_wait3A_1018] : memref<32014336xf32, #tpu.memory_space<hbm>> -> memref<32014336xf32, #tpu.memory_space<hbm>>
    tpu.wait_indirect_dma semaphore(%arg16 : memref<!tpu.dma_semaphore, #tpu.memory_space<semaphore_mem>>) src(%dma_wait3A_1019 : memref<32014336xf32, #tpu.memory_space<hbm>>) dst(%dma_wait3A_1014 : memref<512xf32, #tpu.memory_space<vmem>>)
    %dma_wait3A_1020 = arith.constant 18 : i32
    %dma_wait3A_1021 = arith.constant 18 : i32
    %dma_wait3A_1022 = arith.constant 0 : i32
    %dma_wait3A_1023 = tpu.memref_slice %arg13[%dma_wait3A_1021, %dma_wait3A_1022] : memref<32x512xf32, #tpu.memory_space<vmem>> -> memref<1x512xf32, #tpu.memory_space<vmem>>
    %dma_wait3A_1024 = tpu.memref_squeeze %dma_wait3A_1023 : memref<1x512xf32, #tpu.memory_space<vmem>> -> memref<512xf32, #tpu.memory_space<vmem>>
    %dma_wait3A_1025 = arith.constant 0 : i32
    %dma_wait3A_1026 = tpu.memref_slice %arg11[%dma_wait3A_1020, %dma_wait3A_1025] : memref<32x512xi32, #tpu.memory_space<vmem>> -> memref<1x512xi32, #tpu.memory_space<vmem>>
    %dma_wait3A_1027 = tpu.memref_squeeze %dma_wait3A_1026 : memref<1x512xi32, #tpu.memory_space<vmem>> -> memref<512xi32, #tpu.memory_space<vmem>>
    %dma_wait3A_1028 = arith.constant 0 : i32
    %dma_wait3A_1029 = tpu.memref_slice %arg5[%dma_wait3A_1028] : memref<32014336xf32, #tpu.memory_space<hbm>> -> memref<32014336xf32, #tpu.memory_space<hbm>>
    tpu.wait_indirect_dma semaphore(%arg16 : memref<!tpu.dma_semaphore, #tpu.memory_space<semaphore_mem>>) src(%dma_wait3A_1029 : memref<32014336xf32, #tpu.memory_space<hbm>>) dst(%dma_wait3A_1024 : memref<512xf32, #tpu.memory_space<vmem>>)
    %dma_wait3A_1030 = arith.constant 19 : i32
    %dma_wait3A_1031 = arith.constant 19 : i32
    %dma_wait3A_1032 = arith.constant 0 : i32
    %dma_wait3A_1033 = tpu.memref_slice %arg12[%dma_wait3A_1031, %dma_wait3A_1032] : memref<32x512xf32, #tpu.memory_space<vmem>> -> memref<1x512xf32, #tpu.memory_space<vmem>>
    %dma_wait3A_1034 = tpu.memref_squeeze %dma_wait3A_1033 : memref<1x512xf32, #tpu.memory_space<vmem>> -> memref<512xf32, #tpu.memory_space<vmem>>
    %dma_wait3A_1035 = arith.constant 0 : i32
    %dma_wait3A_1036 = tpu.memref_slice %arg10[%dma_wait3A_1030, %dma_wait3A_1035] : memref<32x512xi32, #tpu.memory_space<vmem>> -> memref<1x512xi32, #tpu.memory_space<vmem>>
    %dma_wait3A_1037 = tpu.memref_squeeze %dma_wait3A_1036 : memref<1x512xi32, #tpu.memory_space<vmem>> -> memref<512xi32, #tpu.memory_space<vmem>>
    %dma_wait3A_1038 = arith.constant 0 : i32
    %dma_wait3A_1039 = tpu.memref_slice %arg4[%dma_wait3A_1038] : memref<32014336xf32, #tpu.memory_space<hbm>> -> memref<32014336xf32, #tpu.memory_space<hbm>>
    tpu.wait_indirect_dma semaphore(%arg16 : memref<!tpu.dma_semaphore, #tpu.memory_space<semaphore_mem>>) src(%dma_wait3A_1039 : memref<32014336xf32, #tpu.memory_space<hbm>>) dst(%dma_wait3A_1034 : memref<512xf32, #tpu.memory_space<vmem>>)
    %dma_wait3A_1040 = arith.constant 19 : i32
    %dma_wait3A_1041 = arith.constant 19 : i32
    %dma_wait3A_1042 = arith.constant 0 : i32
    %dma_wait3A_1043 = tpu.memref_slice %arg13[%dma_wait3A_1041, %dma_wait3A_1042] : memref<32x512xf32, #tpu.memory_space<vmem>> -> memref<1x512xf32, #tpu.memory_space<vmem>>
    %dma_wait3A_1044 = tpu.memref_squeeze %dma_wait3A_1043 : memref<1x512xf32, #tpu.memory_space<vmem>> -> memref<512xf32, #tpu.memory_space<vmem>>
    %dma_wait3A_1045 = arith.constant 0 : i32
    %dma_wait3A_1046 = tpu.memref_slice %arg11[%dma_wait3A_1040, %dma_wait3A_1045] : memref<32x512xi32, #tpu.memory_space<vmem>> -> memref<1x512xi32, #tpu.memory_space<vmem>>
    %dma_wait3A_1047 = tpu.memref_squeeze %dma_wait3A_1046 : memref<1x512xi32, #tpu.memory_space<vmem>> -> memref<512xi32, #tpu.memory_space<vmem>>
    %dma_wait3A_1048 = arith.constant 0 : i32
    %dma_wait3A_1049 = tpu.memref_slice %arg5[%dma_wait3A_1048] : memref<32014336xf32, #tpu.memory_space<hbm>> -> memref<32014336xf32, #tpu.memory_space<hbm>>
    tpu.wait_indirect_dma semaphore(%arg16 : memref<!tpu.dma_semaphore, #tpu.memory_space<semaphore_mem>>) src(%dma_wait3A_1049 : memref<32014336xf32, #tpu.memory_space<hbm>>) dst(%dma_wait3A_1044 : memref<512xf32, #tpu.memory_space<vmem>>)
    %dma_wait3A_1050 = arith.constant 20 : i32
    %dma_wait3A_1051 = arith.constant 20 : i32
    %dma_wait3A_1052 = arith.constant 0 : i32
    %dma_wait3A_1053 = tpu.memref_slice %arg12[%dma_wait3A_1051, %dma_wait3A_1052] : memref<32x512xf32, #tpu.memory_space<vmem>> -> memref<1x512xf32, #tpu.memory_space<vmem>>
    %dma_wait3A_1054 = tpu.memref_squeeze %dma_wait3A_1053 : memref<1x512xf32, #tpu.memory_space<vmem>> -> memref<512xf32, #tpu.memory_space<vmem>>
    %dma_wait3A_1055 = arith.constant 0 : i32
    %dma_wait3A_1056 = tpu.memref_slice %arg10[%dma_wait3A_1050, %dma_wait3A_1055] : memref<32x512xi32, #tpu.memory_space<vmem>> -> memref<1x512xi32, #tpu.memory_space<vmem>>
    %dma_wait3A_1057 = tpu.memref_squeeze %dma_wait3A_1056 : memref<1x512xi32, #tpu.memory_space<vmem>> -> memref<512xi32, #tpu.memory_space<vmem>>
    %dma_wait3A_1058 = arith.constant 0 : i32
    %dma_wait3A_1059 = tpu.memref_slice %arg4[%dma_wait3A_1058] : memref<32014336xf32, #tpu.memory_space<hbm>> -> memref<32014336xf32, #tpu.memory_space<hbm>>
    tpu.wait_indirect_dma semaphore(%arg16 : memref<!tpu.dma_semaphore, #tpu.memory_space<semaphore_mem>>) src(%dma_wait3A_1059 : memref<32014336xf32, #tpu.memory_space<hbm>>) dst(%dma_wait3A_1054 : memref<512xf32, #tpu.memory_space<vmem>>)
    %dma_wait3A_1060 = arith.constant 20 : i32
    %dma_wait3A_1061 = arith.constant 20 : i32
    %dma_wait3A_1062 = arith.constant 0 : i32
    %dma_wait3A_1063 = tpu.memref_slice %arg13[%dma_wait3A_1061, %dma_wait3A_1062] : memref<32x512xf32, #tpu.memory_space<vmem>> -> memref<1x512xf32, #tpu.memory_space<vmem>>
    %dma_wait3A_1064 = tpu.memref_squeeze %dma_wait3A_1063 : memref<1x512xf32, #tpu.memory_space<vmem>> -> memref<512xf32, #tpu.memory_space<vmem>>
    %dma_wait3A_1065 = arith.constant 0 : i32
    %dma_wait3A_1066 = tpu.memref_slice %arg11[%dma_wait3A_1060, %dma_wait3A_1065] : memref<32x512xi32, #tpu.memory_space<vmem>> -> memref<1x512xi32, #tpu.memory_space<vmem>>
    %dma_wait3A_1067 = tpu.memref_squeeze %dma_wait3A_1066 : memref<1x512xi32, #tpu.memory_space<vmem>> -> memref<512xi32, #tpu.memory_space<vmem>>
    %dma_wait3A_1068 = arith.constant 0 : i32
    %dma_wait3A_1069 = tpu.memref_slice %arg5[%dma_wait3A_1068] : memref<32014336xf32, #tpu.memory_space<hbm>> -> memref<32014336xf32, #tpu.memory_space<hbm>>
    tpu.wait_indirect_dma semaphore(%arg16 : memref<!tpu.dma_semaphore, #tpu.memory_space<semaphore_mem>>) src(%dma_wait3A_1069 : memref<32014336xf32, #tpu.memory_space<hbm>>) dst(%dma_wait3A_1064 : memref<512xf32, #tpu.memory_space<vmem>>)
    %dma_wait3A_1070 = arith.constant 21 : i32
    %dma_wait3A_1071 = arith.constant 21 : i32
    %dma_wait3A_1072 = arith.constant 0 : i32
    %dma_wait3A_1073 = tpu.memref_slice %arg12[%dma_wait3A_1071, %dma_wait3A_1072] : memref<32x512xf32, #tpu.memory_space<vmem>> -> memref<1x512xf32, #tpu.memory_space<vmem>>
    %dma_wait3A_1074 = tpu.memref_squeeze %dma_wait3A_1073 : memref<1x512xf32, #tpu.memory_space<vmem>> -> memref<512xf32, #tpu.memory_space<vmem>>
    %dma_wait3A_1075 = arith.constant 0 : i32
    %dma_wait3A_1076 = tpu.memref_slice %arg10[%dma_wait3A_1070, %dma_wait3A_1075] : memref<32x512xi32, #tpu.memory_space<vmem>> -> memref<1x512xi32, #tpu.memory_space<vmem>>
    %dma_wait3A_1077 = tpu.memref_squeeze %dma_wait3A_1076 : memref<1x512xi32, #tpu.memory_space<vmem>> -> memref<512xi32, #tpu.memory_space<vmem>>
    %dma_wait3A_1078 = arith.constant 0 : i32
    %dma_wait3A_1079 = tpu.memref_slice %arg4[%dma_wait3A_1078] : memref<32014336xf32, #tpu.memory_space<hbm>> -> memref<32014336xf32, #tpu.memory_space<hbm>>
    tpu.wait_indirect_dma semaphore(%arg16 : memref<!tpu.dma_semaphore, #tpu.memory_space<semaphore_mem>>) src(%dma_wait3A_1079 : memref<32014336xf32, #tpu.memory_space<hbm>>) dst(%dma_wait3A_1074 : memref<512xf32, #tpu.memory_space<vmem>>)
    %dma_wait3A_1080 = arith.constant 21 : i32
    %dma_wait3A_1081 = arith.constant 21 : i32
    %dma_wait3A_1082 = arith.constant 0 : i32
    %dma_wait3A_1083 = tpu.memref_slice %arg13[%dma_wait3A_1081, %dma_wait3A_1082] : memref<32x512xf32, #tpu.memory_space<vmem>> -> memref<1x512xf32, #tpu.memory_space<vmem>>
    %dma_wait3A_1084 = tpu.memref_squeeze %dma_wait3A_1083 : memref<1x512xf32, #tpu.memory_space<vmem>> -> memref<512xf32, #tpu.memory_space<vmem>>
    %dma_wait3A_1085 = arith.constant 0 : i32
    %dma_wait3A_1086 = tpu.memref_slice %arg11[%dma_wait3A_1080, %dma_wait3A_1085] : memref<32x512xi32, #tpu.memory_space<vmem>> -> memref<1x512xi32, #tpu.memory_space<vmem>>
    %dma_wait3A_1087 = tpu.memref_squeeze %dma_wait3A_1086 : memref<1x512xi32, #tpu.memory_space<vmem>> -> memref<512xi32, #tpu.memory_space<vmem>>
    %dma_wait3A_1088 = arith.constant 0 : i32
    %dma_wait3A_1089 = tpu.memref_slice %arg5[%dma_wait3A_1088] : memref<32014336xf32, #tpu.memory_space<hbm>> -> memref<32014336xf32, #tpu.memory_space<hbm>>
    tpu.wait_indirect_dma semaphore(%arg16 : memref<!tpu.dma_semaphore, #tpu.memory_space<semaphore_mem>>) src(%dma_wait3A_1089 : memref<32014336xf32, #tpu.memory_space<hbm>>) dst(%dma_wait3A_1084 : memref<512xf32, #tpu.memory_space<vmem>>)
    %dma_wait3A_1090 = arith.constant 22 : i32
    %dma_wait3A_1091 = arith.constant 22 : i32
    %dma_wait3A_1092 = arith.constant 0 : i32
    %dma_wait3A_1093 = tpu.memref_slice %arg12[%dma_wait3A_1091, %dma_wait3A_1092] : memref<32x512xf32, #tpu.memory_space<vmem>> -> memref<1x512xf32, #tpu.memory_space<vmem>>
    %dma_wait3A_1094 = tpu.memref_squeeze %dma_wait3A_1093 : memref<1x512xf32, #tpu.memory_space<vmem>> -> memref<512xf32, #tpu.memory_space<vmem>>
    %dma_wait3A_1095 = arith.constant 0 : i32
    %dma_wait3A_1096 = tpu.memref_slice %arg10[%dma_wait3A_1090, %dma_wait3A_1095] : memref<32x512xi32, #tpu.memory_space<vmem>> -> memref<1x512xi32, #tpu.memory_space<vmem>>
    %dma_wait3A_1097 = tpu.memref_squeeze %dma_wait3A_1096 : memref<1x512xi32, #tpu.memory_space<vmem>> -> memref<512xi32, #tpu.memory_space<vmem>>
    %dma_wait3A_1098 = arith.constant 0 : i32
    %dma_wait3A_1099 = tpu.memref_slice %arg4[%dma_wait3A_1098] : memref<32014336xf32, #tpu.memory_space<hbm>> -> memref<32014336xf32, #tpu.memory_space<hbm>>
    tpu.wait_indirect_dma semaphore(%arg16 : memref<!tpu.dma_semaphore, #tpu.memory_space<semaphore_mem>>) src(%dma_wait3A_1099 : memref<32014336xf32, #tpu.memory_space<hbm>>) dst(%dma_wait3A_1094 : memref<512xf32, #tpu.memory_space<vmem>>)
    %dma_wait3A_1100 = arith.constant 22 : i32
    %dma_wait3A_1101 = arith.constant 22 : i32
    %dma_wait3A_1102 = arith.constant 0 : i32
    %dma_wait3A_1103 = tpu.memref_slice %arg13[%dma_wait3A_1101, %dma_wait3A_1102] : memref<32x512xf32, #tpu.memory_space<vmem>> -> memref<1x512xf32, #tpu.memory_space<vmem>>
    %dma_wait3A_1104 = tpu.memref_squeeze %dma_wait3A_1103 : memref<1x512xf32, #tpu.memory_space<vmem>> -> memref<512xf32, #tpu.memory_space<vmem>>
    %dma_wait3A_1105 = arith.constant 0 : i32
    %dma_wait3A_1106 = tpu.memref_slice %arg11[%dma_wait3A_1100, %dma_wait3A_1105] : memref<32x512xi32, #tpu.memory_space<vmem>> -> memref<1x512xi32, #tpu.memory_space<vmem>>
    %dma_wait3A_1107 = tpu.memref_squeeze %dma_wait3A_1106 : memref<1x512xi32, #tpu.memory_space<vmem>> -> memref<512xi32, #tpu.memory_space<vmem>>
    %dma_wait3A_1108 = arith.constant 0 : i32
    %dma_wait3A_1109 = tpu.memref_slice %arg5[%dma_wait3A_1108] : memref<32014336xf32, #tpu.memory_space<hbm>> -> memref<32014336xf32, #tpu.memory_space<hbm>>
    tpu.wait_indirect_dma semaphore(%arg16 : memref<!tpu.dma_semaphore, #tpu.memory_space<semaphore_mem>>) src(%dma_wait3A_1109 : memref<32014336xf32, #tpu.memory_space<hbm>>) dst(%dma_wait3A_1104 : memref<512xf32, #tpu.memory_space<vmem>>)
    %dma_wait3A_1110 = arith.constant 23 : i32
    %dma_wait3A_1111 = arith.constant 23 : i32
    %dma_wait3A_1112 = arith.constant 0 : i32
    %dma_wait3A_1113 = tpu.memref_slice %arg12[%dma_wait3A_1111, %dma_wait3A_1112] : memref<32x512xf32, #tpu.memory_space<vmem>> -> memref<1x512xf32, #tpu.memory_space<vmem>>
    %dma_wait3A_1114 = tpu.memref_squeeze %dma_wait3A_1113 : memref<1x512xf32, #tpu.memory_space<vmem>> -> memref<512xf32, #tpu.memory_space<vmem>>
    %dma_wait3A_1115 = arith.constant 0 : i32
    %dma_wait3A_1116 = tpu.memref_slice %arg10[%dma_wait3A_1110, %dma_wait3A_1115] : memref<32x512xi32, #tpu.memory_space<vmem>> -> memref<1x512xi32, #tpu.memory_space<vmem>>
    %dma_wait3A_1117 = tpu.memref_squeeze %dma_wait3A_1116 : memref<1x512xi32, #tpu.memory_space<vmem>> -> memref<512xi32, #tpu.memory_space<vmem>>
    %dma_wait3A_1118 = arith.constant 0 : i32
    %dma_wait3A_1119 = tpu.memref_slice %arg4[%dma_wait3A_1118] : memref<32014336xf32, #tpu.memory_space<hbm>> -> memref<32014336xf32, #tpu.memory_space<hbm>>
    tpu.wait_indirect_dma semaphore(%arg16 : memref<!tpu.dma_semaphore, #tpu.memory_space<semaphore_mem>>) src(%dma_wait3A_1119 : memref<32014336xf32, #tpu.memory_space<hbm>>) dst(%dma_wait3A_1114 : memref<512xf32, #tpu.memory_space<vmem>>)
    %dma_wait3A_1120 = arith.constant 23 : i32
    %dma_wait3A_1121 = arith.constant 23 : i32
    %dma_wait3A_1122 = arith.constant 0 : i32
    %dma_wait3A_1123 = tpu.memref_slice %arg13[%dma_wait3A_1121, %dma_wait3A_1122] : memref<32x512xf32, #tpu.memory_space<vmem>> -> memref<1x512xf32, #tpu.memory_space<vmem>>
    %dma_wait3A_1124 = tpu.memref_squeeze %dma_wait3A_1123 : memref<1x512xf32, #tpu.memory_space<vmem>> -> memref<512xf32, #tpu.memory_space<vmem>>
    %dma_wait3A_1125 = arith.constant 0 : i32
    %dma_wait3A_1126 = tpu.memref_slice %arg11[%dma_wait3A_1120, %dma_wait3A_1125] : memref<32x512xi32, #tpu.memory_space<vmem>> -> memref<1x512xi32, #tpu.memory_space<vmem>>
    %dma_wait3A_1127 = tpu.memref_squeeze %dma_wait3A_1126 : memref<1x512xi32, #tpu.memory_space<vmem>> -> memref<512xi32, #tpu.memory_space<vmem>>
    %dma_wait3A_1128 = arith.constant 0 : i32
    %dma_wait3A_1129 = tpu.memref_slice %arg5[%dma_wait3A_1128] : memref<32014336xf32, #tpu.memory_space<hbm>> -> memref<32014336xf32, #tpu.memory_space<hbm>>
    tpu.wait_indirect_dma semaphore(%arg16 : memref<!tpu.dma_semaphore, #tpu.memory_space<semaphore_mem>>) src(%dma_wait3A_1129 : memref<32014336xf32, #tpu.memory_space<hbm>>) dst(%dma_wait3A_1124 : memref<512xf32, #tpu.memory_space<vmem>>)
    %dma_wait3A_1130 = arith.constant 24 : i32
    %dma_wait3A_1131 = arith.constant 24 : i32
    %dma_wait3A_1132 = arith.constant 0 : i32
    %dma_wait3A_1133 = tpu.memref_slice %arg12[%dma_wait3A_1131, %dma_wait3A_1132] : memref<32x512xf32, #tpu.memory_space<vmem>> -> memref<1x512xf32, #tpu.memory_space<vmem>>
    %dma_wait3A_1134 = tpu.memref_squeeze %dma_wait3A_1133 : memref<1x512xf32, #tpu.memory_space<vmem>> -> memref<512xf32, #tpu.memory_space<vmem>>
    %dma_wait3A_1135 = arith.constant 0 : i32
    %dma_wait3A_1136 = tpu.memref_slice %arg10[%dma_wait3A_1130, %dma_wait3A_1135] : memref<32x512xi32, #tpu.memory_space<vmem>> -> memref<1x512xi32, #tpu.memory_space<vmem>>
    %dma_wait3A_1137 = tpu.memref_squeeze %dma_wait3A_1136 : memref<1x512xi32, #tpu.memory_space<vmem>> -> memref<512xi32, #tpu.memory_space<vmem>>
    %dma_wait3A_1138 = arith.constant 0 : i32
    %dma_wait3A_1139 = tpu.memref_slice %arg4[%dma_wait3A_1138] : memref<32014336xf32, #tpu.memory_space<hbm>> -> memref<32014336xf32, #tpu.memory_space<hbm>>
    tpu.wait_indirect_dma semaphore(%arg16 : memref<!tpu.dma_semaphore, #tpu.memory_space<semaphore_mem>>) src(%dma_wait3A_1139 : memref<32014336xf32, #tpu.memory_space<hbm>>) dst(%dma_wait3A_1134 : memref<512xf32, #tpu.memory_space<vmem>>)
    %dma_wait3A_1140 = arith.constant 24 : i32
    %dma_wait3A_1141 = arith.constant 24 : i32
    %dma_wait3A_1142 = arith.constant 0 : i32
    %dma_wait3A_1143 = tpu.memref_slice %arg13[%dma_wait3A_1141, %dma_wait3A_1142] : memref<32x512xf32, #tpu.memory_space<vmem>> -> memref<1x512xf32, #tpu.memory_space<vmem>>
    %dma_wait3A_1144 = tpu.memref_squeeze %dma_wait3A_1143 : memref<1x512xf32, #tpu.memory_space<vmem>> -> memref<512xf32, #tpu.memory_space<vmem>>
    %dma_wait3A_1145 = arith.constant 0 : i32
    %dma_wait3A_1146 = tpu.memref_slice %arg11[%dma_wait3A_1140, %dma_wait3A_1145] : memref<32x512xi32, #tpu.memory_space<vmem>> -> memref<1x512xi32, #tpu.memory_space<vmem>>
    %dma_wait3A_1147 = tpu.memref_squeeze %dma_wait3A_1146 : memref<1x512xi32, #tpu.memory_space<vmem>> -> memref<512xi32, #tpu.memory_space<vmem>>
    %dma_wait3A_1148 = arith.constant 0 : i32
    %dma_wait3A_1149 = tpu.memref_slice %arg5[%dma_wait3A_1148] : memref<32014336xf32, #tpu.memory_space<hbm>> -> memref<32014336xf32, #tpu.memory_space<hbm>>
    tpu.wait_indirect_dma semaphore(%arg16 : memref<!tpu.dma_semaphore, #tpu.memory_space<semaphore_mem>>) src(%dma_wait3A_1149 : memref<32014336xf32, #tpu.memory_space<hbm>>) dst(%dma_wait3A_1144 : memref<512xf32, #tpu.memory_space<vmem>>)
    %dma_wait3A_1150 = arith.constant 25 : i32
    %dma_wait3A_1151 = arith.constant 25 : i32
    %dma_wait3A_1152 = arith.constant 0 : i32
    %dma_wait3A_1153 = tpu.memref_slice %arg12[%dma_wait3A_1151, %dma_wait3A_1152] : memref<32x512xf32, #tpu.memory_space<vmem>> -> memref<1x512xf32, #tpu.memory_space<vmem>>
    %dma_wait3A_1154 = tpu.memref_squeeze %dma_wait3A_1153 : memref<1x512xf32, #tpu.memory_space<vmem>> -> memref<512xf32, #tpu.memory_space<vmem>>
    %dma_wait3A_1155 = arith.constant 0 : i32
    %dma_wait3A_1156 = tpu.memref_slice %arg10[%dma_wait3A_1150, %dma_wait3A_1155] : memref<32x512xi32, #tpu.memory_space<vmem>> -> memref<1x512xi32, #tpu.memory_space<vmem>>
    %dma_wait3A_1157 = tpu.memref_squeeze %dma_wait3A_1156 : memref<1x512xi32, #tpu.memory_space<vmem>> -> memref<512xi32, #tpu.memory_space<vmem>>
    %dma_wait3A_1158 = arith.constant 0 : i32
    %dma_wait3A_1159 = tpu.memref_slice %arg4[%dma_wait3A_1158] : memref<32014336xf32, #tpu.memory_space<hbm>> -> memref<32014336xf32, #tpu.memory_space<hbm>>
    tpu.wait_indirect_dma semaphore(%arg16 : memref<!tpu.dma_semaphore, #tpu.memory_space<semaphore_mem>>) src(%dma_wait3A_1159 : memref<32014336xf32, #tpu.memory_space<hbm>>) dst(%dma_wait3A_1154 : memref<512xf32, #tpu.memory_space<vmem>>)
    %dma_wait3A_1160 = arith.constant 25 : i32
    %dma_wait3A_1161 = arith.constant 25 : i32
    %dma_wait3A_1162 = arith.constant 0 : i32
    %dma_wait3A_1163 = tpu.memref_slice %arg13[%dma_wait3A_1161, %dma_wait3A_1162] : memref<32x512xf32, #tpu.memory_space<vmem>> -> memref<1x512xf32, #tpu.memory_space<vmem>>
    %dma_wait3A_1164 = tpu.memref_squeeze %dma_wait3A_1163 : memref<1x512xf32, #tpu.memory_space<vmem>> -> memref<512xf32, #tpu.memory_space<vmem>>
    %dma_wait3A_1165 = arith.constant 0 : i32
    %dma_wait3A_1166 = tpu.memref_slice %arg11[%dma_wait3A_1160, %dma_wait3A_1165] : memref<32x512xi32, #tpu.memory_space<vmem>> -> memref<1x512xi32, #tpu.memory_space<vmem>>
    %dma_wait3A_1167 = tpu.memref_squeeze %dma_wait3A_1166 : memref<1x512xi32, #tpu.memory_space<vmem>> -> memref<512xi32, #tpu.memory_space<vmem>>
    %dma_wait3A_1168 = arith.constant 0 : i32
    %dma_wait3A_1169 = tpu.memref_slice %arg5[%dma_wait3A_1168] : memref<32014336xf32, #tpu.memory_space<hbm>> -> memref<32014336xf32, #tpu.memory_space<hbm>>
    tpu.wait_indirect_dma semaphore(%arg16 : memref<!tpu.dma_semaphore, #tpu.memory_space<semaphore_mem>>) src(%dma_wait3A_1169 : memref<32014336xf32, #tpu.memory_space<hbm>>) dst(%dma_wait3A_1164 : memref<512xf32, #tpu.memory_space<vmem>>)
    %dma_wait3A_1170 = arith.constant 26 : i32
    %dma_wait3A_1171 = arith.constant 26 : i32
    %dma_wait3A_1172 = arith.constant 0 : i32
    %dma_wait3A_1173 = tpu.memref_slice %arg12[%dma_wait3A_1171, %dma_wait3A_1172] : memref<32x512xf32, #tpu.memory_space<vmem>> -> memref<1x512xf32, #tpu.memory_space<vmem>>
    %dma_wait3A_1174 = tpu.memref_squeeze %dma_wait3A_1173 : memref<1x512xf32, #tpu.memory_space<vmem>> -> memref<512xf32, #tpu.memory_space<vmem>>
    %dma_wait3A_1175 = arith.constant 0 : i32
    %dma_wait3A_1176 = tpu.memref_slice %arg10[%dma_wait3A_1170, %dma_wait3A_1175] : memref<32x512xi32, #tpu.memory_space<vmem>> -> memref<1x512xi32, #tpu.memory_space<vmem>>
    %dma_wait3A_1177 = tpu.memref_squeeze %dma_wait3A_1176 : memref<1x512xi32, #tpu.memory_space<vmem>> -> memref<512xi32, #tpu.memory_space<vmem>>
    %dma_wait3A_1178 = arith.constant 0 : i32
    %dma_wait3A_1179 = tpu.memref_slice %arg4[%dma_wait3A_1178] : memref<32014336xf32, #tpu.memory_space<hbm>> -> memref<32014336xf32, #tpu.memory_space<hbm>>
    tpu.wait_indirect_dma semaphore(%arg16 : memref<!tpu.dma_semaphore, #tpu.memory_space<semaphore_mem>>) src(%dma_wait3A_1179 : memref<32014336xf32, #tpu.memory_space<hbm>>) dst(%dma_wait3A_1174 : memref<512xf32, #tpu.memory_space<vmem>>)
    %dma_wait3A_1180 = arith.constant 26 : i32
    %dma_wait3A_1181 = arith.constant 26 : i32
    %dma_wait3A_1182 = arith.constant 0 : i32
    %dma_wait3A_1183 = tpu.memref_slice %arg13[%dma_wait3A_1181, %dma_wait3A_1182] : memref<32x512xf32, #tpu.memory_space<vmem>> -> memref<1x512xf32, #tpu.memory_space<vmem>>
    %dma_wait3A_1184 = tpu.memref_squeeze %dma_wait3A_1183 : memref<1x512xf32, #tpu.memory_space<vmem>> -> memref<512xf32, #tpu.memory_space<vmem>>
    %dma_wait3A_1185 = arith.constant 0 : i32
    %dma_wait3A_1186 = tpu.memref_slice %arg11[%dma_wait3A_1180, %dma_wait3A_1185] : memref<32x512xi32, #tpu.memory_space<vmem>> -> memref<1x512xi32, #tpu.memory_space<vmem>>
    %dma_wait3A_1187 = tpu.memref_squeeze %dma_wait3A_1186 : memref<1x512xi32, #tpu.memory_space<vmem>> -> memref<512xi32, #tpu.memory_space<vmem>>
    %dma_wait3A_1188 = arith.constant 0 : i32
    %dma_wait3A_1189 = tpu.memref_slice %arg5[%dma_wait3A_1188] : memref<32014336xf32, #tpu.memory_space<hbm>> -> memref<32014336xf32, #tpu.memory_space<hbm>>
    tpu.wait_indirect_dma semaphore(%arg16 : memref<!tpu.dma_semaphore, #tpu.memory_space<semaphore_mem>>) src(%dma_wait3A_1189 : memref<32014336xf32, #tpu.memory_space<hbm>>) dst(%dma_wait3A_1184 : memref<512xf32, #tpu.memory_space<vmem>>)
    %dma_wait3A_1190 = arith.constant 27 : i32
    %dma_wait3A_1191 = arith.constant 27 : i32
    %dma_wait3A_1192 = arith.constant 0 : i32
    %dma_wait3A_1193 = tpu.memref_slice %arg12[%dma_wait3A_1191, %dma_wait3A_1192] : memref<32x512xf32, #tpu.memory_space<vmem>> -> memref<1x512xf32, #tpu.memory_space<vmem>>
    %dma_wait3A_1194 = tpu.memref_squeeze %dma_wait3A_1193 : memref<1x512xf32, #tpu.memory_space<vmem>> -> memref<512xf32, #tpu.memory_space<vmem>>
    %dma_wait3A_1195 = arith.constant 0 : i32
    %dma_wait3A_1196 = tpu.memref_slice %arg10[%dma_wait3A_1190, %dma_wait3A_1195] : memref<32x512xi32, #tpu.memory_space<vmem>> -> memref<1x512xi32, #tpu.memory_space<vmem>>
    %dma_wait3A_1197 = tpu.memref_squeeze %dma_wait3A_1196 : memref<1x512xi32, #tpu.memory_space<vmem>> -> memref<512xi32, #tpu.memory_space<vmem>>
    %dma_wait3A_1198 = arith.constant 0 : i32
    %dma_wait3A_1199 = tpu.memref_slice %arg4[%dma_wait3A_1198] : memref<32014336xf32, #tpu.memory_space<hbm>> -> memref<32014336xf32, #tpu.memory_space<hbm>>
    tpu.wait_indirect_dma semaphore(%arg16 : memref<!tpu.dma_semaphore, #tpu.memory_space<semaphore_mem>>) src(%dma_wait3A_1199 : memref<32014336xf32, #tpu.memory_space<hbm>>) dst(%dma_wait3A_1194 : memref<512xf32, #tpu.memory_space<vmem>>)
    %dma_wait3A_1200 = arith.constant 27 : i32
    %dma_wait3A_1201 = arith.constant 27 : i32
    %dma_wait3A_1202 = arith.constant 0 : i32
    %dma_wait3A_1203 = tpu.memref_slice %arg13[%dma_wait3A_1201, %dma_wait3A_1202] : memref<32x512xf32, #tpu.memory_space<vmem>> -> memref<1x512xf32, #tpu.memory_space<vmem>>
    %dma_wait3A_1204 = tpu.memref_squeeze %dma_wait3A_1203 : memref<1x512xf32, #tpu.memory_space<vmem>> -> memref<512xf32, #tpu.memory_space<vmem>>
    %dma_wait3A_1205 = arith.constant 0 : i32
    %dma_wait3A_1206 = tpu.memref_slice %arg11[%dma_wait3A_1200, %dma_wait3A_1205] : memref<32x512xi32, #tpu.memory_space<vmem>> -> memref<1x512xi32, #tpu.memory_space<vmem>>
    %dma_wait3A_1207 = tpu.memref_squeeze %dma_wait3A_1206 : memref<1x512xi32, #tpu.memory_space<vmem>> -> memref<512xi32, #tpu.memory_space<vmem>>
    %dma_wait3A_1208 = arith.constant 0 : i32
    %dma_wait3A_1209 = tpu.memref_slice %arg5[%dma_wait3A_1208] : memref<32014336xf32, #tpu.memory_space<hbm>> -> memref<32014336xf32, #tpu.memory_space<hbm>>
    tpu.wait_indirect_dma semaphore(%arg16 : memref<!tpu.dma_semaphore, #tpu.memory_space<semaphore_mem>>) src(%dma_wait3A_1209 : memref<32014336xf32, #tpu.memory_space<hbm>>) dst(%dma_wait3A_1204 : memref<512xf32, #tpu.memory_space<vmem>>)
    %dma_wait3A_1210 = arith.constant 28 : i32
    %dma_wait3A_1211 = arith.constant 28 : i32
    %dma_wait3A_1212 = arith.constant 0 : i32
    %dma_wait3A_1213 = tpu.memref_slice %arg12[%dma_wait3A_1211, %dma_wait3A_1212] : memref<32x512xf32, #tpu.memory_space<vmem>> -> memref<1x512xf32, #tpu.memory_space<vmem>>
    %dma_wait3A_1214 = tpu.memref_squeeze %dma_wait3A_1213 : memref<1x512xf32, #tpu.memory_space<vmem>> -> memref<512xf32, #tpu.memory_space<vmem>>
    %dma_wait3A_1215 = arith.constant 0 : i32
    %dma_wait3A_1216 = tpu.memref_slice %arg10[%dma_wait3A_1210, %dma_wait3A_1215] : memref<32x512xi32, #tpu.memory_space<vmem>> -> memref<1x512xi32, #tpu.memory_space<vmem>>
    %dma_wait3A_1217 = tpu.memref_squeeze %dma_wait3A_1216 : memref<1x512xi32, #tpu.memory_space<vmem>> -> memref<512xi32, #tpu.memory_space<vmem>>
    %dma_wait3A_1218 = arith.constant 0 : i32
    %dma_wait3A_1219 = tpu.memref_slice %arg4[%dma_wait3A_1218] : memref<32014336xf32, #tpu.memory_space<hbm>> -> memref<32014336xf32, #tpu.memory_space<hbm>>
    tpu.wait_indirect_dma semaphore(%arg16 : memref<!tpu.dma_semaphore, #tpu.memory_space<semaphore_mem>>) src(%dma_wait3A_1219 : memref<32014336xf32, #tpu.memory_space<hbm>>) dst(%dma_wait3A_1214 : memref<512xf32, #tpu.memory_space<vmem>>)
    %dma_wait3A_1220 = arith.constant 28 : i32
    %dma_wait3A_1221 = arith.constant 28 : i32
    %dma_wait3A_1222 = arith.constant 0 : i32
    %dma_wait3A_1223 = tpu.memref_slice %arg13[%dma_wait3A_1221, %dma_wait3A_1222] : memref<32x512xf32, #tpu.memory_space<vmem>> -> memref<1x512xf32, #tpu.memory_space<vmem>>
    %dma_wait3A_1224 = tpu.memref_squeeze %dma_wait3A_1223 : memref<1x512xf32, #tpu.memory_space<vmem>> -> memref<512xf32, #tpu.memory_space<vmem>>
    %dma_wait3A_1225 = arith.constant 0 : i32
    %dma_wait3A_1226 = tpu.memref_slice %arg11[%dma_wait3A_1220, %dma_wait3A_1225] : memref<32x512xi32, #tpu.memory_space<vmem>> -> memref<1x512xi32, #tpu.memory_space<vmem>>
    %dma_wait3A_1227 = tpu.memref_squeeze %dma_wait3A_1226 : memref<1x512xi32, #tpu.memory_space<vmem>> -> memref<512xi32, #tpu.memory_space<vmem>>
    %dma_wait3A_1228 = arith.constant 0 : i32
    %dma_wait3A_1229 = tpu.memref_slice %arg5[%dma_wait3A_1228] : memref<32014336xf32, #tpu.memory_space<hbm>> -> memref<32014336xf32, #tpu.memory_space<hbm>>
    tpu.wait_indirect_dma semaphore(%arg16 : memref<!tpu.dma_semaphore, #tpu.memory_space<semaphore_mem>>) src(%dma_wait3A_1229 : memref<32014336xf32, #tpu.memory_space<hbm>>) dst(%dma_wait3A_1224 : memref<512xf32, #tpu.memory_space<vmem>>)
    %dma_wait3A_1230 = arith.constant 29 : i32
    %dma_wait3A_1231 = arith.constant 29 : i32
    %dma_wait3A_1232 = arith.constant 0 : i32
    %dma_wait3A_1233 = tpu.memref_slice %arg12[%dma_wait3A_1231, %dma_wait3A_1232] : memref<32x512xf32, #tpu.memory_space<vmem>> -> memref<1x512xf32, #tpu.memory_space<vmem>>
    %dma_wait3A_1234 = tpu.memref_squeeze %dma_wait3A_1233 : memref<1x512xf32, #tpu.memory_space<vmem>> -> memref<512xf32, #tpu.memory_space<vmem>>
    %dma_wait3A_1235 = arith.constant 0 : i32
    %dma_wait3A_1236 = tpu.memref_slice %arg10[%dma_wait3A_1230, %dma_wait3A_1235] : memref<32x512xi32, #tpu.memory_space<vmem>> -> memref<1x512xi32, #tpu.memory_space<vmem>>
    %dma_wait3A_1237 = tpu.memref_squeeze %dma_wait3A_1236 : memref<1x512xi32, #tpu.memory_space<vmem>> -> memref<512xi32, #tpu.memory_space<vmem>>
    %dma_wait3A_1238 = arith.constant 0 : i32
    %dma_wait3A_1239 = tpu.memref_slice %arg4[%dma_wait3A_1238] : memref<32014336xf32, #tpu.memory_space<hbm>> -> memref<32014336xf32, #tpu.memory_space<hbm>>
    tpu.wait_indirect_dma semaphore(%arg16 : memref<!tpu.dma_semaphore, #tpu.memory_space<semaphore_mem>>) src(%dma_wait3A_1239 : memref<32014336xf32, #tpu.memory_space<hbm>>) dst(%dma_wait3A_1234 : memref<512xf32, #tpu.memory_space<vmem>>)
    %dma_wait3A_1240 = arith.constant 29 : i32
    %dma_wait3A_1241 = arith.constant 29 : i32
    %dma_wait3A_1242 = arith.constant 0 : i32
    %dma_wait3A_1243 = tpu.memref_slice %arg13[%dma_wait3A_1241, %dma_wait3A_1242] : memref<32x512xf32, #tpu.memory_space<vmem>> -> memref<1x512xf32, #tpu.memory_space<vmem>>
    %dma_wait3A_1244 = tpu.memref_squeeze %dma_wait3A_1243 : memref<1x512xf32, #tpu.memory_space<vmem>> -> memref<512xf32, #tpu.memory_space<vmem>>
    %dma_wait3A_1245 = arith.constant 0 : i32
    %dma_wait3A_1246 = tpu.memref_slice %arg11[%dma_wait3A_1240, %dma_wait3A_1245] : memref<32x512xi32, #tpu.memory_space<vmem>> -> memref<1x512xi32, #tpu.memory_space<vmem>>
    %dma_wait3A_1247 = tpu.memref_squeeze %dma_wait3A_1246 : memref<1x512xi32, #tpu.memory_space<vmem>> -> memref<512xi32, #tpu.memory_space<vmem>>
    %dma_wait3A_1248 = arith.constant 0 : i32
    %dma_wait3A_1249 = tpu.memref_slice %arg5[%dma_wait3A_1248] : memref<32014336xf32, #tpu.memory_space<hbm>> -> memref<32014336xf32, #tpu.memory_space<hbm>>
    tpu.wait_indirect_dma semaphore(%arg16 : memref<!tpu.dma_semaphore, #tpu.memory_space<semaphore_mem>>) src(%dma_wait3A_1249 : memref<32014336xf32, #tpu.memory_space<hbm>>) dst(%dma_wait3A_1244 : memref<512xf32, #tpu.memory_space<vmem>>)
    %dma_wait3A_1250 = arith.constant 30 : i32
    %dma_wait3A_1251 = arith.constant 30 : i32
    %dma_wait3A_1252 = arith.constant 0 : i32
    %dma_wait3A_1253 = tpu.memref_slice %arg12[%dma_wait3A_1251, %dma_wait3A_1252] : memref<32x512xf32, #tpu.memory_space<vmem>> -> memref<1x512xf32, #tpu.memory_space<vmem>>
    %dma_wait3A_1254 = tpu.memref_squeeze %dma_wait3A_1253 : memref<1x512xf32, #tpu.memory_space<vmem>> -> memref<512xf32, #tpu.memory_space<vmem>>
    %dma_wait3A_1255 = arith.constant 0 : i32
    %dma_wait3A_1256 = tpu.memref_slice %arg10[%dma_wait3A_1250, %dma_wait3A_1255] : memref<32x512xi32, #tpu.memory_space<vmem>> -> memref<1x512xi32, #tpu.memory_space<vmem>>
    %dma_wait3A_1257 = tpu.memref_squeeze %dma_wait3A_1256 : memref<1x512xi32, #tpu.memory_space<vmem>> -> memref<512xi32, #tpu.memory_space<vmem>>
    %dma_wait3A_1258 = arith.constant 0 : i32
    %dma_wait3A_1259 = tpu.memref_slice %arg4[%dma_wait3A_1258] : memref<32014336xf32, #tpu.memory_space<hbm>> -> memref<32014336xf32, #tpu.memory_space<hbm>>
    tpu.wait_indirect_dma semaphore(%arg16 : memref<!tpu.dma_semaphore, #tpu.memory_space<semaphore_mem>>) src(%dma_wait3A_1259 : memref<32014336xf32, #tpu.memory_space<hbm>>) dst(%dma_wait3A_1254 : memref<512xf32, #tpu.memory_space<vmem>>)
    %dma_wait3A_1260 = arith.constant 30 : i32
    %dma_wait3A_1261 = arith.constant 30 : i32
    %dma_wait3A_1262 = arith.constant 0 : i32
    %dma_wait3A_1263 = tpu.memref_slice %arg13[%dma_wait3A_1261, %dma_wait3A_1262] : memref<32x512xf32, #tpu.memory_space<vmem>> -> memref<1x512xf32, #tpu.memory_space<vmem>>
    %dma_wait3A_1264 = tpu.memref_squeeze %dma_wait3A_1263 : memref<1x512xf32, #tpu.memory_space<vmem>> -> memref<512xf32, #tpu.memory_space<vmem>>
    %dma_wait3A_1265 = arith.constant 0 : i32
    %dma_wait3A_1266 = tpu.memref_slice %arg11[%dma_wait3A_1260, %dma_wait3A_1265] : memref<32x512xi32, #tpu.memory_space<vmem>> -> memref<1x512xi32, #tpu.memory_space<vmem>>
    %dma_wait3A_1267 = tpu.memref_squeeze %dma_wait3A_1266 : memref<1x512xi32, #tpu.memory_space<vmem>> -> memref<512xi32, #tpu.memory_space<vmem>>
    %dma_wait3A_1268 = arith.constant 0 : i32
    %dma_wait3A_1269 = tpu.memref_slice %arg5[%dma_wait3A_1268] : memref<32014336xf32, #tpu.memory_space<hbm>> -> memref<32014336xf32, #tpu.memory_space<hbm>>
    tpu.wait_indirect_dma semaphore(%arg16 : memref<!tpu.dma_semaphore, #tpu.memory_space<semaphore_mem>>) src(%dma_wait3A_1269 : memref<32014336xf32, #tpu.memory_space<hbm>>) dst(%dma_wait3A_1264 : memref<512xf32, #tpu.memory_space<vmem>>)
    %dma_wait3A_1270 = arith.constant 31 : i32
    %dma_wait3A_1271 = arith.constant 31 : i32
    %dma_wait3A_1272 = arith.constant 0 : i32
    %dma_wait3A_1273 = tpu.memref_slice %arg12[%dma_wait3A_1271, %dma_wait3A_1272] : memref<32x512xf32, #tpu.memory_space<vmem>> -> memref<1x512xf32, #tpu.memory_space<vmem>>
    %dma_wait3A_1274 = tpu.memref_squeeze %dma_wait3A_1273 : memref<1x512xf32, #tpu.memory_space<vmem>> -> memref<512xf32, #tpu.memory_space<vmem>>
    %dma_wait3A_1275 = arith.constant 0 : i32
    %dma_wait3A_1276 = tpu.memref_slice %arg10[%dma_wait3A_1270, %dma_wait3A_1275] : memref<32x512xi32, #tpu.memory_space<vmem>> -> memref<1x512xi32, #tpu.memory_space<vmem>>
    %dma_wait3A_1277 = tpu.memref_squeeze %dma_wait3A_1276 : memref<1x512xi32, #tpu.memory_space<vmem>> -> memref<512xi32, #tpu.memory_space<vmem>>
    %dma_wait3A_1278 = arith.constant 0 : i32
    %dma_wait3A_1279 = tpu.memref_slice %arg4[%dma_wait3A_1278] : memref<32014336xf32, #tpu.memory_space<hbm>> -> memref<32014336xf32, #tpu.memory_space<hbm>>
    tpu.wait_indirect_dma semaphore(%arg16 : memref<!tpu.dma_semaphore, #tpu.memory_space<semaphore_mem>>) src(%dma_wait3A_1279 : memref<32014336xf32, #tpu.memory_space<hbm>>) dst(%dma_wait3A_1274 : memref<512xf32, #tpu.memory_space<vmem>>)
    %dma_wait3A_1280 = arith.constant 31 : i32
    %dma_wait3A_1281 = arith.constant 31 : i32
    %dma_wait3A_1282 = arith.constant 0 : i32
    %dma_wait3A_1283 = tpu.memref_slice %arg13[%dma_wait3A_1281, %dma_wait3A_1282] : memref<32x512xf32, #tpu.memory_space<vmem>> -> memref<1x512xf32, #tpu.memory_space<vmem>>
    %dma_wait3A_1284 = tpu.memref_squeeze %dma_wait3A_1283 : memref<1x512xf32, #tpu.memory_space<vmem>> -> memref<512xf32, #tpu.memory_space<vmem>>
    %dma_wait3A_1285 = arith.constant 0 : i32
    %dma_wait3A_1286 = tpu.memref_slice %arg11[%dma_wait3A_1280, %dma_wait3A_1285] : memref<32x512xi32, #tpu.memory_space<vmem>> -> memref<1x512xi32, #tpu.memory_space<vmem>>
    %dma_wait3A_1287 = tpu.memref_squeeze %dma_wait3A_1286 : memref<1x512xi32, #tpu.memory_space<vmem>> -> memref<512xi32, #tpu.memory_space<vmem>>
    %dma_wait3A_1288 = arith.constant 0 : i32
    %dma_wait3A_1289 = tpu.memref_slice %arg5[%dma_wait3A_1288] : memref<32014336xf32, #tpu.memory_space<hbm>> -> memref<32014336xf32, #tpu.memory_space<hbm>>
    tpu.wait_indirect_dma semaphore(%arg16 : memref<!tpu.dma_semaphore, #tpu.memory_space<semaphore_mem>>) src(%dma_wait3A_1289 : memref<32014336xf32, #tpu.memory_space<hbm>>) dst(%dma_wait3A_1284 : memref<512xf32, #tpu.memory_space<vmem>>)
    %scan3A_1290 = arith.constant 0 : i32
    %scan3A_1291 = arith.constant 0 : i32
    %scan3A_1292 = arith.constant 32 : i32
    %scan3A_1293 = arith.addi %scan3A_1291, %scan3A_1292 : i32
    %scan3A_1294 = arith.constant 1 : i32
    scf.for %scan3A_1296 = %scan3A_1291 to %scan3A_1293 step %scan3A_1294  : i32 {
      %mul3A_1297 = arith.constant 16 : i32
      %mul3A_1298 = arith.muli %scan3A_1296, %mul3A_1297 : i32
      %broadcast_in_dim3A = arith.constant 0.000000e+00 : f32
      %broadcast_in_dim3A_1299 = vector.broadcast %broadcast_in_dim3A : f32 to vector<16xf32>
      %broadcast_in_dim3A_1300 = arith.constant 0.000000e+00 : f32
      %broadcast_in_dim3A_1301 = vector.broadcast %broadcast_in_dim3A_1300 : f32 to vector<16xf32>
      %broadcast_in_dim3A_1302 = arith.constant 0.000000e+00 : f32
      %broadcast_in_dim3A_1303 = vector.broadcast %broadcast_in_dim3A_1302 : f32 to vector<16xf32>
      %broadcast_in_dim3A_1304 = arith.constant 0.000000e+00 : f32
      %broadcast_in_dim3A_1305 = vector.broadcast %broadcast_in_dim3A_1304 : f32 to vector<16xf32>
      %get3A = arith.constant 0 : i32
      %get3A_1306 = arith.index_cast %get3A : i32 to index
      %get3A_1307 = arith.index_cast %mul3A_1298 : i32 to index
      %get3A_1308 = tpu.vector_load %arg12[%get3A_1306, %get3A_1307] {strides = array<i32>} : memref<32x512xf32, #tpu.memory_space<vmem>>, vector<16xf32>,
      %get3A_1309 = arith.constant 0 : i32
      %get3A_1310 = arith.index_cast %get3A_1309 : i32 to index
      %get3A_1311 = arith.index_cast %mul3A_1298 : i32 to index
      %get3A_1312 = tpu.vector_load %arg13[%get3A_1310, %get3A_1311] {strides = array<i32>} : memref<32x512xf32, #tpu.memory_space<vmem>>, vector<16xf32>,
      %mul3A_1313 = arith.mulf %get3A_1308, %get3A_1312 : vector<16xf32>
      %add3A_1314 = arith.addf %broadcast_in_dim3A_1299, %mul3A_1313 : vector<16xf32>
      %get3A_1315 = arith.constant 1 : i32
      %get3A_1316 = arith.index_cast %get3A_1315 : i32 to index
      %get3A_1317 = arith.index_cast %mul3A_1298 : i32 to index
      %get3A_1318 = tpu.vector_load %arg12[%get3A_1316, %get3A_1317] {strides = array<i32>} : memref<32x512xf32, #tpu.memory_space<vmem>>, vector<16xf32>,
      %get3A_1319 = arith.constant 1 : i32
      %get3A_1320 = arith.index_cast %get3A_1319 : i32 to index
      %get3A_1321 = arith.index_cast %mul3A_1298 : i32 to index
      %get3A_1322 = tpu.vector_load %arg13[%get3A_1320, %get3A_1321] {strides = array<i32>} : memref<32x512xf32, #tpu.memory_space<vmem>>, vector<16xf32>,
      %mul3A_1323 = arith.mulf %get3A_1318, %get3A_1322 : vector<16xf32>
      %add3A_1324 = arith.addf %broadcast_in_dim3A_1301, %mul3A_1323 : vector<16xf32>
      %get3A_1325 = arith.constant 2 : i32
      %get3A_1326 = arith.index_cast %get3A_1325 : i32 to index
      %get3A_1327 = arith.index_cast %mul3A_1298 : i32 to index
      %get3A_1328 = tpu.vector_load %arg12[%get3A_1326, %get3A_1327] {strides = array<i32>} : memref<32x512xf32, #tpu.memory_space<vmem>>, vector<16xf32>,
      %get3A_1329 = arith.constant 2 : i32
      %get3A_1330 = arith.index_cast %get3A_1329 : i32 to index
      %get3A_1331 = arith.index_cast %mul3A_1298 : i32 to index
      %get3A_1332 = tpu.vector_load %arg13[%get3A_1330, %get3A_1331] {strides = array<i32>} : memref<32x512xf32, #tpu.memory_space<vmem>>, vector<16xf32>,
      %mul3A_1333 = arith.mulf %get3A_1328, %get3A_1332 : vector<16xf32>
      %add3A_1334 = arith.addf %broadcast_in_dim3A_1303, %mul3A_1333 : vector<16xf32>
      %get3A_1335 = arith.constant 3 : i32
      %get3A_1336 = arith.index_cast %get3A_1335 : i32 to index
      %get3A_1337 = arith.index_cast %mul3A_1298 : i32 to index
      %get3A_1338 = tpu.vector_load %arg12[%get3A_1336, %get3A_1337] {strides = array<i32>} : memref<32x512xf32, #tpu.memory_space<vmem>>, vector<16xf32>,
      %get3A_1339 = arith.constant 3 : i32
      %get3A_1340 = arith.index_cast %get3A_1339 : i32 to index
      %get3A_1341 = arith.index_cast %mul3A_1298 : i32 to index
      %get3A_1342 = tpu.vector_load %arg13[%get3A_1340, %get3A_1341] {strides = array<i32>} : memref<32x512xf32, #tpu.memory_space<vmem>>, vector<16xf32>,
      %mul3A_1343 = arith.mulf %get3A_1338, %get3A_1342 : vector<16xf32>
      %add3A_1344 = arith.addf %broadcast_in_dim3A_1305, %mul3A_1343 : vector<16xf32>
      %get3A_1345 = arith.constant 4 : i32
      %get3A_1346 = arith.index_cast %get3A_1345 : i32 to index
      %get3A_1347 = arith.index_cast %mul3A_1298 : i32 to index
      %get3A_1348 = tpu.vector_load %arg12[%get3A_1346, %get3A_1347] {strides = array<i32>} : memref<32x512xf32, #tpu.memory_space<vmem>>, vector<16xf32>,
      %get3A_1349 = arith.constant 4 : i32
      %get3A_1350 = arith.index_cast %get3A_1349 : i32 to index
      %get3A_1351 = arith.index_cast %mul3A_1298 : i32 to index
      %get3A_1352 = tpu.vector_load %arg13[%get3A_1350, %get3A_1351] {strides = array<i32>} : memref<32x512xf32, #tpu.memory_space<vmem>>, vector<16xf32>,
      %mul3A_1353 = arith.mulf %get3A_1348, %get3A_1352 : vector<16xf32>
      %add3A_1354 = arith.addf %add3A_1314, %mul3A_1353 : vector<16xf32>
      %get3A_1355 = arith.constant 5 : i32
      %get3A_1356 = arith.index_cast %get3A_1355 : i32 to index
      %get3A_1357 = arith.index_cast %mul3A_1298 : i32 to index
      %get3A_1358 = tpu.vector_load %arg12[%get3A_1356, %get3A_1357] {strides = array<i32>} : memref<32x512xf32, #tpu.memory_space<vmem>>, vector<16xf32>,
      %get3A_1359 = arith.constant 5 : i32
      %get3A_1360 = arith.index_cast %get3A_1359 : i32 to index
      %get3A_1361 = arith.index_cast %mul3A_1298 : i32 to index
      %get3A_1362 = tpu.vector_load %arg13[%get3A_1360, %get3A_1361] {strides = array<i32>} : memref<32x512xf32, #tpu.memory_space<vmem>>, vector<16xf32>,
      %mul3A_1363 = arith.mulf %get3A_1358, %get3A_1362 : vector<16xf32>
      %add3A_1364 = arith.addf %add3A_1324, %mul3A_1363 : vector<16xf32>
      %get3A_1365 = arith.constant 6 : i32
      %get3A_1366 = arith.index_cast %get3A_1365 : i32 to index
      %get3A_1367 = arith.index_cast %mul3A_1298 : i32 to index
      %get3A_1368 = tpu.vector_load %arg12[%get3A_1366, %get3A_1367] {strides = array<i32>} : memref<32x512xf32, #tpu.memory_space<vmem>>, vector<16xf32>,
      %get3A_1369 = arith.constant 6 : i32
      %get3A_1370 = arith.index_cast %get3A_1369 : i32 to index
      %get3A_1371 = arith.index_cast %mul3A_1298 : i32 to index
      %get3A_1372 = tpu.vector_load %arg13[%get3A_1370, %get3A_1371] {strides = array<i32>} : memref<32x512xf32, #tpu.memory_space<vmem>>, vector<16xf32>,
      %mul3A_1373 = arith.mulf %get3A_1368, %get3A_1372 : vector<16xf32>
      %add3A_1374 = arith.addf %add3A_1334, %mul3A_1373 : vector<16xf32>
      %get3A_1375 = arith.constant 7 : i32
      %get3A_1376 = arith.index_cast %get3A_1375 : i32 to index
      %get3A_1377 = arith.index_cast %mul3A_1298 : i32 to index
      %get3A_1378 = tpu.vector_load %arg12[%get3A_1376, %get3A_1377] {strides = array<i32>} : memref<32x512xf32, #tpu.memory_space<vmem>>, vector<16xf32>,
      %get3A_1379 = arith.constant 7 : i32
      %get3A_1380 = arith.index_cast %get3A_1379 : i32 to index
      %get3A_1381 = arith.index_cast %mul3A_1298 : i32 to index
      %get3A_1382 = tpu.vector_load %arg13[%get3A_1380, %get3A_1381] {strides = array<i32>} : memref<32x512xf32, #tpu.memory_space<vmem>>, vector<16xf32>,
      %mul3A_1383 = arith.mulf %get3A_1378, %get3A_1382 : vector<16xf32>
      %add3A_1384 = arith.addf %add3A_1344, %mul3A_1383 : vector<16xf32>
      %get3A_1385 = arith.constant 8 : i32
      %get3A_1386 = arith.index_cast %get3A_1385 : i32 to index
      %get3A_1387 = arith.index_cast %mul3A_1298 : i32 to index
      %get3A_1388 = tpu.vector_load %arg12[%get3A_1386, %get3A_1387] {strides = array<i32>} : memref<32x512xf32, #tpu.memory_space<vmem>>, vector<16xf32>,
      %get3A_1389 = arith.constant 8 : i32
      %get3A_1390 = arith.index_cast %get3A_1389 : i32 to index
      %get3A_1391 = arith.index_cast %mul3A_1298 : i32 to index
      %get3A_1392 = tpu.vector_load %arg13[%get3A_1390, %get3A_1391] {strides = array<i32>} : memref<32x512xf32, #tpu.memory_space<vmem>>, vector<16xf32>,
      %mul3A_1393 = arith.mulf %get3A_1388, %get3A_1392 : vector<16xf32>
      %add3A_1394 = arith.addf %add3A_1354, %mul3A_1393 : vector<16xf32>
      %get3A_1395 = arith.constant 9 : i32
      %get3A_1396 = arith.index_cast %get3A_1395 : i32 to index
      %get3A_1397 = arith.index_cast %mul3A_1298 : i32 to index
      %get3A_1398 = tpu.vector_load %arg12[%get3A_1396, %get3A_1397] {strides = array<i32>} : memref<32x512xf32, #tpu.memory_space<vmem>>, vector<16xf32>,
      %get3A_1399 = arith.constant 9 : i32
      %get3A_1400 = arith.index_cast %get3A_1399 : i32 to index
      %get3A_1401 = arith.index_cast %mul3A_1298 : i32 to index
      %get3A_1402 = tpu.vector_load %arg13[%get3A_1400, %get3A_1401] {strides = array<i32>} : memref<32x512xf32, #tpu.memory_space<vmem>>, vector<16xf32>,
      %mul3A_1403 = arith.mulf %get3A_1398, %get3A_1402 : vector<16xf32>
      %add3A_1404 = arith.addf %add3A_1364, %mul3A_1403 : vector<16xf32>
      %get3A_1405 = arith.constant 10 : i32
      %get3A_1406 = arith.index_cast %get3A_1405 : i32 to index
      %get3A_1407 = arith.index_cast %mul3A_1298 : i32 to index
      %get3A_1408 = tpu.vector_load %arg12[%get3A_1406, %get3A_1407] {strides = array<i32>} : memref<32x512xf32, #tpu.memory_space<vmem>>, vector<16xf32>,
      %get3A_1409 = arith.constant 10 : i32
      %get3A_1410 = arith.index_cast %get3A_1409 : i32 to index
      %get3A_1411 = arith.index_cast %mul3A_1298 : i32 to index
      %get3A_1412 = tpu.vector_load %arg13[%get3A_1410, %get3A_1411] {strides = array<i32>} : memref<32x512xf32, #tpu.memory_space<vmem>>, vector<16xf32>,
      %mul3A_1413 = arith.mulf %get3A_1408, %get3A_1412 : vector<16xf32>
      %add3A_1414 = arith.addf %add3A_1374, %mul3A_1413 : vector<16xf32>
      %get3A_1415 = arith.constant 11 : i32
      %get3A_1416 = arith.index_cast %get3A_1415 : i32 to index
      %get3A_1417 = arith.index_cast %mul3A_1298 : i32 to index
      %get3A_1418 = tpu.vector_load %arg12[%get3A_1416, %get3A_1417] {strides = array<i32>} : memref<32x512xf32, #tpu.memory_space<vmem>>, vector<16xf32>,
      %get3A_1419 = arith.constant 11 : i32
      %get3A_1420 = arith.index_cast %get3A_1419 : i32 to index
      %get3A_1421 = arith.index_cast %mul3A_1298 : i32 to index
      %get3A_1422 = tpu.vector_load %arg13[%get3A_1420, %get3A_1421] {strides = array<i32>} : memref<32x512xf32, #tpu.memory_space<vmem>>, vector<16xf32>,
      %mul3A_1423 = arith.mulf %get3A_1418, %get3A_1422 : vector<16xf32>
      %add3A_1424 = arith.addf %add3A_1384, %mul3A_1423 : vector<16xf32>
      %get3A_1425 = arith.constant 12 : i32
      %get3A_1426 = arith.index_cast %get3A_1425 : i32 to index
      %get3A_1427 = arith.index_cast %mul3A_1298 : i32 to index
      %get3A_1428 = tpu.vector_load %arg12[%get3A_1426, %get3A_1427] {strides = array<i32>} : memref<32x512xf32, #tpu.memory_space<vmem>>, vector<16xf32>,
      %get3A_1429 = arith.constant 12 : i32
      %get3A_1430 = arith.index_cast %get3A_1429 : i32 to index
      %get3A_1431 = arith.index_cast %mul3A_1298 : i32 to index
      %get3A_1432 = tpu.vector_load %arg13[%get3A_1430, %get3A_1431] {strides = array<i32>} : memref<32x512xf32, #tpu.memory_space<vmem>>, vector<16xf32>,
      %mul3A_1433 = arith.mulf %get3A_1428, %get3A_1432 : vector<16xf32>
      %add3A_1434 = arith.addf %add3A_1394, %mul3A_1433 : vector<16xf32>
      %get3A_1435 = arith.constant 13 : i32
      %get3A_1436 = arith.index_cast %get3A_1435 : i32 to index
      %get3A_1437 = arith.index_cast %mul3A_1298 : i32 to index
      %get3A_1438 = tpu.vector_load %arg12[%get3A_1436, %get3A_1437] {strides = array<i32>} : memref<32x512xf32, #tpu.memory_space<vmem>>, vector<16xf32>,
      %get3A_1439 = arith.constant 13 : i32
      %get3A_1440 = arith.index_cast %get3A_1439 : i32 to index
      %get3A_1441 = arith.index_cast %mul3A_1298 : i32 to index
      %get3A_1442 = tpu.vector_load %arg13[%get3A_1440, %get3A_1441] {strides = array<i32>} : memref<32x512xf32, #tpu.memory_space<vmem>>, vector<16xf32>,
      %mul3A_1443 = arith.mulf %get3A_1438, %get3A_1442 : vector<16xf32>
      %add3A_1444 = arith.addf %add3A_1404, %mul3A_1443 : vector<16xf32>
      %get3A_1445 = arith.constant 14 : i32
      %get3A_1446 = arith.index_cast %get3A_1445 : i32 to index
      %get3A_1447 = arith.index_cast %mul3A_1298 : i32 to index
      %get3A_1448 = tpu.vector_load %arg12[%get3A_1446, %get3A_1447] {strides = array<i32>} : memref<32x512xf32, #tpu.memory_space<vmem>>, vector<16xf32>,
      %get3A_1449 = arith.constant 14 : i32
      %get3A_1450 = arith.index_cast %get3A_1449 : i32 to index
      %get3A_1451 = arith.index_cast %mul3A_1298 : i32 to index
      %get3A_1452 = tpu.vector_load %arg13[%get3A_1450, %get3A_1451] {strides = array<i32>} : memref<32x512xf32, #tpu.memory_space<vmem>>, vector<16xf32>,
      %mul3A_1453 = arith.mulf %get3A_1448, %get3A_1452 : vector<16xf32>
      %add3A_1454 = arith.addf %add3A_1414, %mul3A_1453 : vector<16xf32>
      %get3A_1455 = arith.constant 15 : i32
      %get3A_1456 = arith.index_cast %get3A_1455 : i32 to index
      %get3A_1457 = arith.index_cast %mul3A_1298 : i32 to index
      %get3A_1458 = tpu.vector_load %arg12[%get3A_1456, %get3A_1457] {strides = array<i32>} : memref<32x512xf32, #tpu.memory_space<vmem>>, vector<16xf32>,
      %get3A_1459 = arith.constant 15 : i32
      %get3A_1460 = arith.index_cast %get3A_1459 : i32 to index
      %get3A_1461 = arith.index_cast %mul3A_1298 : i32 to index
      %get3A_1462 = tpu.vector_load %arg13[%get3A_1460, %get3A_1461] {strides = array<i32>} : memref<32x512xf32, #tpu.memory_space<vmem>>, vector<16xf32>,
      %mul3A_1463 = arith.mulf %get3A_1458, %get3A_1462 : vector<16xf32>
      %add3A_1464 = arith.addf %add3A_1424, %mul3A_1463 : vector<16xf32>
      %get3A_1465 = arith.constant 16 : i32
      %get3A_1466 = arith.index_cast %get3A_1465 : i32 to index
      %get3A_1467 = arith.index_cast %mul3A_1298 : i32 to index
      %get3A_1468 = tpu.vector_load %arg12[%get3A_1466, %get3A_1467] {strides = array<i32>} : memref<32x512xf32, #tpu.memory_space<vmem>>, vector<16xf32>,
      %get3A_1469 = arith.constant 16 : i32
      %get3A_1470 = arith.index_cast %get3A_1469 : i32 to index
      %get3A_1471 = arith.index_cast %mul3A_1298 : i32 to index
      %get3A_1472 = tpu.vector_load %arg13[%get3A_1470, %get3A_1471] {strides = array<i32>} : memref<32x512xf32, #tpu.memory_space<vmem>>, vector<16xf32>,
      %mul3A_1473 = arith.mulf %get3A_1468, %get3A_1472 : vector<16xf32>
      %add3A_1474 = arith.addf %add3A_1434, %mul3A_1473 : vector<16xf32>
      %get3A_1475 = arith.constant 17 : i32
      %get3A_1476 = arith.index_cast %get3A_1475 : i32 to index
      %get3A_1477 = arith.index_cast %mul3A_1298 : i32 to index
      %get3A_1478 = tpu.vector_load %arg12[%get3A_1476, %get3A_1477] {strides = array<i32>} : memref<32x512xf32, #tpu.memory_space<vmem>>, vector<16xf32>,
      %get3A_1479 = arith.constant 17 : i32
      %get3A_1480 = arith.index_cast %get3A_1479 : i32 to index
      %get3A_1481 = arith.index_cast %mul3A_1298 : i32 to index
      %get3A_1482 = tpu.vector_load %arg13[%get3A_1480, %get3A_1481] {strides = array<i32>} : memref<32x512xf32, #tpu.memory_space<vmem>>, vector<16xf32>,
      %mul3A_1483 = arith.mulf %get3A_1478, %get3A_1482 : vector<16xf32>
      %add3A_1484 = arith.addf %add3A_1444, %mul3A_1483 : vector<16xf32>
      %get3A_1485 = arith.constant 18 : i32
      %get3A_1486 = arith.index_cast %get3A_1485 : i32 to index
      %get3A_1487 = arith.index_cast %mul3A_1298 : i32 to index
      %get3A_1488 = tpu.vector_load %arg12[%get3A_1486, %get3A_1487] {strides = array<i32>} : memref<32x512xf32, #tpu.memory_space<vmem>>, vector<16xf32>,
      %get3A_1489 = arith.constant 18 : i32
      %get3A_1490 = arith.index_cast %get3A_1489 : i32 to index
      %get3A_1491 = arith.index_cast %mul3A_1298 : i32 to index
      %get3A_1492 = tpu.vector_load %arg13[%get3A_1490, %get3A_1491] {strides = array<i32>} : memref<32x512xf32, #tpu.memory_space<vmem>>, vector<16xf32>,
      %mul3A_1493 = arith.mulf %get3A_1488, %get3A_1492 : vector<16xf32>
      %add3A_1494 = arith.addf %add3A_1454, %mul3A_1493 : vector<16xf32>
      %get3A_1495 = arith.constant 19 : i32
      %get3A_1496 = arith.index_cast %get3A_1495 : i32 to index
      %get3A_1497 = arith.index_cast %mul3A_1298 : i32 to index
      %get3A_1498 = tpu.vector_load %arg12[%get3A_1496, %get3A_1497] {strides = array<i32>} : memref<32x512xf32, #tpu.memory_space<vmem>>, vector<16xf32>,
      %get3A_1499 = arith.constant 19 : i32
      %get3A_1500 = arith.index_cast %get3A_1499 : i32 to index
      %get3A_1501 = arith.index_cast %mul3A_1298 : i32 to index
      %get3A_1502 = tpu.vector_load %arg13[%get3A_1500, %get3A_1501] {strides = array<i32>} : memref<32x512xf32, #tpu.memory_space<vmem>>, vector<16xf32>,
      %mul3A_1503 = arith.mulf %get3A_1498, %get3A_1502 : vector<16xf32>
      %add3A_1504 = arith.addf %add3A_1464, %mul3A_1503 : vector<16xf32>
      %get3A_1505 = arith.constant 20 : i32
      %get3A_1506 = arith.index_cast %get3A_1505 : i32 to index
      %get3A_1507 = arith.index_cast %mul3A_1298 : i32 to index
      %get3A_1508 = tpu.vector_load %arg12[%get3A_1506, %get3A_1507] {strides = array<i32>} : memref<32x512xf32, #tpu.memory_space<vmem>>, vector<16xf32>,
      %get3A_1509 = arith.constant 20 : i32
      %get3A_1510 = arith.index_cast %get3A_1509 : i32 to index
      %get3A_1511 = arith.index_cast %mul3A_1298 : i32 to index
      %get3A_1512 = tpu.vector_load %arg13[%get3A_1510, %get3A_1511] {strides = array<i32>} : memref<32x512xf32, #tpu.memory_space<vmem>>, vector<16xf32>,
      %mul3A_1513 = arith.mulf %get3A_1508, %get3A_1512 : vector<16xf32>
      %add3A_1514 = arith.addf %add3A_1474, %mul3A_1513 : vector<16xf32>
      %get3A_1515 = arith.constant 21 : i32
      %get3A_1516 = arith.index_cast %get3A_1515 : i32 to index
      %get3A_1517 = arith.index_cast %mul3A_1298 : i32 to index
      %get3A_1518 = tpu.vector_load %arg12[%get3A_1516, %get3A_1517] {strides = array<i32>} : memref<32x512xf32, #tpu.memory_space<vmem>>, vector<16xf32>,
      %get3A_1519 = arith.constant 21 : i32
      %get3A_1520 = arith.index_cast %get3A_1519 : i32 to index
      %get3A_1521 = arith.index_cast %mul3A_1298 : i32 to index
      %get3A_1522 = tpu.vector_load %arg13[%get3A_1520, %get3A_1521] {strides = array<i32>} : memref<32x512xf32, #tpu.memory_space<vmem>>, vector<16xf32>,
      %mul3A_1523 = arith.mulf %get3A_1518, %get3A_1522 : vector<16xf32>
      %add3A_1524 = arith.addf %add3A_1484, %mul3A_1523 : vector<16xf32>
      %get3A_1525 = arith.constant 22 : i32
      %get3A_1526 = arith.index_cast %get3A_1525 : i32 to index
      %get3A_1527 = arith.index_cast %mul3A_1298 : i32 to index
      %get3A_1528 = tpu.vector_load %arg12[%get3A_1526, %get3A_1527] {strides = array<i32>} : memref<32x512xf32, #tpu.memory_space<vmem>>, vector<16xf32>,
      %get3A_1529 = arith.constant 22 : i32
      %get3A_1530 = arith.index_cast %get3A_1529 : i32 to index
      %get3A_1531 = arith.index_cast %mul3A_1298 : i32 to index
      %get3A_1532 = tpu.vector_load %arg13[%get3A_1530, %get3A_1531] {strides = array<i32>} : memref<32x512xf32, #tpu.memory_space<vmem>>, vector<16xf32>,
      %mul3A_1533 = arith.mulf %get3A_1528, %get3A_1532 : vector<16xf32>
      %add3A_1534 = arith.addf %add3A_1494, %mul3A_1533 : vector<16xf32>
      %get3A_1535 = arith.constant 23 : i32
      %get3A_1536 = arith.index_cast %get3A_1535 : i32 to index
      %get3A_1537 = arith.index_cast %mul3A_1298 : i32 to index
      %get3A_1538 = tpu.vector_load %arg12[%get3A_1536, %get3A_1537] {strides = array<i32>} : memref<32x512xf32, #tpu.memory_space<vmem>>, vector<16xf32>,
      %get3A_1539 = arith.constant 23 : i32
      %get3A_1540 = arith.index_cast %get3A_1539 : i32 to index
      %get3A_1541 = arith.index_cast %mul3A_1298 : i32 to index
      %get3A_1542 = tpu.vector_load %arg13[%get3A_1540, %get3A_1541] {strides = array<i32>} : memref<32x512xf32, #tpu.memory_space<vmem>>, vector<16xf32>,
      %mul3A_1543 = arith.mulf %get3A_1538, %get3A_1542 : vector<16xf32>
      %add3A_1544 = arith.addf %add3A_1504, %mul3A_1543 : vector<16xf32>
      %get3A_1545 = arith.constant 24 : i32
      %get3A_1546 = arith.index_cast %get3A_1545 : i32 to index
      %get3A_1547 = arith.index_cast %mul3A_1298 : i32 to index
      %get3A_1548 = tpu.vector_load %arg12[%get3A_1546, %get3A_1547] {strides = array<i32>} : memref<32x512xf32, #tpu.memory_space<vmem>>, vector<16xf32>,
      %get3A_1549 = arith.constant 24 : i32
      %get3A_1550 = arith.index_cast %get3A_1549 : i32 to index
      %get3A_1551 = arith.index_cast %mul3A_1298 : i32 to index
      %get3A_1552 = tpu.vector_load %arg13[%get3A_1550, %get3A_1551] {strides = array<i32>} : memref<32x512xf32, #tpu.memory_space<vmem>>, vector<16xf32>,
      %mul3A_1553 = arith.mulf %get3A_1548, %get3A_1552 : vector<16xf32>
      %add3A_1554 = arith.addf %add3A_1514, %mul3A_1553 : vector<16xf32>
      %get3A_1555 = arith.constant 25 : i32
      %get3A_1556 = arith.index_cast %get3A_1555 : i32 to index
      %get3A_1557 = arith.index_cast %mul3A_1298 : i32 to index
      %get3A_1558 = tpu.vector_load %arg12[%get3A_1556, %get3A_1557] {strides = array<i32>} : memref<32x512xf32, #tpu.memory_space<vmem>>, vector<16xf32>,
      %get3A_1559 = arith.constant 25 : i32
      %get3A_1560 = arith.index_cast %get3A_1559 : i32 to index
      %get3A_1561 = arith.index_cast %mul3A_1298 : i32 to index
      %get3A_1562 = tpu.vector_load %arg13[%get3A_1560, %get3A_1561] {strides = array<i32>} : memref<32x512xf32, #tpu.memory_space<vmem>>, vector<16xf32>,
      %mul3A_1563 = arith.mulf %get3A_1558, %get3A_1562 : vector<16xf32>
      %add3A_1564 = arith.addf %add3A_1524, %mul3A_1563 : vector<16xf32>
      %get3A_1565 = arith.constant 26 : i32
      %get3A_1566 = arith.index_cast %get3A_1565 : i32 to index
      %get3A_1567 = arith.index_cast %mul3A_1298 : i32 to index
      %get3A_1568 = tpu.vector_load %arg12[%get3A_1566, %get3A_1567] {strides = array<i32>} : memref<32x512xf32, #tpu.memory_space<vmem>>, vector<16xf32>,
      %get3A_1569 = arith.constant 26 : i32
      %get3A_1570 = arith.index_cast %get3A_1569 : i32 to index
      %get3A_1571 = arith.index_cast %mul3A_1298 : i32 to index
      %get3A_1572 = tpu.vector_load %arg13[%get3A_1570, %get3A_1571] {strides = array<i32>} : memref<32x512xf32, #tpu.memory_space<vmem>>, vector<16xf32>,
      %mul3A_1573 = arith.mulf %get3A_1568, %get3A_1572 : vector<16xf32>
      %add3A_1574 = arith.addf %add3A_1534, %mul3A_1573 : vector<16xf32>
      %get3A_1575 = arith.constant 27 : i32
      %get3A_1576 = arith.index_cast %get3A_1575 : i32 to index
      %get3A_1577 = arith.index_cast %mul3A_1298 : i32 to index
      %get3A_1578 = tpu.vector_load %arg12[%get3A_1576, %get3A_1577] {strides = array<i32>} : memref<32x512xf32, #tpu.memory_space<vmem>>, vector<16xf32>,
      %get3A_1579 = arith.constant 27 : i32
      %get3A_1580 = arith.index_cast %get3A_1579 : i32 to index
      %get3A_1581 = arith.index_cast %mul3A_1298 : i32 to index
      %get3A_1582 = tpu.vector_load %arg13[%get3A_1580, %get3A_1581] {strides = array<i32>} : memref<32x512xf32, #tpu.memory_space<vmem>>, vector<16xf32>,
      %mul3A_1583 = arith.mulf %get3A_1578, %get3A_1582 : vector<16xf32>
      %add3A_1584 = arith.addf %add3A_1544, %mul3A_1583 : vector<16xf32>
      %get3A_1585 = arith.constant 28 : i32
      %get3A_1586 = arith.index_cast %get3A_1585 : i32 to index
      %get3A_1587 = arith.index_cast %mul3A_1298 : i32 to index
      %get3A_1588 = tpu.vector_load %arg12[%get3A_1586, %get3A_1587] {strides = array<i32>} : memref<32x512xf32, #tpu.memory_space<vmem>>, vector<16xf32>,
      %get3A_1589 = arith.constant 28 : i32
      %get3A_1590 = arith.index_cast %get3A_1589 : i32 to index
      %get3A_1591 = arith.index_cast %mul3A_1298 : i32 to index
      %get3A_1592 = tpu.vector_load %arg13[%get3A_1590, %get3A_1591] {strides = array<i32>} : memref<32x512xf32, #tpu.memory_space<vmem>>, vector<16xf32>,
      %mul3A_1593 = arith.mulf %get3A_1588, %get3A_1592 : vector<16xf32>
      %add3A_1594 = arith.addf %add3A_1554, %mul3A_1593 : vector<16xf32>
      %get3A_1595 = arith.constant 29 : i32
      %get3A_1596 = arith.index_cast %get3A_1595 : i32 to index
      %get3A_1597 = arith.index_cast %mul3A_1298 : i32 to index
      %get3A_1598 = tpu.vector_load %arg12[%get3A_1596, %get3A_1597] {strides = array<i32>} : memref<32x512xf32, #tpu.memory_space<vmem>>, vector<16xf32>,
      %get3A_1599 = arith.constant 29 : i32
      %get3A_1600 = arith.index_cast %get3A_1599 : i32 to index
      %get3A_1601 = arith.index_cast %mul3A_1298 : i32 to index
      %get3A_1602 = tpu.vector_load %arg13[%get3A_1600, %get3A_1601] {strides = array<i32>} : memref<32x512xf32, #tpu.memory_space<vmem>>, vector<16xf32>,
      %mul3A_1603 = arith.mulf %get3A_1598, %get3A_1602 : vector<16xf32>
      %add3A_1604 = arith.addf %add3A_1564, %mul3A_1603 : vector<16xf32>
      %get3A_1605 = arith.constant 30 : i32
      %get3A_1606 = arith.index_cast %get3A_1605 : i32 to index
      %get3A_1607 = arith.index_cast %mul3A_1298 : i32 to index
      %get3A_1608 = tpu.vector_load %arg12[%get3A_1606, %get3A_1607] {strides = array<i32>} : memref<32x512xf32, #tpu.memory_space<vmem>>, vector<16xf32>,
      %get3A_1609 = arith.constant 30 : i32
      %get3A_1610 = arith.index_cast %get3A_1609 : i32 to index
      %get3A_1611 = arith.index_cast %mul3A_1298 : i32 to index
      %get3A_1612 = tpu.vector_load %arg13[%get3A_1610, %get3A_1611] {strides = array<i32>} : memref<32x512xf32, #tpu.memory_space<vmem>>, vector<16xf32>,
      %mul3A_1613 = arith.mulf %get3A_1608, %get3A_1612 : vector<16xf32>
      %add3A_1614 = arith.addf %add3A_1574, %mul3A_1613 : vector<16xf32>
      %get3A_1615 = arith.constant 31 : i32
      %get3A_1616 = arith.index_cast %get3A_1615 : i32 to index
      %get3A_1617 = arith.index_cast %mul3A_1298 : i32 to index
      %get3A_1618 = tpu.vector_load %arg12[%get3A_1616, %get3A_1617] {strides = array<i32>} : memref<32x512xf32, #tpu.memory_space<vmem>>, vector<16xf32>,
      %get3A_1619 = arith.constant 31 : i32
      %get3A_1620 = arith.index_cast %get3A_1619 : i32 to index
      %get3A_1621 = arith.index_cast %mul3A_1298 : i32 to index
      %get3A_1622 = tpu.vector_load %arg13[%get3A_1620, %get3A_1621] {strides = array<i32>} : memref<32x512xf32, #tpu.memory_space<vmem>>, vector<16xf32>,
      %mul3A_1623 = arith.mulf %get3A_1618, %get3A_1622 : vector<16xf32>
      %add3A_1624 = arith.addf %add3A_1584, %mul3A_1623 : vector<16xf32>
      %add3A_1625 = arith.addf %add3A_1594, %add3A_1604 : vector<16xf32>
      %add3A_1626 = arith.addf %add3A_1614, %add3A_1624 : vector<16xf32>
      %add3A_1627 = arith.addf %add3A_1625, %add3A_1626 : vector<16xf32>
      %get3A_1628 = arith.index_cast %mul3A_1298 : i32 to index
      %get3A_1629 = tpu.vector_load %arg14[%get3A_1628] {strides = array<i32>} : memref<512xf32, #tpu.memory_space<vmem>>, vector<16xf32>,
      %add3A_1630 = arith.addf %add3A_1627, %get3A_1629 : vector<16xf32>
      %swap3A = arith.index_cast %mul3A_1298 : i32 to index
      %swap3A_1631 = tpu.vector_load %arg15[%swap3A] {strides = array<i32>} : memref<512xf32, #tpu.memory_space<vmem>>, vector<16xf32>,
      tpu.vector_store %arg15[%swap3A], %add3A_1630 {strides = array<i32>} : memref<512xf32, #tpu.memory_space<vmem>>, vector<16xf32>,
    }
    %scan3A_1295 = arith.constant 32 : i32
    "tpu.region"() ({
      %run_scoped3A = tpu.sem_alloc : memref<!tpu.dma_semaphore, #tpu.memory_space<semaphore_mem>>
      %dma_start3A_1296 = tpu.memref_slice %arg7[%mul3A_2] : memref<16384xf32, #tpu.memory_space<hbm>> -> memref<512xf32, #tpu.memory_space<hbm>>
      %dma_start3A_1297 = tpu.memref_slice %arg7[%mul3A_2] : memref<16384xf32, #tpu.memory_space<hbm>> -> memref<512xf32, #tpu.memory_space<hbm>>
      tpu.enqueue_dma source(%arg15 : memref<512xf32, #tpu.memory_space<vmem>>) target(%dma_start3A_1297 : memref<512xf32, #tpu.memory_space<hbm>>) target_semaphore(%run_scoped3A : memref<!tpu.dma_semaphore, #tpu.memory_space<semaphore_mem>>)
      %dma_wait3A_1298 = tpu.memref_slice %arg7[%mul3A_2] : memref<16384xf32, #tpu.memory_space<hbm>> -> memref<512xf32, #tpu.memory_space<hbm>>
      %dma_wait3A_1299 = tpu.memref_slice %arg7[%mul3A_2] : memref<16384xf32, #tpu.memory_space<hbm>> -> memref<512xf32, #tpu.memory_space<hbm>>
      tpu.wait_dma2 semaphore(%run_scoped3A : memref<!tpu.dma_semaphore, #tpu.memory_space<semaphore_mem>>) src(%arg15 : memref<512xf32, #tpu.memory_space<vmem>>) dst(%dma_wait3A_1299 : memref<512xf32, #tpu.memory_space<hbm>>)
      tpu.yield
    }) : () -> ()
    return
  }
}

module attributes {stable_mosaic.version = 14 : i64} {
  func.func @body(%arg0: i32, %arg1: i32, %arg2: memref<8x125056xf32, #tpu.memory_space<vmem>>, %arg3: memref<8x125056xf32, #tpu.memory_space<vmem>>, %arg4: memref<7816x128xf32, #tpu.memory_space<vmem>>, %arg5: memref<7816x128xf32, #tpu.memory_space<vmem>>) attributes {dimension_semantics = [#tpu.dimension_semantics<arbitrary>, #tpu.dimension_semantics<arbitrary>], iteration_bounds = array<i64: 4, 8>, scalar_prefetch = 0 : i64, scratch_operands = 0 : i64, tpu.core_type = #tpu.core_type<tc>, window_params = [{transform_indices = @transform_0, window_bounds = array<i64: 8, 125056>}, {transform_indices = @transform_1, window_bounds = array<i64: 8, 125056>}, {transform_indices = @transform_2, window_bounds = array<i64: 7816, 128>}, {transform_indices = @transform_3, window_bounds = array<i64: 7816, 128>}]} {
    %get3A = arith.constant 0 : index
    %get3A_0 = arith.constant 0 : index
    %get3A_1 = vector.load %arg2[%get3A, %get3A_0] : memref<8x125056xf32, #tpu.memory_space<vmem>>, vector<8x125056xf32>
    %reshape3A = vector.shape_cast %get3A_1 : vector<8x125056xf32> to vector<8x977x128xf32>
    %transpose3A = tpu.transpose %reshape3A, [1, 0, 2] : vector<8x977x128xf32> -> vector<977x8x128xf32>
    %reshape3A_2 = vector.shape_cast %transpose3A : vector<977x8x128xf32> to vector<7816x128xf32>
    %swap3A = arith.constant 0 : index
    %swap3A_3 = arith.constant 0 : index
    %swap3A_4 = vector.load %arg4[%swap3A, %swap3A_3] : memref<7816x128xf32, #tpu.memory_space<vmem>>, vector<7816x128xf32>
    tpu.vector_store %arg4[%swap3A, %swap3A_3], %reshape3A_2 {strides = array<i32>} : memref<7816x128xf32, #tpu.memory_space<vmem>>, vector<7816x128xf32>,
    %get3A_5 = arith.constant 0 : index
    %get3A_6 = arith.constant 0 : index
    %get3A_7 = vector.load %arg3[%get3A_5, %get3A_6] : memref<8x125056xf32, #tpu.memory_space<vmem>>, vector<8x125056xf32>
    %reshape3A_8 = vector.shape_cast %get3A_7 : vector<8x125056xf32> to vector<8x977x128xf32>
    %transpose3A_9 = tpu.transpose %reshape3A_8, [1, 0, 2] : vector<8x977x128xf32> -> vector<977x8x128xf32>
    %reshape3A_10 = vector.shape_cast %transpose3A_9 : vector<977x8x128xf32> to vector<7816x128xf32>
    %swap3A_11 = arith.constant 0 : index
    %swap3A_12 = arith.constant 0 : index
    %swap3A_13 = vector.load %arg5[%swap3A_11, %swap3A_12] : memref<7816x128xf32, #tpu.memory_space<vmem>>, vector<7816x128xf32>
    tpu.vector_store %arg5[%swap3A_11, %swap3A_12], %reshape3A_10 {strides = array<i32>} : memref<7816x128xf32, #tpu.memory_space<vmem>>, vector<7816x128xf32>,
    return
  }
  func.func @transform_0(%arg0: i32, %arg1: i32) -> (i32, i32) {
    %c0_i32 = arith.constant 0 : i32
    return %arg0, %arg1 : i32, i32
  }
  func.func @transform_1(%arg0: i32, %arg1: i32) -> (i32, i32) {
    %c0_i32 = arith.constant 0 : i32
    return %arg0, %arg1 : i32, i32
  }
  func.func @transform_2(%arg0: i32, %arg1: i32) -> (i32, i32) {
    %mul3A = arith.constant 8 : i32
    %mul3A_0 = arith.muli %arg0, %mul3A : i32
    %add3A = arith.addi %mul3A_0, %arg1 : i32
    %c0_i32 = arith.constant 0 : i32
    %c0_i32_1 = arith.constant 0 : i32
    return %add3A, %c0_i32 : i32, i32
  }
  func.func @transform_3(%arg0: i32, %arg1: i32) -> (i32, i32) {
    %mul3A = arith.constant 8 : i32
    %mul3A_0 = arith.muli %arg0, %mul3A : i32
    %add3A = arith.addi %mul3A_0, %arg1 : i32
    %c0_i32 = arith.constant 0 : i32
    %c0_i32_1 = arith.constant 0 : i32
    return %add3A, %c0_i32 : i32, i32
  }
}

</mosaic_0001>

<sc_bundles>
// kernel: kernel.4.cloned.1.call-start
scs
__scs_entry_jumppad:
0x0: {  	(pc) =	sbr.rel $0x88, $3  }
0x1: {  	(tag) =	ssettag $0x0;
	lr =	simm.s32 $0x1  }
0x2: {  	[smem:$0x3F9C] =	sst lr;
	_ =	strace $0xD0000000  }
0x3: {  	_ = 	snop  }
0x4: {  	_ = 	snop  }
0x5: {  	_ = 	snop  }
0x6: {  	_ = 	snop  }
0x7: {  	_ = 	snop  }
__scs_overlays_trampoline_lowered:
0x8: {  	[smem:$0x3FAB] =	sst s0  }
0x9: {  	[smem:$0x3FAC] =	sst s1  }
0xa: {  	[smem:$0x3FAD] =	sst s2  }
0xb: {  	[smem:$0x3FAE] =	sst s3  }
0xc: {  	[smem:$0x3FAF] =	sst s4  }
0xd: {  	[smem:$0x3FB0] =	sst s5  }
0xe: {  	[smem:$0x3FB1] =	sst s6  }
0xf: {  	[smem:$0x3FB2] =	sst s7  }
0x10: {  	[smem:$0x3FB3] =	sst s8  }
0x11: {  	[smem:$0x3FB4] =	sst s9;
	s0 =	simm.s32 @!p0 $0x0  }
0x12: {  	s1 =	sld [smem:$0x3F9A];
	s0 =	simm.s32 @p0 $0x1  }
0x13: {  	[smem:$0x3FB5] =	sst s0;
	s0 =	simm.s32 @!p1 $0x0  }
0x14: {  	s2 =	sld [smem:$0x3F99];
	s0 =	simm.s32 @p1 $0x1  }
0x15: {  	[smem:$0x3FB6] =	sst s0;
	s0 =	simm.s32 @!p2 $0x0  }
0x16: {  	s3 =	sld [smem:$0x3FDB];
	s0 =	simm.s32 @p2 $0x1  }
0x17: {  	s4 =	simm.s32 $0x1BF5;
	[smem:$0x3FB8] =	sst s0  }
0x18: {  	s0 =	sld [smem:$0x3F9B];
	_ =	swait.ge [sflag:s4], $0x0  }
0x19: {  	s7 =	sld [smem:$0x3F9C]  }
0x1a: {  	s8 =	sadd.s32 $0xFFFFE003, lr  }
0x1b: {  	s9 =	sadd.s32 $0xFFFFFEF7, lr;
	s5 =	simm.s32 $0xFFFFFFFF;
	p2 =	slt.u32 s8, $0xFFFFF086  }
0x1c: {  	p1 =	slt.u32 s9, $0xF7A;
	s5 =	simm.s32 @!p2 $0x0  }
0x1d: {  	s5 =	simm.s32 @p1 $0x1;
	p0 =	seq.s32 s7, s2  }
0x1e: {  	s7 =	smul.u32 @!p0 $0xF7A, s2;
	p2 =	seq.s32 @!p0 s5, $0x0  }
0x1f: {  	s9 =	smul.u32 $0xF7A, s1;
	s8 =	simm.s32 @!p0 $0x1BF5;
	p2 =	por !p2, p0  }
0x20: {  	[sflag:s8] =	ssyncset.s32 @!p0 $0xFFFFF086;
	s6 =	sadd.s32 @!p0 s3, s7;
	s7 =	simm.s32 @!p0 $0x108  }
0x21: {  	s3 =	sadd.s32 s3, s9;
	s6 =	sadd.s32 @!p0 $0x88, s6;
	s7 =	simm.s32 @p2 $0x1082  }
0x22: {  	[simem:s7], [sflag:s8] =	dma.local @!p0 [hbm:s6], $0xF7A  }
0x23: {  	s9 =	sor.u32 $0xD0000000, s2;
	s6 =	simm.s32 $0x108;
	_ =	swait.ge @!p0 [sflag:s8], $0x0  }
0x24: {  	s3 =	sadd.s32 $0x88, s3;
	s6 =	simm.s32 @!p1 $0x1082;
	[sflag:s4] =	ssyncset.s32 $0xFFFFF086  }
0x25: {  	[simem:s6], [sflag:s4] =	dma.local [hbm:s3], $0xF7A  }
0x26: {  	[smem:$0x3F9C] =	sst s1;
	(tag) =	ssettag s2;
	_ =	strace s9  }
0x27: {  	s1 =	sld [smem:$0x3FAC]  }
0x28: {  	s2 =	sld [smem:$0x3FAD]  }
0x29: {  	s4 =	sld [smem:$0x3FAF]  }
0x2a: {  	p0 =	seq.s32 s5, $0x0;
	s5 =	sld [smem:$0x3FB0]  }
0x2b: {  	s6 =	sld [smem:$0x3FB1]  }
0x2c: {  	s7 =	sld [smem:$0x3FB2]  }
0x2d: {  	s3 =	simm.s32 $0x108;
	s8 =	sld [smem:$0x3FB3]  }
0x2e: {  	s3 =	simm.s32 @!p0 $0x1082;
	s9 =	sld [smem:$0x3FB4]  }
0x2f: {  	lr =	sadd.s32 s0, s3;
	s0 =	sld [smem:$0x3FAB]  }
0x30: {  	s3 =	sld [smem:$0x3FAE]  }
0x31: {  	[smem:$0x3FB7] =	sst s10  }
0x32: {  	s10 =	sld [smem:$0x3FB5];
	_ =	sdelay $0x3  }
0x33: {  	p0 =	seq.s32 s10, $0x1;
	s10 =	sld [smem:$0x3FB7];
	_ =	sdelay $0x3  }
0x34: {  	[smem:$0x3FB7] =	sst s10  }
0x35: {  	s10 =	sld [smem:$0x3FB6];
	_ =	sdelay $0x3  }
0x36: {  	p1 =	seq.s32 s10, $0x1;
	s10 =	sld [smem:$0x3FB7];
	_ =	sdelay $0x3  }
0x37: {  	[smem:$0x3FB7] =	sst s10  }
0x38: {  	s10 =	sld [smem:$0x3FB8]  }
0x39: {  	_ = 	snop;
	(pc) =	sbr.ind lr, $3  }
0x3a: {  	_ = 	snop  }
0x3b: {  	_ = 	snop  }
0x3c: {  	p2 =	seq.s32 s10, $0x1;
	s10 =	sld [smem:$0x3FB7]  }
0x3d: {  	_ =	shalt  }
0x3e: {  	_ =	shalt  }
0x3f: {  	_ =	shalt  }
0x40: {  	_ =	shalt  }
0x41: {  	_ =	shalt  }
0x42: {  	_ =	shalt  }
0x43: {  	_ =	shalt  }
0x44: {  	_ =	shalt  }
0x45: {  	_ =	shalt  }
0x46: {  	_ =	shalt  }
0x47: {  	_ =	shalt  }
0x48: {  	_ =	shalt  }
0x49: {  	_ =	shalt  }
0x4a: {  	_ =	shalt  }
0x4b: {  	_ =	shalt  }
0x4c: {  	_ =	shalt  }
0x4d: {  	_ =	shalt  }
0x4e: {  	_ =	shalt  }
0x4f: {  	_ =	shalt  }
0x50: {  	_ =	shalt  }
0x51: {  	_ =	shalt  }
0x52: {  	_ =	shalt  }
0x53: {  	_ =	shalt  }
0x54: {  	_ =	shalt  }
0x55: {  	_ =	shalt  }
0x56: {  	_ =	shalt  }
0x57: {  	_ =	shalt  }
0x58: {  	_ =	shalt  }
0x59: {  	_ =	shalt  }
0x5a: {  	_ =	shalt  }
0x5b: {  	_ =	shalt  }
0x5c: {  	_ =	shalt  }
0x5d: {  	_ =	shalt  }
0x5e: {  	_ =	shalt  }
0x5f: {  	_ =	shalt  }
0x60: {  	_ =	shalt  }
0x61: {  	_ =	shalt  }
0x62: {  	_ =	shalt  }
0x63: {  	_ =	shalt  }
0x64: {  	_ =	shalt  }
0x65: {  	_ =	shalt  }
0x66: {  	_ =	shalt  }
0x67: {  	_ =	shalt  }
0x68: {  	_ =	shalt  }
0x69: {  	_ =	shalt  }
0x6a: {  	_ =	shalt  }
0x6b: {  	_ =	shalt  }
0x6c: {  	_ =	shalt  }
0x6d: {  	_ =	shalt  }
0x6e: {  	_ =	shalt  }
0x6f: {  	_ =	shalt  }
0x70: {  	_ =	shalt  }
0x71: {  	_ =	shalt  }
0x72: {  	_ =	shalt  }
0x73: {  	_ =	shalt  }
0x74: {  	_ =	shalt  }
0x75: {  	_ =	shalt  }
0x76: {  	_ =	shalt  }
0x77: {  	_ =	shalt  }
0x78: {  	_ =	shalt  }
0x79: {  	_ =	shalt  }
0x7a: {  	_ =	shalt  }
0x7b: {  	_ =	shalt  }
0x7c: {  	_ =	shalt  }
0x7d: {  	_ =	shalt  }
0x7e: {  	_ =	shalt  }
0x7f: {  	_ =	shalt  }
0x80: {  	_ =	shalt  }
0x81: {  	_ =	shalt  }
0x82: {  	_ =	shalt  }
0x83: {  	_ =	shalt  }
0x84: {  	_ =	shalt  }
0x85: {  	_ =	shalt  }
0x86: {  	_ =	shalt  }
0x87: {  	_ =	shalt  }
.Lfunc_end0:
.L_simem_size_0:
called_computation_lowered:
.L_overlay_start_0:
0x88: {  	s2 =	sld [smem:$0x3FD9]  }
0x89: {  	s3 =	sld [smem:$0x3FFE];
	_ =	sdelay $0x1  }
0x8a: {  	s1 =	srdreg.scid  }
0x8b: {  	s0 =	sand.u32 $0x1, s1  }
0x8c: {  	s17 =	sshll.u32 s0, $0xA;
	s2 =	sadd.s32 s3, s2  }
0x8d: {  	s2 =	sadd.s32 s2, s17  }
0x8e: {  	[smem:$0x3FC3] =	sst s2  }
0x8f: {  	_ = 	snop  }
0x90: {  	s2 =	sld [smem:$0x3FC9]  }
0x91: {  	s18 =	sld [smem:$0x3FC8]  }
0x92: {  	s4 =	sld [smem:$0x3FD0];
	(tm) =	ssettm $0x1  }
0x93: {  	s5 =	sld [smem:$0x3FFB];
	_ =	sdelay $0x3  }
0x94: {  	_ =	strace s5  }
0x95: {  	s5 =	sld [smem:$0x3FFC];
	_ =	sdelay $0x3  }
0x96: {  	_ =	strace s5  }
0x97: {  	s5 =	sld [smem:$0x3FFD];
	_ =	sdelay $0x3  }
0x98: {  	_ =	strace s5  }
0x99: {  	_ =	strace $0x8FFFFFFF  }
0x9a: {  	s19 =	sld [smem:$0x3FDB];
	_ =	sdelay $0x1  }
0x9b: {  	s6 =	simm.s32 $_scs_section_size  }
0x9c: {  	s7 =	simm.s32 $_size__tile_overlayer_lowered;
	s8 =	simm.s32 $_tile_overlayer_lowered  }
0x9d: {  	s22 =	simm.s32 $0x1BFF;
	s21 =	sshll.u32 s8, $0x1;
	s5 =	sadd.s32 s6, s19  }
0x9e: {  	s9 =	simm.s32 $0x0;
	s20 =	sshll.u32 s7, $0x1;
	s7 =	sadd.s32 s21, s5  }
0x9f: {  	[timem:s9], [sflag:s22] =	dma.local [hbm:s7], s20  }
0xa0: {  	_ =	swait.ge [sflag:s22], s20  }
0xa1: {  	s6 =	ssub.s32 $0x0, s20;
	[sflag:s22] =	ssyncset.done $0x0  }
0xa2: {  	[sflag:s22] =	ssyncadd.s32 s6;
	_ =	sdelay $0x1  }
0xa3: {  	s23 =	simm.s32 $0x1B8B  }
0xa4: {  	_ =	swait.ge [sflag:s23], $0x1  }
0xa5: {  	[sflag:s23] =	ssyncset.done $0x0  }
0xa6: {  	s25 =	simm.s32 $0x1B8E;
	s24 =	sld [smem:$0x3FFE];
	[sflag:s23] =	ssyncadd.s32 $0xFFFFFFFF  }
0xa7: {  	s26 =	simm.s32 $execute0_lowered;
	[smem:$0x3FD2] =	sst s25  }
0xa8: {  	s7 =	sshll.u32 s26, $0x1;
	_ =	strace $0x80000046;
	[dreg:$0x1] =	wrdreg $0xFFFFFFFF  }
0xa9: {  	s28 =	simm.s32 $_size_execute0_lowered;
	s5 =	sadd.s32 s5, s7;
	[dreg:$0x0] =	wrdreg $0x0  }
0xaa: {  	s7 =	sshll.u32 s28, $0x1;
	[dreg:$0x2] =	wrdreg s5  }
0xab: {  	[dreg:$0x3] =	wrdreg s7  }
0xac: {  	[dreg:$0x4] =	wrdreg $0xC0  }
0xad: {  	_ =	task [dreg:s9], $0x5FFFF  }
0xae: {  	[dreg:$0x1] =	wrdreg $0xFFFFFFFF  }
0xaf: {  	[dreg:$0x0] =	wrdreg $0x60  }
0xb0: {  	[dreg:$0x2] =	wrdreg s2  }
0xb1: {  	[dreg:$0x3] =	wrdreg s18  }
0xb2: {  	[dreg:$0x4] =	wrdreg s24  }
0xb3: {  	[dreg:$0x5] =	wrdreg s4  }
0xb4: {  	[dreg:$0x6] =	wrdreg $0x9  }
0xb5: {  	_ =	task.clear_ibuf [dreg:s9], $0x7FFFF;
	_ =	strace $0x90000046  }
0xb6: {  	s29 =	simm.s32 $0x9;
	_ =	strace $0x80000048  }
0xb7: {  	_ =	swait.ge [sflag:s29], $0x1  }
0xb8: {  	[sflag:s29] =	ssyncadd.s32 $0xFFFFFFFF  }
0xb9: {  	_ =	strace $0x90000048  }
0xba: {  	_ =	sfence  }
0xbb: {  	s30 =	sld [smem:$0x0];
	_ =	sdelay $0x2  }
0xbc: {  	s31 =	sshll.u32 s1, $0xD;
	s1 =	sshrl.u32 s1, $0x2  }
0xbd: {  	s3 =	sand.u32 $0x4000, s31;
	s1 =	sadd.s32 s1, s30  }
0xbe: {  	s0 =	sor.u32 s3, s0;
	s1 =	sshll.u32 s1, $0x11  }
0xbf: {  	s0 =	sor.u32 s1, s0  }
0xc0: {  	s0 =	sadd.s32 $0x8F2B, s0  }
0xc1: {  	[sflag:s0] =	ssyncadd.remote.s32 $0x1  }
0xc2: {  	_ =	sfence.sel $0xFFFF  }
0xc3: {  	[dreg:$0x0] =	wrdreg $0xFFFFFFFF;
	(pc) =	sbr.abs _section_cstart, $3  }
0xc4: {  	[dreg:$0x1] =	wrdreg $0xFFFFFFFF  }
0xc5: {  	_ =	task.clear_ibuf [dreg:s9], $0x2FFFF;
	_ =	strace $0x9FFFFFFF  }
0xc6: {  	(tm) =	ssettm $0x7FFFFFFF  }
0xc7: {  	_ =	shalt  }
tec
execute0_lowered:
.L_overlay_start_1:
0x0: {  	(tag) =	ssettag $0x1  }
0x1: {  	s0 =	rddreg [dreg:$0x0]  }
0x2: {  	s2 =	rddreg [dreg:$0x1]  }
0x3: {  	s5 =	rddreg [dreg:$0x2]  }
0x4: {  	s8 =	rddreg [dreg:$0x3]  }
0x5: {  	s1 =	simm.s32 $0x0;
	s4 =	srdreg.scid;
	s10 =	stileid.u32  }
0x6: {  	s11 =	simm.s32 $0x200;
	s21 =	simm.s32 $0xBC00;
	s22 =	simm.s32 $0x7C00  }
0x7: {  	s23 =	simm.s32 $0xFC00;
	s24 =	simm.s32 $0x3E00;
	s25 =	simm.s32 $0xBE00  }
0x8: {  	s26 =	simm.s32 $0x7E00;
	s28 =	simm.s32 $0xFE00;
	s29 =	simm.s32 $0x4000  }
0x9: {  	s30 =	simm.s32 $0xC000;
	s31 =	simm.s32 $0x8000;
	s12 =	simm.s32 $0xC200  }
0xa: {  	s13 =	simm.s32 $0x8200;
	s14 =	simm.s32 $0x10200;
	s15 =	simm.s32 $0x1  }
0xb: {  	s16 =	simm.s32 $0x10600;
	s17 =	simm.s32 $0x0;
	[smem:$0x7FF] =	sst s1  }
0xc: {  	s3 =	sadd.s32 $0x1EC00, s5;
	s6 =	sand.u32 $0x1, s4;
	s4 =	sadd.s32 $0x3EFC00, s5  }
0xd: {  	s10 =	sshll.u32 s10, $0x7;
	s7 =	ssub.s32 $0x2, s6;
	s6 =	sshll.u32 s6, $0x6  }
0xe: {  	s5 =	sadd.s32 $0x200, s5;
	s9 =	sshrl.u32 s7, $0x1;
	s10 =	sor.u32 s6, s10  }
0xf: {  	_ =	strace $0x80000047;
	s9 =	ssub.s32 s7, s9;
	s6 =	sadd.s32 s0, s10  }
0x10: {  	s7 =	sadd.s32 s2, s10;
	s8 =	sadd.s32 s8, s10;
	s10 =	simm.s32 $0x2  }
0x11: {  	s0 =	simm.s32 $0x10000;
	s2 =	simm.s32 $0x4200;
	s9 =	smax.u32 s9, $0x1  }
.LBB2_1:
0x12: {  	[tilespmem:s1], [sflag:$0x2] =	stream.linear.gather [hbm4b:s6+s1], $0x200, $0x38;
	[tilespmem:$0x10800] =	vst v63  }
0x13: {  	_ =	swait.ge [sflag:s10], $0x200  }
0x14: {  	[sflag:s10] =	ssyncset.done $0x0  }
0x15: {  	[sflag:s10] =	ssyncadd.s32 $0xFFFFFE00  }
0x16: {  	[tilespmem:s11], [sflag:$0x2] =	stream.linear.gather [hbm4b:s7+s1], $0x200, $0x38;
	[tilespmem:$0x10800] =	vst v63  }
0x17: {  	_ =	swait.ge [sflag:s10], $0x200  }
0x18: {  	[sflag:s10] =	ssyncset.done $0x0  }
0x19: {  	s18 =	simm.s32 $0x10400;
	[sflag:s10] =	ssyncadd.s32 $0xFFFFFE00  }
0x1a: {  	[tilespmem:s18], [sflag:$0x1] =	stream.indirect.gather [hbm4b:s5+s11], $0x1, s11, s11, $0xb8;
	[tilespmem:$0x10800] =	vst v63  }
0x1b: {  	s18 =	simm.s32 $0x0  }
0x1c: {  	v0 =	vld [tilespmem:s18+$0x200]  }
0x1d: {  	v1 =	vld [tilespmem:s18+$0x0];
	_ =	sdelay $0x3  }
0x1e: {  	v2 =	vshll.u32 v0, $0x3  }
0x1f: {  	v3 =	vshll.u32 v1, $0x3;
	v0 =	vand.u32 $0x7F, v0;
	v2 =	vand.u32 $0xFFFFFC00, v2  }
0x20: {  	v1 =	vand.u32 $0x7F, v1;
	v3 =	vand.u32 $0xFFFFFC00, v3;
	v2 =	vor.u32 v0, v2  }
0x21: {  	v0 =	vor.u32 v1, v3;
	[tilespmem:s18+$0x4400] =	vst v2;
	v1 =	vadd.s32 $0x16E6380, v2  }
0x22: {  	v3 =	vor.u32 $0x80, v0;
	[tilespmem:s18+$0x8200] =	vst v1  }
0x23: {  	v4 =	vadd.s32 $0xF44280, v2;
	[tilespmem:s18+$0x600] =	vst v3  }
0x24: {  	v9 =	vadd.s32 $0xF44380, v2;
	[tilespmem:s18+$0x6E00] =	vst v4  }
0x25: {  	v1 =	vor.u32 $0x100, v0;
	[tilespmem:s18+$0x7200] =	vst v9  }
0x26: {  	v3 =	vor.u32 $0x180, v0;
	[tilespmem:s18+$0x800] =	vst v1  }
0x27: {  	v1 =	vor.u32 $0x200, v0;
	[tilespmem:s18+$0xA00] =	vst v3  }
0x28: {  	v3 =	vor.u32 $0x280, v0;
	[tilespmem:s18+$0xC00] =	vst v1  }
0x29: {  	v1 =	vor.u32 $0x300, v0;
	[tilespmem:s18+$0xE00] =	vst v3  }
0x2a: {  	v3 =	vor.u32 $0x380, v0;
	[tilespmem:s18+$0x1000] =	vst v1  }
0x2b: {  	v1 =	vadd.s32 $0x7A2380, v0;
	[tilespmem:s18+$0x1200] =	vst v3  }
0x2c: {  	v3 =	vadd.s32 $0x7A2000, v0;
	[tilespmem:s18+$0x2200] =	vst v1  }
0x2d: {  	v1 =	vadd.s32 $0x16E6380, v0;
	[tilespmem:s18+$0x1400] =	vst v3  }
0x2e: {  	v3 =	vadd.s32 $0x7A2080, v0;
	[tilespmem:s18+$0x4200] =	vst v1  }
0x2f: {  	v1 =	vadd.s32 $0x7A2380, v2;
	[tilespmem:s18+$0x1600] =	vst v3  }
0x30: {  	v3 =	vadd.s32 $0x7A2100, v0;
	[tilespmem:s18+$0x6200] =	vst v1  }
0x31: {  	v1 =	vadd.s32 $0x7A2180, v0;
	[tilespmem:s18+$0x1800] =	vst v3  }
0x32: {  	v3 =	vadd.s32 $0x7A2200, v0;
	[tilespmem:s18+$0x1A00] =	vst v1  }
0x33: {  	v1 =	vadd.s32 $0x7A2280, v0;
	[tilespmem:s18+$0x1C00] =	vst v3  }
0x34: {  	v3 =	vadd.s32 $0x7A2300, v0;
	[tilespmem:s18+$0x1E00] =	vst v1  }
0x35: {  	v1 =	vadd.s32 $0xF44000, v0;
	[tilespmem:s18+$0x2000] =	vst v3  }
0x36: {  	v3 =	vadd.s32 $0xF44080, v0;
	[tilespmem:s18+$0x2400] =	vst v1  }
0x37: {  	v1 =	vadd.s32 $0xF44100, v0;
	[tilespmem:s18+$0x2600] =	vst v3  }
0x38: {  	v3 =	vadd.s32 $0xF44180, v0;
	[tilespmem:s18+$0x2800] =	vst v1  }
0x39: {  	v1 =	vadd.s32 $0xF44200, v0;
	[tilespmem:s18+$0x2A00] =	vst v3  }
0x3a: {  	v3 =	vadd.s32 $0xF44280, v0;
	[tilespmem:s18+$0x2C00] =	vst v1  }
0x3b: {  	v1 =	vadd.s32 $0xF44300, v0;
	[tilespmem:s18+$0x2E00] =	vst v3  }
0x3c: {  	v3 =	vadd.s32 $0xF44380, v0;
	[tilespmem:s18+$0x3000] =	vst v1  }
0x3d: {  	v1 =	vadd.s32 $0x16E6000, v0;
	[tilespmem:s18+$0x3200] =	vst v3  }
0x3e: {  	v3 =	vadd.s32 $0x16E6080, v0;
	[tilespmem:s18+$0x3400] =	vst v1  }
0x3f: {  	v1 =	vadd.s32 $0x16E6100, v0;
	[tilespmem:s18+$0x3600] =	vst v3  }
0x40: {  	v3 =	vadd.s32 $0x16E6180, v0;
	[tilespmem:s18+$0x3800] =	vst v1  }
0x41: {  	v1 =	vadd.s32 $0x16E6200, v0;
	[tilespmem:s18+$0x3A00] =	vst v3  }
0x42: {  	v3 =	vadd.s32 $0x16E6280, v0;
	[tilespmem:s18+$0x3C00] =	vst v1  }
0x43: {  	v1 =	vadd.s32 $0x16E6300, v0;
	[tilespmem:s18+$0x3E00] =	vst v3  }
0x44: {  	v3 =	vor.u32 $0x80, v2;
	[tilespmem:s18+$0x4000] =	vst v1  }
0x45: {  	v1 =	vor.u32 $0x100, v2;
	[tilespmem:s18+$0x4600] =	vst v3  }
0x46: {  	v3 =	vor.u32 $0x180, v2;
	[tilespmem:s18+$0x4800] =	vst v1  }
0x47: {  	v1 =	vor.u32 $0x200, v2;
	[tilespmem:s18+$0x4A00] =	vst v3  }
0x48: {  	v3 =	vor.u32 $0x280, v2;
	[tilespmem:s18+$0x4C00] =	vst v1  }
0x49: {  	v1 =	vor.u32 $0x300, v2;
	[tilespmem:s18+$0x4E00] =	vst v3  }
0x4a: {  	v3 =	vor.u32 $0x380, v2;
	[tilespmem:s18+$0x5000] =	vst v1  }
0x4b: {  	v1 =	vadd.s32 $0x7A2000, v2;
	[tilespmem:s18+$0x5200] =	vst v3  }
0x4c: {  	v3 =	vadd.s32 $0x7A2080, v2;
	[tilespmem:s18+$0x5400] =	vst v1  }
0x4d: {  	v1 =	vadd.s32 $0x7A2100, v2;
	[tilespmem:s18+$0x5600] =	vst v3  }
0x4e: {  	v3 =	vadd.s32 $0x7A2180, v2;
	[tilespmem:s18+$0x5800] =	vst v1  }
0x4f: {  	v1 =	vadd.s32 $0x7A2200, v2;
	[tilespmem:s18+$0x5A00] =	vst v3  }
0x50: {  	v3 =	vadd.s32 $0x7A2280, v2;
	[tilespmem:s18+$0x5C00] =	vst v1  }
0x51: {  	v1 =	vadd.s32 $0x7A2300, v2;
	[tilespmem:s18+$0x5E00] =	vst v3  }
0x52: {  	v3 =	vadd.s32 $0xF44000, v2;
	[tilespmem:s18+$0x6000] =	vst v1  }
0x53: {  	v1 =	vadd.s32 $0xF44080, v2;
	[tilespmem:s18+$0x6400] =	vst v3  }
0x54: {  	v6 =	vadd.s32 $0x16E6080, v2;
	v3 =	vadd.s32 $0xF44100, v2;
	[tilespmem:s18+$0x6600] =	vst v1  }
0x55: {  	v7 =	vadd.s32 $0x16E6200, v2;
	v1 =	vadd.s32 $0xF44180, v2;
	[tilespmem:s18+$0x6800] =	vst v3  }
0x56: {  	v5 =	vadd.s32 $0x16E6280, v2;
	v3 =	vadd.s32 $0xF44200, v2;
	[tilespmem:s18+$0x6A00] =	vst v1  }
0x57: {  	v4 =	vadd.s32 $0x16E6180, v2;
	v1 =	vadd.s32 $0xF44300, v2;
	[tilespmem:s18+$0x6C00] =	vst v3  }
0x58: {  	s20 =	simm.s32 $0x10;
	s19 =	simm.s32 $0x80;
	v8 =	vadd.s32 $0x16E6000, v2;
	v3 =	vadd.s32 $0x16E6100, v2;
	v2 =	vadd.s32 $0x16E6300, v2;
	[tilespmem:s18+$0x7000] =	vst v1  }
.LBB2_2:
0x59: {  	p0 =	sne.s32 s19, $0x7C0;
	v1 =	vld [tilespmem:s20+$0x200];
	[tilespmem:s18+$0x7400] =	vst v8  }
0x5a: {  	v8 =	vld [tilespmem:s20+$0x0];
	[tilespmem:s18+$0x7600] =	vst v6  }
0x5b: {  	[tilespmem:s18+$0x7800] =	vst v3  }
0x5c: {  	[tilespmem:s18+$0x7A00] =	vst v4  }
0x5d: {  	[tilespmem:s18+$0x7C00] =	vst v7  }
0x5e: {  	v3 =	vshll.u32 v1, $0x3;
	[tilespmem:s18+$0x7E00] =	vst v5  }
0x5f: {  	v1 =	vand.u32 $0x7F, v1;
	v4 =	vshll.u32 v8, $0x3;
	v3 =	vand.u32 $0xFFFFFC00, v3;
	[tilespmem:s18+$0x8000] =	vst v2  }
0x60: {  	v2 =	vand.u32 $0xFFFFFC00, v4;
	v4 =	vand.u32 $0x7F, v8;
	v9 =	vor.u32 v1, v3;
	[tilespmem:s18+$0x400] =	vst v0;
	s18 =	smov.u32 s20  }
0x61: {  	v0 =	vor.u32 v4, v2;
	[tilespmem:s18+$0x4400] =	vst v9;
	v1 =	vor.u32 $0x80, v9;
	v2 =	vadd.s32 $0x16E6380, v9  }
0x62: {  	v3 =	vor.u32 $0x80, v0;
	v4 =	vor.u32 $0x100, v0;
	v5 =	vor.u32 $0x180, v0;
	[tilespmem:s18+$0x8200] =	vst v2  }
0x63: {  	v2 =	vor.u32 $0x200, v0;
	v6 =	vor.u32 $0x300, v0;
	[tilespmem:s18+$0x600] =	vst v3;
	v3 =	vor.u32 $0x280, v0  }
0x64: {  	v7 =	vadd.s32 $0x7A2000, v0;
	v8 =	vadd.s32 $0x7A2080, v0;
	[tilespmem:s18+$0x800] =	vst v4;
	v4 =	vor.u32 $0x380, v0  }
0x65: {  	v10 =	vadd.s32 $0x7A2100, v0;
	v11 =	vadd.s32 $0x7A2180, v0;
	v12 =	vadd.s32 $0x7A2200, v0  }
0x66: {  	v13 =	vadd.s32 $0x7A2280, v0;
	v14 =	vadd.s32 $0x7A2300, v0;
	v15 =	vadd.s32 $0x7A2380, v0  }
0x67: {  	v16 =	vadd.s32 $0xF44000, v0;
	v17 =	vadd.s32 $0xF44080, v0;
	v18 =	vadd.s32 $0xF44100, v0;
	[tilespmem:s18+$0xA00] =	vst v5  }
0x68: {  	v19 =	vadd.s32 $0xF44180, v0;
	v20 =	vadd.s32 $0xF44200, v0;
	v21 =	vadd.s32 $0xF44280, v0  }
0x69: {  	v22 =	vadd.s32 $0xF44300, v0;
	v23 =	vadd.s32 $0xF44380, v0;
	v24 =	vadd.s32 $0x16E6000, v0;
	[tilespmem:s18+$0xC00] =	vst v2  }
0x6a: {  	v25 =	vadd.s32 $0x16E6080, v0;
	v26 =	vadd.s32 $0x16E6100, v0;
	v27 =	vadd.s32 $0x16E6180, v0  }
0x6b: {  	v28 =	vadd.s32 $0x16E6200, v0;
	v29 =	vadd.s32 $0x16E6280, v0;
	v30 =	vadd.s32 $0x16E6300, v0  }
0x6c: {  	v31 =	vor.u32 $0x100, v9;
	v32 =	vor.u32 $0x180, v9;
	v2 =	vadd.s32 $0x16E6380, v0;
	[tilespmem:s18+$0xE00] =	vst v3  }
0x6d: {  	v33 =	vor.u32 $0x200, v9;
	v34 =	vor.u32 $0x280, v9;
	v35 =	vor.u32 $0x300, v9;
	[tilespmem:s18+$0x1000] =	vst v6  }
0x6e: {  	v36 =	vor.u32 $0x380, v9;
	v37 =	vadd.s32 $0x7A2000, v9;
	v38 =	vadd.s32 $0x7A2080, v9;
	[tilespmem:s18+$0x1200] =	vst v4  }
0x6f: {  	v39 =	vadd.s32 $0x7A2180, v9;
	v40 =	vadd.s32 $0x7A2200, v9;
	[tilespmem:s18+$0x2200] =	vst v15;
	v15 =	vadd.s32 $0x7A2100, v9  }
0x70: {  	v41 =	vadd.s32 $0x7A2280, v9;
	v42 =	vadd.s32 $0x7A2300, v9;
	v5 =	vadd.s32 $0x7A2380, v9  }
0x71: {  	v43 =	vadd.s32 $0xF44000, v9;
	v44 =	vadd.s32 $0xF44080, v9;
	v45 =	vadd.s32 $0xF44100, v9;
	[tilespmem:s18+$0x1400] =	vst v7  }
0x72: {  	v46 =	vadd.s32 $0xF44180, v9;
	v47 =	vadd.s32 $0xF44200, v9;
	v48 =	vadd.s32 $0xF44280, v9;
	[tilespmem:s18+$0x4200] =	vst v2  }
0x73: {  	v49 =	vadd.s32 $0xF44300, v9;
	v50 =	vadd.s32 $0xF44380, v9;
	[tilespmem:s18+$0x1600] =	vst v8;
	v8 =	vadd.s32 $0x16E6000, v9  }
0x74: {  	v3 =	vadd.s32 $0x16E6100, v9;
	v6 =	vadd.s32 $0x16E6080, v9;
	v4 =	vadd.s32 $0x16E6180, v9  }
0x75: {  	v7 =	vadd.s32 $0x16E6200, v9;
	v2 =	vadd.s32 $0x16E6300, v9;
	[tilespmem:s18+$0x6200] =	vst v5;
	v5 =	vadd.s32 $0x16E6280, v9  }
0x76: {  	[tilespmem:s18+$0x1800] =	vst v10  }
0x77: {  	[tilespmem:s18+$0x1A00] =	vst v11  }
0x78: {  	[tilespmem:s18+$0x1C00] =	vst v12  }
0x79: {  	[tilespmem:s18+$0x1E00] =	vst v13  }
0x7a: {  	[tilespmem:s18+$0x2000] =	vst v14  }
0x7b: {  	[tilespmem:s18+$0x2400] =	vst v16  }
0x7c: {  	[tilespmem:s18+$0x2600] =	vst v17  }
0x7d: {  	[tilespmem:s18+$0x2800] =	vst v18  }
0x7e: {  	[tilespmem:s18+$0x2A00] =	vst v19  }
0x7f: {  	[tilespmem:s18+$0x2C00] =	vst v20  }
0x80: {  	[tilespmem:s18+$0x2E00] =	vst v21  }
0x81: {  	[tilespmem:s18+$0x3000] =	vst v22  }
0x82: {  	[tilespmem:s18+$0x3200] =	vst v23  }
0x83: {  	[tilespmem:s18+$0x3400] =	vst v24  }
0x84: {  	[tilespmem:s18+$0x3600] =	vst v25  }
0x85: {  	[tilespmem:s18+$0x3800] =	vst v26  }
0x86: {  	[tilespmem:s18+$0x3A00] =	vst v27  }
0x87: {  	[tilespmem:s18+$0x3C00] =	vst v28  }
0x88: {  	[tilespmem:s18+$0x3E00] =	vst v29  }
0x89: {  	[tilespmem:s18+$0x4000] =	vst v30  }
0x8a: {  	[tilespmem:s18+$0x4600] =	vst v1  }
0x8b: {  	[tilespmem:s18+$0x4800] =	vst v31  }
0x8c: {  	[tilespmem:s18+$0x4A00] =	vst v32  }
0x8d: {  	[tilespmem:s18+$0x4C00] =	vst v33  }
0x8e: {  	[tilespmem:s18+$0x4E00] =	vst v34  }
0x8f: {  	[tilespmem:s18+$0x5000] =	vst v35  }
0x90: {  	[tilespmem:s18+$0x5200] =	vst v36  }
0x91: {  	[tilespmem:s18+$0x5400] =	vst v37  }
0x92: {  	[tilespmem:s18+$0x5600] =	vst v38  }
0x93: {  	[tilespmem:s18+$0x5800] =	vst v15  }
0x94: {  	[tilespmem:s18+$0x5A00] =	vst v39  }
0x95: {  	[tilespmem:s18+$0x5C00] =	vst v40  }
0x96: {  	[tilespmem:s18+$0x5E00] =	vst v41  }
0x97: {  	[tilespmem:s18+$0x6000] =	vst v42  }
0x98: {  	[tilespmem:s18+$0x6400] =	vst v43  }
0x99: {  	[tilespmem:s18+$0x6600] =	vst v44  }
0x9a: {  	[tilespmem:s18+$0x6800] =	vst v45  }
.Ltmp0:
0x9b: {  	[tilespmem:s18+$0x6A00] =	vst v46;
	(pc) =	sbr.rel @p0 .LBB2_2-.Ltmp0, $4  }
0x9c: {  	[tilespmem:s18+$0x6C00] =	vst v47  }
0x9d: {  	[tilespmem:s18+$0x6E00] =	vst v48  }
0x9e: {  	[tilespmem:s18+$0x7000] =	vst v49  }
0x9f: {  	s20 =	sshra.s32 s19, $0x2;
	s19 =	sadd.s32 $0x40, s19;
	[tilespmem:s18+$0x7200] =	vst v50  }
0xa0: {  	v1 =	vld [tilespmem:s20+$0x200];
	[tilespmem:s18+$0x7400] =	vst v8  }
0xa1: {  	v8 =	vld [tilespmem:s20+$0x0];
	[tilespmem:s18+$0x7600] =	vst v6  }
0xa2: {  	[tilespmem:s18+$0x7800] =	vst v3  }
0xa3: {  	[tilespmem:s18+$0x7A00] =	vst v4  }
0xa4: {  	[tilespmem:s18+$0x7C00] =	vst v7  }
0xa5: {  	[tilespmem:s18+$0x7E00] =	vst v5;
	v3 =	vshll.u32 v1, $0x3  }
0xa6: {  	[tilespmem:s18+$0x8000] =	vst v2;
	v1 =	vand.u32 $0x7F, v1;
	v4 =	vshll.u32 v8, $0x3;
	v3 =	vand.u32 $0xFFFFFC00, v3  }
0xa7: {  	[tilespmem:s18+$0x400] =	vst v0;
	v2 =	vand.u32 $0xFFFFFC00, v4;
	v4 =	vand.u32 $0x7F, v8;
	v1 =	vor.u32 v1, v3  }
0xa8: {  	v0 =	vor.u32 v4, v2;
	[tilespmem:s20+$0x4400] =	vst v1;
	v2 =	vadd.s32 $0x16E6380, v1  }
0xa9: {  	[tilespmem:s20+$0x8200] =	vst v2  }
0xaa: {  	v3 =	vor.u32 $0x80, v0;
	[tilespmem:s20+$0x400] =	vst v0  }
0xab: {  	v2 =	vor.u32 $0x100, v0;
	[tilespmem:s20+$0x600] =	vst v3  }
0xac: {  	v3 =	vor.u32 $0x180, v0;
	[tilespmem:s20+$0x800] =	vst v2  }
0xad: {  	v2 =	vor.u32 $0x200, v0;
	[tilespmem:s20+$0xA00] =	vst v3  }
0xae: {  	v3 =	vor.u32 $0x280, v0;
	[tilespmem:s20+$0xC00] =	vst v2  }
0xaf: {  	v2 =	vor.u32 $0x300, v0;
	[tilespmem:s20+$0xE00] =	vst v3  }
0xb0: {  	v3 =	vor.u32 $0x380, v0;
	[tilespmem:s20+$0x1000] =	vst v2  }
0xb1: {  	v2 =	vadd.s32 $0x7A2380, v0;
	[tilespmem:s20+$0x1200] =	vst v3  }
0xb2: {  	v3 =	vadd.s32 $0x7A2000, v0;
	[tilespmem:s20+$0x2200] =	vst v2  }
0xb3: {  	v2 =	vadd.s32 $0x16E6380, v0;
	[tilespmem:s20+$0x1400] =	vst v3  }
0xb4: {  	v3 =	vadd.s32 $0x7A2080, v0;
	[tilespmem:s20+$0x4200] =	vst v2  }
0xb5: {  	v2 =	vadd.s32 $0x7A2380, v1;
	[tilespmem:s20+$0x1600] =	vst v3  }
0xb6: {  	v3 =	vadd.s32 $0x7A2100, v0;
	[tilespmem:s20+$0x6200] =	vst v2  }
0xb7: {  	v2 =	vadd.s32 $0x7A2180, v0;
	[tilespmem:s20+$0x1800] =	vst v3  }
0xb8: {  	v3 =	vadd.s32 $0x7A2200, v0;
	[tilespmem:s20+$0x1A00] =	vst v2  }
0xb9: {  	v2 =	vadd.s32 $0x7A2280, v0;
	[tilespmem:s20+$0x1C00] =	vst v3  }
0xba: {  	v3 =	vadd.s32 $0x7A2300, v0;
	[tilespmem:s20+$0x1E00] =	vst v2  }
0xbb: {  	v2 =	vadd.s32 $0xF44000, v0;
	[tilespmem:s20+$0x2000] =	vst v3  }
0xbc: {  	v3 =	vadd.s32 $0xF44080, v0;
	[tilespmem:s20+$0x2400] =	vst v2  }
0xbd: {  	v2 =	vadd.s32 $0xF44100, v0;
	[tilespmem:s20+$0x2600] =	vst v3  }
0xbe: {  	v3 =	vadd.s32 $0xF44180, v0;
	[tilespmem:s20+$0x2800] =	vst v2  }
0xbf: {  	v2 =	vadd.s32 $0xF44200, v0;
	[tilespmem:s20+$0x2A00] =	vst v3  }
0xc0: {  	v3 =	vadd.s32 $0xF44280, v0;
	[tilespmem:s20+$0x2C00] =	vst v2  }
0xc1: {  	v2 =	vadd.s32 $0xF44300, v0;
	[tilespmem:s20+$0x2E00] =	vst v3  }
0xc2: {  	v3 =	vadd.s32 $0xF44380, v0;
	[tilespmem:s20+$0x3000] =	vst v2  }
0xc3: {  	v2 =	vadd.s32 $0x16E6000, v0;
	[tilespmem:s20+$0x3200] =	vst v3  }
0xc4: {  	v3 =	vadd.s32 $0x16E6080, v0;
	[tilespmem:s20+$0x3400] =	vst v2  }
0xc5: {  	v2 =	vadd.s32 $0x16E6100, v0;
	[tilespmem:s20+$0x3600] =	vst v3  }
0xc6: {  	v3 =	vadd.s32 $0x16E6180, v0;
	[tilespmem:s20+$0x3800] =	vst v2  }
0xc7: {  	v2 =	vadd.s32 $0x16E6200, v0;
	[tilespmem:s20+$0x3A00] =	vst v3  }
0xc8: {  	v3 =	vadd.s32 $0x16E6280, v0;
	[tilespmem:s20+$0x3C00] =	vst v2  }
0xc9: {  	v2 =	vadd.s32 $0x16E6300, v0;
	[tilespmem:s20+$0x3E00] =	vst v3  }
0xca: {  	v3 =	vor.u32 $0x80, v1;
	[tilespmem:s20+$0x4000] =	vst v2  }
0xcb: {  	v2 =	vor.u32 $0x100, v1;
	[tilespmem:s20+$0x4600] =	vst v3  }
0xcc: {  	v3 =	vor.u32 $0x180, v1;
	[tilespmem:s20+$0x4800] =	vst v2  }
0xcd: {  	v2 =	vor.u32 $0x200, v1;
	[tilespmem:s20+$0x4A00] =	vst v3  }
0xce: {  	v3 =	vor.u32 $0x280, v1;
	[tilespmem:s20+$0x4C00] =	vst v2  }
0xcf: {  	v2 =	vor.u32 $0x300, v1;
	[tilespmem:s20+$0x4E00] =	vst v3  }
0xd0: {  	v3 =	vor.u32 $0x380, v1;
	[tilespmem:s20+$0x5000] =	vst v2  }
0xd1: {  	v2 =	vadd.s32 $0x7A2000, v1;
	[tilespmem:s20+$0x5200] =	vst v3  }
0xd2: {  	v3 =	vadd.s32 $0x7A2080, v1;
	[tilespmem:s20+$0x5400] =	vst v2  }
0xd3: {  	v2 =	vadd.s32 $0x7A2100, v1;
	[tilespmem:s20+$0x5600] =	vst v3  }
0xd4: {  	v3 =	vadd.s32 $0x7A2180, v1;
	[tilespmem:s20+$0x5800] =	vst v2  }
0xd5: {  	v2 =	vadd.s32 $0x7A2200, v1;
	[tilespmem:s20+$0x5A00] =	vst v3  }
0xd6: {  	v3 =	vadd.s32 $0x7A2280, v1;
	[tilespmem:s20+$0x5C00] =	vst v2  }
0xd7: {  	v2 =	vadd.s32 $0x7A2300, v1;
	[tilespmem:s20+$0x5E00] =	vst v3  }
0xd8: {  	v3 =	vadd.s32 $0xF44000, v1;
	[tilespmem:s20+$0x6000] =	vst v2  }
0xd9: {  	v2 =	vadd.s32 $0xF44080, v1;
	[tilespmem:s20+$0x6400] =	vst v3  }
0xda: {  	v3 =	vadd.s32 $0xF44100, v1;
	[tilespmem:s20+$0x6600] =	vst v2  }
0xdb: {  	v2 =	vadd.s32 $0xF44180, v1;
	[tilespmem:s20+$0x6800] =	vst v3  }
0xdc: {  	v3 =	vadd.s32 $0xF44200, v1;
	[tilespmem:s20+$0x6A00] =	vst v2  }
0xdd: {  	v2 =	vadd.s32 $0xF44280, v1;
	[tilespmem:s20+$0x6C00] =	vst v3  }
0xde: {  	v3 =	vadd.s32 $0xF44300, v1;
	[tilespmem:s20+$0x6E00] =	vst v2  }
0xdf: {  	v2 =	vadd.s32 $0xF44380, v1;
	[tilespmem:s20+$0x7000] =	vst v3  }
0xe0: {  	v3 =	vadd.s32 $0x16E6000, v1;
	[tilespmem:s20+$0x7200] =	vst v2  }
0xe1: {  	v2 =	vadd.s32 $0x16E6080, v1;
	[tilespmem:s20+$0x7400] =	vst v3  }
0xe2: {  	v3 =	vadd.s32 $0x16E6100, v1;
	[tilespmem:s20+$0x7600] =	vst v2  }
0xe3: {  	v2 =	vadd.s32 $0x16E6180, v1;
	[tilespmem:s20+$0x7800] =	vst v3  }
0xe4: {  	v3 =	vadd.s32 $0x16E6200, v1;
	[tilespmem:s20+$0x7A00] =	vst v2  }
0xe5: {  	v2 =	vadd.s32 $0x16E6280, v1;
	[tilespmem:s20+$0x7C00] =	vst v3  }
0xe6: {  	v1 =	vadd.s32 $0x16E6300, v1;
	[tilespmem:s20+$0x7E00] =	vst v2  }
0xe7: {  	s19 =	simm.s32 $0x8400;
	[tilespmem:s20+$0x8000] =	vst v1;
	s20 =	simm.s32 $0x400  }
0xe8: {  	[tilespmem:s19], [sflag:$0x1] =	stream.indirect.gather [hbm4b:s3+s11], $0x1, s20, s11, $0xb8;
	[tilespmem:$0x10800] =	vst v63  }
0xe9: {  	s19 =	simm.s32 $0x4400;
	s20 =	simm.s32 $0xC400  }
0xea: {  	[tilespmem:s20], [sflag:$0x1] =	stream.indirect.gather [hbm4b:s4+s11], $0x1, s19, s11, $0xb8;
	[tilespmem:$0x10800] =	vst v63  }
0xeb: {  	s19 =	simm.s32 $0x600;
	s20 =	simm.s32 $0x8600  }
0xec: {  	[tilespmem:s20], [sflag:$0x1] =	stream.indirect.gather [hbm4b:s3+s11], $0x1, s19, s11, $0xb8;
	[tilespmem:$0x10800] =	vst v63  }
0xed: {  	s19 =	simm.s32 $0x4600;
	s20 =	simm.s32 $0xC600  }
0xee: {  	[tilespmem:s20], [sflag:$0x1] =	stream.indirect.gather [hbm4b:s4+s11], $0x1, s19, s11, $0xb8;
	[tilespmem:$0x10800] =	vst v63  }
0xef: {  	s19 =	simm.s32 $0x800;
	s20 =	simm.s32 $0x8800  }
0xf0: {  	[tilespmem:s20], [sflag:$0x1] =	stream.indirect.gather [hbm4b:s3+s11], $0x1, s19, s11, $0xb8;
	[tilespmem:$0x10800] =	vst v63  }
0xf1: {  	s19 =	simm.s32 $0x4800;
	s20 =	simm.s32 $0xC800  }
0xf2: {  	[tilespmem:s20], [sflag:$0x1] =	stream.indirect.gather [hbm4b:s4+s11], $0x1, s19, s11, $0xb8;
	[tilespmem:$0x10800] =	vst v63  }
0xf3: {  	s19 =	simm.s32 $0xA00;
	s20 =	simm.s32 $0x8A00  }
0xf4: {  	[tilespmem:s20], [sflag:$0x1] =	stream.indirect.gather [hbm4b:s3+s11], $0x1, s19, s11, $0xb8;
	[tilespmem:$0x10800] =	vst v63  }
0xf5: {  	s19 =	simm.s32 $0x4A00;
	s20 =	simm.s32 $0xCA00  }
0xf6: {  	[tilespmem:s20], [sflag:$0x1] =	stream.indirect.gather [hbm4b:s4+s11], $0x1, s19, s11, $0xb8;
	[tilespmem:$0x10800] =	vst v63  }
0xf7: {  	s19 =	simm.s32 $0xC00;
	s20 =	simm.s32 $0x8C00  }
0xf8: {  	[tilespmem:s20], [sflag:$0x1] =	stream.indirect.gather [hbm4b:s3+s11], $0x1, s19, s11, $0xb8;
	[tilespmem:$0x10800] =	vst v63  }
0xf9: {  	s19 =	simm.s32 $0x4C00;
	s20 =	simm.s32 $0xCC00  }
0xfa: {  	[tilespmem:s20], [sflag:$0x1] =	stream.indirect.gather [hbm4b:s4+s11], $0x1, s19, s11, $0xb8;
	[tilespmem:$0x10800] =	vst v63  }
0xfb: {  	s19 =	simm.s32 $0xE00;
	s20 =	simm.s32 $0x8E00  }
0xfc: {  	[tilespmem:s20], [sflag:$0x1] =	stream.indirect.gather [hbm4b:s3+s11], $0x1, s19, s11, $0xb8;
	[tilespmem:$0x10800] =	vst v63  }
0xfd: {  	s19 =	simm.s32 $0x4E00;
	s20 =	simm.s32 $0xCE00  }
0xfe: {  	[tilespmem:s20], [sflag:$0x1] =	stream.indirect.gather [hbm4b:s4+s11], $0x1, s19, s11, $0xb8;
	[tilespmem:$0x10800] =	vst v63  }
0xff: {  	s19 =	simm.s32 $0x1000;
	s20 =	simm.s32 $0x9000  }
0x100: {  	[tilespmem:s20], [sflag:$0x1] =	stream.indirect.gather [hbm4b:s3+s11], $0x1, s19, s11, $0xb8;
	[tilespmem:$0x10800] =	vst v63  }
0x101: {  	s19 =	simm.s32 $0x5000;
	s20 =	simm.s32 $0xD000  }
0x102: {  	[tilespmem:s20], [sflag:$0x1] =	stream.indirect.gather [hbm4b:s4+s11], $0x1, s19, s11, $0xb8;
	[tilespmem:$0x10800] =	vst v63  }
0x103: {  	s19 =	simm.s32 $0x1200;
	s20 =	simm.s32 $0x9200  }
0x104: {  	[tilespmem:s20], [sflag:$0x1] =	stream.indirect.gather [hbm4b:s3+s11], $0x1, s19, s11, $0xb8;
	[tilespmem:$0x10800] =	vst v63  }
0x105: {  	s19 =	simm.s32 $0x5200;
	s20 =	simm.s32 $0xD200  }
0x106: {  	[tilespmem:s20], [sflag:$0x1] =	stream.indirect.gather [hbm4b:s4+s11], $0x1, s19, s11, $0xb8;
	[tilespmem:$0x10800] =	vst v63  }
0x107: {  	s19 =	simm.s32 $0x1400;
	s20 =	simm.s32 $0x9400  }
0x108: {  	[tilespmem:s20], [sflag:$0x1] =	stream.indirect.gather [hbm4b:s3+s11], $0x1, s19, s11, $0xb8;
	[tilespmem:$0x10800] =	vst v63  }
0x109: {  	s19 =	simm.s32 $0x5400;
	s20 =	simm.s32 $0xD400  }
0x10a: {  	[tilespmem:s20], [sflag:$0x1] =	stream.indirect.gather [hbm4b:s4+s11], $0x1, s19, s11, $0xb8;
	[tilespmem:$0x10800] =	vst v63  }
0x10b: {  	s19 =	simm.s32 $0x1600;
	s20 =	simm.s32 $0x9600  }
0x10c: {  	[tilespmem:s20], [sflag:$0x1] =	stream.indirect.gather [hbm4b:s3+s11], $0x1, s19, s11, $0xb8;
	[tilespmem:$0x10800] =	vst v63  }
0x10d: {  	s19 =	simm.s32 $0x5600;
	s20 =	simm.s32 $0xD600  }
0x10e: {  	[tilespmem:s20], [sflag:$0x1] =	stream.indirect.gather [hbm4b:s4+s11], $0x1, s19, s11, $0xb8;
	[tilespmem:$0x10800] =	vst v63  }
0x10f: {  	s19 =	simm.s32 $0x1800;
	s20 =	simm.s32 $0x9800  }
0x110: {  	[tilespmem:s20], [sflag:$0x1] =	stream.indirect.gather [hbm4b:s3+s11], $0x1, s19, s11, $0xb8;
	[tilespmem:$0x10800] =	vst v63  }
0x111: {  	s19 =	simm.s32 $0x5800;
	s20 =	simm.s32 $0xD800  }
0x112: {  	[tilespmem:s20], [sflag:$0x1] =	stream.indirect.gather [hbm4b:s4+s11], $0x1, s19, s11, $0xb8;
	[tilespmem:$0x10800] =	vst v63  }
0x113: {  	s19 =	simm.s32 $0x1A00;
	s20 =	simm.s32 $0x9A00  }
0x114: {  	[tilespmem:s20], [sflag:$0x1] =	stream.indirect.gather [hbm4b:s3+s11], $0x1, s19, s11, $0xb8;
	[tilespmem:$0x10800] =	vst v63  }
0x115: {  	s19 =	simm.s32 $0x5A00;
	s20 =	simm.s32 $0xDA00  }
0x116: {  	[tilespmem:s20], [sflag:$0x1] =	stream.indirect.gather [hbm4b:s4+s11], $0x1, s19, s11, $0xb8;
	[tilespmem:$0x10800] =	vst v63  }
0x117: {  	s19 =	simm.s32 $0x1C00;
	s20 =	simm.s32 $0x9C00  }
0x118: {  	[tilespmem:s20], [sflag:$0x1] =	stream.indirect.gather [hbm4b:s3+s11], $0x1, s19, s11, $0xb8;
	[tilespmem:$0x10800] =	vst v63  }
0x119: {  	s19 =	simm.s32 $0x5C00;
	s20 =	simm.s32 $0xDC00  }
0x11a: {  	[tilespmem:s20], [sflag:$0x1] =	stream.indirect.gather [hbm4b:s4+s11], $0x1, s19, s11, $0xb8;
	[tilespmem:$0x10800] =	vst v63  }
0x11b: {  	s19 =	simm.s32 $0x1E00;
	s20 =	simm.s32 $0x9E00  }
0x11c: {  	[tilespmem:s20], [sflag:$0x1] =	stream.indirect.gather [hbm4b:s3+s11], $0x1, s19, s11, $0xb8;
	[tilespmem:$0x10800] =	vst v63  }
0x11d: {  	s19 =	simm.s32 $0x5E00;
	s20 =	simm.s32 $0xDE00  }
0x11e: {  	[tilespmem:s20], [sflag:$0x1] =	stream.indirect.gather [hbm4b:s4+s11], $0x1, s19, s11, $0xb8;
	[tilespmem:$0x10800] =	vst v63  }
0x11f: {  	s19 =	simm.s32 $0x2000;
	s20 =	simm.s32 $0xA000  }
0x120: {  	[tilespmem:s20], [sflag:$0x1] =	stream.indirect.gather [hbm4b:s3+s11], $0x1, s19, s11, $0xb8;
	[tilespmem:$0x10800] =	vst v63  }
0x121: {  	s19 =	simm.s32 $0x6000;
	s20 =	simm.s32 $0xE000  }
0x122: {  	[tilespmem:s20], [sflag:$0x1] =	stream.indirect.gather [hbm4b:s4+s11], $0x1, s19, s11, $0xb8;
	[tilespmem:$0x10800] =	vst v63  }
0x123: {  	s19 =	simm.s32 $0x2200;
	s20 =	simm.s32 $0xA200  }
0x124: {  	[tilespmem:s20], [sflag:$0x1] =	stream.indirect.gather [hbm4b:s3+s11], $0x1, s19, s11, $0xb8;
	[tilespmem:$0x10800] =	vst v63  }
0x125: {  	s19 =	simm.s32 $0x6200;
	s20 =	simm.s32 $0xE200  }
0x126: {  	[tilespmem:s20], [sflag:$0x1] =	stream.indirect.gather [hbm4b:s4+s11], $0x1, s19, s11, $0xb8;
	[tilespmem:$0x10800] =	vst v63  }
0x127: {  	s19 =	simm.s32 $0x2400;
	s20 =	simm.s32 $0xA400  }
0x128: {  	[tilespmem:s20], [sflag:$0x1] =	stream.indirect.gather [hbm4b:s3+s11], $0x1, s19, s11, $0xb8;
	[tilespmem:$0x10800] =	vst v63  }
0x129: {  	s19 =	simm.s32 $0x6400;
	s20 =	simm.s32 $0xE400  }
0x12a: {  	[tilespmem:s20], [sflag:$0x1] =	stream.indirect.gather [hbm4b:s4+s11], $0x1, s19, s11, $0xb8;
	[tilespmem:$0x10800] =	vst v63  }
0x12b: {  	s19 =	simm.s32 $0x2600;
	s20 =	simm.s32 $0xA600  }
0x12c: {  	[tilespmem:s20], [sflag:$0x1] =	stream.indirect.gather [hbm4b:s3+s11], $0x1, s19, s11, $0xb8;
	[tilespmem:$0x10800] =	vst v63  }
0x12d: {  	s19 =	simm.s32 $0x6600;
	s20 =	simm.s32 $0xE600  }
0x12e: {  	[tilespmem:s20], [sflag:$0x1] =	stream.indirect.gather [hbm4b:s4+s11], $0x1, s19, s11, $0xb8;
	[tilespmem:$0x10800] =	vst v63  }
0x12f: {  	s19 =	simm.s32 $0x2800;
	s20 =	simm.s32 $0xA800  }
0x130: {  	[tilespmem:s20], [sflag:$0x1] =	stream.indirect.gather [hbm4b:s3+s11], $0x1, s19, s11, $0xb8;
	[tilespmem:$0x10800] =	vst v63  }
0x131: {  	s19 =	simm.s32 $0x6800;
	s20 =	simm.s32 $0xE800  }
0x132: {  	[tilespmem:s20], [sflag:$0x1] =	stream.indirect.gather [hbm4b:s4+s11], $0x1, s19, s11, $0xb8;
	[tilespmem:$0x10800] =	vst v63  }
0x133: {  	s19 =	simm.s32 $0x2A00;
	s20 =	simm.s32 $0xAA00  }
0x134: {  	[tilespmem:s20], [sflag:$0x1] =	stream.indirect.gather [hbm4b:s3+s11], $0x1, s19, s11, $0xb8;
	[tilespmem:$0x10800] =	vst v63  }
0x135: {  	s19 =	simm.s32 $0x6A00;
	s20 =	simm.s32 $0xEA00  }
0x136: {  	[tilespmem:s20], [sflag:$0x1] =	stream.indirect.gather [hbm4b:s4+s11], $0x1, s19, s11, $0xb8;
	[tilespmem:$0x10800] =	vst v63  }
0x137: {  	s19 =	simm.s32 $0x2C00;
	s20 =	simm.s32 $0xAC00  }
0x138: {  	[tilespmem:s20], [sflag:$0x1] =	stream.indirect.gather [hbm4b:s3+s11], $0x1, s19, s11, $0xb8;
	[tilespmem:$0x10800] =	vst v63  }
0x139: {  	s19 =	simm.s32 $0x6C00;
	s20 =	simm.s32 $0xEC00  }
0x13a: {  	[tilespmem:s20], [sflag:$0x1] =	stream.indirect.gather [hbm4b:s4+s11], $0x1, s19, s11, $0xb8;
	[tilespmem:$0x10800] =	vst v63  }
0x13b: {  	s19 =	simm.s32 $0x2E00;
	s20 =	simm.s32 $0xAE00  }
0x13c: {  	[tilespmem:s20], [sflag:$0x1] =	stream.indirect.gather [hbm4b:s3+s11], $0x1, s19, s11, $0xb8;
	[tilespmem:$0x10800] =	vst v63  }
0x13d: {  	s19 =	simm.s32 $0x6E00;
	s20 =	simm.s32 $0xEE00  }
0x13e: {  	[tilespmem:s20], [sflag:$0x1] =	stream.indirect.gather [hbm4b:s4+s11], $0x1, s19, s11, $0xb8;
	[tilespmem:$0x10800] =	vst v63  }
0x13f: {  	s19 =	simm.s32 $0x3000;
	s20 =	simm.s32 $0xB000  }
0x140: {  	[tilespmem:s20], [sflag:$0x1] =	stream.indirect.gather [hbm4b:s3+s11], $0x1, s19, s11, $0xb8;
	[tilespmem:$0x10800] =	vst v63  }
0x141: {  	s19 =	simm.s32 $0x7000;
	s20 =	simm.s32 $0xF000  }
0x142: {  	[tilespmem:s20], [sflag:$0x1] =	stream.indirect.gather [hbm4b:s4+s11], $0x1, s19, s11, $0xb8;
	[tilespmem:$0x10800] =	vst v63  }
0x143: {  	s19 =	simm.s32 $0x3200;
	s20 =	simm.s32 $0xB200  }
0x144: {  	[tilespmem:s20], [sflag:$0x1] =	stream.indirect.gather [hbm4b:s3+s11], $0x1, s19, s11, $0xb8;
	[tilespmem:$0x10800] =	vst v63  }
0x145: {  	s19 =	simm.s32 $0x7200;
	s20 =	simm.s32 $0xF200  }
0x146: {  	[tilespmem:s20], [sflag:$0x1] =	stream.indirect.gather [hbm4b:s4+s11], $0x1, s19, s11, $0xb8;
	[tilespmem:$0x10800] =	vst v63  }
0x147: {  	s19 =	simm.s32 $0x3400;
	s20 =	simm.s32 $0xB400  }
0x148: {  	[tilespmem:s20], [sflag:$0x1] =	stream.indirect.gather [hbm4b:s3+s11], $0x1, s19, s11, $0xb8;
	[tilespmem:$0x10800] =	vst v63  }
0x149: {  	s19 =	simm.s32 $0x7400;
	s20 =	simm.s32 $0xF400  }
0x14a: {  	[tilespmem:s20], [sflag:$0x1] =	stream.indirect.gather [hbm4b:s4+s11], $0x1, s19, s11, $0xb8;
	[tilespmem:$0x10800] =	vst v63  }
0x14b: {  	s19 =	simm.s32 $0x3600;
	s20 =	simm.s32 $0xB600  }
0x14c: {  	[tilespmem:s20], [sflag:$0x1] =	stream.indirect.gather [hbm4b:s3+s11], $0x1, s19, s11, $0xb8;
	[tilespmem:$0x10800] =	vst v63  }
0x14d: {  	s19 =	simm.s32 $0x7600;
	s20 =	simm.s32 $0xF600  }
0x14e: {  	[tilespmem:s20], [sflag:$0x1] =	stream.indirect.gather [hbm4b:s4+s11], $0x1, s19, s11, $0xb8;
	[tilespmem:$0x10800] =	vst v63  }
0x14f: {  	s19 =	simm.s32 $0x3800;
	s20 =	simm.s32 $0xB800  }
0x150: {  	[tilespmem:s20], [sflag:$0x1] =	stream.indirect.gather [hbm4b:s3+s11], $0x1, s19, s11, $0xb8;
	[tilespmem:$0x10800] =	vst v63  }
0x151: {  	s19 =	simm.s32 $0x7800;
	s20 =	simm.s32 $0xF800  }
0x152: {  	[tilespmem:s20], [sflag:$0x1] =	stream.indirect.gather [hbm4b:s4+s11], $0x1, s19, s11, $0xb8;
	[tilespmem:$0x10800] =	vst v63  }
0x153: {  	s19 =	simm.s32 $0x3A00;
	s20 =	simm.s32 $0xBA00  }
0x154: {  	[tilespmem:s20], [sflag:$0x1] =	stream.indirect.gather [hbm4b:s3+s11], $0x1, s19, s11, $0xb8;
	[tilespmem:$0x10800] =	vst v63  }
0x155: {  	s19 =	simm.s32 $0x7A00;
	s20 =	simm.s32 $0xFA00  }
0x156: {  	[tilespmem:s20], [sflag:$0x1] =	stream.indirect.gather [hbm4b:s4+s11], $0x1, s19, s11, $0xb8;
	[tilespmem:$0x10800] =	vst v63  }
0x157: {  	s20 =	simm.s32 $0x3C00  }
0x158: {  	[tilespmem:s21], [sflag:$0x1] =	stream.indirect.gather [hbm4b:s3+s11], $0x1, s20, s11, $0xb8;
	[tilespmem:$0x10800] =	vst v63  }
0x159: {  	_ = 	snop  }
0x15a: {  	[tilespmem:s23], [sflag:$0x1] =	stream.indirect.gather [hbm4b:s4+s11], $0x1, s22, s11, $0xb8;
	[tilespmem:$0x10800] =	vst v63  }
0x15b: {  	_ = 	snop  }
0x15c: {  	[tilespmem:s25], [sflag:$0x1] =	stream.indirect.gather [hbm4b:s3+s11], $0x1, s24, s11, $0xb8;
	[tilespmem:$0x10800] =	vst v63  }
0x15d: {  	_ = 	snop  }
0x15e: {  	[tilespmem:s28], [sflag:$0x1] =	stream.indirect.gather [hbm4b:s4+s11], $0x1, s26, s11, $0xb8;
	[tilespmem:$0x10800] =	vst v63  }
0x15f: {  	_ = 	snop  }
0x160: {  	[tilespmem:s30], [sflag:$0x1] =	stream.indirect.gather [hbm4b:s3+s11], $0x1, s29, s11, $0xb8;
	[tilespmem:$0x10800] =	vst v63  }
0x161: {  	_ = 	snop  }
0x162: {  	[tilespmem:s0], [sflag:$0x1] =	stream.indirect.gather [hbm4b:s4+s11], $0x1, s31, s11, $0xb8;
	[tilespmem:$0x10800] =	vst v63  }
0x163: {  	_ = 	snop  }
0x164: {  	[tilespmem:s12], [sflag:$0x1] =	stream.indirect.gather [hbm4b:s3+s11], $0x1, s2, s11, $0xb8;
	[tilespmem:$0x10800] =	vst v63  }
0x165: {  	_ = 	snop  }
0x166: {  	[tilespmem:s14], [sflag:$0x1] =	stream.indirect.gather [hbm4b:s4+s11], $0x1, s13, s11, $0xb8;
	[tilespmem:$0x10800] =	vst v63  }
0x167: {  	_ =	swait.ge [sflag:s15], $0x200  }
0x168: {  	[sflag:s15] =	ssyncset.done $0x0  }
0x169: {  	[sflag:s15] =	ssyncadd.s32 $0xFFFFFE00  }
0x16a: {  	_ =	swait.ge [sflag:s15], $0x200  }
0x16b: {  	[sflag:s15] =	ssyncset.done $0x0  }
0x16c: {  	[sflag:s15] =	ssyncadd.s32 $0xFFFFFE00  }
0x16d: {  	_ =	swait.ge [sflag:s15], $0x200  }
0x16e: {  	[sflag:s15] =	ssyncset.done $0x0  }
0x16f: {  	[sflag:s15] =	ssyncadd.s32 $0xFFFFFE00  }
0x170: {  	_ =	swait.ge [sflag:s15], $0x200  }
0x171: {  	[sflag:s15] =	ssyncset.done $0x0  }
0x172: {  	[sflag:s15] =	ssyncadd.s32 $0xFFFFFE00  }
0x173: {  	_ =	swait.ge [sflag:s15], $0x200  }
0x174: {  	[sflag:s15] =	ssyncset.done $0x0  }
0x175: {  	[sflag:s15] =	ssyncadd.s32 $0xFFFFFE00  }
0x176: {  	_ =	swait.ge [sflag:s15], $0x200  }
0x177: {  	[sflag:s15] =	ssyncset.done $0x0  }
0x178: {  	[sflag:s15] =	ssyncadd.s32 $0xFFFFFE00  }
0x179: {  	_ =	swait.ge [sflag:s15], $0x200  }
0x17a: {  	[sflag:s15] =	ssyncset.done $0x0  }
0x17b: {  	[sflag:s15] =	ssyncadd.s32 $0xFFFFFE00  }
0x17c: {  	_ =	swait.ge [sflag:s15], $0x200  }
0x17d: {  	[sflag:s15] =	ssyncset.done $0x0  }
0x17e: {  	[sflag:s15] =	ssyncadd.s32 $0xFFFFFE00  }
0x17f: {  	_ =	swait.ge [sflag:s15], $0x200  }
0x180: {  	[sflag:s15] =	ssyncset.done $0x0  }
0x181: {  	[sflag:s15] =	ssyncadd.s32 $0xFFFFFE00  }
0x182: {  	_ =	swait.ge [sflag:s15], $0x200  }
0x183: {  	[sflag:s15] =	ssyncset.done $0x0  }
0x184: {  	[sflag:s15] =	ssyncadd.s32 $0xFFFFFE00  }
0x185: {  	_ =	swait.ge [sflag:s15], $0x200  }
0x186: {  	[sflag:s15] =	ssyncset.done $0x0  }
0x187: {  	[sflag:s15] =	ssyncadd.s32 $0xFFFFFE00  }
0x188: {  	_ =	swait.ge [sflag:s15], $0x200  }
0x189: {  	[sflag:s15] =	ssyncset.done $0x0  }
0x18a: {  	[sflag:s15] =	ssyncadd.s32 $0xFFFFFE00  }
0x18b: {  	_ =	swait.ge [sflag:s15], $0x200  }
0x18c: {  	[sflag:s15] =	ssyncset.done $0x0  }
0x18d: {  	[sflag:s15] =	ssyncadd.s32 $0xFFFFFE00  }
0x18e: {  	_ =	swait.ge [sflag:s15], $0x200  }
0x18f: {  	[sflag:s15] =	ssyncset.done $0x0  }
0x190: {  	[sflag:s15] =	ssyncadd.s32 $0xFFFFFE00  }
0x191: {  	_ =	swait.ge [sflag:s15], $0x200  }
0x192: {  	[sflag:s15] =	ssyncset.done $0x0  }
0x193: {  	[sflag:s15] =	ssyncadd.s32 $0xFFFFFE00  }
0x194: {  	_ =	swait.ge [sflag:s15], $0x200  }
0x195: {  	[sflag:s15] =	ssyncset.done $0x0  }
0x196: {  	[sflag:s15] =	ssyncadd.s32 $0xFFFFFE00  }
0x197: {  	_ =	swait.ge [sflag:s15], $0x200  }
0x198: {  	[sflag:s15] =	ssyncset.done $0x0  }
0x199: {  	[sflag:s15] =	ssyncadd.s32 $0xFFFFFE00  }
0x19a: {  	_ =	swait.ge [sflag:s15], $0x200  }
0x19b: {  	[sflag:s15] =	ssyncset.done $0x0  }
0x19c: {  	[sflag:s15] =	ssyncadd.s32 $0xFFFFFE00  }
0x19d: {  	_ =	swait.ge [sflag:s15], $0x200  }
0x19e: {  	[sflag:s15] =	ssyncset.done $0x0  }
0x19f: {  	[sflag:s15] =	ssyncadd.s32 $0xFFFFFE00  }
0x1a0: {  	_ =	swait.ge [sflag:s15], $0x200  }
0x1a1: {  	[sflag:s15] =	ssyncset.done $0x0  }
0x1a2: {  	[sflag:s15] =	ssyncadd.s32 $0xFFFFFE00  }
0x1a3: {  	_ =	swait.ge [sflag:s15], $0x200  }
0x1a4: {  	[sflag:s15] =	ssyncset.done $0x0  }
0x1a5: {  	[sflag:s15] =	ssyncadd.s32 $0xFFFFFE00  }
0x1a6: {  	_ =	swait.ge [sflag:s15], $0x200  }
0x1a7: {  	[sflag:s15] =	ssyncset.done $0x0  }
0x1a8: {  	[sflag:s15] =	ssyncadd.s32 $0xFFFFFE00  }
0x1a9: {  	_ =	swait.ge [sflag:s15], $0x200  }
0x1aa: {  	[sflag:s15] =	ssyncset.done $0x0  }
0x1ab: {  	[sflag:s15] =	ssyncadd.s32 $0xFFFFFE00  }
0x1ac: {  	_ =	swait.ge [sflag:s15], $0x200  }
0x1ad: {  	[sflag:s15] =	ssyncset.done $0x0  }
0x1ae: {  	[sflag:s15] =	ssyncadd.s32 $0xFFFFFE00  }
0x1af: {  	_ =	swait.ge [sflag:s15], $0x200  }
0x1b0: {  	[sflag:s15] =	ssyncset.done $0x0  }
0x1b1: {  	[sflag:s15] =	ssyncadd.s32 $0xFFFFFE00  }
0x1b2: {  	_ =	swait.ge [sflag:s15], $0x200  }
0x1b3: {  	[sflag:s15] =	ssyncset.done $0x0  }
0x1b4: {  	[sflag:s15] =	ssyncadd.s32 $0xFFFFFE00  }
0x1b5: {  	_ =	swait.ge [sflag:s15], $0x200  }
0x1b6: {  	[sflag:s15] =	ssyncset.done $0x0  }
0x1b7: {  	[sflag:s15] =	ssyncadd.s32 $0xFFFFFE00  }
0x1b8: {  	_ =	swait.ge [sflag:s15], $0x200  }
0x1b9: {  	[sflag:s15] =	ssyncset.done $0x0  }
0x1ba: {  	[sflag:s15] =	ssyncadd.s32 $0xFFFFFE00  }
0x1bb: {  	_ =	swait.ge [sflag:s15], $0x200  }
0x1bc: {  	[sflag:s15] =	ssyncset.done $0x0  }
0x1bd: {  	[sflag:s15] =	ssyncadd.s32 $0xFFFFFE00  }
0x1be: {  	_ =	swait.ge [sflag:s15], $0x200  }
0x1bf: {  	[sflag:s15] =	ssyncset.done $0x0  }
0x1c0: {  	[sflag:s15] =	ssyncadd.s32 $0xFFFFFE00  }
0x1c1: {  	_ =	swait.ge [sflag:s15], $0x200  }
0x1c2: {  	[sflag:s15] =	ssyncset.done $0x0  }
0x1c3: {  	[sflag:s15] =	ssyncadd.s32 $0xFFFFFE00  }
0x1c4: {  	_ =	swait.ge [sflag:s15], $0x200  }
0x1c5: {  	[sflag:s15] =	ssyncset.done $0x0  }
0x1c6: {  	[sflag:s15] =	ssyncadd.s32 $0xFFFFFE00  }
0x1c7: {  	_ =	swait.ge [sflag:s15], $0x200  }
0x1c8: {  	[sflag:s15] =	ssyncset.done $0x0  }
0x1c9: {  	[sflag:s15] =	ssyncadd.s32 $0xFFFFFE00  }
0x1ca: {  	_ =	swait.ge [sflag:s15], $0x200  }
0x1cb: {  	[sflag:s15] =	ssyncset.done $0x0  }
0x1cc: {  	[sflag:s15] =	ssyncadd.s32 $0xFFFFFE00  }
0x1cd: {  	_ =	swait.ge [sflag:s15], $0x200  }
0x1ce: {  	[sflag:s15] =	ssyncset.done $0x0  }
0x1cf: {  	[sflag:s15] =	ssyncadd.s32 $0xFFFFFE00  }
0x1d0: {  	_ =	swait.ge [sflag:s15], $0x200  }
0x1d1: {  	[sflag:s15] =	ssyncset.done $0x0  }
0x1d2: {  	[sflag:s15] =	ssyncadd.s32 $0xFFFFFE00  }
0x1d3: {  	_ =	swait.ge [sflag:s15], $0x200  }
0x1d4: {  	[sflag:s15] =	ssyncset.done $0x0  }
0x1d5: {  	[sflag:s15] =	ssyncadd.s32 $0xFFFFFE00  }
0x1d6: {  	_ =	swait.ge [sflag:s15], $0x200  }
0x1d7: {  	[sflag:s15] =	ssyncset.done $0x0  }
0x1d8: {  	[sflag:s15] =	ssyncadd.s32 $0xFFFFFE00  }
0x1d9: {  	_ =	swait.ge [sflag:s15], $0x200  }
0x1da: {  	[sflag:s15] =	ssyncset.done $0x0  }
0x1db: {  	[sflag:s15] =	ssyncadd.s32 $0xFFFFFE00  }
0x1dc: {  	_ =	swait.ge [sflag:s15], $0x200  }
0x1dd: {  	[sflag:s15] =	ssyncset.done $0x0  }
0x1de: {  	[sflag:s15] =	ssyncadd.s32 $0xFFFFFE00  }
0x1df: {  	_ =	swait.ge [sflag:s15], $0x200  }
0x1e0: {  	[sflag:s15] =	ssyncset.done $0x0  }
0x1e1: {  	[sflag:s15] =	ssyncadd.s32 $0xFFFFFE00  }
0x1e2: {  	_ =	swait.ge [sflag:s15], $0x200  }
0x1e3: {  	[sflag:s15] =	ssyncset.done $0x0  }
0x1e4: {  	[sflag:s15] =	ssyncadd.s32 $0xFFFFFE00  }
0x1e5: {  	_ =	swait.ge [sflag:s15], $0x200  }
0x1e6: {  	[sflag:s15] =	ssyncset.done $0x0  }
0x1e7: {  	[sflag:s15] =	ssyncadd.s32 $0xFFFFFE00  }
0x1e8: {  	_ =	swait.ge [sflag:s15], $0x200  }
0x1e9: {  	[sflag:s15] =	ssyncset.done $0x0  }
0x1ea: {  	[sflag:s15] =	ssyncadd.s32 $0xFFFFFE00  }
0x1eb: {  	_ =	swait.ge [sflag:s15], $0x200  }
0x1ec: {  	[sflag:s15] =	ssyncset.done $0x0  }
0x1ed: {  	[sflag:s15] =	ssyncadd.s32 $0xFFFFFE00  }
0x1ee: {  	_ =	swait.ge [sflag:s15], $0x200  }
0x1ef: {  	[sflag:s15] =	ssyncset.done $0x0  }
0x1f0: {  	[sflag:s15] =	ssyncadd.s32 $0xFFFFFE00  }
0x1f1: {  	_ =	swait.ge [sflag:s15], $0x200  }
0x1f2: {  	[sflag:s15] =	ssyncset.done $0x0  }
0x1f3: {  	[sflag:s15] =	ssyncadd.s32 $0xFFFFFE00  }
0x1f4: {  	_ =	swait.ge [sflag:s15], $0x200  }
0x1f5: {  	[sflag:s15] =	ssyncset.done $0x0  }
0x1f6: {  	[sflag:s15] =	ssyncadd.s32 $0xFFFFFE00  }
0x1f7: {  	_ =	swait.ge [sflag:s15], $0x200  }
0x1f8: {  	[sflag:s15] =	ssyncset.done $0x0  }
0x1f9: {  	[sflag:s15] =	ssyncadd.s32 $0xFFFFFE00  }
0x1fa: {  	_ =	swait.ge [sflag:s15], $0x200  }
0x1fb: {  	[sflag:s15] =	ssyncset.done $0x0  }
0x1fc: {  	[sflag:s15] =	ssyncadd.s32 $0xFFFFFE00  }
0x1fd: {  	_ =	swait.ge [sflag:s15], $0x200  }
0x1fe: {  	[sflag:s15] =	ssyncset.done $0x0  }
0x1ff: {  	[sflag:s15] =	ssyncadd.s32 $0xFFFFFE00  }
0x200: {  	_ =	swait.ge [sflag:s15], $0x200  }
0x201: {  	[sflag:s15] =	ssyncset.done $0x0  }
0x202: {  	[sflag:s15] =	ssyncadd.s32 $0xFFFFFE00  }
0x203: {  	_ =	swait.ge [sflag:s15], $0x200  }
0x204: {  	[sflag:s15] =	ssyncset.done $0x0  }
0x205: {  	[sflag:s15] =	ssyncadd.s32 $0xFFFFFE00  }
0x206: {  	_ =	swait.ge [sflag:s15], $0x200  }
0x207: {  	[sflag:s15] =	ssyncset.done $0x0  }
0x208: {  	[sflag:s15] =	ssyncadd.s32 $0xFFFFFE00  }
0x209: {  	_ =	swait.ge [sflag:s15], $0x200  }
0x20a: {  	[sflag:s15] =	ssyncset.done $0x0  }
0x20b: {  	[sflag:s15] =	ssyncadd.s32 $0xFFFFFE00  }
0x20c: {  	_ =	swait.ge [sflag:s15], $0x200  }
0x20d: {  	[sflag:s15] =	ssyncset.done $0x0  }
0x20e: {  	[sflag:s15] =	ssyncadd.s32 $0xFFFFFE00  }
0x20f: {  	_ =	swait.ge [sflag:s15], $0x200  }
0x210: {  	[sflag:s15] =	ssyncset.done $0x0  }
0x211: {  	[sflag:s15] =	ssyncadd.s32 $0xFFFFFE00  }
0x212: {  	_ =	swait.ge [sflag:s15], $0x200  }
0x213: {  	[sflag:s15] =	ssyncset.done $0x0  }
0x214: {  	[sflag:s15] =	ssyncadd.s32 $0xFFFFFE00  }
0x215: {  	_ =	swait.ge [sflag:s15], $0x200  }
0x216: {  	[sflag:s15] =	ssyncset.done $0x0  }
0x217: {  	[sflag:s15] =	ssyncadd.s32 $0xFFFFFE00  }
0x218: {  	_ =	swait.ge [sflag:s15], $0x200  }
0x219: {  	[sflag:s15] =	ssyncset.done $0x0  }
0x21a: {  	[sflag:s15] =	ssyncadd.s32 $0xFFFFFE00  }
0x21b: {  	_ =	swait.ge [sflag:s15], $0x200  }
0x21c: {  	[sflag:s15] =	ssyncset.done $0x0  }
0x21d: {  	[sflag:s15] =	ssyncadd.s32 $0xFFFFFE00  }
0x21e: {  	_ =	swait.ge [sflag:s15], $0x200  }
0x21f: {  	[sflag:s15] =	ssyncset.done $0x0  }
0x220: {  	[sflag:s15] =	ssyncadd.s32 $0xFFFFFE00  }
0x221: {  	_ =	swait.ge [sflag:s15], $0x200  }
0x222: {  	[sflag:s15] =	ssyncset.done $0x0  }
0x223: {  	[sflag:s15] =	ssyncadd.s32 $0xFFFFFE00  }
0x224: {  	_ =	swait.ge [sflag:s15], $0x200  }
0x225: {  	[sflag:s15] =	ssyncset.done $0x0  }
0x226: {  	[sflag:s15] =	ssyncadd.s32 $0xFFFFFE00  }
0x227: {  	_ =	swait.ge [sflag:s15], $0x200  }
0x228: {  	[sflag:s15] =	ssyncset.done $0x0  }
0x229: {  	s18 =	simm.s32 $0x0;
	[sflag:s15] =	ssyncadd.s32 $0xFFFFFE00  }
0x22a: {  	v8 =	vld [tilespmem:s18+$0xBC00]  }
0x22b: {  	v9 =	vld [tilespmem:s18+$0xFC00]  }
0x22c: {  	v10 =	vld [tilespmem:s18+$0xBE00]  }
0x22d: {  	v11 =	vld [tilespmem:s18+$0xFE00]  }
0x22e: {  	v0 =	vld [tilespmem:s18+$0xC000]  }
0x22f: {  	v1 =	vld [tilespmem:s18+$0x10000]  }
0x230: {  	v14 =	vld [tilespmem:s18+$0xB400]  }
0x231: {  	v15 =	vld [tilespmem:s18+$0xF400]  }
0x232: {  	v42 =	vld [tilespmem:s18+$0xB600]  }
0x233: {  	v43 =	vld [tilespmem:s18+$0xF600]  }
0x234: {  	v2 =	vld [tilespmem:s18+$0xB800]  }
0x235: {  	v3 =	vld [tilespmem:s18+$0xF800]  }
0x236: {  	v44 =	vld [tilespmem:s18+$0xAC00]  }
0x237: {  	v45 =	vld [tilespmem:s18+$0xEC00]  }
0x238: {  	v46 =	vld [tilespmem:s18+$0xAE00]  }
0x239: {  	v47 =	vld [tilespmem:s18+$0xEE00]  }
0x23a: {  	v4 =	vld [tilespmem:s18+$0xB000]  }
0x23b: {  	v5 =	vld [tilespmem:s18+$0xF000]  }
0x23c: {  	v18 =	vld [tilespmem:s18+$0xA400]  }
0x23d: {  	v19 =	vld [tilespmem:s18+$0xE400]  }
0x23e: {  	v20 =	vld [tilespmem:s18+$0xA600]  }
0x23f: {  	v21 =	vld [tilespmem:s18+$0xE600]  }
0x240: {  	v6 =	vld [tilespmem:s18+$0xA800]  }
0x241: {  	v7 =	vld [tilespmem:s18+$0xE800]  }
0x242: {  	v22 =	vld [tilespmem:s18+$0x9C00]  }
0x243: {  	v23 =	vld [tilespmem:s18+$0xDC00]  }
0x244: {  	v24 =	vld [tilespmem:s18+$0x9E00]  }
0x245: {  	v25 =	vld [tilespmem:s18+$0xDE00]  }
0x246: {  	v12 =	vld [tilespmem:s18+$0xA000]  }
0x247: {  	v13 =	vld [tilespmem:s18+$0xE000]  }
0x248: {  	v26 =	vld [tilespmem:s18+$0x9400]  }
0x249: {  	v28 =	vld [tilespmem:s18+$0xD400]  }
0x24a: {  	v30 =	vld [tilespmem:s18+$0x9600]  }
0x24b: {  	v31 =	vld [tilespmem:s18+$0xD600]  }
0x24c: {  	v16 =	vld [tilespmem:s18+$0x9800]  }
0x24d: {  	v17 =	vld [tilespmem:s18+$0xD800]  }
0x24e: {  	v32 =	vld [tilespmem:s18+$0x8C00]  }
0x24f: {  	v33 =	vld [tilespmem:s18+$0xCC00]  }
0x250: {  	v34 =	vld [tilespmem:s18+$0x8E00]  }
0x251: {  	v35 =	vld [tilespmem:s18+$0xCE00]  }
0x252: {  	v27 =	vld [tilespmem:s18+$0x9000]  }
0x253: {  	v29 =	vld [tilespmem:s18+$0xD000]  }
0x254: {  	v36 =	vld [tilespmem:s18+$0x8400]  }
0x255: {  	v37 =	vld [tilespmem:s18+$0xC400]  }
0x256: {  	v38 =	vld [tilespmem:s18+$0x8600]  }
0x257: {  	v40 =	vld [tilespmem:s18+$0xC600]  }
0x258: {  	v39 =	vld [tilespmem:s18+$0x8800];
	v8 =	vmul.f32 v9, v8;
	v9 =	vmul.f32 v11, v10  }
0x259: {  	v41 =	vld [tilespmem:s18+$0xC800];
	v10 =	vmul.f32 v15, v14;
	v11 =	vmul.f32 v43, v42  }
0x25a: {  	s19 =	simm.s32 $0x40;
	v42 =	vld [tilespmem:s18+$0x8A00];
	v14 =	vmul.f32 v45, v44;
	v15 =	vmul.f32 v47, v46  }
.LBB2_4:
0x25b: {  	p0 =	sne.s32 s19, $0x7C0;
	v43 =	vld [tilespmem:s18+$0xCA00];
	v18 =	vmul.f32 v19, v18;
	v19 =	vmul.f32 v21, v20  }
0x25c: {  	v21 =	vmul.f32 v23, v22;
	v22 =	vmul.f32 v25, v24;
	v20 =	vld [tilespmem:s18+$0x9200]  }
0x25d: {  	v24 =	vmul.f32 v28, v26;
	v25 =	vmul.f32 v31, v30;
	v23 =	vld [tilespmem:s18+$0xD200]  }
0x25e: {  	v26 =	vmul.f32 v33, v32;
	v28 =	vmul.f32 v35, v34;
	v30 =	vld [tilespmem:s18+$0x9A00]  }
0x25f: {  	v31 =	vmul.f32 v37, v36;
	v32 =	vmul.f32 v40, v38;
	v33 =	vld [tilespmem:s18+$0xDA00]  }
0x260: {  	v34 =	vmul.f32 v41, v39;
	v35 =	vmul.f32 v43, v42;
	v36 =	vld [tilespmem:s18+$0xA200]  }
0x261: {  	v27 =	vmul.f32 v29, v27;
	v31 =	vadd.f32 $0.0e+00, v31;
	v32 =	vadd.f32 $0.0e+00, v32;
	v29 =	vld [tilespmem:s18+$0xE200]  }
0x262: {  	v34 =	vadd.f32 $0.0e+00, v34;
	v35 =	vadd.f32 $0.0e+00, v35;
	v20 =	vmul.f32 v23, v20;
	v23 =	vld [tilespmem:s18+$0xAA00]  }
0x263: {  	v16 =	vmul.f32 v17, v16;
	v26 =	vadd.f32 v26, v31;
	v28 =	vadd.f32 v28, v32;
	v17 =	vld [tilespmem:s18+$0xEA00]  }
0x264: {  	v27 =	vadd.f32 v27, v34;
	v20 =	vadd.f32 v20, v35;
	v30 =	vmul.f32 v33, v30;
	v31 =	vld [tilespmem:s18+$0xB200]  }
0x265: {  	v12 =	vmul.f32 v13, v12;
	v24 =	vadd.f32 v24, v26;
	v25 =	vadd.f32 v25, v28;
	v13 =	vld [tilespmem:s18+$0xF200]  }
0x266: {  	v16 =	vadd.f32 v16, v27;
	v20 =	vadd.f32 v30, v20;
	v26 =	vmul.f32 v29, v36;
	v27 =	vld [tilespmem:s18+$0xBA00]  }
0x267: {  	v6 =	vmul.f32 v7, v6;
	v21 =	vadd.f32 v21, v24;
	v22 =	vadd.f32 v22, v25;
	v7 =	vld [tilespmem:s18+$0xFA00]  }
0x268: {  	v12 =	vadd.f32 v12, v16;
	v16 =	vadd.f32 v26, v20;
	v17 =	vmul.f32 v17, v23;
	v20 =	vld [tilespmem:s18+$0xC200]  }
0x269: {  	v4 =	vmul.f32 v5, v4;
	v18 =	vadd.f32 v18, v21;
	v19 =	vadd.f32 v19, v22;
	v5 =	vld [tilespmem:s18+$0x10200]  }
0x26a: {  	s20 =	sshra.s32 s19, $0x2;
	v6 =	vadd.f32 v6, v12;
	v12 =	vadd.f32 v17, v16;
	v13 =	vmul.f32 v13, v31;
	v16 =	vld [tilespmem:s18+$0x10400]  }
0x26b: {  	v2 =	vmul.f32 v3, v2;
	v14 =	vadd.f32 v14, v18;
	v15 =	vadd.f32 v15, v19;
	v41 =	vld [tilespmem:s20+$0xBC00]  }
0x26c: {  	v3 =	vadd.f32 v4, v6;
	v42 =	vld [tilespmem:s20+$0xFC00];
	v4 =	vadd.f32 v13, v12;
	v6 =	vmul.f32 v7, v27  }
0x26d: {  	v7 =	vadd.f32 v10, v14;
	v10 =	vadd.f32 v11, v15;
	v11 =	vmul.f32 v1, v0;
	v43 =	vld [tilespmem:s20+$0xBE00]  }
0x26e: {  	v2 =	vadd.f32 v2, v3;
	v14 =	vld [tilespmem:s20+$0xFE00];
	v3 =	vadd.f32 v6, v4;
	v4 =	vmul.f32 v5, v20  }
0x26f: {  	v5 =	vadd.f32 v8, v7;
	v6 =	vadd.f32 v9, v10;
	v0 =	vld [tilespmem:s20+$0xC000]  }
0x270: {  	v2 =	vadd.f32 v11, v2;
	v1 =	vld [tilespmem:s20+$0x10000];
	v3 =	vadd.f32 v4, v3  }
0x271: {  	v10 =	vld [tilespmem:s20+$0xB400]  }
0x272: {  	v4 =	vadd.f32 v6, v5;
	v11 =	vld [tilespmem:s20+$0xF400];
	v2 =	vadd.f32 v3, v2  }
0x273: {  	v15 =	vld [tilespmem:s20+$0xB600]  }
0x274: {  	v44 =	vld [tilespmem:s20+$0xF600];
	v4 =	vadd.f32 v2, v4  }
0x275: {  	v2 =	vld [tilespmem:s20+$0xB800]  }
0x276: {  	v3 =	vld [tilespmem:s20+$0xF800];
	v4 =	vadd.f32 v4, v16  }
0x277: {  	v45 =	vld [tilespmem:s20+$0xAC00]  }
0x278: {  	v46 =	vld [tilespmem:s20+$0xEC00];
	[tilespmem:s18+$0x10600] =	vst v4;
	s18 =	smov.u32 s20  }
0x279: {  	v47 =	vld [tilespmem:s18+$0xAE00]  }
0x27a: {  	v48 =	vld [tilespmem:s18+$0xEE00]  }
0x27b: {  	v4 =	vld [tilespmem:s18+$0xB000]  }
0x27c: {  	v5 =	vld [tilespmem:s18+$0xF000]  }
0x27d: {  	v18 =	vld [tilespmem:s18+$0xA400]  }
0x27e: {  	v19 =	vld [tilespmem:s18+$0xE400]  }
0x27f: {  	v20 =	vld [tilespmem:s18+$0xA600]  }
0x280: {  	v21 =	vld [tilespmem:s18+$0xE600]  }
0x281: {  	v6 =	vld [tilespmem:s18+$0xA800]  }
0x282: {  	v7 =	vld [tilespmem:s18+$0xE800]  }
0x283: {  	v22 =	vld [tilespmem:s18+$0x9C00]  }
0x284: {  	v23 =	vld [tilespmem:s18+$0xDC00]  }
0x285: {  	v24 =	vld [tilespmem:s18+$0x9E00]  }
0x286: {  	v25 =	vld [tilespmem:s18+$0xDE00]  }
0x287: {  	v12 =	vld [tilespmem:s18+$0xA000]  }
0x288: {  	v13 =	vld [tilespmem:s18+$0xE000]  }
0x289: {  	v26 =	vld [tilespmem:s18+$0x9400]  }
0x28a: {  	v28 =	vld [tilespmem:s18+$0xD400]  }
0x28b: {  	v30 =	vld [tilespmem:s18+$0x9600]  }
0x28c: {  	v31 =	vld [tilespmem:s18+$0xD600]  }
0x28d: {  	v16 =	vld [tilespmem:s18+$0x9800]  }
0x28e: {  	v17 =	vld [tilespmem:s18+$0xD800]  }
0x28f: {  	v32 =	vld [tilespmem:s18+$0x8C00]  }
0x290: {  	v33 =	vld [tilespmem:s18+$0xCC00]  }
0x291: {  	v34 =	vld [tilespmem:s18+$0x8E00]  }
0x292: {  	v35 =	vld [tilespmem:s18+$0xCE00]  }
0x293: {  	v27 =	vld [tilespmem:s18+$0x9000]  }
0x294: {  	v29 =	vld [tilespmem:s18+$0xD000]  }
0x295: {  	v36 =	vld [tilespmem:s18+$0x8400]  }
0x296: {  	v37 =	vld [tilespmem:s18+$0xC400]  }
.Ltmp1:
0x297: {  	v38 =	vld [tilespmem:s18+$0x8600];
	(pc) =	sbr.rel @p0 .LBB2_4-.Ltmp1, $4  }
0x298: {  	v40 =	vld [tilespmem:s18+$0xC600]  }
0x299: {  	v8 =	vmul.f32 v42, v41;
	v9 =	vmul.f32 v14, v43;
	v39 =	vld [tilespmem:s18+$0x8800]  }
0x29a: {  	v10 =	vmul.f32 v11, v10;
	v11 =	vmul.f32 v44, v15;
	v41 =	vld [tilespmem:s18+$0xC800]  }
0x29b: {  	s19 =	sadd.s32 $0x40, s19;
	v14 =	vmul.f32 v46, v45;
	v15 =	vmul.f32 v48, v47;
	v42 =	vld [tilespmem:s18+$0x8A00]  }
0x29c: {  	v43 =	vld [tilespmem:s18+$0xCA00];
	v18 =	vmul.f32 v19, v18;
	v19 =	vmul.f32 v21, v20  }
0x29d: {  	v49 =	vld [tilespmem:s18+$0x9200];
	v50 =	vmul.f32 v23, v22;
	v51 =	vmul.f32 v25, v24  }
0x29e: {  	v52 =	vld [tilespmem:s18+$0xD200];
	v53 =	vmul.f32 v28, v26;
	v54 =	vmul.f32 v31, v30  }
0x29f: {  	v55 =	vmul.f32 v33, v32;
	v56 =	vmul.f32 v35, v34;
	v57 =	vld [tilespmem:s18+$0x9A00]  }
0x2a0: {  	v58 =	vmul.f32 v37, v36;
	v60 =	vld [tilespmem:s18+$0xDA00];
	v59 =	vmul.f32 v40, v38  }
0x2a1: {  	v63 =	vld [tilespmem:s18+$0xA200];
	v61 =	vmul.f32 v41, v39;
	v62 =	vmul.f32 v43, v42  }
0x2a2: {  	v27 =	vmul.f32 v29, v27;
	v31 =	vadd.f32 $0.0e+00, v58;
	v32 =	vadd.f32 $0.0e+00, v59;
	v39 =	vld [tilespmem:s18+$0xE200]  }
0x2a3: {  	v40 =	vld [tilespmem:s18+$0xAA00];
	v34 =	vadd.f32 $0.0e+00, v61;
	v20 =	vmul.f32 v52, v49;
	v35 =	vadd.f32 $0.0e+00, v62  }
0x2a4: {  	v16 =	vmul.f32 v17, v16;
	v41 =	vld [tilespmem:s18+$0xEA00];
	v26 =	vadd.f32 v55, v31;
	v28 =	vadd.f32 v56, v32  }
0x2a5: {  	v30 =	vmul.f32 v60, v57;
	v42 =	vld [tilespmem:s18+$0xB200];
	v27 =	vadd.f32 v27, v34;
	v20 =	vadd.f32 v20, v35  }
0x2a6: {  	v12 =	vmul.f32 v13, v12;
	v43 =	vld [tilespmem:s18+$0xF200];
	v24 =	vadd.f32 v53, v26;
	v25 =	vadd.f32 v54, v28  }
0x2a7: {  	v45 =	vld [tilespmem:s18+$0xBA00];
	v44 =	vmul.f32 v39, v63;
	v16 =	vadd.f32 v16, v27;
	v20 =	vadd.f32 v30, v20  }
0x2a8: {  	v6 =	vmul.f32 v7, v6;
	v46 =	vld [tilespmem:s18+$0xFA00];
	v21 =	vadd.f32 v50, v24;
	v22 =	vadd.f32 v51, v25  }
0x2a9: {  	v48 =	vld [tilespmem:s18+$0xC200];
	v17 =	vmul.f32 v41, v40;
	v12 =	vadd.f32 v12, v16;
	v47 =	vadd.f32 v44, v20  }
0x2aa: {  	v4 =	vmul.f32 v5, v4;
	v49 =	vld [tilespmem:s18+$0x10200];
	v18 =	vadd.f32 v18, v21;
	v19 =	vadd.f32 v19, v22  }
0x2ab: {  	v13 =	vmul.f32 v43, v42;
	v6 =	vadd.f32 v6, v12;
	v50 =	vadd.f32 v17, v47  }
0x2ac: {  	v2 =	vmul.f32 v3, v2;
	v14 =	vadd.f32 v14, v18;
	v15 =	vadd.f32 v15, v19  }
0x2ad: {  	v53 =	vmul.f32 v46, v45;
	v51 =	vadd.f32 v4, v6;
	v52 =	vadd.f32 v13, v50  }
0x2ae: {  	v0 =	vmul.f32 v1, v0;
	v54 =	vadd.f32 v10, v14;
	v55 =	vadd.f32 v11, v15  }
0x2af: {  	v58 =	vmul.f32 v49, v48;
	v56 =	vadd.f32 v2, v51;
	v57 =	vadd.f32 v53, v52  }
0x2b0: {  	v59 =	vadd.f32 v8, v54;
	v60 =	vadd.f32 v9, v55  }
0x2b1: {  	v0 =	vadd.f32 v0, v56;
	v61 =	vadd.f32 v58, v57  }
0x2b2: {  	v62 =	vld [tilespmem:s18+$0x10400]  }
0x2b3: {  	v63 =	vadd.f32 v60, v59;
	v0 =	vadd.f32 v61, v0;
	_ =	sdelay $0x1  }
0x2b4: {  	v0 =	vadd.f32 v0, v63;
	_ =	sdelay $0x1  }
0x2b5: {  	s17 =	sadd.s32 $0x1, s17;
	v0 =	vadd.f32 v0, v62  }
0x2b6: {  	p0 =	sne.s32 s17, s9  }
.Ltmp2:
0x2b7: {  	[tilespmem:s18+$0x10600] =	vst v0;
	(pc) =	sbr.rel @p0 .LBB2_1-.Ltmp2, $4  }
0x2b8: {  	[hbm4b:s8+s1] =	stream.linear.scatter [tilespmem:s16], [sflag:$0x2], $0x200, $0x38;
	[tilespmem:$0x10800] =	vst v63  }
0x2b9: {  	_ =	swait.ge [sflag:s10], $0x200  }
0x2ba: {  	[sflag:s10] =	ssyncset.done $0x0  }
0x2bb: {  	[sflag:s10] =	ssyncadd.s32 $0xFFFFFE00  }
0x2bc: {  	_ =	sfence.sel $0x180000  }
0x2bd: {  	[bflag:$0x0] =	sbarrier.arrive $0xFFFF  }
0x2be: {  	_ =	strace $0x90000047  }
0x2bf: {  	s0 =	stileid.u32;
	[bflag:$0x2] =	sbarrier.arrive $0xFFFF  }
0x2c0: {  	p0 =	sne.s32 s0, $0x0;
	s0 =	rddreg [dreg:$0x4]  }
0x2c1: {  	s0 =	sadd.s32 @!p0 $0x100000, s0  }
0x2c2: {  	[sflag:s0] =	ssyncadd.tile.s32 @!p0 $0x1;
	_ =	shalt  }
.Lfunc_end2:
_tile_overlayer_lowered:
.L_overlay_start_2:
0x2c3: {  	(tag) =	ssettag $0x2  }
0x2c4: {  	s0 =	rddreg [dreg:$0x0];
	s2 =	stileid.u32  }
0x2c5: {  	s1 =	rddreg [dreg:$0x1];
	p0 =	sne.s32 s2, $0x0  }
0x2c6: {  	s3 =	rddreg [dreg:$0x2];
	[bflag:$0x3] =	sbarrier.arrive $0xFFFF;
	s2 =	simm.s32 @!p0 $0x1C02  }
0x2c7: {  	[timem:s3], [sflag:s2] =	dma.local @!p0 [hbm:s0], s1  }
0x2c8: {  	s0 =	simm.s32 @!p0 $0x2  }
0x2c9: {  	_ =	swait.ge @!p0 [sflag:s0], s1  }
0x2ca: {  	s1 =	ssub.s32 @!p0 $0x0, s1;
	[sflag:s0] =	ssyncset.done @!p0 $0x0  }
0x2cb: {  	[sflag:s0] =	ssyncadd.s32 @!p0 s1  }
0x2cc: {  	[bflag:$0x3] =	sbarrier.arrive $0xFFFF  }
0x2cd: {  	_ =	shalt  }

</sc_bundles>
